<compile_context>
chip_gen: v7x
topology: tpu7x:2x2x1
jax: 0.10.2.dev20260603
libtpu: 0.0.44.dev20260713+nightly
codegen_flags: <defaults>
</compile_context>

<pallas_src>
import functools

import jax
import jax.numpy as jnp
from jax import lax
from jax.experimental import pallas as pl
from jax.experimental.pallas import tpu as pltpu
from jax.experimental.pallas import tpu_sc as plsc

GRID2 = 196
DIM = 384
B = 32
N = 576
ROWS = B * N
NC, NS = 2, 16
NW = NC * NS
RPW = ROWS // NW
CH = 96
NCH = RPW // CH
GPR = DIM // 16

_MESH = plsc.VectorSubcoreMesh(
    core_axis_name="c", subcore_axis_name="s", num_cores=NC, num_subcores=NS
)


@functools.partial(
    pl.kernel,
    out_type=jax.ShapeDtypeStruct((ROWS, DIM), jnp.float32),
    mesh=_MESH,
    scratch_types=[
        pltpu.VMEM((1, NCH, CH), jnp.int32),
        pltpu.VMEM((CH, DIM), jnp.float32),
        pltpu.VMEM((CH, DIM), jnp.float32),
        pltpu.VMEM((CH, DIM), jnp.float32),
        pltpu.SemaphoreType.DMA,
        pltpu.SemaphoreType.DMA,
        pltpu.SemaphoreType.DMA,
    ],
)
def _sc_kernel(in_hbm, pos_hbm, tab_hbm, out_hbm, idx_v, buf_in, buf_emb,
               buf_out, sem_in, sem_emb, sem_out):
    wid = lax.axis_index("s") * NC + lax.axis_index("c")
    base = wid * RPW
    pltpu.sync_copy(pos_hbm.at[pl.ds(wid, 1)], idx_v)
    out_cp = [None]

    for j in range(NCH):
        row0 = base + j * CH
        cp_in = pltpu.async_copy(in_hbm.at[pl.ds(row0, CH)], buf_in, sem_in)
        cp_emb = pltpu.async_copy(tab_hbm.at[idx_v.at[0, j]], buf_emb, sem_emb)
        cp_in.wait()
        cp_emb.wait()
        if out_cp[0] is not None:
            out_cp[0].wait()

        def row_body(r, c2):
            for g in range(GPR):
                sl = pl.ds(g * 16, 16)
                buf_out[r, sl] = buf_in[r, sl] + buf_emb[r, sl]
            return c2

        lax.fori_loop(0, CH, row_body, 0)
        out_cp[0] = pltpu.async_copy(
            buf_out, out_hbm.at[pl.ds(row0, CH)], sem_out
        )
    out_cp[0].wait()


def kernel(inputs, inputs_positions, position_emb):
    pos = inputs_positions.astype(jnp.int32).reshape(NW, NCH, CH)
    out = _sc_kernel(
        inputs.reshape(ROWS, DIM),
        pos,
        position_emb.reshape(GRID2, DIM),
    )
    return out.reshape(B, N, DIM)

# --- scband reference (transcript-rebuilt; emitter-appended) ---
"""Pipeline reference for scband-add-hash-spatial-position-embs-87497073754460 (READ-ONLY COPY).

The authoritative reference and input builder live on the scoring server;
editing this copy changes nothing except your own understanding.
"""

import jax, jax.numpy as jnp
import numpy as np

GRID = 14
DIM = 384
B = 32
N = 576

def setup_inputs(seed: int = 0) -> dict:
    key = jax.random.key(seed)
    k1, k2, k3 = jax.random.split(key, 3)
    inputs = jax.random.normal(k1, (B, N, DIM), dtype=jnp.float32)
    inputs_positions = jax.random.randint(k2, (B, N), 0, GRID * GRID, dtype=jnp.int64 if jax.config.read('jax_enable_x64') else jnp.int32)
    position_emb = jax.random.normal(k3, (1, GRID * GRID, DIM), dtype=jnp.float32) * 0.02
    return {"inputs": inputs, "inputs_positions": inputs_positions, "position_emb": position_emb}

def reference(inputs, inputs_positions, position_emb):
    # inputs + position_emb.squeeze(0)[inputs_positions]
    emb = jnp.take(position_emb[0], inputs_positions, axis=0)
    return inputs + emb

if __name__ == "__main__":
    import jax
    _d = setup_inputs()
    print(jax.jit(kernel)(*tuple(_d.values())))

</pallas_src>

<mosaic_0001>
#map = affine_map<(d0, d1) -> (0, 0)>
#map1 = affine_map<(d0, d1) -> (0, 0, 0)>
module attributes {stable_mosaic.version = 14 : i64} {
  func.func @_sc_kernel(%arg0: i32, %arg1: i32, %arg2: memref<18432x384xf32, #tpu.memory_space<hbm>>, %arg3: memref<32x6x96xi32, #tpu.memory_space<hbm>>, %arg4: memref<196x384xf32, #tpu.memory_space<hbm>>, %arg5: memref<18432x384xf32, #tpu.memory_space<hbm>>, %arg6: memref<1x6x96xi32, #tpu.memory_space<vmem>>, %arg7: memref<96x384xf32, #tpu.memory_space<vmem>>, %arg8: memref<96x384xf32, #tpu.memory_space<vmem>>, %arg9: memref<96x384xf32, #tpu.memory_space<vmem>>, %arg10: memref<!tpu.dma_semaphore, #tpu.memory_space<semaphore_mem>>, %arg11: memref<!tpu.dma_semaphore, #tpu.memory_space<semaphore_mem>>, %arg12: memref<!tpu.dma_semaphore, #tpu.memory_space<semaphore_mem>>) attributes {dimension_semantics = [#tpu.dimension_semantics<core_parallel>, #tpu.dimension_semantics<subcore_parallel>], iteration_bounds = array<i64: 2, 16>, scalar_prefetch = 0 : i64, scratch_operands = 7 : i64, tpu.core_type = #tpu.core_type<sc_vector_subcore>, window_params = [{transform_indices = #map}, {transform_indices = #map1}, {transform_indices = #map}, {transform_indices = #map}]} {
    %mul3A = arith.constant 2 : i32
    %mul3A_0 = arith.muli %arg1, %mul3A : i32
    %add3A = arith.addi %mul3A_0, %arg0 : i32
    %mul3A_1 = arith.constant 576 : i32
    %mul3A_2 = arith.muli %add3A, %mul3A_1 : i32
    "tpu.region"() ({
      %run_scoped3A = tpu.sem_alloc : memref<!tpu.dma_semaphore, #tpu.memory_space<semaphore_mem>>
      %dma_start3A_240 = arith.constant 0 : i32
      %dma_start3A_241 = arith.constant 0 : i32
      %dma_start3A_242 = tpu.memref_slice %arg3[%add3A, %dma_start3A_240, %dma_start3A_241] : memref<32x6x96xi32, #tpu.memory_space<hbm>> -> memref<1x6x96xi32, #tpu.memory_space<hbm>>
      %dma_start3A_243 = arith.constant 0 : i32
      %dma_start3A_244 = arith.constant 0 : i32
      %dma_start3A_245 = tpu.memref_slice %arg3[%add3A, %dma_start3A_243, %dma_start3A_244] : memref<32x6x96xi32, #tpu.memory_space<hbm>> -> memref<1x6x96xi32, #tpu.memory_space<hbm>>
      tpu.enqueue_dma source(%dma_start3A_245 : memref<1x6x96xi32, #tpu.memory_space<hbm>>) target(%arg6 : memref<1x6x96xi32, #tpu.memory_space<vmem>>) target_semaphore(%run_scoped3A : memref<!tpu.dma_semaphore, #tpu.memory_space<semaphore_mem>>)
      %dma_wait3A_246 = arith.constant 0 : i32
      %dma_wait3A_247 = arith.constant 0 : i32
      %dma_wait3A_248 = tpu.memref_slice %arg3[%add3A, %dma_wait3A_246, %dma_wait3A_247] : memref<32x6x96xi32, #tpu.memory_space<hbm>> -> memref<1x6x96xi32, #tpu.memory_space<hbm>>
      %dma_wait3A_249 = arith.constant 0 : i32
      %dma_wait3A_250 = arith.constant 0 : i32
      %dma_wait3A_251 = tpu.memref_slice %arg3[%add3A, %dma_wait3A_249, %dma_wait3A_250] : memref<32x6x96xi32, #tpu.memory_space<hbm>> -> memref<1x6x96xi32, #tpu.memory_space<hbm>>
      tpu.wait_dma2 semaphore(%run_scoped3A : memref<!tpu.dma_semaphore, #tpu.memory_space<semaphore_mem>>) src(%dma_wait3A_251 : memref<1x6x96xi32, #tpu.memory_space<hbm>>) dst(%arg6 : memref<1x6x96xi32, #tpu.memory_space<vmem>>)
      tpu.yield
    }) : () -> ()
    %add3A_3 = arith.constant 0 : i32
    %add3A_4 = arith.addi %mul3A_2, %add3A_3 : i32
    %dma_start3A = arith.constant 0 : i32
    %dma_start3A_5 = tpu.memref_slice %arg2[%add3A_4, %dma_start3A] : memref<18432x384xf32, #tpu.memory_space<hbm>> -> memref<96x384xf32, #tpu.memory_space<hbm>>
    %dma_start3A_6 = arith.constant 0 : i32
    %dma_start3A_7 = tpu.memref_slice %arg2[%add3A_4, %dma_start3A_6] : memref<18432x384xf32, #tpu.memory_space<hbm>> -> memref<96x384xf32, #tpu.memory_space<hbm>>
    tpu.enqueue_dma source(%dma_start3A_7 : memref<96x384xf32, #tpu.memory_space<hbm>>) target(%arg7 : memref<96x384xf32, #tpu.memory_space<vmem>>) target_semaphore(%arg10 : memref<!tpu.dma_semaphore, #tpu.memory_space<semaphore_mem>>)
    %dma_start3A_8 = arith.constant 0 : i32
    %dma_start3A_9 = arith.constant 0 : i32
    %dma_start3A_10 = arith.constant 0 : i32
    %dma_start3A_11 = tpu.memref_slice %arg6[%dma_start3A_8, %dma_start3A_9, %dma_start3A_10] : memref<1x6x96xi32, #tpu.memory_space<vmem>> -> memref<1x1x96xi32, #tpu.memory_space<vmem>>
    %dma_start3A_12 = tpu.memref_squeeze %dma_start3A_11 : memref<1x1x96xi32, #tpu.memory_space<vmem>> -> memref<96xi32, #tpu.memory_space<vmem>>
    %dma_start3A_13 = arith.constant 0 : i32
    %dma_start3A_14 = arith.constant 0 : i32
    %dma_start3A_15 = tpu.memref_slice %arg4[%dma_start3A_13, %dma_start3A_14] : memref<196x384xf32, #tpu.memory_space<hbm>> -> memref<196x384xf32, #tpu.memory_space<hbm>>
    tpu.enqueue_indirect_dma source(%dma_start3A_15 : memref<196x384xf32, #tpu.memory_space<hbm>>) target(%arg8 : memref<96x384xf32, #tpu.memory_space<vmem>>) offsets(%dma_start3A_12 : memref<96xi32, #tpu.memory_space<vmem>>) semaphore(%arg11 : memref<!tpu.dma_semaphore, #tpu.memory_space<semaphore_mem>>)
    %dma_wait3A = arith.constant 0 : i32
    %dma_wait3A_16 = tpu.memref_slice %arg2[%add3A_4, %dma_wait3A] : memref<18432x384xf32, #tpu.memory_space<hbm>> -> memref<96x384xf32, #tpu.memory_space<hbm>>
    %dma_wait3A_17 = arith.constant 0 : i32
    %dma_wait3A_18 = tpu.memref_slice %arg2[%add3A_4, %dma_wait3A_17] : memref<18432x384xf32, #tpu.memory_space<hbm>> -> memref<96x384xf32, #tpu.memory_space<hbm>>
    tpu.wait_dma2 semaphore(%arg10 : memref<!tpu.dma_semaphore, #tpu.memory_space<semaphore_mem>>) src(%dma_wait3A_18 : memref<96x384xf32, #tpu.memory_space<hbm>>) dst(%arg7 : memref<96x384xf32, #tpu.memory_space<vmem>>)
    %dma_wait3A_19 = arith.constant 0 : i32
    %dma_wait3A_20 = arith.constant 0 : i32
    %dma_wait3A_21 = arith.constant 0 : i32
    %dma_wait3A_22 = tpu.memref_slice %arg6[%dma_wait3A_19, %dma_wait3A_20, %dma_wait3A_21] : memref<1x6x96xi32, #tpu.memory_space<vmem>> -> memref<1x1x96xi32, #tpu.memory_space<vmem>>
    %dma_wait3A_23 = tpu.memref_squeeze %dma_wait3A_22 : memref<1x1x96xi32, #tpu.memory_space<vmem>> -> memref<96xi32, #tpu.memory_space<vmem>>
    %dma_wait3A_24 = arith.constant 0 : i32
    %dma_wait3A_25 = arith.constant 0 : i32
    %dma_wait3A_26 = tpu.memref_slice %arg4[%dma_wait3A_24, %dma_wait3A_25] : memref<196x384xf32, #tpu.memory_space<hbm>> -> memref<196x384xf32, #tpu.memory_space<hbm>>
    tpu.wait_indirect_dma semaphore(%arg11 : memref<!tpu.dma_semaphore, #tpu.memory_space<semaphore_mem>>) src(%dma_wait3A_26 : memref<196x384xf32, #tpu.memory_space<hbm>>) dst(%arg8 : memref<96x384xf32, #tpu.memory_space<vmem>>)
    %scan3A = arith.constant 0 : i32
    %scan3A_27 = arith.constant 0 : i32
    %scan3A_28 = arith.constant 96 : i32
    %scan3A_29 = arith.addi %scan3A_27, %scan3A_28 : i32
    %scan3A_30 = arith.constant 1 : i32
    scf.for %scan3A_240 = %scan3A_27 to %scan3A_29 step %scan3A_30  : i32 {
      %get3A = arith.index_cast %scan3A_240 : i32 to index
      %get3A_241 = arith.constant 0 : index
      %get3A_242 = tpu.vector_load %arg7[%get3A, %get3A_241] {strides = array<i32>} : memref<96x384xf32, #tpu.memory_space<vmem>>, vector<1x16xf32>,
      %get3A_243 = vector.shape_cast %get3A_242 : vector<1x16xf32> to vector<16xf32>
      %get3A_244 = arith.index_cast %scan3A_240 : i32 to index
      %get3A_245 = arith.constant 0 : index
      %get3A_246 = tpu.vector_load %arg8[%get3A_244, %get3A_245] {strides = array<i32>} : memref<96x384xf32, #tpu.memory_space<vmem>>, vector<1x16xf32>,
      %get3A_247 = vector.shape_cast %get3A_246 : vector<1x16xf32> to vector<16xf32>
      %add3A_248 = arith.addf %get3A_243, %get3A_247 : vector<16xf32>
      %swap3A = arith.index_cast %scan3A_240 : i32 to index
      %swap3A_249 = arith.constant 0 : index
      %swap3A_250 = tpu.vector_load %arg9[%swap3A, %swap3A_249] {strides = array<i32>} : memref<96x384xf32, #tpu.memory_space<vmem>>, vector<1x16xf32>,
      %swap3A_251 = vector.shape_cast %swap3A_250 : vector<1x16xf32> to vector<16xf32>
      %swap3A_252 = vector.shape_cast %add3A_248 : vector<16xf32> to vector<1x16xf32>
      tpu.vector_store %arg9[%swap3A, %swap3A_249], %swap3A_252 {strides = array<i32>} : memref<96x384xf32, #tpu.memory_space<vmem>>, vector<1x16xf32>,
      %get3A_253 = arith.index_cast %scan3A_240 : i32 to index
      %get3A_254 = arith.constant 16 : index
      %get3A_255 = tpu.vector_load %arg7[%get3A_253, %get3A_254] {strides = array<i32>} : memref<96x384xf32, #tpu.memory_space<vmem>>, vector<1x16xf32>,
      %get3A_256 = vector.shape_cast %get3A_255 : vector<1x16xf32> to vector<16xf32>
      %get3A_257 = arith.index_cast %scan3A_240 : i32 to index
      %get3A_258 = arith.constant 16 : index
      %get3A_259 = tpu.vector_load %arg8[%get3A_257, %get3A_258] {strides = array<i32>} : memref<96x384xf32, #tpu.memory_space<vmem>>, vector<1x16xf32>,
      %get3A_260 = vector.shape_cast %get3A_259 : vector<1x16xf32> to vector<16xf32>
      %add3A_261 = arith.addf %get3A_256, %get3A_260 : vector<16xf32>
      %swap3A_262 = arith.index_cast %scan3A_240 : i32 to index
      %swap3A_263 = arith.constant 16 : index
      %swap3A_264 = tpu.vector_load %arg9[%swap3A_262, %swap3A_263] {strides = array<i32>} : memref<96x384xf32, #tpu.memory_space<vmem>>, vector<1x16xf32>,
      %swap3A_265 = vector.shape_cast %swap3A_264 : vector<1x16xf32> to vector<16xf32>
      %swap3A_266 = vector.shape_cast %add3A_261 : vector<16xf32> to vector<1x16xf32>
      tpu.vector_store %arg9[%swap3A_262, %swap3A_263], %swap3A_266 {strides = array<i32>} : memref<96x384xf32, #tpu.memory_space<vmem>>, vector<1x16xf32>,
      %get3A_267 = arith.index_cast %scan3A_240 : i32 to index
      %get3A_268 = arith.constant 32 : index
      %get3A_269 = tpu.vector_load %arg7[%get3A_267, %get3A_268] {strides = array<i32>} : memref<96x384xf32, #tpu.memory_space<vmem>>, vector<1x16xf32>,
      %get3A_270 = vector.shape_cast %get3A_269 : vector<1x16xf32> to vector<16xf32>
      %get3A_271 = arith.index_cast %scan3A_240 : i32 to index
      %get3A_272 = arith.constant 32 : index
      %get3A_273 = tpu.vector_load %arg8[%get3A_271, %get3A_272] {strides = array<i32>} : memref<96x384xf32, #tpu.memory_space<vmem>>, vector<1x16xf32>,
      %get3A_274 = vector.shape_cast %get3A_273 : vector<1x16xf32> to vector<16xf32>
      %add3A_275 = arith.addf %get3A_270, %get3A_274 : vector<16xf32>
      %swap3A_276 = arith.index_cast %scan3A_240 : i32 to index
      %swap3A_277 = arith.constant 32 : index
      %swap3A_278 = tpu.vector_load %arg9[%swap3A_276, %swap3A_277] {strides = array<i32>} : memref<96x384xf32, #tpu.memory_space<vmem>>, vector<1x16xf32>,
      %swap3A_279 = vector.shape_cast %swap3A_278 : vector<1x16xf32> to vector<16xf32>
      %swap3A_280 = vector.shape_cast %add3A_275 : vector<16xf32> to vector<1x16xf32>
      tpu.vector_store %arg9[%swap3A_276, %swap3A_277], %swap3A_280 {strides = array<i32>} : memref<96x384xf32, #tpu.memory_space<vmem>>, vector<1x16xf32>,
      %get3A_281 = arith.index_cast %scan3A_240 : i32 to index
      %get3A_282 = arith.constant 48 : index
      %get3A_283 = tpu.vector_load %arg7[%get3A_281, %get3A_282] {strides = array<i32>} : memref<96x384xf32, #tpu.memory_space<vmem>>, vector<1x16xf32>,
      %get3A_284 = vector.shape_cast %get3A_283 : vector<1x16xf32> to vector<16xf32>
      %get3A_285 = arith.index_cast %scan3A_240 : i32 to index
      %get3A_286 = arith.constant 48 : index
      %get3A_287 = tpu.vector_load %arg8[%get3A_285, %get3A_286] {strides = array<i32>} : memref<96x384xf32, #tpu.memory_space<vmem>>, vector<1x16xf32>,
      %get3A_288 = vector.shape_cast %get3A_287 : vector<1x16xf32> to vector<16xf32>
      %add3A_289 = arith.addf %get3A_284, %get3A_288 : vector<16xf32>
      %swap3A_290 = arith.index_cast %scan3A_240 : i32 to index
      %swap3A_291 = arith.constant 48 : index
      %swap3A_292 = tpu.vector_load %arg9[%swap3A_290, %swap3A_291] {strides = array<i32>} : memref<96x384xf32, #tpu.memory_space<vmem>>, vector<1x16xf32>,
      %swap3A_293 = vector.shape_cast %swap3A_292 : vector<1x16xf32> to vector<16xf32>
      %swap3A_294 = vector.shape_cast %add3A_289 : vector<16xf32> to vector<1x16xf32>
      tpu.vector_store %arg9[%swap3A_290, %swap3A_291], %swap3A_294 {strides = array<i32>} : memref<96x384xf32, #tpu.memory_space<vmem>>, vector<1x16xf32>,
      %get3A_295 = arith.index_cast %scan3A_240 : i32 to index
      %get3A_296 = arith.constant 64 : index
      %get3A_297 = tpu.vector_load %arg7[%get3A_295, %get3A_296] {strides = array<i32>} : memref<96x384xf32, #tpu.memory_space<vmem>>, vector<1x16xf32>,
      %get3A_298 = vector.shape_cast %get3A_297 : vector<1x16xf32> to vector<16xf32>
      %get3A_299 = arith.index_cast %scan3A_240 : i32 to index
      %get3A_300 = arith.constant 64 : index
      %get3A_301 = tpu.vector_load %arg8[%get3A_299, %get3A_300] {strides = array<i32>} : memref<96x384xf32, #tpu.memory_space<vmem>>, vector<1x16xf32>,
      %get3A_302 = vector.shape_cast %get3A_301 : vector<1x16xf32> to vector<16xf32>
      %add3A_303 = arith.addf %get3A_298, %get3A_302 : vector<16xf32>
      %swap3A_304 = arith.index_cast %scan3A_240 : i32 to index
      %swap3A_305 = arith.constant 64 : index
      %swap3A_306 = tpu.vector_load %arg9[%swap3A_304, %swap3A_305] {strides = array<i32>} : memref<96x384xf32, #tpu.memory_space<vmem>>, vector<1x16xf32>,
      %swap3A_307 = vector.shape_cast %swap3A_306 : vector<1x16xf32> to vector<16xf32>
      %swap3A_308 = vector.shape_cast %add3A_303 : vector<16xf32> to vector<1x16xf32>
      tpu.vector_store %arg9[%swap3A_304, %swap3A_305], %swap3A_308 {strides = array<i32>} : memref<96x384xf32, #tpu.memory_space<vmem>>, vector<1x16xf32>,
      %get3A_309 = arith.index_cast %scan3A_240 : i32 to index
      %get3A_310 = arith.constant 80 : index
      %get3A_311 = tpu.vector_load %arg7[%get3A_309, %get3A_310] {strides = array<i32>} : memref<96x384xf32, #tpu.memory_space<vmem>>, vector<1x16xf32>,
      %get3A_312 = vector.shape_cast %get3A_311 : vector<1x16xf32> to vector<16xf32>
      %get3A_313 = arith.index_cast %scan3A_240 : i32 to index
      %get3A_314 = arith.constant 80 : index
      %get3A_315 = tpu.vector_load %arg8[%get3A_313, %get3A_314] {strides = array<i32>} : memref<96x384xf32, #tpu.memory_space<vmem>>, vector<1x16xf32>,
      %get3A_316 = vector.shape_cast %get3A_315 : vector<1x16xf32> to vector<16xf32>
      %add3A_317 = arith.addf %get3A_312, %get3A_316 : vector<16xf32>
      %swap3A_318 = arith.index_cast %scan3A_240 : i32 to index
      %swap3A_319 = arith.constant 80 : index
      %swap3A_320 = tpu.vector_load %arg9[%swap3A_318, %swap3A_319] {strides = array<i32>} : memref<96x384xf32, #tpu.memory_space<vmem>>, vector<1x16xf32>,
      %swap3A_321 = vector.shape_cast %swap3A_320 : vector<1x16xf32> to vector<16xf32>
      %swap3A_322 = vector.shape_cast %add3A_317 : vector<16xf32> to vector<1x16xf32>
      tpu.vector_store %arg9[%swap3A_318, %swap3A_319], %swap3A_322 {strides = array<i32>} : memref<96x384xf32, #tpu.memory_space<vmem>>, vector<1x16xf32>,
      %get3A_323 = arith.index_cast %scan3A_240 : i32 to index
      %get3A_324 = arith.constant 96 : index
      %get3A_325 = tpu.vector_load %arg7[%get3A_323, %get3A_324] {strides = array<i32>} : memref<96x384xf32, #tpu.memory_space<vmem>>, vector<1x16xf32>,
      %get3A_326 = vector.shape_cast %get3A_325 : vector<1x16xf32> to vector<16xf32>
      %get3A_327 = arith.index_cast %scan3A_240 : i32 to index
      %get3A_328 = arith.constant 96 : index
      %get3A_329 = tpu.vector_load %arg8[%get3A_327, %get3A_328] {strides = array<i32>} : memref<96x384xf32, #tpu.memory_space<vmem>>, vector<1x16xf32>,
      %get3A_330 = vector.shape_cast %get3A_329 : vector<1x16xf32> to vector<16xf32>
      %add3A_331 = arith.addf %get3A_326, %get3A_330 : vector<16xf32>
      %swap3A_332 = arith.index_cast %scan3A_240 : i32 to index
      %swap3A_333 = arith.constant 96 : index
      %swap3A_334 = tpu.vector_load %arg9[%swap3A_332, %swap3A_333] {strides = array<i32>} : memref<96x384xf32, #tpu.memory_space<vmem>>, vector<1x16xf32>,
      %swap3A_335 = vector.shape_cast %swap3A_334 : vector<1x16xf32> to vector<16xf32>
      %swap3A_336 = vector.shape_cast %add3A_331 : vector<16xf32> to vector<1x16xf32>
      tpu.vector_store %arg9[%swap3A_332, %swap3A_333], %swap3A_336 {strides = array<i32>} : memref<96x384xf32, #tpu.memory_space<vmem>>, vector<1x16xf32>,
      %get3A_337 = arith.index_cast %scan3A_240 : i32 to index
      %get3A_338 = arith.constant 112 : index
      %get3A_339 = tpu.vector_load %arg7[%get3A_337, %get3A_338] {strides = array<i32>} : memref<96x384xf32, #tpu.memory_space<vmem>>, vector<1x16xf32>,
      %get3A_340 = vector.shape_cast %get3A_339 : vector<1x16xf32> to vector<16xf32>
      %get3A_341 = arith.index_cast %scan3A_240 : i32 to index
      %get3A_342 = arith.constant 112 : index
      %get3A_343 = tpu.vector_load %arg8[%get3A_341, %get3A_342] {strides = array<i32>} : memref<96x384xf32, #tpu.memory_space<vmem>>, vector<1x16xf32>,
      %get3A_344 = vector.shape_cast %get3A_343 : vector<1x16xf32> to vector<16xf32>
      %add3A_345 = arith.addf %get3A_340, %get3A_344 : vector<16xf32>
      %swap3A_346 = arith.index_cast %scan3A_240 : i32 to index
      %swap3A_347 = arith.constant 112 : index
      %swap3A_348 = tpu.vector_load %arg9[%swap3A_346, %swap3A_347] {strides = array<i32>} : memref<96x384xf32, #tpu.memory_space<vmem>>, vector<1x16xf32>,
      %swap3A_349 = vector.shape_cast %swap3A_348 : vector<1x16xf32> to vector<16xf32>
      %swap3A_350 = vector.shape_cast %add3A_345 : vector<16xf32> to vector<1x16xf32>
      tpu.vector_store %arg9[%swap3A_346, %swap3A_347], %swap3A_350 {strides = array<i32>} : memref<96x384xf32, #tpu.memory_space<vmem>>, vector<1x16xf32>,
      %get3A_351 = arith.index_cast %scan3A_240 : i32 to index
      %get3A_352 = arith.constant 128 : index
      %get3A_353 = tpu.vector_load %arg7[%get3A_351, %get3A_352] {strides = array<i32>} : memref<96x384xf32, #tpu.memory_space<vmem>>, vector<1x16xf32>,
      %get3A_354 = vector.shape_cast %get3A_353 : vector<1x16xf32> to vector<16xf32>
      %get3A_355 = arith.index_cast %scan3A_240 : i32 to index
      %get3A_356 = arith.constant 128 : index
      %get3A_357 = tpu.vector_load %arg8[%get3A_355, %get3A_356] {strides = array<i32>} : memref<96x384xf32, #tpu.memory_space<vmem>>, vector<1x16xf32>,
      %get3A_358 = vector.shape_cast %get3A_357 : vector<1x16xf32> to vector<16xf32>
      %add3A_359 = arith.addf %get3A_354, %get3A_358 : vector<16xf32>
      %swap3A_360 = arith.index_cast %scan3A_240 : i32 to index
      %swap3A_361 = arith.constant 128 : index
      %swap3A_362 = tpu.vector_load %arg9[%swap3A_360, %swap3A_361] {strides = array<i32>} : memref<96x384xf32, #tpu.memory_space<vmem>>, vector<1x16xf32>,
      %swap3A_363 = vector.shape_cast %swap3A_362 : vector<1x16xf32> to vector<16xf32>
      %swap3A_364 = vector.shape_cast %add3A_359 : vector<16xf32> to vector<1x16xf32>
      tpu.vector_store %arg9[%swap3A_360, %swap3A_361], %swap3A_364 {strides = array<i32>} : memref<96x384xf32, #tpu.memory_space<vmem>>, vector<1x16xf32>,
      %get3A_365 = arith.index_cast %scan3A_240 : i32 to index
      %get3A_366 = arith.constant 144 : index
      %get3A_367 = tpu.vector_load %arg7[%get3A_365, %get3A_366] {strides = array<i32>} : memref<96x384xf32, #tpu.memory_space<vmem>>, vector<1x16xf32>,
      %get3A_368 = vector.shape_cast %get3A_367 : vector<1x16xf32> to vector<16xf32>
      %get3A_369 = arith.index_cast %scan3A_240 : i32 to index
      %get3A_370 = arith.constant 144 : index
      %get3A_371 = tpu.vector_load %arg8[%get3A_369, %get3A_370] {strides = array<i32>} : memref<96x384xf32, #tpu.memory_space<vmem>>, vector<1x16xf32>,
      %get3A_372 = vector.shape_cast %get3A_371 : vector<1x16xf32> to vector<16xf32>
      %add3A_373 = arith.addf %get3A_368, %get3A_372 : vector<16xf32>
      %swap3A_374 = arith.index_cast %scan3A_240 : i32 to index
      %swap3A_375 = arith.constant 144 : index
      %swap3A_376 = tpu.vector_load %arg9[%swap3A_374, %swap3A_375] {strides = array<i32>} : memref<96x384xf32, #tpu.memory_space<vmem>>, vector<1x16xf32>,
      %swap3A_377 = vector.shape_cast %swap3A_376 : vector<1x16xf32> to vector<16xf32>
      %swap3A_378 = vector.shape_cast %add3A_373 : vector<16xf32> to vector<1x16xf32>
      tpu.vector_store %arg9[%swap3A_374, %swap3A_375], %swap3A_378 {strides = array<i32>} : memref<96x384xf32, #tpu.memory_space<vmem>>, vector<1x16xf32>,
      %get3A_379 = arith.index_cast %scan3A_240 : i32 to index
      %get3A_380 = arith.constant 160 : index
      %get3A_381 = tpu.vector_load %arg7[%get3A_379, %get3A_380] {strides = array<i32>} : memref<96x384xf32, #tpu.memory_space<vmem>>, vector<1x16xf32>,
      %get3A_382 = vector.shape_cast %get3A_381 : vector<1x16xf32> to vector<16xf32>
      %get3A_383 = arith.index_cast %scan3A_240 : i32 to index
      %get3A_384 = arith.constant 160 : index
      %get3A_385 = tpu.vector_load %arg8[%get3A_383, %get3A_384] {strides = array<i32>} : memref<96x384xf32, #tpu.memory_space<vmem>>, vector<1x16xf32>,
      %get3A_386 = vector.shape_cast %get3A_385 : vector<1x16xf32> to vector<16xf32>
      %add3A_387 = arith.addf %get3A_382, %get3A_386 : vector<16xf32>
      %swap3A_388 = arith.index_cast %scan3A_240 : i32 to index
      %swap3A_389 = arith.constant 160 : index
      %swap3A_390 = tpu.vector_load %arg9[%swap3A_388, %swap3A_389] {strides = array<i32>} : memref<96x384xf32, #tpu.memory_space<vmem>>, vector<1x16xf32>,
      %swap3A_391 = vector.shape_cast %swap3A_390 : vector<1x16xf32> to vector<16xf32>
      %swap3A_392 = vector.shape_cast %add3A_387 : vector<16xf32> to vector<1x16xf32>
      tpu.vector_store %arg9[%swap3A_388, %swap3A_389], %swap3A_392 {strides = array<i32>} : memref<96x384xf32, #tpu.memory_space<vmem>>, vector<1x16xf32>,
      %get3A_393 = arith.index_cast %scan3A_240 : i32 to index
      %get3A_394 = arith.constant 176 : index
      %get3A_395 = tpu.vector_load %arg7[%get3A_393, %get3A_394] {strides = array<i32>} : memref<96x384xf32, #tpu.memory_space<vmem>>, vector<1x16xf32>,
      %get3A_396 = vector.shape_cast %get3A_395 : vector<1x16xf32> to vector<16xf32>
      %get3A_397 = arith.index_cast %scan3A_240 : i32 to index
      %get3A_398 = arith.constant 176 : index
      %get3A_399 = tpu.vector_load %arg8[%get3A_397, %get3A_398] {strides = array<i32>} : memref<96x384xf32, #tpu.memory_space<vmem>>, vector<1x16xf32>,
      %get3A_400 = vector.shape_cast %get3A_399 : vector<1x16xf32> to vector<16xf32>
      %add3A_401 = arith.addf %get3A_396, %get3A_400 : vector<16xf32>
      %swap3A_402 = arith.index_cast %scan3A_240 : i32 to index
      %swap3A_403 = arith.constant 176 : index
      %swap3A_404 = tpu.vector_load %arg9[%swap3A_402, %swap3A_403] {strides = array<i32>} : memref<96x384xf32, #tpu.memory_space<vmem>>, vector<1x16xf32>,
      %swap3A_405 = vector.shape_cast %swap3A_404 : vector<1x16xf32> to vector<16xf32>
      %swap3A_406 = vector.shape_cast %add3A_401 : vector<16xf32> to vector<1x16xf32>
      tpu.vector_store %arg9[%swap3A_402, %swap3A_403], %swap3A_406 {strides = array<i32>} : memref<96x384xf32, #tpu.memory_space<vmem>>, vector<1x16xf32>,
      %get3A_407 = arith.index_cast %scan3A_240 : i32 to index
      %get3A_408 = arith.constant 192 : index
      %get3A_409 = tpu.vector_load %arg7[%get3A_407, %get3A_408] {strides = array<i32>} : memref<96x384xf32, #tpu.memory_space<vmem>>, vector<1x16xf32>,
      %get3A_410 = vector.shape_cast %get3A_409 : vector<1x16xf32> to vector<16xf32>
      %get3A_411 = arith.index_cast %scan3A_240 : i32 to index
      %get3A_412 = arith.constant 192 : index
      %get3A_413 = tpu.vector_load %arg8[%get3A_411, %get3A_412] {strides = array<i32>} : memref<96x384xf32, #tpu.memory_space<vmem>>, vector<1x16xf32>,
      %get3A_414 = vector.shape_cast %get3A_413 : vector<1x16xf32> to vector<16xf32>
      %add3A_415 = arith.addf %get3A_410, %get3A_414 : vector<16xf32>
      %swap3A_416 = arith.index_cast %scan3A_240 : i32 to index
      %swap3A_417 = arith.constant 192 : index
      %swap3A_418 = tpu.vector_load %arg9[%swap3A_416, %swap3A_417] {strides = array<i32>} : memref<96x384xf32, #tpu.memory_space<vmem>>, vector<1x16xf32>,
      %swap3A_419 = vector.shape_cast %swap3A_418 : vector<1x16xf32> to vector<16xf32>
      %swap3A_420 = vector.shape_cast %add3A_415 : vector<16xf32> to vector<1x16xf32>
      tpu.vector_store %arg9[%swap3A_416, %swap3A_417], %swap3A_420 {strides = array<i32>} : memref<96x384xf32, #tpu.memory_space<vmem>>, vector<1x16xf32>,
      %get3A_421 = arith.index_cast %scan3A_240 : i32 to index
      %get3A_422 = arith.constant 208 : index
      %get3A_423 = tpu.vector_load %arg7[%get3A_421, %get3A_422] {strides = array<i32>} : memref<96x384xf32, #tpu.memory_space<vmem>>, vector<1x16xf32>,
      %get3A_424 = vector.shape_cast %get3A_423 : vector<1x16xf32> to vector<16xf32>
      %get3A_425 = arith.index_cast %scan3A_240 : i32 to index
      %get3A_426 = arith.constant 208 : index
      %get3A_427 = tpu.vector_load %arg8[%get3A_425, %get3A_426] {strides = array<i32>} : memref<96x384xf32, #tpu.memory_space<vmem>>, vector<1x16xf32>,
      %get3A_428 = vector.shape_cast %get3A_427 : vector<1x16xf32> to vector<16xf32>
      %add3A_429 = arith.addf %get3A_424, %get3A_428 : vector<16xf32>
      %swap3A_430 = arith.index_cast %scan3A_240 : i32 to index
      %swap3A_431 = arith.constant 208 : index
      %swap3A_432 = tpu.vector_load %arg9[%swap3A_430, %swap3A_431] {strides = array<i32>} : memref<96x384xf32, #tpu.memory_space<vmem>>, vector<1x16xf32>,
      %swap3A_433 = vector.shape_cast %swap3A_432 : vector<1x16xf32> to vector<16xf32>
      %swap3A_434 = vector.shape_cast %add3A_429 : vector<16xf32> to vector<1x16xf32>
      tpu.vector_store %arg9[%swap3A_430, %swap3A_431], %swap3A_434 {strides = array<i32>} : memref<96x384xf32, #tpu.memory_space<vmem>>, vector<1x16xf32>,
      %get3A_435 = arith.index_cast %scan3A_240 : i32 to index
      %get3A_436 = arith.constant 224 : index
      %get3A_437 = tpu.vector_load %arg7[%get3A_435, %get3A_436] {strides = array<i32>} : memref<96x384xf32, #tpu.memory_space<vmem>>, vector<1x16xf32>,
      %get3A_438 = vector.shape_cast %get3A_437 : vector<1x16xf32> to vector<16xf32>
      %get3A_439 = arith.index_cast %scan3A_240 : i32 to index
      %get3A_440 = arith.constant 224 : index
      %get3A_441 = tpu.vector_load %arg8[%get3A_439, %get3A_440] {strides = array<i32>} : memref<96x384xf32, #tpu.memory_space<vmem>>, vector<1x16xf32>,
      %get3A_442 = vector.shape_cast %get3A_441 : vector<1x16xf32> to vector<16xf32>
      %add3A_443 = arith.addf %get3A_438, %get3A_442 : vector<16xf32>
      %swap3A_444 = arith.index_cast %scan3A_240 : i32 to index
      %swap3A_445 = arith.constant 224 : index
      %swap3A_446 = tpu.vector_load %arg9[%swap3A_444, %swap3A_445] {strides = array<i32>} : memref<96x384xf32, #tpu.memory_space<vmem>>, vector<1x16xf32>,
      %swap3A_447 = vector.shape_cast %swap3A_446 : vector<1x16xf32> to vector<16xf32>
      %swap3A_448 = vector.shape_cast %add3A_443 : vector<16xf32> to vector<1x16xf32>
      tpu.vector_store %arg9[%swap3A_444, %swap3A_445], %swap3A_448 {strides = array<i32>} : memref<96x384xf32, #tpu.memory_space<vmem>>, vector<1x16xf32>,
      %get3A_449 = arith.index_cast %scan3A_240 : i32 to index
      %get3A_450 = arith.constant 240 : index
      %get3A_451 = tpu.vector_load %arg7[%get3A_449, %get3A_450] {strides = array<i32>} : memref<96x384xf32, #tpu.memory_space<vmem>>, vector<1x16xf32>,
      %get3A_452 = vector.shape_cast %get3A_451 : vector<1x16xf32> to vector<16xf32>
      %get3A_453 = arith.index_cast %scan3A_240 : i32 to index
      %get3A_454 = arith.constant 240 : index
      %get3A_455 = tpu.vector_load %arg8[%get3A_453, %get3A_454] {strides = array<i32>} : memref<96x384xf32, #tpu.memory_space<vmem>>, vector<1x16xf32>,
      %get3A_456 = vector.shape_cast %get3A_455 : vector<1x16xf32> to vector<16xf32>
      %add3A_457 = arith.addf %get3A_452, %get3A_456 : vector<16xf32>
      %swap3A_458 = arith.index_cast %scan3A_240 : i32 to index
      %swap3A_459 = arith.constant 240 : index
      %swap3A_460 = tpu.vector_load %arg9[%swap3A_458, %swap3A_459] {strides = array<i32>} : memref<96x384xf32, #tpu.memory_space<vmem>>, vector<1x16xf32>,
      %swap3A_461 = vector.shape_cast %swap3A_460 : vector<1x16xf32> to vector<16xf32>
      %swap3A_462 = vector.shape_cast %add3A_457 : vector<16xf32> to vector<1x16xf32>
      tpu.vector_store %arg9[%swap3A_458, %swap3A_459], %swap3A_462 {strides = array<i32>} : memref<96x384xf32, #tpu.memory_space<vmem>>, vector<1x16xf32>,
      %get3A_463 = arith.index_cast %scan3A_240 : i32 to index
      %get3A_464 = arith.constant 256 : index
      %get3A_465 = tpu.vector_load %arg7[%get3A_463, %get3A_464] {strides = array<i32>} : memref<96x384xf32, #tpu.memory_space<vmem>>, vector<1x16xf32>,
      %get3A_466 = vector.shape_cast %get3A_465 : vector<1x16xf32> to vector<16xf32>
      %get3A_467 = arith.index_cast %scan3A_240 : i32 to index
      %get3A_468 = arith.constant 256 : index
      %get3A_469 = tpu.vector_load %arg8[%get3A_467, %get3A_468] {strides = array<i32>} : memref<96x384xf32, #tpu.memory_space<vmem>>, vector<1x16xf32>,
      %get3A_470 = vector.shape_cast %get3A_469 : vector<1x16xf32> to vector<16xf32>
      %add3A_471 = arith.addf %get3A_466, %get3A_470 : vector<16xf32>
      %swap3A_472 = arith.index_cast %scan3A_240 : i32 to index
      %swap3A_473 = arith.constant 256 : index
      %swap3A_474 = tpu.vector_load %arg9[%swap3A_472, %swap3A_473] {strides = array<i32>} : memref<96x384xf32, #tpu.memory_space<vmem>>, vector<1x16xf32>,
      %swap3A_475 = vector.shape_cast %swap3A_474 : vector<1x16xf32> to vector<16xf32>
      %swap3A_476 = vector.shape_cast %add3A_471 : vector<16xf32> to vector<1x16xf32>
      tpu.vector_store %arg9[%swap3A_472, %swap3A_473], %swap3A_476 {strides = array<i32>} : memref<96x384xf32, #tpu.memory_space<vmem>>, vector<1x16xf32>,
      %get3A_477 = arith.index_cast %scan3A_240 : i32 to index
      %get3A_478 = arith.constant 272 : index
      %get3A_479 = tpu.vector_load %arg7[%get3A_477, %get3A_478] {strides = array<i32>} : memref<96x384xf32, #tpu.memory_space<vmem>>, vector<1x16xf32>,
      %get3A_480 = vector.shape_cast %get3A_479 : vector<1x16xf32> to vector<16xf32>
      %get3A_481 = arith.index_cast %scan3A_240 : i32 to index
      %get3A_482 = arith.constant 272 : index
      %get3A_483 = tpu.vector_load %arg8[%get3A_481, %get3A_482] {strides = array<i32>} : memref<96x384xf32, #tpu.memory_space<vmem>>, vector<1x16xf32>,
      %get3A_484 = vector.shape_cast %get3A_483 : vector<1x16xf32> to vector<16xf32>
      %add3A_485 = arith.addf %get3A_480, %get3A_484 : vector<16xf32>
      %swap3A_486 = arith.index_cast %scan3A_240 : i32 to index
      %swap3A_487 = arith.constant 272 : index
      %swap3A_488 = tpu.vector_load %arg9[%swap3A_486, %swap3A_487] {strides = array<i32>} : memref<96x384xf32, #tpu.memory_space<vmem>>, vector<1x16xf32>,
      %swap3A_489 = vector.shape_cast %swap3A_488 : vector<1x16xf32> to vector<16xf32>
      %swap3A_490 = vector.shape_cast %add3A_485 : vector<16xf32> to vector<1x16xf32>
      tpu.vector_store %arg9[%swap3A_486, %swap3A_487], %swap3A_490 {strides = array<i32>} : memref<96x384xf32, #tpu.memory_space<vmem>>, vector<1x16xf32>,
      %get3A_491 = arith.index_cast %scan3A_240 : i32 to index
      %get3A_492 = arith.constant 288 : index
      %get3A_493 = tpu.vector_load %arg7[%get3A_491, %get3A_492] {strides = array<i32>} : memref<96x384xf32, #tpu.memory_space<vmem>>, vector<1x16xf32>,
      %get3A_494 = vector.shape_cast %get3A_493 : vector<1x16xf32> to vector<16xf32>
      %get3A_495 = arith.index_cast %scan3A_240 : i32 to index
      %get3A_496 = arith.constant 288 : index
      %get3A_497 = tpu.vector_load %arg8[%get3A_495, %get3A_496] {strides = array<i32>} : memref<96x384xf32, #tpu.memory_space<vmem>>, vector<1x16xf32>,
      %get3A_498 = vector.shape_cast %get3A_497 : vector<1x16xf32> to vector<16xf32>
      %add3A_499 = arith.addf %get3A_494, %get3A_498 : vector<16xf32>
      %swap3A_500 = arith.index_cast %scan3A_240 : i32 to index
      %swap3A_501 = arith.constant 288 : index
      %swap3A_502 = tpu.vector_load %arg9[%swap3A_500, %swap3A_501] {strides = array<i32>} : memref<96x384xf32, #tpu.memory_space<vmem>>, vector<1x16xf32>,
      %swap3A_503 = vector.shape_cast %swap3A_502 : vector<1x16xf32> to vector<16xf32>
      %swap3A_504 = vector.shape_cast %add3A_499 : vector<16xf32> to vector<1x16xf32>
      tpu.vector_store %arg9[%swap3A_500, %swap3A_501], %swap3A_504 {strides = array<i32>} : memref<96x384xf32, #tpu.memory_space<vmem>>, vector<1x16xf32>,
      %get3A_505 = arith.index_cast %scan3A_240 : i32 to index
      %get3A_506 = arith.constant 304 : index
      %get3A_507 = tpu.vector_load %arg7[%get3A_505, %get3A_506] {strides = array<i32>} : memref<96x384xf32, #tpu.memory_space<vmem>>, vector<1x16xf32>,
      %get3A_508 = vector.shape_cast %get3A_507 : vector<1x16xf32> to vector<16xf32>
      %get3A_509 = arith.index_cast %scan3A_240 : i32 to index
      %get3A_510 = arith.constant 304 : index
      %get3A_511 = tpu.vector_load %arg8[%get3A_509, %get3A_510] {strides = array<i32>} : memref<96x384xf32, #tpu.memory_space<vmem>>, vector<1x16xf32>,
      %get3A_512 = vector.shape_cast %get3A_511 : vector<1x16xf32> to vector<16xf32>
      %add3A_513 = arith.addf %get3A_508, %get3A_512 : vector<16xf32>
      %swap3A_514 = arith.index_cast %scan3A_240 : i32 to index
      %swap3A_515 = arith.constant 304 : index
      %swap3A_516 = tpu.vector_load %arg9[%swap3A_514, %swap3A_515] {strides = array<i32>} : memref<96x384xf32, #tpu.memory_space<vmem>>, vector<1x16xf32>,
      %swap3A_517 = vector.shape_cast %swap3A_516 : vector<1x16xf32> to vector<16xf32>
      %swap3A_518 = vector.shape_cast %add3A_513 : vector<16xf32> to vector<1x16xf32>
      tpu.vector_store %arg9[%swap3A_514, %swap3A_515], %swap3A_518 {strides = array<i32>} : memref<96x384xf32, #tpu.memory_space<vmem>>, vector<1x16xf32>,
      %get3A_519 = arith.index_cast %scan3A_240 : i32 to index
      %get3A_520 = arith.constant 320 : index
      %get3A_521 = tpu.vector_load %arg7[%get3A_519, %get3A_520] {strides = array<i32>} : memref<96x384xf32, #tpu.memory_space<vmem>>, vector<1x16xf32>,
      %get3A_522 = vector.shape_cast %get3A_521 : vector<1x16xf32> to vector<16xf32>
      %get3A_523 = arith.index_cast %scan3A_240 : i32 to index
      %get3A_524 = arith.constant 320 : index
      %get3A_525 = tpu.vector_load %arg8[%get3A_523, %get3A_524] {strides = array<i32>} : memref<96x384xf32, #tpu.memory_space<vmem>>, vector<1x16xf32>,
      %get3A_526 = vector.shape_cast %get3A_525 : vector<1x16xf32> to vector<16xf32>
      %add3A_527 = arith.addf %get3A_522, %get3A_526 : vector<16xf32>
      %swap3A_528 = arith.index_cast %scan3A_240 : i32 to index
      %swap3A_529 = arith.constant 320 : index
      %swap3A_530 = tpu.vector_load %arg9[%swap3A_528, %swap3A_529] {strides = array<i32>} : memref<96x384xf32, #tpu.memory_space<vmem>>, vector<1x16xf32>,
      %swap3A_531 = vector.shape_cast %swap3A_530 : vector<1x16xf32> to vector<16xf32>
      %swap3A_532 = vector.shape_cast %add3A_527 : vector<16xf32> to vector<1x16xf32>
      tpu.vector_store %arg9[%swap3A_528, %swap3A_529], %swap3A_532 {strides = array<i32>} : memref<96x384xf32, #tpu.memory_space<vmem>>, vector<1x16xf32>,
      %get3A_533 = arith.index_cast %scan3A_240 : i32 to index
      %get3A_534 = arith.constant 336 : index
      %get3A_535 = tpu.vector_load %arg7[%get3A_533, %get3A_534] {strides = array<i32>} : memref<96x384xf32, #tpu.memory_space<vmem>>, vector<1x16xf32>,
      %get3A_536 = vector.shape_cast %get3A_535 : vector<1x16xf32> to vector<16xf32>
      %get3A_537 = arith.index_cast %scan3A_240 : i32 to index
      %get3A_538 = arith.constant 336 : index
      %get3A_539 = tpu.vector_load %arg8[%get3A_537, %get3A_538] {strides = array<i32>} : memref<96x384xf32, #tpu.memory_space<vmem>>, vector<1x16xf32>,
      %get3A_540 = vector.shape_cast %get3A_539 : vector<1x16xf32> to vector<16xf32>
      %add3A_541 = arith.addf %get3A_536, %get3A_540 : vector<16xf32>
      %swap3A_542 = arith.index_cast %scan3A_240 : i32 to index
      %swap3A_543 = arith.constant 336 : index
      %swap3A_544 = tpu.vector_load %arg9[%swap3A_542, %swap3A_543] {strides = array<i32>} : memref<96x384xf32, #tpu.memory_space<vmem>>, vector<1x16xf32>,
      %swap3A_545 = vector.shape_cast %swap3A_544 : vector<1x16xf32> to vector<16xf32>
      %swap3A_546 = vector.shape_cast %add3A_541 : vector<16xf32> to vector<1x16xf32>
      tpu.vector_store %arg9[%swap3A_542, %swap3A_543], %swap3A_546 {strides = array<i32>} : memref<96x384xf32, #tpu.memory_space<vmem>>, vector<1x16xf32>,
      %get3A_547 = arith.index_cast %scan3A_240 : i32 to index
      %get3A_548 = arith.constant 352 : index
      %get3A_549 = tpu.vector_load %arg7[%get3A_547, %get3A_548] {strides = array<i32>} : memref<96x384xf32, #tpu.memory_space<vmem>>, vector<1x16xf32>,
      %get3A_550 = vector.shape_cast %get3A_549 : vector<1x16xf32> to vector<16xf32>
      %get3A_551 = arith.index_cast %scan3A_240 : i32 to index
      %get3A_552 = arith.constant 352 : index
      %get3A_553 = tpu.vector_load %arg8[%get3A_551, %get3A_552] {strides = array<i32>} : memref<96x384xf32, #tpu.memory_space<vmem>>, vector<1x16xf32>,
      %get3A_554 = vector.shape_cast %get3A_553 : vector<1x16xf32> to vector<16xf32>
      %add3A_555 = arith.addf %get3A_550, %get3A_554 : vector<16xf32>
      %swap3A_556 = arith.index_cast %scan3A_240 : i32 to index
      %swap3A_557 = arith.constant 352 : index
      %swap3A_558 = tpu.vector_load %arg9[%swap3A_556, %swap3A_557] {strides = array<i32>} : memref<96x384xf32, #tpu.memory_space<vmem>>, vector<1x16xf32>,
      %swap3A_559 = vector.shape_cast %swap3A_558 : vector<1x16xf32> to vector<16xf32>
      %swap3A_560 = vector.shape_cast %add3A_555 : vector<16xf32> to vector<1x16xf32>
      tpu.vector_store %arg9[%swap3A_556, %swap3A_557], %swap3A_560 {strides = array<i32>} : memref<96x384xf32, #tpu.memory_space<vmem>>, vector<1x16xf32>,
      %get3A_561 = arith.index_cast %scan3A_240 : i32 to index
      %get3A_562 = arith.constant 368 : index
      %get3A_563 = tpu.vector_load %arg7[%get3A_561, %get3A_562] {strides = array<i32>} : memref<96x384xf32, #tpu.memory_space<vmem>>, vector<1x16xf32>,
      %get3A_564 = vector.shape_cast %get3A_563 : vector<1x16xf32> to vector<16xf32>
      %get3A_565 = arith.index_cast %scan3A_240 : i32 to index
      %get3A_566 = arith.constant 368 : index
      %get3A_567 = tpu.vector_load %arg8[%get3A_565, %get3A_566] {strides = array<i32>} : memref<96x384xf32, #tpu.memory_space<vmem>>, vector<1x16xf32>,
      %get3A_568 = vector.shape_cast %get3A_567 : vector<1x16xf32> to vector<16xf32>
      %add3A_569 = arith.addf %get3A_564, %get3A_568 : vector<16xf32>
      %swap3A_570 = arith.index_cast %scan3A_240 : i32 to index
      %swap3A_571 = arith.constant 368 : index
      %swap3A_572 = tpu.vector_load %arg9[%swap3A_570, %swap3A_571] {strides = array<i32>} : memref<96x384xf32, #tpu.memory_space<vmem>>, vector<1x16xf32>,
      %swap3A_573 = vector.shape_cast %swap3A_572 : vector<1x16xf32> to vector<16xf32>
      %swap3A_574 = vector.shape_cast %add3A_569 : vector<16xf32> to vector<1x16xf32>
      tpu.vector_store %arg9[%swap3A_570, %swap3A_571], %swap3A_574 {strides = array<i32>} : memref<96x384xf32, #tpu.memory_space<vmem>>, vector<1x16xf32>,
    }
    %scan3A_31 = arith.constant 96 : i32
    %dma_start3A_32 = arith.constant 0 : i32
    %dma_start3A_33 = tpu.memref_slice %arg5[%add3A_4, %dma_start3A_32] : memref<18432x384xf32, #tpu.memory_space<hbm>> -> memref<96x384xf32, #tpu.memory_space<hbm>>
    %dma_start3A_34 = arith.constant 0 : i32
    %dma_start3A_35 = tpu.memref_slice %arg5[%add3A_4, %dma_start3A_34] : memref<18432x384xf32, #tpu.memory_space<hbm>> -> memref<96x384xf32, #tpu.memory_space<hbm>>
    tpu.enqueue_dma source(%arg9 : memref<96x384xf32, #tpu.memory_space<vmem>>) target(%dma_start3A_35 : memref<96x384xf32, #tpu.memory_space<hbm>>) target_semaphore(%arg12 : memref<!tpu.dma_semaphore, #tpu.memory_space<semaphore_mem>>)
    %add3A_36 = arith.constant 96 : i32
    %add3A_37 = arith.addi %mul3A_2, %add3A_36 : i32
    %dma_start3A_38 = arith.constant 0 : i32
    %dma_start3A_39 = tpu.memref_slice %arg2[%add3A_37, %dma_start3A_38] : memref<18432x384xf32, #tpu.memory_space<hbm>> -> memref<96x384xf32, #tpu.memory_space<hbm>>
    %dma_start3A_40 = arith.constant 0 : i32
    %dma_start3A_41 = tpu.memref_slice %arg2[%add3A_37, %dma_start3A_40] : memref<18432x384xf32, #tpu.memory_space<hbm>> -> memref<96x384xf32, #tpu.memory_space<hbm>>
    tpu.enqueue_dma source(%dma_start3A_41 : memref<96x384xf32, #tpu.memory_space<hbm>>) target(%arg7 : memref<96x384xf32, #tpu.memory_space<vmem>>) target_semaphore(%arg10 : memref<!tpu.dma_semaphore, #tpu.memory_space<semaphore_mem>>)
    %dma_start3A_42 = arith.constant 0 : i32
    %dma_start3A_43 = arith.constant 1 : i32
    %dma_start3A_44 = arith.constant 0 : i32
    %dma_start3A_45 = tpu.memref_slice %arg6[%dma_start3A_42, %dma_start3A_43, %dma_start3A_44] : memref<1x6x96xi32, #tpu.memory_space<vmem>> -> memref<1x1x96xi32, #tpu.memory_space<vmem>>
    %dma_start3A_46 = tpu.memref_squeeze %dma_start3A_45 : memref<1x1x96xi32, #tpu.memory_space<vmem>> -> memref<96xi32, #tpu.memory_space<vmem>>
    %dma_start3A_47 = arith.constant 0 : i32
    %dma_start3A_48 = arith.constant 0 : i32
    %dma_start3A_49 = tpu.memref_slice %arg4[%dma_start3A_47, %dma_start3A_48] : memref<196x384xf32, #tpu.memory_space<hbm>> -> memref<196x384xf32, #tpu.memory_space<hbm>>
    tpu.enqueue_indirect_dma source(%dma_start3A_49 : memref<196x384xf32, #tpu.memory_space<hbm>>) target(%arg8 : memref<96x384xf32, #tpu.memory_space<vmem>>) offsets(%dma_start3A_46 : memref<96xi32, #tpu.memory_space<vmem>>) semaphore(%arg11 : memref<!tpu.dma_semaphore, #tpu.memory_space<semaphore_mem>>)
    %dma_wait3A_50 = arith.constant 0 : i32
    %dma_wait3A_51 = tpu.memref_slice %arg2[%add3A_37, %dma_wait3A_50] : memref<18432x384xf32, #tpu.memory_space<hbm>> -> memref<96x384xf32, #tpu.memory_space<hbm>>
    %dma_wait3A_52 = arith.constant 0 : i32
    %dma_wait3A_53 = tpu.memref_slice %arg2[%add3A_37, %dma_wait3A_52] : memref<18432x384xf32, #tpu.memory_space<hbm>> -> memref<96x384xf32, #tpu.memory_space<hbm>>
    tpu.wait_dma2 semaphore(%arg10 : memref<!tpu.dma_semaphore, #tpu.memory_space<semaphore_mem>>) src(%dma_wait3A_53 : memref<96x384xf32, #tpu.memory_space<hbm>>) dst(%arg7 : memref<96x384xf32, #tpu.memory_space<vmem>>)
    %dma_wait3A_54 = arith.constant 0 : i32
    %dma_wait3A_55 = arith.constant 1 : i32
    %dma_wait3A_56 = arith.constant 0 : i32
    %dma_wait3A_57 = tpu.memref_slice %arg6[%dma_wait3A_54, %dma_wait3A_55, %dma_wait3A_56] : memref<1x6x96xi32, #tpu.memory_space<vmem>> -> memref<1x1x96xi32, #tpu.memory_space<vmem>>
    %dma_wait3A_58 = tpu.memref_squeeze %dma_wait3A_57 : memref<1x1x96xi32, #tpu.memory_space<vmem>> -> memref<96xi32, #tpu.memory_space<vmem>>
    %dma_wait3A_59 = arith.constant 0 : i32
    %dma_wait3A_60 = arith.constant 0 : i32
    %dma_wait3A_61 = tpu.memref_slice %arg4[%dma_wait3A_59, %dma_wait3A_60] : memref<196x384xf32, #tpu.memory_space<hbm>> -> memref<196x384xf32, #tpu.memory_space<hbm>>
    tpu.wait_indirect_dma semaphore(%arg11 : memref<!tpu.dma_semaphore, #tpu.memory_space<semaphore_mem>>) src(%dma_wait3A_61 : memref<196x384xf32, #tpu.memory_space<hbm>>) dst(%arg8 : memref<96x384xf32, #tpu.memory_space<vmem>>)
    %dma_wait3A_62 = arith.constant 0 : i32
    %dma_wait3A_63 = tpu.memref_slice %arg5[%add3A_4, %dma_wait3A_62] : memref<18432x384xf32, #tpu.memory_space<hbm>> -> memref<96x384xf32, #tpu.memory_space<hbm>>
    %dma_wait3A_64 = arith.constant 0 : i32
    %dma_wait3A_65 = tpu.memref_slice %arg5[%add3A_4, %dma_wait3A_64] : memref<18432x384xf32, #tpu.memory_space<hbm>> -> memref<96x384xf32, #tpu.memory_space<hbm>>
    tpu.wait_dma2 semaphore(%arg12 : memref<!tpu.dma_semaphore, #tpu.memory_space<semaphore_mem>>) src(%arg9 : memref<96x384xf32, #tpu.memory_space<vmem>>) dst(%dma_wait3A_65 : memref<96x384xf32, #tpu.memory_space<hbm>>)
    %scan3A_66 = arith.constant 0 : i32
    %scan3A_67 = arith.constant 0 : i32
    %scan3A_68 = arith.constant 96 : i32
    %scan3A_69 = arith.addi %scan3A_67, %scan3A_68 : i32
    %scan3A_70 = arith.constant 1 : i32
    scf.for %scan3A_240 = %scan3A_67 to %scan3A_69 step %scan3A_70  : i32 {
      %get3A = arith.index_cast %scan3A_240 : i32 to index
      %get3A_241 = arith.constant 0 : index
      %get3A_242 = tpu.vector_load %arg7[%get3A, %get3A_241] {strides = array<i32>} : memref<96x384xf32, #tpu.memory_space<vmem>>, vector<1x16xf32>,
      %get3A_243 = vector.shape_cast %get3A_242 : vector<1x16xf32> to vector<16xf32>
      %get3A_244 = arith.index_cast %scan3A_240 : i32 to index
      %get3A_245 = arith.constant 0 : index
      %get3A_246 = tpu.vector_load %arg8[%get3A_244, %get3A_245] {strides = array<i32>} : memref<96x384xf32, #tpu.memory_space<vmem>>, vector<1x16xf32>,
      %get3A_247 = vector.shape_cast %get3A_246 : vector<1x16xf32> to vector<16xf32>
      %add3A_248 = arith.addf %get3A_243, %get3A_247 : vector<16xf32>
      %swap3A = arith.index_cast %scan3A_240 : i32 to index
      %swap3A_249 = arith.constant 0 : index
      %swap3A_250 = tpu.vector_load %arg9[%swap3A, %swap3A_249] {strides = array<i32>} : memref<96x384xf32, #tpu.memory_space<vmem>>, vector<1x16xf32>,
      %swap3A_251 = vector.shape_cast %swap3A_250 : vector<1x16xf32> to vector<16xf32>
      %swap3A_252 = vector.shape_cast %add3A_248 : vector<16xf32> to vector<1x16xf32>
      tpu.vector_store %arg9[%swap3A, %swap3A_249], %swap3A_252 {strides = array<i32>} : memref<96x384xf32, #tpu.memory_space<vmem>>, vector<1x16xf32>,
      %get3A_253 = arith.index_cast %scan3A_240 : i32 to index
      %get3A_254 = arith.constant 16 : index
      %get3A_255 = tpu.vector_load %arg7[%get3A_253, %get3A_254] {strides = array<i32>} : memref<96x384xf32, #tpu.memory_space<vmem>>, vector<1x16xf32>,
      %get3A_256 = vector.shape_cast %get3A_255 : vector<1x16xf32> to vector<16xf32>
      %get3A_257 = arith.index_cast %scan3A_240 : i32 to index
      %get3A_258 = arith.constant 16 : index
      %get3A_259 = tpu.vector_load %arg8[%get3A_257, %get3A_258] {strides = array<i32>} : memref<96x384xf32, #tpu.memory_space<vmem>>, vector<1x16xf32>,
      %get3A_260 = vector.shape_cast %get3A_259 : vector<1x16xf32> to vector<16xf32>
      %add3A_261 = arith.addf %get3A_256, %get3A_260 : vector<16xf32>
      %swap3A_262 = arith.index_cast %scan3A_240 : i32 to index
      %swap3A_263 = arith.constant 16 : index
      %swap3A_264 = tpu.vector_load %arg9[%swap3A_262, %swap3A_263] {strides = array<i32>} : memref<96x384xf32, #tpu.memory_space<vmem>>, vector<1x16xf32>,
      %swap3A_265 = vector.shape_cast %swap3A_264 : vector<1x16xf32> to vector<16xf32>
      %swap3A_266 = vector.shape_cast %add3A_261 : vector<16xf32> to vector<1x16xf32>
      tpu.vector_store %arg9[%swap3A_262, %swap3A_263], %swap3A_266 {strides = array<i32>} : memref<96x384xf32, #tpu.memory_space<vmem>>, vector<1x16xf32>,
      %get3A_267 = arith.index_cast %scan3A_240 : i32 to index
      %get3A_268 = arith.constant 32 : index
      %get3A_269 = tpu.vector_load %arg7[%get3A_267, %get3A_268] {strides = array<i32>} : memref<96x384xf32, #tpu.memory_space<vmem>>, vector<1x16xf32>,
      %get3A_270 = vector.shape_cast %get3A_269 : vector<1x16xf32> to vector<16xf32>
      %get3A_271 = arith.index_cast %scan3A_240 : i32 to index
      %get3A_272 = arith.constant 32 : index
      %get3A_273 = tpu.vector_load %arg8[%get3A_271, %get3A_272] {strides = array<i32>} : memref<96x384xf32, #tpu.memory_space<vmem>>, vector<1x16xf32>,
      %get3A_274 = vector.shape_cast %get3A_273 : vector<1x16xf32> to vector<16xf32>
      %add3A_275 = arith.addf %get3A_270, %get3A_274 : vector<16xf32>
      %swap3A_276 = arith.index_cast %scan3A_240 : i32 to index
      %swap3A_277 = arith.constant 32 : index
      %swap3A_278 = tpu.vector_load %arg9[%swap3A_276, %swap3A_277] {strides = array<i32>} : memref<96x384xf32, #tpu.memory_space<vmem>>, vector<1x16xf32>,
      %swap3A_279 = vector.shape_cast %swap3A_278 : vector<1x16xf32> to vector<16xf32>
      %swap3A_280 = vector.shape_cast %add3A_275 : vector<16xf32> to vector<1x16xf32>
      tpu.vector_store %arg9[%swap3A_276, %swap3A_277], %swap3A_280 {strides = array<i32>} : memref<96x384xf32, #tpu.memory_space<vmem>>, vector<1x16xf32>,
      %get3A_281 = arith.index_cast %scan3A_240 : i32 to index
      %get3A_282 = arith.constant 48 : index
      %get3A_283 = tpu.vector_load %arg7[%get3A_281, %get3A_282] {strides = array<i32>} : memref<96x384xf32, #tpu.memory_space<vmem>>, vector<1x16xf32>,
      %get3A_284 = vector.shape_cast %get3A_283 : vector<1x16xf32> to vector<16xf32>
      %get3A_285 = arith.index_cast %scan3A_240 : i32 to index
      %get3A_286 = arith.constant 48 : index
      %get3A_287 = tpu.vector_load %arg8[%get3A_285, %get3A_286] {strides = array<i32>} : memref<96x384xf32, #tpu.memory_space<vmem>>, vector<1x16xf32>,
      %get3A_288 = vector.shape_cast %get3A_287 : vector<1x16xf32> to vector<16xf32>
      %add3A_289 = arith.addf %get3A_284, %get3A_288 : vector<16xf32>
      %swap3A_290 = arith.index_cast %scan3A_240 : i32 to index
      %swap3A_291 = arith.constant 48 : index
      %swap3A_292 = tpu.vector_load %arg9[%swap3A_290, %swap3A_291] {strides = array<i32>} : memref<96x384xf32, #tpu.memory_space<vmem>>, vector<1x16xf32>,
      %swap3A_293 = vector.shape_cast %swap3A_292 : vector<1x16xf32> to vector<16xf32>
      %swap3A_294 = vector.shape_cast %add3A_289 : vector<16xf32> to vector<1x16xf32>
      tpu.vector_store %arg9[%swap3A_290, %swap3A_291], %swap3A_294 {strides = array<i32>} : memref<96x384xf32, #tpu.memory_space<vmem>>, vector<1x16xf32>,
      %get3A_295 = arith.index_cast %scan3A_240 : i32 to index
      %get3A_296 = arith.constant 64 : index
      %get3A_297 = tpu.vector_load %arg7[%get3A_295, %get3A_296] {strides = array<i32>} : memref<96x384xf32, #tpu.memory_space<vmem>>, vector<1x16xf32>,
      %get3A_298 = vector.shape_cast %get3A_297 : vector<1x16xf32> to vector<16xf32>
      %get3A_299 = arith.index_cast %scan3A_240 : i32 to index
      %get3A_300 = arith.constant 64 : index
      %get3A_301 = tpu.vector_load %arg8[%get3A_299, %get3A_300] {strides = array<i32>} : memref<96x384xf32, #tpu.memory_space<vmem>>, vector<1x16xf32>,
      %get3A_302 = vector.shape_cast %get3A_301 : vector<1x16xf32> to vector<16xf32>
      %add3A_303 = arith.addf %get3A_298, %get3A_302 : vector<16xf32>
      %swap3A_304 = arith.index_cast %scan3A_240 : i32 to index
      %swap3A_305 = arith.constant 64 : index
      %swap3A_306 = tpu.vector_load %arg9[%swap3A_304, %swap3A_305] {strides = array<i32>} : memref<96x384xf32, #tpu.memory_space<vmem>>, vector<1x16xf32>,
      %swap3A_307 = vector.shape_cast %swap3A_306 : vector<1x16xf32> to vector<16xf32>
      %swap3A_308 = vector.shape_cast %add3A_303 : vector<16xf32> to vector<1x16xf32>
      tpu.vector_store %arg9[%swap3A_304, %swap3A_305], %swap3A_308 {strides = array<i32>} : memref<96x384xf32, #tpu.memory_space<vmem>>, vector<1x16xf32>,
      %get3A_309 = arith.index_cast %scan3A_240 : i32 to index
      %get3A_310 = arith.constant 80 : index
      %get3A_311 = tpu.vector_load %arg7[%get3A_309, %get3A_310] {strides = array<i32>} : memref<96x384xf32, #tpu.memory_space<vmem>>, vector<1x16xf32>,
      %get3A_312 = vector.shape_cast %get3A_311 : vector<1x16xf32> to vector<16xf32>
      %get3A_313 = arith.index_cast %scan3A_240 : i32 to index
      %get3A_314 = arith.constant 80 : index
      %get3A_315 = tpu.vector_load %arg8[%get3A_313, %get3A_314] {strides = array<i32>} : memref<96x384xf32, #tpu.memory_space<vmem>>, vector<1x16xf32>,
      %get3A_316 = vector.shape_cast %get3A_315 : vector<1x16xf32> to vector<16xf32>
      %add3A_317 = arith.addf %get3A_312, %get3A_316 : vector<16xf32>
      %swap3A_318 = arith.index_cast %scan3A_240 : i32 to index
      %swap3A_319 = arith.constant 80 : index
      %swap3A_320 = tpu.vector_load %arg9[%swap3A_318, %swap3A_319] {strides = array<i32>} : memref<96x384xf32, #tpu.memory_space<vmem>>, vector<1x16xf32>,
      %swap3A_321 = vector.shape_cast %swap3A_320 : vector<1x16xf32> to vector<16xf32>
      %swap3A_322 = vector.shape_cast %add3A_317 : vector<16xf32> to vector<1x16xf32>
      tpu.vector_store %arg9[%swap3A_318, %swap3A_319], %swap3A_322 {strides = array<i32>} : memref<96x384xf32, #tpu.memory_space<vmem>>, vector<1x16xf32>,
      %get3A_323 = arith.index_cast %scan3A_240 : i32 to index
      %get3A_324 = arith.constant 96 : index
      %get3A_325 = tpu.vector_load %arg7[%get3A_323, %get3A_324] {strides = array<i32>} : memref<96x384xf32, #tpu.memory_space<vmem>>, vector<1x16xf32>,
      %get3A_326 = vector.shape_cast %get3A_325 : vector<1x16xf32> to vector<16xf32>
      %get3A_327 = arith.index_cast %scan3A_240 : i32 to index
      %get3A_328 = arith.constant 96 : index
      %get3A_329 = tpu.vector_load %arg8[%get3A_327, %get3A_328] {strides = array<i32>} : memref<96x384xf32, #tpu.memory_space<vmem>>, vector<1x16xf32>,
      %get3A_330 = vector.shape_cast %get3A_329 : vector<1x16xf32> to vector<16xf32>
      %add3A_331 = arith.addf %get3A_326, %get3A_330 : vector<16xf32>
      %swap3A_332 = arith.index_cast %scan3A_240 : i32 to index
      %swap3A_333 = arith.constant 96 : index
      %swap3A_334 = tpu.vector_load %arg9[%swap3A_332, %swap3A_333] {strides = array<i32>} : memref<96x384xf32, #tpu.memory_space<vmem>>, vector<1x16xf32>,
      %swap3A_335 = vector.shape_cast %swap3A_334 : vector<1x16xf32> to vector<16xf32>
      %swap3A_336 = vector.shape_cast %add3A_331 : vector<16xf32> to vector<1x16xf32>
      tpu.vector_store %arg9[%swap3A_332, %swap3A_333], %swap3A_336 {strides = array<i32>} : memref<96x384xf32, #tpu.memory_space<vmem>>, vector<1x16xf32>,
      %get3A_337 = arith.index_cast %scan3A_240 : i32 to index
      %get3A_338 = arith.constant 112 : index
      %get3A_339 = tpu.vector_load %arg7[%get3A_337, %get3A_338] {strides = array<i32>} : memref<96x384xf32, #tpu.memory_space<vmem>>, vector<1x16xf32>,
      %get3A_340 = vector.shape_cast %get3A_339 : vector<1x16xf32> to vector<16xf32>
      %get3A_341 = arith.index_cast %scan3A_240 : i32 to index
      %get3A_342 = arith.constant 112 : index
      %get3A_343 = tpu.vector_load %arg8[%get3A_341, %get3A_342] {strides = array<i32>} : memref<96x384xf32, #tpu.memory_space<vmem>>, vector<1x16xf32>,
      %get3A_344 = vector.shape_cast %get3A_343 : vector<1x16xf32> to vector<16xf32>
      %add3A_345 = arith.addf %get3A_340, %get3A_344 : vector<16xf32>
      %swap3A_346 = arith.index_cast %scan3A_240 : i32 to index
      %swap3A_347 = arith.constant 112 : index
      %swap3A_348 = tpu.vector_load %arg9[%swap3A_346, %swap3A_347] {strides = array<i32>} : memref<96x384xf32, #tpu.memory_space<vmem>>, vector<1x16xf32>,
      %swap3A_349 = vector.shape_cast %swap3A_348 : vector<1x16xf32> to vector<16xf32>
      %swap3A_350 = vector.shape_cast %add3A_345 : vector<16xf32> to vector<1x16xf32>
      tpu.vector_store %arg9[%swap3A_346, %swap3A_347], %swap3A_350 {strides = array<i32>} : memref<96x384xf32, #tpu.memory_space<vmem>>, vector<1x16xf32>,
      %get3A_351 = arith.index_cast %scan3A_240 : i32 to index
      %get3A_352 = arith.constant 128 : index
      %get3A_353 = tpu.vector_load %arg7[%get3A_351, %get3A_352] {strides = array<i32>} : memref<96x384xf32, #tpu.memory_space<vmem>>, vector<1x16xf32>,
      %get3A_354 = vector.shape_cast %get3A_353 : vector<1x16xf32> to vector<16xf32>
      %get3A_355 = arith.index_cast %scan3A_240 : i32 to index
      %get3A_356 = arith.constant 128 : index
      %get3A_357 = tpu.vector_load %arg8[%get3A_355, %get3A_356] {strides = array<i32>} : memref<96x384xf32, #tpu.memory_space<vmem>>, vector<1x16xf32>,
      %get3A_358 = vector.shape_cast %get3A_357 : vector<1x16xf32> to vector<16xf32>
      %add3A_359 = arith.addf %get3A_354, %get3A_358 : vector<16xf32>
      %swap3A_360 = arith.index_cast %scan3A_240 : i32 to index
      %swap3A_361 = arith.constant 128 : index
      %swap3A_362 = tpu.vector_load %arg9[%swap3A_360, %swap3A_361] {strides = array<i32>} : memref<96x384xf32, #tpu.memory_space<vmem>>, vector<1x16xf32>,
      %swap3A_363 = vector.shape_cast %swap3A_362 : vector<1x16xf32> to vector<16xf32>
      %swap3A_364 = vector.shape_cast %add3A_359 : vector<16xf32> to vector<1x16xf32>
      tpu.vector_store %arg9[%swap3A_360, %swap3A_361], %swap3A_364 {strides = array<i32>} : memref<96x384xf32, #tpu.memory_space<vmem>>, vector<1x16xf32>,
      %get3A_365 = arith.index_cast %scan3A_240 : i32 to index
      %get3A_366 = arith.constant 144 : index
      %get3A_367 = tpu.vector_load %arg7[%get3A_365, %get3A_366] {strides = array<i32>} : memref<96x384xf32, #tpu.memory_space<vmem>>, vector<1x16xf32>,
      %get3A_368 = vector.shape_cast %get3A_367 : vector<1x16xf32> to vector<16xf32>
      %get3A_369 = arith.index_cast %scan3A_240 : i32 to index
      %get3A_370 = arith.constant 144 : index
      %get3A_371 = tpu.vector_load %arg8[%get3A_369, %get3A_370] {strides = array<i32>} : memref<96x384xf32, #tpu.memory_space<vmem>>, vector<1x16xf32>,
      %get3A_372 = vector.shape_cast %get3A_371 : vector<1x16xf32> to vector<16xf32>
      %add3A_373 = arith.addf %get3A_368, %get3A_372 : vector<16xf32>
      %swap3A_374 = arith.index_cast %scan3A_240 : i32 to index
      %swap3A_375 = arith.constant 144 : index
      %swap3A_376 = tpu.vector_load %arg9[%swap3A_374, %swap3A_375] {strides = array<i32>} : memref<96x384xf32, #tpu.memory_space<vmem>>, vector<1x16xf32>,
      %swap3A_377 = vector.shape_cast %swap3A_376 : vector<1x16xf32> to vector<16xf32>
      %swap3A_378 = vector.shape_cast %add3A_373 : vector<16xf32> to vector<1x16xf32>
      tpu.vector_store %arg9[%swap3A_374, %swap3A_375], %swap3A_378 {strides = array<i32>} : memref<96x384xf32, #tpu.memory_space<vmem>>, vector<1x16xf32>,
      %get3A_379 = arith.index_cast %scan3A_240 : i32 to index
      %get3A_380 = arith.constant 160 : index
      %get3A_381 = tpu.vector_load %arg7[%get3A_379, %get3A_380] {strides = array<i32>} : memref<96x384xf32, #tpu.memory_space<vmem>>, vector<1x16xf32>,
      %get3A_382 = vector.shape_cast %get3A_381 : vector<1x16xf32> to vector<16xf32>
      %get3A_383 = arith.index_cast %scan3A_240 : i32 to index
      %get3A_384 = arith.constant 160 : index
      %get3A_385 = tpu.vector_load %arg8[%get3A_383, %get3A_384] {strides = array<i32>} : memref<96x384xf32, #tpu.memory_space<vmem>>, vector<1x16xf32>,
      %get3A_386 = vector.shape_cast %get3A_385 : vector<1x16xf32> to vector<16xf32>
      %add3A_387 = arith.addf %get3A_382, %get3A_386 : vector<16xf32>
      %swap3A_388 = arith.index_cast %scan3A_240 : i32 to index
      %swap3A_389 = arith.constant 160 : index
      %swap3A_390 = tpu.vector_load %arg9[%swap3A_388, %swap3A_389] {strides = array<i32>} : memref<96x384xf32, #tpu.memory_space<vmem>>, vector<1x16xf32>,
      %swap3A_391 = vector.shape_cast %swap3A_390 : vector<1x16xf32> to vector<16xf32>
      %swap3A_392 = vector.shape_cast %add3A_387 : vector<16xf32> to vector<1x16xf32>
      tpu.vector_store %arg9[%swap3A_388, %swap3A_389], %swap3A_392 {strides = array<i32>} : memref<96x384xf32, #tpu.memory_space<vmem>>, vector<1x16xf32>,
      %get3A_393 = arith.index_cast %scan3A_240 : i32 to index
      %get3A_394 = arith.constant 176 : index
      %get3A_395 = tpu.vector_load %arg7[%get3A_393, %get3A_394] {strides = array<i32>} : memref<96x384xf32, #tpu.memory_space<vmem>>, vector<1x16xf32>,
      %get3A_396 = vector.shape_cast %get3A_395 : vector<1x16xf32> to vector<16xf32>
      %get3A_397 = arith.index_cast %scan3A_240 : i32 to index
      %get3A_398 = arith.constant 176 : index
      %get3A_399 = tpu.vector_load %arg8[%get3A_397, %get3A_398] {strides = array<i32>} : memref<96x384xf32, #tpu.memory_space<vmem>>, vector<1x16xf32>,
      %get3A_400 = vector.shape_cast %get3A_399 : vector<1x16xf32> to vector<16xf32>
      %add3A_401 = arith.addf %get3A_396, %get3A_400 : vector<16xf32>
      %swap3A_402 = arith.index_cast %scan3A_240 : i32 to index
      %swap3A_403 = arith.constant 176 : index
      %swap3A_404 = tpu.vector_load %arg9[%swap3A_402, %swap3A_403] {strides = array<i32>} : memref<96x384xf32, #tpu.memory_space<vmem>>, vector<1x16xf32>,
      %swap3A_405 = vector.shape_cast %swap3A_404 : vector<1x16xf32> to vector<16xf32>
      %swap3A_406 = vector.shape_cast %add3A_401 : vector<16xf32> to vector<1x16xf32>
      tpu.vector_store %arg9[%swap3A_402, %swap3A_403], %swap3A_406 {strides = array<i32>} : memref<96x384xf32, #tpu.memory_space<vmem>>, vector<1x16xf32>,
      %get3A_407 = arith.index_cast %scan3A_240 : i32 to index
      %get3A_408 = arith.constant 192 : index
      %get3A_409 = tpu.vector_load %arg7[%get3A_407, %get3A_408] {strides = array<i32>} : memref<96x384xf32, #tpu.memory_space<vmem>>, vector<1x16xf32>,
      %get3A_410 = vector.shape_cast %get3A_409 : vector<1x16xf32> to vector<16xf32>
      %get3A_411 = arith.index_cast %scan3A_240 : i32 to index
      %get3A_412 = arith.constant 192 : index
      %get3A_413 = tpu.vector_load %arg8[%get3A_411, %get3A_412] {strides = array<i32>} : memref<96x384xf32, #tpu.memory_space<vmem>>, vector<1x16xf32>,
      %get3A_414 = vector.shape_cast %get3A_413 : vector<1x16xf32> to vector<16xf32>
      %add3A_415 = arith.addf %get3A_410, %get3A_414 : vector<16xf32>
      %swap3A_416 = arith.index_cast %scan3A_240 : i32 to index
      %swap3A_417 = arith.constant 192 : index
      %swap3A_418 = tpu.vector_load %arg9[%swap3A_416, %swap3A_417] {strides = array<i32>} : memref<96x384xf32, #tpu.memory_space<vmem>>, vector<1x16xf32>,
      %swap3A_419 = vector.shape_cast %swap3A_418 : vector<1x16xf32> to vector<16xf32>
      %swap3A_420 = vector.shape_cast %add3A_415 : vector<16xf32> to vector<1x16xf32>
      tpu.vector_store %arg9[%swap3A_416, %swap3A_417], %swap3A_420 {strides = array<i32>} : memref<96x384xf32, #tpu.memory_space<vmem>>, vector<1x16xf32>,
      %get3A_421 = arith.index_cast %scan3A_240 : i32 to index
      %get3A_422 = arith.constant 208 : index
      %get3A_423 = tpu.vector_load %arg7[%get3A_421, %get3A_422] {strides = array<i32>} : memref<96x384xf32, #tpu.memory_space<vmem>>, vector<1x16xf32>,
      %get3A_424 = vector.shape_cast %get3A_423 : vector<1x16xf32> to vector<16xf32>
      %get3A_425 = arith.index_cast %scan3A_240 : i32 to index
      %get3A_426 = arith.constant 208 : index
      %get3A_427 = tpu.vector_load %arg8[%get3A_425, %get3A_426] {strides = array<i32>} : memref<96x384xf32, #tpu.memory_space<vmem>>, vector<1x16xf32>,
      %get3A_428 = vector.shape_cast %get3A_427 : vector<1x16xf32> to vector<16xf32>
      %add3A_429 = arith.addf %get3A_424, %get3A_428 : vector<16xf32>
      %swap3A_430 = arith.index_cast %scan3A_240 : i32 to index
      %swap3A_431 = arith.constant 208 : index
      %swap3A_432 = tpu.vector_load %arg9[%swap3A_430, %swap3A_431] {strides = array<i32>} : memref<96x384xf32, #tpu.memory_space<vmem>>, vector<1x16xf32>,
      %swap3A_433 = vector.shape_cast %swap3A_432 : vector<1x16xf32> to vector<16xf32>
      %swap3A_434 = vector.shape_cast %add3A_429 : vector<16xf32> to vector<1x16xf32>
      tpu.vector_store %arg9[%swap3A_430, %swap3A_431], %swap3A_434 {strides = array<i32>} : memref<96x384xf32, #tpu.memory_space<vmem>>, vector<1x16xf32>,
      %get3A_435 = arith.index_cast %scan3A_240 : i32 to index
      %get3A_436 = arith.constant 224 : index
      %get3A_437 = tpu.vector_load %arg7[%get3A_435, %get3A_436] {strides = array<i32>} : memref<96x384xf32, #tpu.memory_space<vmem>>, vector<1x16xf32>,
      %get3A_438 = vector.shape_cast %get3A_437 : vector<1x16xf32> to vector<16xf32>
      %get3A_439 = arith.index_cast %scan3A_240 : i32 to index
      %get3A_440 = arith.constant 224 : index
      %get3A_441 = tpu.vector_load %arg8[%get3A_439, %get3A_440] {strides = array<i32>} : memref<96x384xf32, #tpu.memory_space<vmem>>, vector<1x16xf32>,
      %get3A_442 = vector.shape_cast %get3A_441 : vector<1x16xf32> to vector<16xf32>
      %add3A_443 = arith.addf %get3A_438, %get3A_442 : vector<16xf32>
      %swap3A_444 = arith.index_cast %scan3A_240 : i32 to index
      %swap3A_445 = arith.constant 224 : index
      %swap3A_446 = tpu.vector_load %arg9[%swap3A_444, %swap3A_445] {strides = array<i32>} : memref<96x384xf32, #tpu.memory_space<vmem>>, vector<1x16xf32>,
      %swap3A_447 = vector.shape_cast %swap3A_446 : vector<1x16xf32> to vector<16xf32>
      %swap3A_448 = vector.shape_cast %add3A_443 : vector<16xf32> to vector<1x16xf32>
      tpu.vector_store %arg9[%swap3A_444, %swap3A_445], %swap3A_448 {strides = array<i32>} : memref<96x384xf32, #tpu.memory_space<vmem>>, vector<1x16xf32>,
      %get3A_449 = arith.index_cast %scan3A_240 : i32 to index
      %get3A_450 = arith.constant 240 : index
      %get3A_451 = tpu.vector_load %arg7[%get3A_449, %get3A_450] {strides = array<i32>} : memref<96x384xf32, #tpu.memory_space<vmem>>, vector<1x16xf32>,
      %get3A_452 = vector.shape_cast %get3A_451 : vector<1x16xf32> to vector<16xf32>
      %get3A_453 = arith.index_cast %scan3A_240 : i32 to index
      %get3A_454 = arith.constant 240 : index
      %get3A_455 = tpu.vector_load %arg8[%get3A_453, %get3A_454] {strides = array<i32>} : memref<96x384xf32, #tpu.memory_space<vmem>>, vector<1x16xf32>,
      %get3A_456 = vector.shape_cast %get3A_455 : vector<1x16xf32> to vector<16xf32>
      %add3A_457 = arith.addf %get3A_452, %get3A_456 : vector<16xf32>
      %swap3A_458 = arith.index_cast %scan3A_240 : i32 to index
      %swap3A_459 = arith.constant 240 : index
      %swap3A_460 = tpu.vector_load %arg9[%swap3A_458, %swap3A_459] {strides = array<i32>} : memref<96x384xf32, #tpu.memory_space<vmem>>, vector<1x16xf32>,
      %swap3A_461 = vector.shape_cast %swap3A_460 : vector<1x16xf32> to vector<16xf32>
      %swap3A_462 = vector.shape_cast %add3A_457 : vector<16xf32> to vector<1x16xf32>
      tpu.vector_store %arg9[%swap3A_458, %swap3A_459], %swap3A_462 {strides = array<i32>} : memref<96x384xf32, #tpu.memory_space<vmem>>, vector<1x16xf32>,
      %get3A_463 = arith.index_cast %scan3A_240 : i32 to index
      %get3A_464 = arith.constant 256 : index
      %get3A_465 = tpu.vector_load %arg7[%get3A_463, %get3A_464] {strides = array<i32>} : memref<96x384xf32, #tpu.memory_space<vmem>>, vector<1x16xf32>,
      %get3A_466 = vector.shape_cast %get3A_465 : vector<1x16xf32> to vector<16xf32>
      %get3A_467 = arith.index_cast %scan3A_240 : i32 to index
      %get3A_468 = arith.constant 256 : index
      %get3A_469 = tpu.vector_load %arg8[%get3A_467, %get3A_468] {strides = array<i32>} : memref<96x384xf32, #tpu.memory_space<vmem>>, vector<1x16xf32>,
      %get3A_470 = vector.shape_cast %get3A_469 : vector<1x16xf32> to vector<16xf32>
      %add3A_471 = arith.addf %get3A_466, %get3A_470 : vector<16xf32>
      %swap3A_472 = arith.index_cast %scan3A_240 : i32 to index
      %swap3A_473 = arith.constant 256 : index
      %swap3A_474 = tpu.vector_load %arg9[%swap3A_472, %swap3A_473] {strides = array<i32>} : memref<96x384xf32, #tpu.memory_space<vmem>>, vector<1x16xf32>,
      %swap3A_475 = vector.shape_cast %swap3A_474 : vector<1x16xf32> to vector<16xf32>
      %swap3A_476 = vector.shape_cast %add3A_471 : vector<16xf32> to vector<1x16xf32>
      tpu.vector_store %arg9[%swap3A_472, %swap3A_473], %swap3A_476 {strides = array<i32>} : memref<96x384xf32, #tpu.memory_space<vmem>>, vector<1x16xf32>,
      %get3A_477 = arith.index_cast %scan3A_240 : i32 to index
      %get3A_478 = arith.constant 272 : index
      %get3A_479 = tpu.vector_load %arg7[%get3A_477, %get3A_478] {strides = array<i32>} : memref<96x384xf32, #tpu.memory_space<vmem>>, vector<1x16xf32>,
      %get3A_480 = vector.shape_cast %get3A_479 : vector<1x16xf32> to vector<16xf32>
      %get3A_481 = arith.index_cast %scan3A_240 : i32 to index
      %get3A_482 = arith.constant 272 : index
      %get3A_483 = tpu.vector_load %arg8[%get3A_481, %get3A_482] {strides = array<i32>} : memref<96x384xf32, #tpu.memory_space<vmem>>, vector<1x16xf32>,
      %get3A_484 = vector.shape_cast %get3A_483 : vector<1x16xf32> to vector<16xf32>
      %add3A_485 = arith.addf %get3A_480, %get3A_484 : vector<16xf32>
      %swap3A_486 = arith.index_cast %scan3A_240 : i32 to index
      %swap3A_487 = arith.constant 272 : index
      %swap3A_488 = tpu.vector_load %arg9[%swap3A_486, %swap3A_487] {strides = array<i32>} : memref<96x384xf32, #tpu.memory_space<vmem>>, vector<1x16xf32>,
      %swap3A_489 = vector.shape_cast %swap3A_488 : vector<1x16xf32> to vector<16xf32>
      %swap3A_490 = vector.shape_cast %add3A_485 : vector<16xf32> to vector<1x16xf32>
      tpu.vector_store %arg9[%swap3A_486, %swap3A_487], %swap3A_490 {strides = array<i32>} : memref<96x384xf32, #tpu.memory_space<vmem>>, vector<1x16xf32>,
      %get3A_491 = arith.index_cast %scan3A_240 : i32 to index
      %get3A_492 = arith.constant 288 : index
      %get3A_493 = tpu.vector_load %arg7[%get3A_491, %get3A_492] {strides = array<i32>} : memref<96x384xf32, #tpu.memory_space<vmem>>, vector<1x16xf32>,
      %get3A_494 = vector.shape_cast %get3A_493 : vector<1x16xf32> to vector<16xf32>
      %get3A_495 = arith.index_cast %scan3A_240 : i32 to index
      %get3A_496 = arith.constant 288 : index
      %get3A_497 = tpu.vector_load %arg8[%get3A_495, %get3A_496] {strides = array<i32>} : memref<96x384xf32, #tpu.memory_space<vmem>>, vector<1x16xf32>,
      %get3A_498 = vector.shape_cast %get3A_497 : vector<1x16xf32> to vector<16xf32>
      %add3A_499 = arith.addf %get3A_494, %get3A_498 : vector<16xf32>
      %swap3A_500 = arith.index_cast %scan3A_240 : i32 to index
      %swap3A_501 = arith.constant 288 : index
      %swap3A_502 = tpu.vector_load %arg9[%swap3A_500, %swap3A_501] {strides = array<i32>} : memref<96x384xf32, #tpu.memory_space<vmem>>, vector<1x16xf32>,
      %swap3A_503 = vector.shape_cast %swap3A_502 : vector<1x16xf32> to vector<16xf32>
      %swap3A_504 = vector.shape_cast %add3A_499 : vector<16xf32> to vector<1x16xf32>
      tpu.vector_store %arg9[%swap3A_500, %swap3A_501], %swap3A_504 {strides = array<i32>} : memref<96x384xf32, #tpu.memory_space<vmem>>, vector<1x16xf32>,
      %get3A_505 = arith.index_cast %scan3A_240 : i32 to index
      %get3A_506 = arith.constant 304 : index
      %get3A_507 = tpu.vector_load %arg7[%get3A_505, %get3A_506] {strides = array<i32>} : memref<96x384xf32, #tpu.memory_space<vmem>>, vector<1x16xf32>,
      %get3A_508 = vector.shape_cast %get3A_507 : vector<1x16xf32> to vector<16xf32>
      %get3A_509 = arith.index_cast %scan3A_240 : i32 to index
      %get3A_510 = arith.constant 304 : index
      %get3A_511 = tpu.vector_load %arg8[%get3A_509, %get3A_510] {strides = array<i32>} : memref<96x384xf32, #tpu.memory_space<vmem>>, vector<1x16xf32>,
      %get3A_512 = vector.shape_cast %get3A_511 : vector<1x16xf32> to vector<16xf32>
      %add3A_513 = arith.addf %get3A_508, %get3A_512 : vector<16xf32>
      %swap3A_514 = arith.index_cast %scan3A_240 : i32 to index
      %swap3A_515 = arith.constant 304 : index
      %swap3A_516 = tpu.vector_load %arg9[%swap3A_514, %swap3A_515] {strides = array<i32>} : memref<96x384xf32, #tpu.memory_space<vmem>>, vector<1x16xf32>,
      %swap3A_517 = vector.shape_cast %swap3A_516 : vector<1x16xf32> to vector<16xf32>
      %swap3A_518 = vector.shape_cast %add3A_513 : vector<16xf32> to vector<1x16xf32>
      tpu.vector_store %arg9[%swap3A_514, %swap3A_515], %swap3A_518 {strides = array<i32>} : memref<96x384xf32, #tpu.memory_space<vmem>>, vector<1x16xf32>,
      %get3A_519 = arith.index_cast %scan3A_240 : i32 to index
      %get3A_520 = arith.constant 320 : index
      %get3A_521 = tpu.vector_load %arg7[%get3A_519, %get3A_520] {strides = array<i32>} : memref<96x384xf32, #tpu.memory_space<vmem>>, vector<1x16xf32>,
      %get3A_522 = vector.shape_cast %get3A_521 : vector<1x16xf32> to vector<16xf32>
      %get3A_523 = arith.index_cast %scan3A_240 : i32 to index
      %get3A_524 = arith.constant 320 : index
      %get3A_525 = tpu.vector_load %arg8[%get3A_523, %get3A_524] {strides = array<i32>} : memref<96x384xf32, #tpu.memory_space<vmem>>, vector<1x16xf32>,
      %get3A_526 = vector.shape_cast %get3A_525 : vector<1x16xf32> to vector<16xf32>
      %add3A_527 = arith.addf %get3A_522, %get3A_526 : vector<16xf32>
      %swap3A_528 = arith.index_cast %scan3A_240 : i32 to index
      %swap3A_529 = arith.constant 320 : index
      %swap3A_530 = tpu.vector_load %arg9[%swap3A_528, %swap3A_529] {strides = array<i32>} : memref<96x384xf32, #tpu.memory_space<vmem>>, vector<1x16xf32>,
      %swap3A_531 = vector.shape_cast %swap3A_530 : vector<1x16xf32> to vector<16xf32>
      %swap3A_532 = vector.shape_cast %add3A_527 : vector<16xf32> to vector<1x16xf32>
      tpu.vector_store %arg9[%swap3A_528, %swap3A_529], %swap3A_532 {strides = array<i32>} : memref<96x384xf32, #tpu.memory_space<vmem>>, vector<1x16xf32>,
      %get3A_533 = arith.index_cast %scan3A_240 : i32 to index
      %get3A_534 = arith.constant 336 : index
      %get3A_535 = tpu.vector_load %arg7[%get3A_533, %get3A_534] {strides = array<i32>} : memref<96x384xf32, #tpu.memory_space<vmem>>, vector<1x16xf32>,
      %get3A_536 = vector.shape_cast %get3A_535 : vector<1x16xf32> to vector<16xf32>
      %get3A_537 = arith.index_cast %scan3A_240 : i32 to index
      %get3A_538 = arith.constant 336 : index
      %get3A_539 = tpu.vector_load %arg8[%get3A_537, %get3A_538] {strides = array<i32>} : memref<96x384xf32, #tpu.memory_space<vmem>>, vector<1x16xf32>,
      %get3A_540 = vector.shape_cast %get3A_539 : vector<1x16xf32> to vector<16xf32>
      %add3A_541 = arith.addf %get3A_536, %get3A_540 : vector<16xf32>
      %swap3A_542 = arith.index_cast %scan3A_240 : i32 to index
      %swap3A_543 = arith.constant 336 : index
      %swap3A_544 = tpu.vector_load %arg9[%swap3A_542, %swap3A_543] {strides = array<i32>} : memref<96x384xf32, #tpu.memory_space<vmem>>, vector<1x16xf32>,
      %swap3A_545 = vector.shape_cast %swap3A_544 : vector<1x16xf32> to vector<16xf32>
      %swap3A_546 = vector.shape_cast %add3A_541 : vector<16xf32> to vector<1x16xf32>
      tpu.vector_store %arg9[%swap3A_542, %swap3A_543], %swap3A_546 {strides = array<i32>} : memref<96x384xf32, #tpu.memory_space<vmem>>, vector<1x16xf32>,
      %get3A_547 = arith.index_cast %scan3A_240 : i32 to index
      %get3A_548 = arith.constant 352 : index
      %get3A_549 = tpu.vector_load %arg7[%get3A_547, %get3A_548] {strides = array<i32>} : memref<96x384xf32, #tpu.memory_space<vmem>>, vector<1x16xf32>,
      %get3A_550 = vector.shape_cast %get3A_549 : vector<1x16xf32> to vector<16xf32>
      %get3A_551 = arith.index_cast %scan3A_240 : i32 to index
      %get3A_552 = arith.constant 352 : index
      %get3A_553 = tpu.vector_load %arg8[%get3A_551, %get3A_552] {strides = array<i32>} : memref<96x384xf32, #tpu.memory_space<vmem>>, vector<1x16xf32>,
      %get3A_554 = vector.shape_cast %get3A_553 : vector<1x16xf32> to vector<16xf32>
      %add3A_555 = arith.addf %get3A_550, %get3A_554 : vector<16xf32>
      %swap3A_556 = arith.index_cast %scan3A_240 : i32 to index
      %swap3A_557 = arith.constant 352 : index
      %swap3A_558 = tpu.vector_load %arg9[%swap3A_556, %swap3A_557] {strides = array<i32>} : memref<96x384xf32, #tpu.memory_space<vmem>>, vector<1x16xf32>,
      %swap3A_559 = vector.shape_cast %swap3A_558 : vector<1x16xf32> to vector<16xf32>
      %swap3A_560 = vector.shape_cast %add3A_555 : vector<16xf32> to vector<1x16xf32>
      tpu.vector_store %arg9[%swap3A_556, %swap3A_557], %swap3A_560 {strides = array<i32>} : memref<96x384xf32, #tpu.memory_space<vmem>>, vector<1x16xf32>,
      %get3A_561 = arith.index_cast %scan3A_240 : i32 to index
      %get3A_562 = arith.constant 368 : index
      %get3A_563 = tpu.vector_load %arg7[%get3A_561, %get3A_562] {strides = array<i32>} : memref<96x384xf32, #tpu.memory_space<vmem>>, vector<1x16xf32>,
      %get3A_564 = vector.shape_cast %get3A_563 : vector<1x16xf32> to vector<16xf32>
      %get3A_565 = arith.index_cast %scan3A_240 : i32 to index
      %get3A_566 = arith.constant 368 : index
      %get3A_567 = tpu.vector_load %arg8[%get3A_565, %get3A_566] {strides = array<i32>} : memref<96x384xf32, #tpu.memory_space<vmem>>, vector<1x16xf32>,
      %get3A_568 = vector.shape_cast %get3A_567 : vector<1x16xf32> to vector<16xf32>
      %add3A_569 = arith.addf %get3A_564, %get3A_568 : vector<16xf32>
      %swap3A_570 = arith.index_cast %scan3A_240 : i32 to index
      %swap3A_571 = arith.constant 368 : index
      %swap3A_572 = tpu.vector_load %arg9[%swap3A_570, %swap3A_571] {strides = array<i32>} : memref<96x384xf32, #tpu.memory_space<vmem>>, vector<1x16xf32>,
      %swap3A_573 = vector.shape_cast %swap3A_572 : vector<1x16xf32> to vector<16xf32>
      %swap3A_574 = vector.shape_cast %add3A_569 : vector<16xf32> to vector<1x16xf32>
      tpu.vector_store %arg9[%swap3A_570, %swap3A_571], %swap3A_574 {strides = array<i32>} : memref<96x384xf32, #tpu.memory_space<vmem>>, vector<1x16xf32>,
    }
    %scan3A_71 = arith.constant 96 : i32
    %dma_start3A_72 = arith.constant 0 : i32
    %dma_start3A_73 = tpu.memref_slice %arg5[%add3A_37, %dma_start3A_72] : memref<18432x384xf32, #tpu.memory_space<hbm>> -> memref<96x384xf32, #tpu.memory_space<hbm>>
    %dma_start3A_74 = arith.constant 0 : i32
    %dma_start3A_75 = tpu.memref_slice %arg5[%add3A_37, %dma_start3A_74] : memref<18432x384xf32, #tpu.memory_space<hbm>> -> memref<96x384xf32, #tpu.memory_space<hbm>>
    tpu.enqueue_dma source(%arg9 : memref<96x384xf32, #tpu.memory_space<vmem>>) target(%dma_start3A_75 : memref<96x384xf32, #tpu.memory_space<hbm>>) target_semaphore(%arg12 : memref<!tpu.dma_semaphore, #tpu.memory_space<semaphore_mem>>)
    %add3A_76 = arith.constant 192 : i32
    %add3A_77 = arith.addi %mul3A_2, %add3A_76 : i32
    %dma_start3A_78 = arith.constant 0 : i32
    %dma_start3A_79 = tpu.memref_slice %arg2[%add3A_77, %dma_start3A_78] : memref<18432x384xf32, #tpu.memory_space<hbm>> -> memref<96x384xf32, #tpu.memory_space<hbm>>
    %dma_start3A_80 = arith.constant 0 : i32
    %dma_start3A_81 = tpu.memref_slice %arg2[%add3A_77, %dma_start3A_80] : memref<18432x384xf32, #tpu.memory_space<hbm>> -> memref<96x384xf32, #tpu.memory_space<hbm>>
    tpu.enqueue_dma source(%dma_start3A_81 : memref<96x384xf32, #tpu.memory_space<hbm>>) target(%arg7 : memref<96x384xf32, #tpu.memory_space<vmem>>) target_semaphore(%arg10 : memref<!tpu.dma_semaphore, #tpu.memory_space<semaphore_mem>>)
    %dma_start3A_82 = arith.constant 0 : i32
    %dma_start3A_83 = arith.constant 2 : i32
    %dma_start3A_84 = arith.constant 0 : i32
    %dma_start3A_85 = tpu.memref_slice %arg6[%dma_start3A_82, %dma_start3A_83, %dma_start3A_84] : memref<1x6x96xi32, #tpu.memory_space<vmem>> -> memref<1x1x96xi32, #tpu.memory_space<vmem>>
    %dma_start3A_86 = tpu.memref_squeeze %dma_start3A_85 : memref<1x1x96xi32, #tpu.memory_space<vmem>> -> memref<96xi32, #tpu.memory_space<vmem>>
    %dma_start3A_87 = arith.constant 0 : i32
    %dma_start3A_88 = arith.constant 0 : i32
    %dma_start3A_89 = tpu.memref_slice %arg4[%dma_start3A_87, %dma_start3A_88] : memref<196x384xf32, #tpu.memory_space<hbm>> -> memref<196x384xf32, #tpu.memory_space<hbm>>
    tpu.enqueue_indirect_dma source(%dma_start3A_89 : memref<196x384xf32, #tpu.memory_space<hbm>>) target(%arg8 : memref<96x384xf32, #tpu.memory_space<vmem>>) offsets(%dma_start3A_86 : memref<96xi32, #tpu.memory_space<vmem>>) semaphore(%arg11 : memref<!tpu.dma_semaphore, #tpu.memory_space<semaphore_mem>>)
    %dma_wait3A_90 = arith.constant 0 : i32
    %dma_wait3A_91 = tpu.memref_slice %arg2[%add3A_77, %dma_wait3A_90] : memref<18432x384xf32, #tpu.memory_space<hbm>> -> memref<96x384xf32, #tpu.memory_space<hbm>>
    %dma_wait3A_92 = arith.constant 0 : i32
    %dma_wait3A_93 = tpu.memref_slice %arg2[%add3A_77, %dma_wait3A_92] : memref<18432x384xf32, #tpu.memory_space<hbm>> -> memref<96x384xf32, #tpu.memory_space<hbm>>
    tpu.wait_dma2 semaphore(%arg10 : memref<!tpu.dma_semaphore, #tpu.memory_space<semaphore_mem>>) src(%dma_wait3A_93 : memref<96x384xf32, #tpu.memory_space<hbm>>) dst(%arg7 : memref<96x384xf32, #tpu.memory_space<vmem>>)
    %dma_wait3A_94 = arith.constant 0 : i32
    %dma_wait3A_95 = arith.constant 2 : i32
    %dma_wait3A_96 = arith.constant 0 : i32
    %dma_wait3A_97 = tpu.memref_slice %arg6[%dma_wait3A_94, %dma_wait3A_95, %dma_wait3A_96] : memref<1x6x96xi32, #tpu.memory_space<vmem>> -> memref<1x1x96xi32, #tpu.memory_space<vmem>>
    %dma_wait3A_98 = tpu.memref_squeeze %dma_wait3A_97 : memref<1x1x96xi32, #tpu.memory_space<vmem>> -> memref<96xi32, #tpu.memory_space<vmem>>
    %dma_wait3A_99 = arith.constant 0 : i32
    %dma_wait3A_100 = arith.constant 0 : i32
    %dma_wait3A_101 = tpu.memref_slice %arg4[%dma_wait3A_99, %dma_wait3A_100] : memref<196x384xf32, #tpu.memory_space<hbm>> -> memref<196x384xf32, #tpu.memory_space<hbm>>
    tpu.wait_indirect_dma semaphore(%arg11 : memref<!tpu.dma_semaphore, #tpu.memory_space<semaphore_mem>>) src(%dma_wait3A_101 : memref<196x384xf32, #tpu.memory_space<hbm>>) dst(%arg8 : memref<96x384xf32, #tpu.memory_space<vmem>>)
    %dma_wait3A_102 = arith.constant 0 : i32
    %dma_wait3A_103 = tpu.memref_slice %arg5[%add3A_37, %dma_wait3A_102] : memref<18432x384xf32, #tpu.memory_space<hbm>> -> memref<96x384xf32, #tpu.memory_space<hbm>>
    %dma_wait3A_104 = arith.constant 0 : i32
    %dma_wait3A_105 = tpu.memref_slice %arg5[%add3A_37, %dma_wait3A_104] : memref<18432x384xf32, #tpu.memory_space<hbm>> -> memref<96x384xf32, #tpu.memory_space<hbm>>
    tpu.wait_dma2 semaphore(%arg12 : memref<!tpu.dma_semaphore, #tpu.memory_space<semaphore_mem>>) src(%arg9 : memref<96x384xf32, #tpu.memory_space<vmem>>) dst(%dma_wait3A_105 : memref<96x384xf32, #tpu.memory_space<hbm>>)
    %scan3A_106 = arith.constant 0 : i32
    %scan3A_107 = arith.constant 0 : i32
    %scan3A_108 = arith.constant 96 : i32
    %scan3A_109 = arith.addi %scan3A_107, %scan3A_108 : i32
    %scan3A_110 = arith.constant 1 : i32
    scf.for %scan3A_240 = %scan3A_107 to %scan3A_109 step %scan3A_110  : i32 {
      %get3A = arith.index_cast %scan3A_240 : i32 to index
      %get3A_241 = arith.constant 0 : index
      %get3A_242 = tpu.vector_load %arg7[%get3A, %get3A_241] {strides = array<i32>} : memref<96x384xf32, #tpu.memory_space<vmem>>, vector<1x16xf32>,
      %get3A_243 = vector.shape_cast %get3A_242 : vector<1x16xf32> to vector<16xf32>
      %get3A_244 = arith.index_cast %scan3A_240 : i32 to index
      %get3A_245 = arith.constant 0 : index
      %get3A_246 = tpu.vector_load %arg8[%get3A_244, %get3A_245] {strides = array<i32>} : memref<96x384xf32, #tpu.memory_space<vmem>>, vector<1x16xf32>,
      %get3A_247 = vector.shape_cast %get3A_246 : vector<1x16xf32> to vector<16xf32>
      %add3A_248 = arith.addf %get3A_243, %get3A_247 : vector<16xf32>
      %swap3A = arith.index_cast %scan3A_240 : i32 to index
      %swap3A_249 = arith.constant 0 : index
      %swap3A_250 = tpu.vector_load %arg9[%swap3A, %swap3A_249] {strides = array<i32>} : memref<96x384xf32, #tpu.memory_space<vmem>>, vector<1x16xf32>,
      %swap3A_251 = vector.shape_cast %swap3A_250 : vector<1x16xf32> to vector<16xf32>
      %swap3A_252 = vector.shape_cast %add3A_248 : vector<16xf32> to vector<1x16xf32>
      tpu.vector_store %arg9[%swap3A, %swap3A_249], %swap3A_252 {strides = array<i32>} : memref<96x384xf32, #tpu.memory_space<vmem>>, vector<1x16xf32>,
      %get3A_253 = arith.index_cast %scan3A_240 : i32 to index
      %get3A_254 = arith.constant 16 : index
      %get3A_255 = tpu.vector_load %arg7[%get3A_253, %get3A_254] {strides = array<i32>} : memref<96x384xf32, #tpu.memory_space<vmem>>, vector<1x16xf32>,
      %get3A_256 = vector.shape_cast %get3A_255 : vector<1x16xf32> to vector<16xf32>
      %get3A_257 = arith.index_cast %scan3A_240 : i32 to index
      %get3A_258 = arith.constant 16 : index
      %get3A_259 = tpu.vector_load %arg8[%get3A_257, %get3A_258] {strides = array<i32>} : memref<96x384xf32, #tpu.memory_space<vmem>>, vector<1x16xf32>,
      %get3A_260 = vector.shape_cast %get3A_259 : vector<1x16xf32> to vector<16xf32>
      %add3A_261 = arith.addf %get3A_256, %get3A_260 : vector<16xf32>
      %swap3A_262 = arith.index_cast %scan3A_240 : i32 to index
      %swap3A_263 = arith.constant 16 : index
      %swap3A_264 = tpu.vector_load %arg9[%swap3A_262, %swap3A_263] {strides = array<i32>} : memref<96x384xf32, #tpu.memory_space<vmem>>, vector<1x16xf32>,
      %swap3A_265 = vector.shape_cast %swap3A_264 : vector<1x16xf32> to vector<16xf32>
      %swap3A_266 = vector.shape_cast %add3A_261 : vector<16xf32> to vector<1x16xf32>
      tpu.vector_store %arg9[%swap3A_262, %swap3A_263], %swap3A_266 {strides = array<i32>} : memref<96x384xf32, #tpu.memory_space<vmem>>, vector<1x16xf32>,
      %get3A_267 = arith.index_cast %scan3A_240 : i32 to index
      %get3A_268 = arith.constant 32 : index
      %get3A_269 = tpu.vector_load %arg7[%get3A_267, %get3A_268] {strides = array<i32>} : memref<96x384xf32, #tpu.memory_space<vmem>>, vector<1x16xf32>,
      %get3A_270 = vector.shape_cast %get3A_269 : vector<1x16xf32> to vector<16xf32>
      %get3A_271 = arith.index_cast %scan3A_240 : i32 to index
      %get3A_272 = arith.constant 32 : index
      %get3A_273 = tpu.vector_load %arg8[%get3A_271, %get3A_272] {strides = array<i32>} : memref<96x384xf32, #tpu.memory_space<vmem>>, vector<1x16xf32>,
      %get3A_274 = vector.shape_cast %get3A_273 : vector<1x16xf32> to vector<16xf32>
      %add3A_275 = arith.addf %get3A_270, %get3A_274 : vector<16xf32>
      %swap3A_276 = arith.index_cast %scan3A_240 : i32 to index
      %swap3A_277 = arith.constant 32 : index
      %swap3A_278 = tpu.vector_load %arg9[%swap3A_276, %swap3A_277] {strides = array<i32>} : memref<96x384xf32, #tpu.memory_space<vmem>>, vector<1x16xf32>,
      %swap3A_279 = vector.shape_cast %swap3A_278 : vector<1x16xf32> to vector<16xf32>
      %swap3A_280 = vector.shape_cast %add3A_275 : vector<16xf32> to vector<1x16xf32>
      tpu.vector_store %arg9[%swap3A_276, %swap3A_277], %swap3A_280 {strides = array<i32>} : memref<96x384xf32, #tpu.memory_space<vmem>>, vector<1x16xf32>,
      %get3A_281 = arith.index_cast %scan3A_240 : i32 to index
      %get3A_282 = arith.constant 48 : index
      %get3A_283 = tpu.vector_load %arg7[%get3A_281, %get3A_282] {strides = array<i32>} : memref<96x384xf32, #tpu.memory_space<vmem>>, vector<1x16xf32>,
      %get3A_284 = vector.shape_cast %get3A_283 : vector<1x16xf32> to vector<16xf32>
      %get3A_285 = arith.index_cast %scan3A_240 : i32 to index
      %get3A_286 = arith.constant 48 : index
      %get3A_287 = tpu.vector_load %arg8[%get3A_285, %get3A_286] {strides = array<i32>} : memref<96x384xf32, #tpu.memory_space<vmem>>, vector<1x16xf32>,
      %get3A_288 = vector.shape_cast %get3A_287 : vector<1x16xf32> to vector<16xf32>
      %add3A_289 = arith.addf %get3A_284, %get3A_288 : vector<16xf32>
      %swap3A_290 = arith.index_cast %scan3A_240 : i32 to index
      %swap3A_291 = arith.constant 48 : index
      %swap3A_292 = tpu.vector_load %arg9[%swap3A_290, %swap3A_291] {strides = array<i32>} : memref<96x384xf32, #tpu.memory_space<vmem>>, vector<1x16xf32>,
      %swap3A_293 = vector.shape_cast %swap3A_292 : vector<1x16xf32> to vector<16xf32>
      %swap3A_294 = vector.shape_cast %add3A_289 : vector<16xf32> to vector<1x16xf32>
      tpu.vector_store %arg9[%swap3A_290, %swap3A_291], %swap3A_294 {strides = array<i32>} : memref<96x384xf32, #tpu.memory_space<vmem>>, vector<1x16xf32>,
      %get3A_295 = arith.index_cast %scan3A_240 : i32 to index
      %get3A_296 = arith.constant 64 : index
      %get3A_297 = tpu.vector_load %arg7[%get3A_295, %get3A_296] {strides = array<i32>} : memref<96x384xf32, #tpu.memory_space<vmem>>, vector<1x16xf32>,
      %get3A_298 = vector.shape_cast %get3A_297 : vector<1x16xf32> to vector<16xf32>
      %get3A_299 = arith.index_cast %scan3A_240 : i32 to index
      %get3A_300 = arith.constant 64 : index
      %get3A_301 = tpu.vector_load %arg8[%get3A_299, %get3A_300] {strides = array<i32>} : memref<96x384xf32, #tpu.memory_space<vmem>>, vector<1x16xf32>,
      %get3A_302 = vector.shape_cast %get3A_301 : vector<1x16xf32> to vector<16xf32>
      %add3A_303 = arith.addf %get3A_298, %get3A_302 : vector<16xf32>
      %swap3A_304 = arith.index_cast %scan3A_240 : i32 to index
      %swap3A_305 = arith.constant 64 : index
      %swap3A_306 = tpu.vector_load %arg9[%swap3A_304, %swap3A_305] {strides = array<i32>} : memref<96x384xf32, #tpu.memory_space<vmem>>, vector<1x16xf32>,
      %swap3A_307 = vector.shape_cast %swap3A_306 : vector<1x16xf32> to vector<16xf32>
      %swap3A_308 = vector.shape_cast %add3A_303 : vector<16xf32> to vector<1x16xf32>
      tpu.vector_store %arg9[%swap3A_304, %swap3A_305], %swap3A_308 {strides = array<i32>} : memref<96x384xf32, #tpu.memory_space<vmem>>, vector<1x16xf32>,
      %get3A_309 = arith.index_cast %scan3A_240 : i32 to index
      %get3A_310 = arith.constant 80 : index
      %get3A_311 = tpu.vector_load %arg7[%get3A_309, %get3A_310] {strides = array<i32>} : memref<96x384xf32, #tpu.memory_space<vmem>>, vector<1x16xf32>,
      %get3A_312 = vector.shape_cast %get3A_311 : vector<1x16xf32> to vector<16xf32>
      %get3A_313 = arith.index_cast %scan3A_240 : i32 to index
      %get3A_314 = arith.constant 80 : index
      %get3A_315 = tpu.vector_load %arg8[%get3A_313, %get3A_314] {strides = array<i32>} : memref<96x384xf32, #tpu.memory_space<vmem>>, vector<1x16xf32>,
      %get3A_316 = vector.shape_cast %get3A_315 : vector<1x16xf32> to vector<16xf32>
      %add3A_317 = arith.addf %get3A_312, %get3A_316 : vector<16xf32>
      %swap3A_318 = arith.index_cast %scan3A_240 : i32 to index
      %swap3A_319 = arith.constant 80 : index
      %swap3A_320 = tpu.vector_load %arg9[%swap3A_318, %swap3A_319] {strides = array<i32>} : memref<96x384xf32, #tpu.memory_space<vmem>>, vector<1x16xf32>,
      %swap3A_321 = vector.shape_cast %swap3A_320 : vector<1x16xf32> to vector<16xf32>
      %swap3A_322 = vector.shape_cast %add3A_317 : vector<16xf32> to vector<1x16xf32>
      tpu.vector_store %arg9[%swap3A_318, %swap3A_319], %swap3A_322 {strides = array<i32>} : memref<96x384xf32, #tpu.memory_space<vmem>>, vector<1x16xf32>,
      %get3A_323 = arith.index_cast %scan3A_240 : i32 to index
      %get3A_324 = arith.constant 96 : index
      %get3A_325 = tpu.vector_load %arg7[%get3A_323, %get3A_324] {strides = array<i32>} : memref<96x384xf32, #tpu.memory_space<vmem>>, vector<1x16xf32>,
      %get3A_326 = vector.shape_cast %get3A_325 : vector<1x16xf32> to vector<16xf32>
      %get3A_327 = arith.index_cast %scan3A_240 : i32 to index
      %get3A_328 = arith.constant 96 : index
      %get3A_329 = tpu.vector_load %arg8[%get3A_327, %get3A_328] {strides = array<i32>} : memref<96x384xf32, #tpu.memory_space<vmem>>, vector<1x16xf32>,
      %get3A_330 = vector.shape_cast %get3A_329 : vector<1x16xf32> to vector<16xf32>
      %add3A_331 = arith.addf %get3A_326, %get3A_330 : vector<16xf32>
      %swap3A_332 = arith.index_cast %scan3A_240 : i32 to index
      %swap3A_333 = arith.constant 96 : index
      %swap3A_334 = tpu.vector_load %arg9[%swap3A_332, %swap3A_333] {strides = array<i32>} : memref<96x384xf32, #tpu.memory_space<vmem>>, vector<1x16xf32>,
      %swap3A_335 = vector.shape_cast %swap3A_334 : vector<1x16xf32> to vector<16xf32>
      %swap3A_336 = vector.shape_cast %add3A_331 : vector<16xf32> to vector<1x16xf32>
      tpu.vector_store %arg9[%swap3A_332, %swap3A_333], %swap3A_336 {strides = array<i32>} : memref<96x384xf32, #tpu.memory_space<vmem>>, vector<1x16xf32>,
      %get3A_337 = arith.index_cast %scan3A_240 : i32 to index
      %get3A_338 = arith.constant 112 : index
      %get3A_339 = tpu.vector_load %arg7[%get3A_337, %get3A_338] {strides = array<i32>} : memref<96x384xf32, #tpu.memory_space<vmem>>, vector<1x16xf32>,
      %get3A_340 = vector.shape_cast %get3A_339 : vector<1x16xf32> to vector<16xf32>
      %get3A_341 = arith.index_cast %scan3A_240 : i32 to index
      %get3A_342 = arith.constant 112 : index
      %get3A_343 = tpu.vector_load %arg8[%get3A_341, %get3A_342] {strides = array<i32>} : memref<96x384xf32, #tpu.memory_space<vmem>>, vector<1x16xf32>,
      %get3A_344 = vector.shape_cast %get3A_343 : vector<1x16xf32> to vector<16xf32>
      %add3A_345 = arith.addf %get3A_340, %get3A_344 : vector<16xf32>
      %swap3A_346 = arith.index_cast %scan3A_240 : i32 to index
      %swap3A_347 = arith.constant 112 : index
      %swap3A_348 = tpu.vector_load %arg9[%swap3A_346, %swap3A_347] {strides = array<i32>} : memref<96x384xf32, #tpu.memory_space<vmem>>, vector<1x16xf32>,
      %swap3A_349 = vector.shape_cast %swap3A_348 : vector<1x16xf32> to vector<16xf32>
      %swap3A_350 = vector.shape_cast %add3A_345 : vector<16xf32> to vector<1x16xf32>
      tpu.vector_store %arg9[%swap3A_346, %swap3A_347], %swap3A_350 {strides = array<i32>} : memref<96x384xf32, #tpu.memory_space<vmem>>, vector<1x16xf32>,
      %get3A_351 = arith.index_cast %scan3A_240 : i32 to index
      %get3A_352 = arith.constant 128 : index
      %get3A_353 = tpu.vector_load %arg7[%get3A_351, %get3A_352] {strides = array<i32>} : memref<96x384xf32, #tpu.memory_space<vmem>>, vector<1x16xf32>,
      %get3A_354 = vector.shape_cast %get3A_353 : vector<1x16xf32> to vector<16xf32>
      %get3A_355 = arith.index_cast %scan3A_240 : i32 to index
      %get3A_356 = arith.constant 128 : index
      %get3A_357 = tpu.vector_load %arg8[%get3A_355, %get3A_356] {strides = array<i32>} : memref<96x384xf32, #tpu.memory_space<vmem>>, vector<1x16xf32>,
      %get3A_358 = vector.shape_cast %get3A_357 : vector<1x16xf32> to vector<16xf32>
      %add3A_359 = arith.addf %get3A_354, %get3A_358 : vector<16xf32>
      %swap3A_360 = arith.index_cast %scan3A_240 : i32 to index
      %swap3A_361 = arith.constant 128 : index
      %swap3A_362 = tpu.vector_load %arg9[%swap3A_360, %swap3A_361] {strides = array<i32>} : memref<96x384xf32, #tpu.memory_space<vmem>>, vector<1x16xf32>,
      %swap3A_363 = vector.shape_cast %swap3A_362 : vector<1x16xf32> to vector<16xf32>
      %swap3A_364 = vector.shape_cast %add3A_359 : vector<16xf32> to vector<1x16xf32>
      tpu.vector_store %arg9[%swap3A_360, %swap3A_361], %swap3A_364 {strides = array<i32>} : memref<96x384xf32, #tpu.memory_space<vmem>>, vector<1x16xf32>,
      %get3A_365 = arith.index_cast %scan3A_240 : i32 to index
      %get3A_366 = arith.constant 144 : index
      %get3A_367 = tpu.vector_load %arg7[%get3A_365, %get3A_366] {strides = array<i32>} : memref<96x384xf32, #tpu.memory_space<vmem>>, vector<1x16xf32>,
      %get3A_368 = vector.shape_cast %get3A_367 : vector<1x16xf32> to vector<16xf32>
      %get3A_369 = arith.index_cast %scan3A_240 : i32 to index
      %get3A_370 = arith.constant 144 : index
      %get3A_371 = tpu.vector_load %arg8[%get3A_369, %get3A_370] {strides = array<i32>} : memref<96x384xf32, #tpu.memory_space<vmem>>, vector<1x16xf32>,
      %get3A_372 = vector.shape_cast %get3A_371 : vector<1x16xf32> to vector<16xf32>
      %add3A_373 = arith.addf %get3A_368, %get3A_372 : vector<16xf32>
      %swap3A_374 = arith.index_cast %scan3A_240 : i32 to index
      %swap3A_375 = arith.constant 144 : index
      %swap3A_376 = tpu.vector_load %arg9[%swap3A_374, %swap3A_375] {strides = array<i32>} : memref<96x384xf32, #tpu.memory_space<vmem>>, vector<1x16xf32>,
      %swap3A_377 = vector.shape_cast %swap3A_376 : vector<1x16xf32> to vector<16xf32>
      %swap3A_378 = vector.shape_cast %add3A_373 : vector<16xf32> to vector<1x16xf32>
      tpu.vector_store %arg9[%swap3A_374, %swap3A_375], %swap3A_378 {strides = array<i32>} : memref<96x384xf32, #tpu.memory_space<vmem>>, vector<1x16xf32>,
      %get3A_379 = arith.index_cast %scan3A_240 : i32 to index
      %get3A_380 = arith.constant 160 : index
      %get3A_381 = tpu.vector_load %arg7[%get3A_379, %get3A_380] {strides = array<i32>} : memref<96x384xf32, #tpu.memory_space<vmem>>, vector<1x16xf32>,
      %get3A_382 = vector.shape_cast %get3A_381 : vector<1x16xf32> to vector<16xf32>
      %get3A_383 = arith.index_cast %scan3A_240 : i32 to index
      %get3A_384 = arith.constant 160 : index
      %get3A_385 = tpu.vector_load %arg8[%get3A_383, %get3A_384] {strides = array<i32>} : memref<96x384xf32, #tpu.memory_space<vmem>>, vector<1x16xf32>,
      %get3A_386 = vector.shape_cast %get3A_385 : vector<1x16xf32> to vector<16xf32>
      %add3A_387 = arith.addf %get3A_382, %get3A_386 : vector<16xf32>
      %swap3A_388 = arith.index_cast %scan3A_240 : i32 to index
      %swap3A_389 = arith.constant 160 : index
      %swap3A_390 = tpu.vector_load %arg9[%swap3A_388, %swap3A_389] {strides = array<i32>} : memref<96x384xf32, #tpu.memory_space<vmem>>, vector<1x16xf32>,
      %swap3A_391 = vector.shape_cast %swap3A_390 : vector<1x16xf32> to vector<16xf32>
      %swap3A_392 = vector.shape_cast %add3A_387 : vector<16xf32> to vector<1x16xf32>
      tpu.vector_store %arg9[%swap3A_388, %swap3A_389], %swap3A_392 {strides = array<i32>} : memref<96x384xf32, #tpu.memory_space<vmem>>, vector<1x16xf32>,
      %get3A_393 = arith.index_cast %scan3A_240 : i32 to index
      %get3A_394 = arith.constant 176 : index
      %get3A_395 = tpu.vector_load %arg7[%get3A_393, %get3A_394] {strides = array<i32>} : memref<96x384xf32, #tpu.memory_space<vmem>>, vector<1x16xf32>,
      %get3A_396 = vector.shape_cast %get3A_395 : vector<1x16xf32> to vector<16xf32>
      %get3A_397 = arith.index_cast %scan3A_240 : i32 to index
      %get3A_398 = arith.constant 176 : index
      %get3A_399 = tpu.vector_load %arg8[%get3A_397, %get3A_398] {strides = array<i32>} : memref<96x384xf32, #tpu.memory_space<vmem>>, vector<1x16xf32>,
      %get3A_400 = vector.shape_cast %get3A_399 : vector<1x16xf32> to vector<16xf32>
      %add3A_401 = arith.addf %get3A_396, %get3A_400 : vector<16xf32>
      %swap3A_402 = arith.index_cast %scan3A_240 : i32 to index
      %swap3A_403 = arith.constant 176 : index
      %swap3A_404 = tpu.vector_load %arg9[%swap3A_402, %swap3A_403] {strides = array<i32>} : memref<96x384xf32, #tpu.memory_space<vmem>>, vector<1x16xf32>,
      %swap3A_405 = vector.shape_cast %swap3A_404 : vector<1x16xf32> to vector<16xf32>
      %swap3A_406 = vector.shape_cast %add3A_401 : vector<16xf32> to vector<1x16xf32>
      tpu.vector_store %arg9[%swap3A_402, %swap3A_403], %swap3A_406 {strides = array<i32>} : memref<96x384xf32, #tpu.memory_space<vmem>>, vector<1x16xf32>,
      %get3A_407 = arith.index_cast %scan3A_240 : i32 to index
      %get3A_408 = arith.constant 192 : index
      %get3A_409 = tpu.vector_load %arg7[%get3A_407, %get3A_408] {strides = array<i32>} : memref<96x384xf32, #tpu.memory_space<vmem>>, vector<1x16xf32>,
      %get3A_410 = vector.shape_cast %get3A_409 : vector<1x16xf32> to vector<16xf32>
      %get3A_411 = arith.index_cast %scan3A_240 : i32 to index
      %get3A_412 = arith.constant 192 : index
      %get3A_413 = tpu.vector_load %arg8[%get3A_411, %get3A_412] {strides = array<i32>} : memref<96x384xf32, #tpu.memory_space<vmem>>, vector<1x16xf32>,
      %get3A_414 = vector.shape_cast %get3A_413 : vector<1x16xf32> to vector<16xf32>
      %add3A_415 = arith.addf %get3A_410, %get3A_414 : vector<16xf32>
      %swap3A_416 = arith.index_cast %scan3A_240 : i32 to index
      %swap3A_417 = arith.constant 192 : index
      %swap3A_418 = tpu.vector_load %arg9[%swap3A_416, %swap3A_417] {strides = array<i32>} : memref<96x384xf32, #tpu.memory_space<vmem>>, vector<1x16xf32>,
      %swap3A_419 = vector.shape_cast %swap3A_418 : vector<1x16xf32> to vector<16xf32>
      %swap3A_420 = vector.shape_cast %add3A_415 : vector<16xf32> to vector<1x16xf32>
      tpu.vector_store %arg9[%swap3A_416, %swap3A_417], %swap3A_420 {strides = array<i32>} : memref<96x384xf32, #tpu.memory_space<vmem>>, vector<1x16xf32>,
      %get3A_421 = arith.index_cast %scan3A_240 : i32 to index
      %get3A_422 = arith.constant 208 : index
      %get3A_423 = tpu.vector_load %arg7[%get3A_421, %get3A_422] {strides = array<i32>} : memref<96x384xf32, #tpu.memory_space<vmem>>, vector<1x16xf32>,
      %get3A_424 = vector.shape_cast %get3A_423 : vector<1x16xf32> to vector<16xf32>
      %get3A_425 = arith.index_cast %scan3A_240 : i32 to index
      %get3A_426 = arith.constant 208 : index
      %get3A_427 = tpu.vector_load %arg8[%get3A_425, %get3A_426] {strides = array<i32>} : memref<96x384xf32, #tpu.memory_space<vmem>>, vector<1x16xf32>,
      %get3A_428 = vector.shape_cast %get3A_427 : vector<1x16xf32> to vector<16xf32>
      %add3A_429 = arith.addf %get3A_424, %get3A_428 : vector<16xf32>
      %swap3A_430 = arith.index_cast %scan3A_240 : i32 to index
      %swap3A_431 = arith.constant 208 : index
      %swap3A_432 = tpu.vector_load %arg9[%swap3A_430, %swap3A_431] {strides = array<i32>} : memref<96x384xf32, #tpu.memory_space<vmem>>, vector<1x16xf32>,
      %swap3A_433 = vector.shape_cast %swap3A_432 : vector<1x16xf32> to vector<16xf32>
      %swap3A_434 = vector.shape_cast %add3A_429 : vector<16xf32> to vector<1x16xf32>
      tpu.vector_store %arg9[%swap3A_430, %swap3A_431], %swap3A_434 {strides = array<i32>} : memref<96x384xf32, #tpu.memory_space<vmem>>, vector<1x16xf32>,
      %get3A_435 = arith.index_cast %scan3A_240 : i32 to index
      %get3A_436 = arith.constant 224 : index
      %get3A_437 = tpu.vector_load %arg7[%get3A_435, %get3A_436] {strides = array<i32>} : memref<96x384xf32, #tpu.memory_space<vmem>>, vector<1x16xf32>,
      %get3A_438 = vector.shape_cast %get3A_437 : vector<1x16xf32> to vector<16xf32>
      %get3A_439 = arith.index_cast %scan3A_240 : i32 to index
      %get3A_440 = arith.constant 224 : index
      %get3A_441 = tpu.vector_load %arg8[%get3A_439, %get3A_440] {strides = array<i32>} : memref<96x384xf32, #tpu.memory_space<vmem>>, vector<1x16xf32>,
      %get3A_442 = vector.shape_cast %get3A_441 : vector<1x16xf32> to vector<16xf32>
      %add3A_443 = arith.addf %get3A_438, %get3A_442 : vector<16xf32>
      %swap3A_444 = arith.index_cast %scan3A_240 : i32 to index
      %swap3A_445 = arith.constant 224 : index
      %swap3A_446 = tpu.vector_load %arg9[%swap3A_444, %swap3A_445] {strides = array<i32>} : memref<96x384xf32, #tpu.memory_space<vmem>>, vector<1x16xf32>,
      %swap3A_447 = vector.shape_cast %swap3A_446 : vector<1x16xf32> to vector<16xf32>
      %swap3A_448 = vector.shape_cast %add3A_443 : vector<16xf32> to vector<1x16xf32>
      tpu.vector_store %arg9[%swap3A_444, %swap3A_445], %swap3A_448 {strides = array<i32>} : memref<96x384xf32, #tpu.memory_space<vmem>>, vector<1x16xf32>,
      %get3A_449 = arith.index_cast %scan3A_240 : i32 to index
      %get3A_450 = arith.constant 240 : index
      %get3A_451 = tpu.vector_load %arg7[%get3A_449, %get3A_450] {strides = array<i32>} : memref<96x384xf32, #tpu.memory_space<vmem>>, vector<1x16xf32>,
      %get3A_452 = vector.shape_cast %get3A_451 : vector<1x16xf32> to vector<16xf32>
      %get3A_453 = arith.index_cast %scan3A_240 : i32 to index
      %get3A_454 = arith.constant 240 : index
      %get3A_455 = tpu.vector_load %arg8[%get3A_453, %get3A_454] {strides = array<i32>} : memref<96x384xf32, #tpu.memory_space<vmem>>, vector<1x16xf32>,
      %get3A_456 = vector.shape_cast %get3A_455 : vector<1x16xf32> to vector<16xf32>
      %add3A_457 = arith.addf %get3A_452, %get3A_456 : vector<16xf32>
      %swap3A_458 = arith.index_cast %scan3A_240 : i32 to index
      %swap3A_459 = arith.constant 240 : index
      %swap3A_460 = tpu.vector_load %arg9[%swap3A_458, %swap3A_459] {strides = array<i32>} : memref<96x384xf32, #tpu.memory_space<vmem>>, vector<1x16xf32>,
      %swap3A_461 = vector.shape_cast %swap3A_460 : vector<1x16xf32> to vector<16xf32>
      %swap3A_462 = vector.shape_cast %add3A_457 : vector<16xf32> to vector<1x16xf32>
      tpu.vector_store %arg9[%swap3A_458, %swap3A_459], %swap3A_462 {strides = array<i32>} : memref<96x384xf32, #tpu.memory_space<vmem>>, vector<1x16xf32>,
      %get3A_463 = arith.index_cast %scan3A_240 : i32 to index
      %get3A_464 = arith.constant 256 : index
      %get3A_465 = tpu.vector_load %arg7[%get3A_463, %get3A_464] {strides = array<i32>} : memref<96x384xf32, #tpu.memory_space<vmem>>, vector<1x16xf32>,
      %get3A_466 = vector.shape_cast %get3A_465 : vector<1x16xf32> to vector<16xf32>
      %get3A_467 = arith.index_cast %scan3A_240 : i32 to index
      %get3A_468 = arith.constant 256 : index
      %get3A_469 = tpu.vector_load %arg8[%get3A_467, %get3A_468] {strides = array<i32>} : memref<96x384xf32, #tpu.memory_space<vmem>>, vector<1x16xf32>,
      %get3A_470 = vector.shape_cast %get3A_469 : vector<1x16xf32> to vector<16xf32>
      %add3A_471 = arith.addf %get3A_466, %get3A_470 : vector<16xf32>
      %swap3A_472 = arith.index_cast %scan3A_240 : i32 to index
      %swap3A_473 = arith.constant 256 : index
      %swap3A_474 = tpu.vector_load %arg9[%swap3A_472, %swap3A_473] {strides = array<i32>} : memref<96x384xf32, #tpu.memory_space<vmem>>, vector<1x16xf32>,
      %swap3A_475 = vector.shape_cast %swap3A_474 : vector<1x16xf32> to vector<16xf32>
      %swap3A_476 = vector.shape_cast %add3A_471 : vector<16xf32> to vector<1x16xf32>
      tpu.vector_store %arg9[%swap3A_472, %swap3A_473], %swap3A_476 {strides = array<i32>} : memref<96x384xf32, #tpu.memory_space<vmem>>, vector<1x16xf32>,
      %get3A_477 = arith.index_cast %scan3A_240 : i32 to index
      %get3A_478 = arith.constant 272 : index
      %get3A_479 = tpu.vector_load %arg7[%get3A_477, %get3A_478] {strides = array<i32>} : memref<96x384xf32, #tpu.memory_space<vmem>>, vector<1x16xf32>,
      %get3A_480 = vector.shape_cast %get3A_479 : vector<1x16xf32> to vector<16xf32>
      %get3A_481 = arith.index_cast %scan3A_240 : i32 to index
      %get3A_482 = arith.constant 272 : index
      %get3A_483 = tpu.vector_load %arg8[%get3A_481, %get3A_482] {strides = array<i32>} : memref<96x384xf32, #tpu.memory_space<vmem>>, vector<1x16xf32>,
      %get3A_484 = vector.shape_cast %get3A_483 : vector<1x16xf32> to vector<16xf32>
      %add3A_485 = arith.addf %get3A_480, %get3A_484 : vector<16xf32>
      %swap3A_486 = arith.index_cast %scan3A_240 : i32 to index
      %swap3A_487 = arith.constant 272 : index
      %swap3A_488 = tpu.vector_load %arg9[%swap3A_486, %swap3A_487] {strides = array<i32>} : memref<96x384xf32, #tpu.memory_space<vmem>>, vector<1x16xf32>,
      %swap3A_489 = vector.shape_cast %swap3A_488 : vector<1x16xf32> to vector<16xf32>
      %swap3A_490 = vector.shape_cast %add3A_485 : vector<16xf32> to vector<1x16xf32>
      tpu.vector_store %arg9[%swap3A_486, %swap3A_487], %swap3A_490 {strides = array<i32>} : memref<96x384xf32, #tpu.memory_space<vmem>>, vector<1x16xf32>,
      %get3A_491 = arith.index_cast %scan3A_240 : i32 to index
      %get3A_492 = arith.constant 288 : index
      %get3A_493 = tpu.vector_load %arg7[%get3A_491, %get3A_492] {strides = array<i32>} : memref<96x384xf32, #tpu.memory_space<vmem>>, vector<1x16xf32>,
      %get3A_494 = vector.shape_cast %get3A_493 : vector<1x16xf32> to vector<16xf32>
      %get3A_495 = arith.index_cast %scan3A_240 : i32 to index
      %get3A_496 = arith.constant 288 : index
      %get3A_497 = tpu.vector_load %arg8[%get3A_495, %get3A_496] {strides = array<i32>} : memref<96x384xf32, #tpu.memory_space<vmem>>, vector<1x16xf32>,
      %get3A_498 = vector.shape_cast %get3A_497 : vector<1x16xf32> to vector<16xf32>
      %add3A_499 = arith.addf %get3A_494, %get3A_498 : vector<16xf32>
      %swap3A_500 = arith.index_cast %scan3A_240 : i32 to index
      %swap3A_501 = arith.constant 288 : index
      %swap3A_502 = tpu.vector_load %arg9[%swap3A_500, %swap3A_501] {strides = array<i32>} : memref<96x384xf32, #tpu.memory_space<vmem>>, vector<1x16xf32>,
      %swap3A_503 = vector.shape_cast %swap3A_502 : vector<1x16xf32> to vector<16xf32>
      %swap3A_504 = vector.shape_cast %add3A_499 : vector<16xf32> to vector<1x16xf32>
      tpu.vector_store %arg9[%swap3A_500, %swap3A_501], %swap3A_504 {strides = array<i32>} : memref<96x384xf32, #tpu.memory_space<vmem>>, vector<1x16xf32>,
      %get3A_505 = arith.index_cast %scan3A_240 : i32 to index
      %get3A_506 = arith.constant 304 : index
      %get3A_507 = tpu.vector_load %arg7[%get3A_505, %get3A_506] {strides = array<i32>} : memref<96x384xf32, #tpu.memory_space<vmem>>, vector<1x16xf32>,
      %get3A_508 = vector.shape_cast %get3A_507 : vector<1x16xf32> to vector<16xf32>
      %get3A_509 = arith.index_cast %scan3A_240 : i32 to index
      %get3A_510 = arith.constant 304 : index
      %get3A_511 = tpu.vector_load %arg8[%get3A_509, %get3A_510] {strides = array<i32>} : memref<96x384xf32, #tpu.memory_space<vmem>>, vector<1x16xf32>,
      %get3A_512 = vector.shape_cast %get3A_511 : vector<1x16xf32> to vector<16xf32>
      %add3A_513 = arith.addf %get3A_508, %get3A_512 : vector<16xf32>
      %swap3A_514 = arith.index_cast %scan3A_240 : i32 to index
      %swap3A_515 = arith.constant 304 : index
      %swap3A_516 = tpu.vector_load %arg9[%swap3A_514, %swap3A_515] {strides = array<i32>} : memref<96x384xf32, #tpu.memory_space<vmem>>, vector<1x16xf32>,
      %swap3A_517 = vector.shape_cast %swap3A_516 : vector<1x16xf32> to vector<16xf32>
      %swap3A_518 = vector.shape_cast %add3A_513 : vector<16xf32> to vector<1x16xf32>
      tpu.vector_store %arg9[%swap3A_514, %swap3A_515], %swap3A_518 {strides = array<i32>} : memref<96x384xf32, #tpu.memory_space<vmem>>, vector<1x16xf32>,
      %get3A_519 = arith.index_cast %scan3A_240 : i32 to index
      %get3A_520 = arith.constant 320 : index
      %get3A_521 = tpu.vector_load %arg7[%get3A_519, %get3A_520] {strides = array<i32>} : memref<96x384xf32, #tpu.memory_space<vmem>>, vector<1x16xf32>,
      %get3A_522 = vector.shape_cast %get3A_521 : vector<1x16xf32> to vector<16xf32>
      %get3A_523 = arith.index_cast %scan3A_240 : i32 to index
      %get3A_524 = arith.constant 320 : index
      %get3A_525 = tpu.vector_load %arg8[%get3A_523, %get3A_524] {strides = array<i32>} : memref<96x384xf32, #tpu.memory_space<vmem>>, vector<1x16xf32>,
      %get3A_526 = vector.shape_cast %get3A_525 : vector<1x16xf32> to vector<16xf32>
      %add3A_527 = arith.addf %get3A_522, %get3A_526 : vector<16xf32>
      %swap3A_528 = arith.index_cast %scan3A_240 : i32 to index
      %swap3A_529 = arith.constant 320 : index
      %swap3A_530 = tpu.vector_load %arg9[%swap3A_528, %swap3A_529] {strides = array<i32>} : memref<96x384xf32, #tpu.memory_space<vmem>>, vector<1x16xf32>,
      %swap3A_531 = vector.shape_cast %swap3A_530 : vector<1x16xf32> to vector<16xf32>
      %swap3A_532 = vector.shape_cast %add3A_527 : vector<16xf32> to vector<1x16xf32>
      tpu.vector_store %arg9[%swap3A_528, %swap3A_529], %swap3A_532 {strides = array<i32>} : memref<96x384xf32, #tpu.memory_space<vmem>>, vector<1x16xf32>,
      %get3A_533 = arith.index_cast %scan3A_240 : i32 to index
      %get3A_534 = arith.constant 336 : index
      %get3A_535 = tpu.vector_load %arg7[%get3A_533, %get3A_534] {strides = array<i32>} : memref<96x384xf32, #tpu.memory_space<vmem>>, vector<1x16xf32>,
      %get3A_536 = vector.shape_cast %get3A_535 : vector<1x16xf32> to vector<16xf32>
      %get3A_537 = arith.index_cast %scan3A_240 : i32 to index
      %get3A_538 = arith.constant 336 : index
      %get3A_539 = tpu.vector_load %arg8[%get3A_537, %get3A_538] {strides = array<i32>} : memref<96x384xf32, #tpu.memory_space<vmem>>, vector<1x16xf32>,
      %get3A_540 = vector.shape_cast %get3A_539 : vector<1x16xf32> to vector<16xf32>
      %add3A_541 = arith.addf %get3A_536, %get3A_540 : vector<16xf32>
      %swap3A_542 = arith.index_cast %scan3A_240 : i32 to index
      %swap3A_543 = arith.constant 336 : index
      %swap3A_544 = tpu.vector_load %arg9[%swap3A_542, %swap3A_543] {strides = array<i32>} : memref<96x384xf32, #tpu.memory_space<vmem>>, vector<1x16xf32>,
      %swap3A_545 = vector.shape_cast %swap3A_544 : vector<1x16xf32> to vector<16xf32>
      %swap3A_546 = vector.shape_cast %add3A_541 : vector<16xf32> to vector<1x16xf32>
      tpu.vector_store %arg9[%swap3A_542, %swap3A_543], %swap3A_546 {strides = array<i32>} : memref<96x384xf32, #tpu.memory_space<vmem>>, vector<1x16xf32>,
      %get3A_547 = arith.index_cast %scan3A_240 : i32 to index
      %get3A_548 = arith.constant 352 : index
      %get3A_549 = tpu.vector_load %arg7[%get3A_547, %get3A_548] {strides = array<i32>} : memref<96x384xf32, #tpu.memory_space<vmem>>, vector<1x16xf32>,
      %get3A_550 = vector.shape_cast %get3A_549 : vector<1x16xf32> to vector<16xf32>
      %get3A_551 = arith.index_cast %scan3A_240 : i32 to index
      %get3A_552 = arith.constant 352 : index
      %get3A_553 = tpu.vector_load %arg8[%get3A_551, %get3A_552] {strides = array<i32>} : memref<96x384xf32, #tpu.memory_space<vmem>>, vector<1x16xf32>,
      %get3A_554 = vector.shape_cast %get3A_553 : vector<1x16xf32> to vector<16xf32>
      %add3A_555 = arith.addf %get3A_550, %get3A_554 : vector<16xf32>
      %swap3A_556 = arith.index_cast %scan3A_240 : i32 to index
      %swap3A_557 = arith.constant 352 : index
      %swap3A_558 = tpu.vector_load %arg9[%swap3A_556, %swap3A_557] {strides = array<i32>} : memref<96x384xf32, #tpu.memory_space<vmem>>, vector<1x16xf32>,
      %swap3A_559 = vector.shape_cast %swap3A_558 : vector<1x16xf32> to vector<16xf32>
      %swap3A_560 = vector.shape_cast %add3A_555 : vector<16xf32> to vector<1x16xf32>
      tpu.vector_store %arg9[%swap3A_556, %swap3A_557], %swap3A_560 {strides = array<i32>} : memref<96x384xf32, #tpu.memory_space<vmem>>, vector<1x16xf32>,
      %get3A_561 = arith.index_cast %scan3A_240 : i32 to index
      %get3A_562 = arith.constant 368 : index
      %get3A_563 = tpu.vector_load %arg7[%get3A_561, %get3A_562] {strides = array<i32>} : memref<96x384xf32, #tpu.memory_space<vmem>>, vector<1x16xf32>,
      %get3A_564 = vector.shape_cast %get3A_563 : vector<1x16xf32> to vector<16xf32>
      %get3A_565 = arith.index_cast %scan3A_240 : i32 to index
      %get3A_566 = arith.constant 368 : index
      %get3A_567 = tpu.vector_load %arg8[%get3A_565, %get3A_566] {strides = array<i32>} : memref<96x384xf32, #tpu.memory_space<vmem>>, vector<1x16xf32>,
      %get3A_568 = vector.shape_cast %get3A_567 : vector<1x16xf32> to vector<16xf32>
      %add3A_569 = arith.addf %get3A_564, %get3A_568 : vector<16xf32>
      %swap3A_570 = arith.index_cast %scan3A_240 : i32 to index
      %swap3A_571 = arith.constant 368 : index
      %swap3A_572 = tpu.vector_load %arg9[%swap3A_570, %swap3A_571] {strides = array<i32>} : memref<96x384xf32, #tpu.memory_space<vmem>>, vector<1x16xf32>,
      %swap3A_573 = vector.shape_cast %swap3A_572 : vector<1x16xf32> to vector<16xf32>
      %swap3A_574 = vector.shape_cast %add3A_569 : vector<16xf32> to vector<1x16xf32>
      tpu.vector_store %arg9[%swap3A_570, %swap3A_571], %swap3A_574 {strides = array<i32>} : memref<96x384xf32, #tpu.memory_space<vmem>>, vector<1x16xf32>,
    }
    %scan3A_111 = arith.constant 96 : i32
    %dma_start3A_112 = arith.constant 0 : i32
    %dma_start3A_113 = tpu.memref_slice %arg5[%add3A_77, %dma_start3A_112] : memref<18432x384xf32, #tpu.memory_space<hbm>> -> memref<96x384xf32, #tpu.memory_space<hbm>>
    %dma_start3A_114 = arith.constant 0 : i32
    %dma_start3A_115 = tpu.memref_slice %arg5[%add3A_77, %dma_start3A_114] : memref<18432x384xf32, #tpu.memory_space<hbm>> -> memref<96x384xf32, #tpu.memory_space<hbm>>
    tpu.enqueue_dma source(%arg9 : memref<96x384xf32, #tpu.memory_space<vmem>>) target(%dma_start3A_115 : memref<96x384xf32, #tpu.memory_space<hbm>>) target_semaphore(%arg12 : memref<!tpu.dma_semaphore, #tpu.memory_space<semaphore_mem>>)
    %add3A_116 = arith.constant 288 : i32
    %add3A_117 = arith.addi %mul3A_2, %add3A_116 : i32
    %dma_start3A_118 = arith.constant 0 : i32
    %dma_start3A_119 = tpu.memref_slice %arg2[%add3A_117, %dma_start3A_118] : memref<18432x384xf32, #tpu.memory_space<hbm>> -> memref<96x384xf32, #tpu.memory_space<hbm>>
    %dma_start3A_120 = arith.constant 0 : i32
    %dma_start3A_121 = tpu.memref_slice %arg2[%add3A_117, %dma_start3A_120] : memref<18432x384xf32, #tpu.memory_space<hbm>> -> memref<96x384xf32, #tpu.memory_space<hbm>>
    tpu.enqueue_dma source(%dma_start3A_121 : memref<96x384xf32, #tpu.memory_space<hbm>>) target(%arg7 : memref<96x384xf32, #tpu.memory_space<vmem>>) target_semaphore(%arg10 : memref<!tpu.dma_semaphore, #tpu.memory_space<semaphore_mem>>)
    %dma_start3A_122 = arith.constant 0 : i32
    %dma_start3A_123 = arith.constant 3 : i32
    %dma_start3A_124 = arith.constant 0 : i32
    %dma_start3A_125 = tpu.memref_slice %arg6[%dma_start3A_122, %dma_start3A_123, %dma_start3A_124] : memref<1x6x96xi32, #tpu.memory_space<vmem>> -> memref<1x1x96xi32, #tpu.memory_space<vmem>>
    %dma_start3A_126 = tpu.memref_squeeze %dma_start3A_125 : memref<1x1x96xi32, #tpu.memory_space<vmem>> -> memref<96xi32, #tpu.memory_space<vmem>>
    %dma_start3A_127 = arith.constant 0 : i32
    %dma_start3A_128 = arith.constant 0 : i32
    %dma_start3A_129 = tpu.memref_slice %arg4[%dma_start3A_127, %dma_start3A_128] : memref<196x384xf32, #tpu.memory_space<hbm>> -> memref<196x384xf32, #tpu.memory_space<hbm>>
    tpu.enqueue_indirect_dma source(%dma_start3A_129 : memref<196x384xf32, #tpu.memory_space<hbm>>) target(%arg8 : memref<96x384xf32, #tpu.memory_space<vmem>>) offsets(%dma_start3A_126 : memref<96xi32, #tpu.memory_space<vmem>>) semaphore(%arg11 : memref<!tpu.dma_semaphore, #tpu.memory_space<semaphore_mem>>)
    %dma_wait3A_130 = arith.constant 0 : i32
    %dma_wait3A_131 = tpu.memref_slice %arg2[%add3A_117, %dma_wait3A_130] : memref<18432x384xf32, #tpu.memory_space<hbm>> -> memref<96x384xf32, #tpu.memory_space<hbm>>
    %dma_wait3A_132 = arith.constant 0 : i32
    %dma_wait3A_133 = tpu.memref_slice %arg2[%add3A_117, %dma_wait3A_132] : memref<18432x384xf32, #tpu.memory_space<hbm>> -> memref<96x384xf32, #tpu.memory_space<hbm>>
    tpu.wait_dma2 semaphore(%arg10 : memref<!tpu.dma_semaphore, #tpu.memory_space<semaphore_mem>>) src(%dma_wait3A_133 : memref<96x384xf32, #tpu.memory_space<hbm>>) dst(%arg7 : memref<96x384xf32, #tpu.memory_space<vmem>>)
    %dma_wait3A_134 = arith.constant 0 : i32
    %dma_wait3A_135 = arith.constant 3 : i32
    %dma_wait3A_136 = arith.constant 0 : i32
    %dma_wait3A_137 = tpu.memref_slice %arg6[%dma_wait3A_134, %dma_wait3A_135, %dma_wait3A_136] : memref<1x6x96xi32, #tpu.memory_space<vmem>> -> memref<1x1x96xi32, #tpu.memory_space<vmem>>
    %dma_wait3A_138 = tpu.memref_squeeze %dma_wait3A_137 : memref<1x1x96xi32, #tpu.memory_space<vmem>> -> memref<96xi32, #tpu.memory_space<vmem>>
    %dma_wait3A_139 = arith.constant 0 : i32
    %dma_wait3A_140 = arith.constant 0 : i32
    %dma_wait3A_141 = tpu.memref_slice %arg4[%dma_wait3A_139, %dma_wait3A_140] : memref<196x384xf32, #tpu.memory_space<hbm>> -> memref<196x384xf32, #tpu.memory_space<hbm>>
    tpu.wait_indirect_dma semaphore(%arg11 : memref<!tpu.dma_semaphore, #tpu.memory_space<semaphore_mem>>) src(%dma_wait3A_141 : memref<196x384xf32, #tpu.memory_space<hbm>>) dst(%arg8 : memref<96x384xf32, #tpu.memory_space<vmem>>)
    %dma_wait3A_142 = arith.constant 0 : i32
    %dma_wait3A_143 = tpu.memref_slice %arg5[%add3A_77, %dma_wait3A_142] : memref<18432x384xf32, #tpu.memory_space<hbm>> -> memref<96x384xf32, #tpu.memory_space<hbm>>
    %dma_wait3A_144 = arith.constant 0 : i32
    %dma_wait3A_145 = tpu.memref_slice %arg5[%add3A_77, %dma_wait3A_144] : memref<18432x384xf32, #tpu.memory_space<hbm>> -> memref<96x384xf32, #tpu.memory_space<hbm>>
    tpu.wait_dma2 semaphore(%arg12 : memref<!tpu.dma_semaphore, #tpu.memory_space<semaphore_mem>>) src(%arg9 : memref<96x384xf32, #tpu.memory_space<vmem>>) dst(%dma_wait3A_145 : memref<96x384xf32, #tpu.memory_space<hbm>>)
    %scan3A_146 = arith.constant 0 : i32
    %scan3A_147 = arith.constant 0 : i32
    %scan3A_148 = arith.constant 96 : i32
    %scan3A_149 = arith.addi %scan3A_147, %scan3A_148 : i32
    %scan3A_150 = arith.constant 1 : i32
    scf.for %scan3A_240 = %scan3A_147 to %scan3A_149 step %scan3A_150  : i32 {
      %get3A = arith.index_cast %scan3A_240 : i32 to index
      %get3A_241 = arith.constant 0 : index
      %get3A_242 = tpu.vector_load %arg7[%get3A, %get3A_241] {strides = array<i32>} : memref<96x384xf32, #tpu.memory_space<vmem>>, vector<1x16xf32>,
      %get3A_243 = vector.shape_cast %get3A_242 : vector<1x16xf32> to vector<16xf32>
      %get3A_244 = arith.index_cast %scan3A_240 : i32 to index
      %get3A_245 = arith.constant 0 : index
      %get3A_246 = tpu.vector_load %arg8[%get3A_244, %get3A_245] {strides = array<i32>} : memref<96x384xf32, #tpu.memory_space<vmem>>, vector<1x16xf32>,
      %get3A_247 = vector.shape_cast %get3A_246 : vector<1x16xf32> to vector<16xf32>
      %add3A_248 = arith.addf %get3A_243, %get3A_247 : vector<16xf32>
      %swap3A = arith.index_cast %scan3A_240 : i32 to index
      %swap3A_249 = arith.constant 0 : index
      %swap3A_250 = tpu.vector_load %arg9[%swap3A, %swap3A_249] {strides = array<i32>} : memref<96x384xf32, #tpu.memory_space<vmem>>, vector<1x16xf32>,
      %swap3A_251 = vector.shape_cast %swap3A_250 : vector<1x16xf32> to vector<16xf32>
      %swap3A_252 = vector.shape_cast %add3A_248 : vector<16xf32> to vector<1x16xf32>
      tpu.vector_store %arg9[%swap3A, %swap3A_249], %swap3A_252 {strides = array<i32>} : memref<96x384xf32, #tpu.memory_space<vmem>>, vector<1x16xf32>,
      %get3A_253 = arith.index_cast %scan3A_240 : i32 to index
      %get3A_254 = arith.constant 16 : index
      %get3A_255 = tpu.vector_load %arg7[%get3A_253, %get3A_254] {strides = array<i32>} : memref<96x384xf32, #tpu.memory_space<vmem>>, vector<1x16xf32>,
      %get3A_256 = vector.shape_cast %get3A_255 : vector<1x16xf32> to vector<16xf32>
      %get3A_257 = arith.index_cast %scan3A_240 : i32 to index
      %get3A_258 = arith.constant 16 : index
      %get3A_259 = tpu.vector_load %arg8[%get3A_257, %get3A_258] {strides = array<i32>} : memref<96x384xf32, #tpu.memory_space<vmem>>, vector<1x16xf32>,
      %get3A_260 = vector.shape_cast %get3A_259 : vector<1x16xf32> to vector<16xf32>
      %add3A_261 = arith.addf %get3A_256, %get3A_260 : vector<16xf32>
      %swap3A_262 = arith.index_cast %scan3A_240 : i32 to index
      %swap3A_263 = arith.constant 16 : index
      %swap3A_264 = tpu.vector_load %arg9[%swap3A_262, %swap3A_263] {strides = array<i32>} : memref<96x384xf32, #tpu.memory_space<vmem>>, vector<1x16xf32>,
      %swap3A_265 = vector.shape_cast %swap3A_264 : vector<1x16xf32> to vector<16xf32>
      %swap3A_266 = vector.shape_cast %add3A_261 : vector<16xf32> to vector<1x16xf32>
      tpu.vector_store %arg9[%swap3A_262, %swap3A_263], %swap3A_266 {strides = array<i32>} : memref<96x384xf32, #tpu.memory_space<vmem>>, vector<1x16xf32>,
      %get3A_267 = arith.index_cast %scan3A_240 : i32 to index
      %get3A_268 = arith.constant 32 : index
      %get3A_269 = tpu.vector_load %arg7[%get3A_267, %get3A_268] {strides = array<i32>} : memref<96x384xf32, #tpu.memory_space<vmem>>, vector<1x16xf32>,
      %get3A_270 = vector.shape_cast %get3A_269 : vector<1x16xf32> to vector<16xf32>
      %get3A_271 = arith.index_cast %scan3A_240 : i32 to index
      %get3A_272 = arith.constant 32 : index
      %get3A_273 = tpu.vector_load %arg8[%get3A_271, %get3A_272] {strides = array<i32>} : memref<96x384xf32, #tpu.memory_space<vmem>>, vector<1x16xf32>,
      %get3A_274 = vector.shape_cast %get3A_273 : vector<1x16xf32> to vector<16xf32>
      %add3A_275 = arith.addf %get3A_270, %get3A_274 : vector<16xf32>
      %swap3A_276 = arith.index_cast %scan3A_240 : i32 to index
      %swap3A_277 = arith.constant 32 : index
      %swap3A_278 = tpu.vector_load %arg9[%swap3A_276, %swap3A_277] {strides = array<i32>} : memref<96x384xf32, #tpu.memory_space<vmem>>, vector<1x16xf32>,
      %swap3A_279 = vector.shape_cast %swap3A_278 : vector<1x16xf32> to vector<16xf32>
      %swap3A_280 = vector.shape_cast %add3A_275 : vector<16xf32> to vector<1x16xf32>
      tpu.vector_store %arg9[%swap3A_276, %swap3A_277], %swap3A_280 {strides = array<i32>} : memref<96x384xf32, #tpu.memory_space<vmem>>, vector<1x16xf32>,
      %get3A_281 = arith.index_cast %scan3A_240 : i32 to index
      %get3A_282 = arith.constant 48 : index
      %get3A_283 = tpu.vector_load %arg7[%get3A_281, %get3A_282] {strides = array<i32>} : memref<96x384xf32, #tpu.memory_space<vmem>>, vector<1x16xf32>,
      %get3A_284 = vector.shape_cast %get3A_283 : vector<1x16xf32> to vector<16xf32>
      %get3A_285 = arith.index_cast %scan3A_240 : i32 to index
      %get3A_286 = arith.constant 48 : index
      %get3A_287 = tpu.vector_load %arg8[%get3A_285, %get3A_286] {strides = array<i32>} : memref<96x384xf32, #tpu.memory_space<vmem>>, vector<1x16xf32>,
      %get3A_288 = vector.shape_cast %get3A_287 : vector<1x16xf32> to vector<16xf32>
      %add3A_289 = arith.addf %get3A_284, %get3A_288 : vector<16xf32>
      %swap3A_290 = arith.index_cast %scan3A_240 : i32 to index
      %swap3A_291 = arith.constant 48 : index
      %swap3A_292 = tpu.vector_load %arg9[%swap3A_290, %swap3A_291] {strides = array<i32>} : memref<96x384xf32, #tpu.memory_space<vmem>>, vector<1x16xf32>,
      %swap3A_293 = vector.shape_cast %swap3A_292 : vector<1x16xf32> to vector<16xf32>
      %swap3A_294 = vector.shape_cast %add3A_289 : vector<16xf32> to vector<1x16xf32>
      tpu.vector_store %arg9[%swap3A_290, %swap3A_291], %swap3A_294 {strides = array<i32>} : memref<96x384xf32, #tpu.memory_space<vmem>>, vector<1x16xf32>,
      %get3A_295 = arith.index_cast %scan3A_240 : i32 to index
      %get3A_296 = arith.constant 64 : index
      %get3A_297 = tpu.vector_load %arg7[%get3A_295, %get3A_296] {strides = array<i32>} : memref<96x384xf32, #tpu.memory_space<vmem>>, vector<1x16xf32>,
      %get3A_298 = vector.shape_cast %get3A_297 : vector<1x16xf32> to vector<16xf32>
      %get3A_299 = arith.index_cast %scan3A_240 : i32 to index
      %get3A_300 = arith.constant 64 : index
      %get3A_301 = tpu.vector_load %arg8[%get3A_299, %get3A_300] {strides = array<i32>} : memref<96x384xf32, #tpu.memory_space<vmem>>, vector<1x16xf32>,
      %get3A_302 = vector.shape_cast %get3A_301 : vector<1x16xf32> to vector<16xf32>
      %add3A_303 = arith.addf %get3A_298, %get3A_302 : vector<16xf32>
      %swap3A_304 = arith.index_cast %scan3A_240 : i32 to index
      %swap3A_305 = arith.constant 64 : index
      %swap3A_306 = tpu.vector_load %arg9[%swap3A_304, %swap3A_305] {strides = array<i32>} : memref<96x384xf32, #tpu.memory_space<vmem>>, vector<1x16xf32>,
      %swap3A_307 = vector.shape_cast %swap3A_306 : vector<1x16xf32> to vector<16xf32>
      %swap3A_308 = vector.shape_cast %add3A_303 : vector<16xf32> to vector<1x16xf32>
      tpu.vector_store %arg9[%swap3A_304, %swap3A_305], %swap3A_308 {strides = array<i32>} : memref<96x384xf32, #tpu.memory_space<vmem>>, vector<1x16xf32>,
      %get3A_309 = arith.index_cast %scan3A_240 : i32 to index
      %get3A_310 = arith.constant 80 : index
      %get3A_311 = tpu.vector_load %arg7[%get3A_309, %get3A_310] {strides = array<i32>} : memref<96x384xf32, #tpu.memory_space<vmem>>, vector<1x16xf32>,
      %get3A_312 = vector.shape_cast %get3A_311 : vector<1x16xf32> to vector<16xf32>
      %get3A_313 = arith.index_cast %scan3A_240 : i32 to index
      %get3A_314 = arith.constant 80 : index
      %get3A_315 = tpu.vector_load %arg8[%get3A_313, %get3A_314] {strides = array<i32>} : memref<96x384xf32, #tpu.memory_space<vmem>>, vector<1x16xf32>,
      %get3A_316 = vector.shape_cast %get3A_315 : vector<1x16xf32> to vector<16xf32>
      %add3A_317 = arith.addf %get3A_312, %get3A_316 : vector<16xf32>
      %swap3A_318 = arith.index_cast %scan3A_240 : i32 to index
      %swap3A_319 = arith.constant 80 : index
      %swap3A_320 = tpu.vector_load %arg9[%swap3A_318, %swap3A_319] {strides = array<i32>} : memref<96x384xf32, #tpu.memory_space<vmem>>, vector<1x16xf32>,
      %swap3A_321 = vector.shape_cast %swap3A_320 : vector<1x16xf32> to vector<16xf32>
      %swap3A_322 = vector.shape_cast %add3A_317 : vector<16xf32> to vector<1x16xf32>
      tpu.vector_store %arg9[%swap3A_318, %swap3A_319], %swap3A_322 {strides = array<i32>} : memref<96x384xf32, #tpu.memory_space<vmem>>, vector<1x16xf32>,
      %get3A_323 = arith.index_cast %scan3A_240 : i32 to index
      %get3A_324 = arith.constant 96 : index
      %get3A_325 = tpu.vector_load %arg7[%get3A_323, %get3A_324] {strides = array<i32>} : memref<96x384xf32, #tpu.memory_space<vmem>>, vector<1x16xf32>,
      %get3A_326 = vector.shape_cast %get3A_325 : vector<1x16xf32> to vector<16xf32>
      %get3A_327 = arith.index_cast %scan3A_240 : i32 to index
      %get3A_328 = arith.constant 96 : index
      %get3A_329 = tpu.vector_load %arg8[%get3A_327, %get3A_328] {strides = array<i32>} : memref<96x384xf32, #tpu.memory_space<vmem>>, vector<1x16xf32>,
      %get3A_330 = vector.shape_cast %get3A_329 : vector<1x16xf32> to vector<16xf32>
      %add3A_331 = arith.addf %get3A_326, %get3A_330 : vector<16xf32>
      %swap3A_332 = arith.index_cast %scan3A_240 : i32 to index
      %swap3A_333 = arith.constant 96 : index
      %swap3A_334 = tpu.vector_load %arg9[%swap3A_332, %swap3A_333] {strides = array<i32>} : memref<96x384xf32, #tpu.memory_space<vmem>>, vector<1x16xf32>,
      %swap3A_335 = vector.shape_cast %swap3A_334 : vector<1x16xf32> to vector<16xf32>
      %swap3A_336 = vector.shape_cast %add3A_331 : vector<16xf32> to vector<1x16xf32>
      tpu.vector_store %arg9[%swap3A_332, %swap3A_333], %swap3A_336 {strides = array<i32>} : memref<96x384xf32, #tpu.memory_space<vmem>>, vector<1x16xf32>,
      %get3A_337 = arith.index_cast %scan3A_240 : i32 to index
      %get3A_338 = arith.constant 112 : index
      %get3A_339 = tpu.vector_load %arg7[%get3A_337, %get3A_338] {strides = array<i32>} : memref<96x384xf32, #tpu.memory_space<vmem>>, vector<1x16xf32>,
      %get3A_340 = vector.shape_cast %get3A_339 : vector<1x16xf32> to vector<16xf32>
      %get3A_341 = arith.index_cast %scan3A_240 : i32 to index
      %get3A_342 = arith.constant 112 : index
      %get3A_343 = tpu.vector_load %arg8[%get3A_341, %get3A_342] {strides = array<i32>} : memref<96x384xf32, #tpu.memory_space<vmem>>, vector<1x16xf32>,
      %get3A_344 = vector.shape_cast %get3A_343 : vector<1x16xf32> to vector<16xf32>
      %add3A_345 = arith.addf %get3A_340, %get3A_344 : vector<16xf32>
      %swap3A_346 = arith.index_cast %scan3A_240 : i32 to index
      %swap3A_347 = arith.constant 112 : index
      %swap3A_348 = tpu.vector_load %arg9[%swap3A_346, %swap3A_347] {strides = array<i32>} : memref<96x384xf32, #tpu.memory_space<vmem>>, vector<1x16xf32>,
      %swap3A_349 = vector.shape_cast %swap3A_348 : vector<1x16xf32> to vector<16xf32>
      %swap3A_350 = vector.shape_cast %add3A_345 : vector<16xf32> to vector<1x16xf32>
      tpu.vector_store %arg9[%swap3A_346, %swap3A_347], %swap3A_350 {strides = array<i32>} : memref<96x384xf32, #tpu.memory_space<vmem>>, vector<1x16xf32>,
      %get3A_351 = arith.index_cast %scan3A_240 : i32 to index
      %get3A_352 = arith.constant 128 : index
      %get3A_353 = tpu.vector_load %arg7[%get3A_351, %get3A_352] {strides = array<i32>} : memref<96x384xf32, #tpu.memory_space<vmem>>, vector<1x16xf32>,
      %get3A_354 = vector.shape_cast %get3A_353 : vector<1x16xf32> to vector<16xf32>
      %get3A_355 = arith.index_cast %scan3A_240 : i32 to index
      %get3A_356 = arith.constant 128 : index
      %get3A_357 = tpu.vector_load %arg8[%get3A_355, %get3A_356] {strides = array<i32>} : memref<96x384xf32, #tpu.memory_space<vmem>>, vector<1x16xf32>,
      %get3A_358 = vector.shape_cast %get3A_357 : vector<1x16xf32> to vector<16xf32>
      %add3A_359 = arith.addf %get3A_354, %get3A_358 : vector<16xf32>
      %swap3A_360 = arith.index_cast %scan3A_240 : i32 to index
      %swap3A_361 = arith.constant 128 : index
      %swap3A_362 = tpu.vector_load %arg9[%swap3A_360, %swap3A_361] {strides = array<i32>} : memref<96x384xf32, #tpu.memory_space<vmem>>, vector<1x16xf32>,
      %swap3A_363 = vector.shape_cast %swap3A_362 : vector<1x16xf32> to vector<16xf32>
      %swap3A_364 = vector.shape_cast %add3A_359 : vector<16xf32> to vector<1x16xf32>
      tpu.vector_store %arg9[%swap3A_360, %swap3A_361], %swap3A_364 {strides = array<i32>} : memref<96x384xf32, #tpu.memory_space<vmem>>, vector<1x16xf32>,
      %get3A_365 = arith.index_cast %scan3A_240 : i32 to index
      %get3A_366 = arith.constant 144 : index
      %get3A_367 = tpu.vector_load %arg7[%get3A_365, %get3A_366] {strides = array<i32>} : memref<96x384xf32, #tpu.memory_space<vmem>>, vector<1x16xf32>,
      %get3A_368 = vector.shape_cast %get3A_367 : vector<1x16xf32> to vector<16xf32>
      %get3A_369 = arith.index_cast %scan3A_240 : i32 to index
      %get3A_370 = arith.constant 144 : index
      %get3A_371 = tpu.vector_load %arg8[%get3A_369, %get3A_370] {strides = array<i32>} : memref<96x384xf32, #tpu.memory_space<vmem>>, vector<1x16xf32>,
      %get3A_372 = vector.shape_cast %get3A_371 : vector<1x16xf32> to vector<16xf32>
      %add3A_373 = arith.addf %get3A_368, %get3A_372 : vector<16xf32>
      %swap3A_374 = arith.index_cast %scan3A_240 : i32 to index
      %swap3A_375 = arith.constant 144 : index
      %swap3A_376 = tpu.vector_load %arg9[%swap3A_374, %swap3A_375] {strides = array<i32>} : memref<96x384xf32, #tpu.memory_space<vmem>>, vector<1x16xf32>,
      %swap3A_377 = vector.shape_cast %swap3A_376 : vector<1x16xf32> to vector<16xf32>
      %swap3A_378 = vector.shape_cast %add3A_373 : vector<16xf32> to vector<1x16xf32>
      tpu.vector_store %arg9[%swap3A_374, %swap3A_375], %swap3A_378 {strides = array<i32>} : memref<96x384xf32, #tpu.memory_space<vmem>>, vector<1x16xf32>,
      %get3A_379 = arith.index_cast %scan3A_240 : i32 to index
      %get3A_380 = arith.constant 160 : index
      %get3A_381 = tpu.vector_load %arg7[%get3A_379, %get3A_380] {strides = array<i32>} : memref<96x384xf32, #tpu.memory_space<vmem>>, vector<1x16xf32>,
      %get3A_382 = vector.shape_cast %get3A_381 : vector<1x16xf32> to vector<16xf32>
      %get3A_383 = arith.index_cast %scan3A_240 : i32 to index
      %get3A_384 = arith.constant 160 : index
      %get3A_385 = tpu.vector_load %arg8[%get3A_383, %get3A_384] {strides = array<i32>} : memref<96x384xf32, #tpu.memory_space<vmem>>, vector<1x16xf32>,
      %get3A_386 = vector.shape_cast %get3A_385 : vector<1x16xf32> to vector<16xf32>
      %add3A_387 = arith.addf %get3A_382, %get3A_386 : vector<16xf32>
      %swap3A_388 = arith.index_cast %scan3A_240 : i32 to index
      %swap3A_389 = arith.constant 160 : index
      %swap3A_390 = tpu.vector_load %arg9[%swap3A_388, %swap3A_389] {strides = array<i32>} : memref<96x384xf32, #tpu.memory_space<vmem>>, vector<1x16xf32>,
      %swap3A_391 = vector.shape_cast %swap3A_390 : vector<1x16xf32> to vector<16xf32>
      %swap3A_392 = vector.shape_cast %add3A_387 : vector<16xf32> to vector<1x16xf32>
      tpu.vector_store %arg9[%swap3A_388, %swap3A_389], %swap3A_392 {strides = array<i32>} : memref<96x384xf32, #tpu.memory_space<vmem>>, vector<1x16xf32>,
      %get3A_393 = arith.index_cast %scan3A_240 : i32 to index
      %get3A_394 = arith.constant 176 : index
      %get3A_395 = tpu.vector_load %arg7[%get3A_393, %get3A_394] {strides = array<i32>} : memref<96x384xf32, #tpu.memory_space<vmem>>, vector<1x16xf32>,
      %get3A_396 = vector.shape_cast %get3A_395 : vector<1x16xf32> to vector<16xf32>
      %get3A_397 = arith.index_cast %scan3A_240 : i32 to index
      %get3A_398 = arith.constant 176 : index
      %get3A_399 = tpu.vector_load %arg8[%get3A_397, %get3A_398] {strides = array<i32>} : memref<96x384xf32, #tpu.memory_space<vmem>>, vector<1x16xf32>,
      %get3A_400 = vector.shape_cast %get3A_399 : vector<1x16xf32> to vector<16xf32>
      %add3A_401 = arith.addf %get3A_396, %get3A_400 : vector<16xf32>
      %swap3A_402 = arith.index_cast %scan3A_240 : i32 to index
      %swap3A_403 = arith.constant 176 : index
      %swap3A_404 = tpu.vector_load %arg9[%swap3A_402, %swap3A_403] {strides = array<i32>} : memref<96x384xf32, #tpu.memory_space<vmem>>, vector<1x16xf32>,
      %swap3A_405 = vector.shape_cast %swap3A_404 : vector<1x16xf32> to vector<16xf32>
      %swap3A_406 = vector.shape_cast %add3A_401 : vector<16xf32> to vector<1x16xf32>
      tpu.vector_store %arg9[%swap3A_402, %swap3A_403], %swap3A_406 {strides = array<i32>} : memref<96x384xf32, #tpu.memory_space<vmem>>, vector<1x16xf32>,
      %get3A_407 = arith.index_cast %scan3A_240 : i32 to index
      %get3A_408 = arith.constant 192 : index
      %get3A_409 = tpu.vector_load %arg7[%get3A_407, %get3A_408] {strides = array<i32>} : memref<96x384xf32, #tpu.memory_space<vmem>>, vector<1x16xf32>,
      %get3A_410 = vector.shape_cast %get3A_409 : vector<1x16xf32> to vector<16xf32>
      %get3A_411 = arith.index_cast %scan3A_240 : i32 to index
      %get3A_412 = arith.constant 192 : index
      %get3A_413 = tpu.vector_load %arg8[%get3A_411, %get3A_412] {strides = array<i32>} : memref<96x384xf32, #tpu.memory_space<vmem>>, vector<1x16xf32>,
      %get3A_414 = vector.shape_cast %get3A_413 : vector<1x16xf32> to vector<16xf32>
      %add3A_415 = arith.addf %get3A_410, %get3A_414 : vector<16xf32>
      %swap3A_416 = arith.index_cast %scan3A_240 : i32 to index
      %swap3A_417 = arith.constant 192 : index
      %swap3A_418 = tpu.vector_load %arg9[%swap3A_416, %swap3A_417] {strides = array<i32>} : memref<96x384xf32, #tpu.memory_space<vmem>>, vector<1x16xf32>,
      %swap3A_419 = vector.shape_cast %swap3A_418 : vector<1x16xf32> to vector<16xf32>
      %swap3A_420 = vector.shape_cast %add3A_415 : vector<16xf32> to vector<1x16xf32>
      tpu.vector_store %arg9[%swap3A_416, %swap3A_417], %swap3A_420 {strides = array<i32>} : memref<96x384xf32, #tpu.memory_space<vmem>>, vector<1x16xf32>,
      %get3A_421 = arith.index_cast %scan3A_240 : i32 to index
      %get3A_422 = arith.constant 208 : index
      %get3A_423 = tpu.vector_load %arg7[%get3A_421, %get3A_422] {strides = array<i32>} : memref<96x384xf32, #tpu.memory_space<vmem>>, vector<1x16xf32>,
      %get3A_424 = vector.shape_cast %get3A_423 : vector<1x16xf32> to vector<16xf32>
      %get3A_425 = arith.index_cast %scan3A_240 : i32 to index
      %get3A_426 = arith.constant 208 : index
      %get3A_427 = tpu.vector_load %arg8[%get3A_425, %get3A_426] {strides = array<i32>} : memref<96x384xf32, #tpu.memory_space<vmem>>, vector<1x16xf32>,
      %get3A_428 = vector.shape_cast %get3A_427 : vector<1x16xf32> to vector<16xf32>
      %add3A_429 = arith.addf %get3A_424, %get3A_428 : vector<16xf32>
      %swap3A_430 = arith.index_cast %scan3A_240 : i32 to index
      %swap3A_431 = arith.constant 208 : index
      %swap3A_432 = tpu.vector_load %arg9[%swap3A_430, %swap3A_431] {strides = array<i32>} : memref<96x384xf32, #tpu.memory_space<vmem>>, vector<1x16xf32>,
      %swap3A_433 = vector.shape_cast %swap3A_432 : vector<1x16xf32> to vector<16xf32>
      %swap3A_434 = vector.shape_cast %add3A_429 : vector<16xf32> to vector<1x16xf32>
      tpu.vector_store %arg9[%swap3A_430, %swap3A_431], %swap3A_434 {strides = array<i32>} : memref<96x384xf32, #tpu.memory_space<vmem>>, vector<1x16xf32>,
      %get3A_435 = arith.index_cast %scan3A_240 : i32 to index
      %get3A_436 = arith.constant 224 : index
      %get3A_437 = tpu.vector_load %arg7[%get3A_435, %get3A_436] {strides = array<i32>} : memref<96x384xf32, #tpu.memory_space<vmem>>, vector<1x16xf32>,
      %get3A_438 = vector.shape_cast %get3A_437 : vector<1x16xf32> to vector<16xf32>
      %get3A_439 = arith.index_cast %scan3A_240 : i32 to index
      %get3A_440 = arith.constant 224 : index
      %get3A_441 = tpu.vector_load %arg8[%get3A_439, %get3A_440] {strides = array<i32>} : memref<96x384xf32, #tpu.memory_space<vmem>>, vector<1x16xf32>,
      %get3A_442 = vector.shape_cast %get3A_441 : vector<1x16xf32> to vector<16xf32>
      %add3A_443 = arith.addf %get3A_438, %get3A_442 : vector<16xf32>
      %swap3A_444 = arith.index_cast %scan3A_240 : i32 to index
      %swap3A_445 = arith.constant 224 : index
      %swap3A_446 = tpu.vector_load %arg9[%swap3A_444, %swap3A_445] {strides = array<i32>} : memref<96x384xf32, #tpu.memory_space<vmem>>, vector<1x16xf32>,
      %swap3A_447 = vector.shape_cast %swap3A_446 : vector<1x16xf32> to vector<16xf32>
      %swap3A_448 = vector.shape_cast %add3A_443 : vector<16xf32> to vector<1x16xf32>
      tpu.vector_store %arg9[%swap3A_444, %swap3A_445], %swap3A_448 {strides = array<i32>} : memref<96x384xf32, #tpu.memory_space<vmem>>, vector<1x16xf32>,
      %get3A_449 = arith.index_cast %scan3A_240 : i32 to index
      %get3A_450 = arith.constant 240 : index
      %get3A_451 = tpu.vector_load %arg7[%get3A_449, %get3A_450] {strides = array<i32>} : memref<96x384xf32, #tpu.memory_space<vmem>>, vector<1x16xf32>,
      %get3A_452 = vector.shape_cast %get3A_451 : vector<1x16xf32> to vector<16xf32>
      %get3A_453 = arith.index_cast %scan3A_240 : i32 to index
      %get3A_454 = arith.constant 240 : index
      %get3A_455 = tpu.vector_load %arg8[%get3A_453, %get3A_454] {strides = array<i32>} : memref<96x384xf32, #tpu.memory_space<vmem>>, vector<1x16xf32>,
      %get3A_456 = vector.shape_cast %get3A_455 : vector<1x16xf32> to vector<16xf32>
      %add3A_457 = arith.addf %get3A_452, %get3A_456 : vector<16xf32>
      %swap3A_458 = arith.index_cast %scan3A_240 : i32 to index
      %swap3A_459 = arith.constant 240 : index
      %swap3A_460 = tpu.vector_load %arg9[%swap3A_458, %swap3A_459] {strides = array<i32>} : memref<96x384xf32, #tpu.memory_space<vmem>>, vector<1x16xf32>,
      %swap3A_461 = vector.shape_cast %swap3A_460 : vector<1x16xf32> to vector<16xf32>
      %swap3A_462 = vector.shape_cast %add3A_457 : vector<16xf32> to vector<1x16xf32>
      tpu.vector_store %arg9[%swap3A_458, %swap3A_459], %swap3A_462 {strides = array<i32>} : memref<96x384xf32, #tpu.memory_space<vmem>>, vector<1x16xf32>,
      %get3A_463 = arith.index_cast %scan3A_240 : i32 to index
      %get3A_464 = arith.constant 256 : index
      %get3A_465 = tpu.vector_load %arg7[%get3A_463, %get3A_464] {strides = array<i32>} : memref<96x384xf32, #tpu.memory_space<vmem>>, vector<1x16xf32>,
      %get3A_466 = vector.shape_cast %get3A_465 : vector<1x16xf32> to vector<16xf32>
      %get3A_467 = arith.index_cast %scan3A_240 : i32 to index
      %get3A_468 = arith.constant 256 : index
      %get3A_469 = tpu.vector_load %arg8[%get3A_467, %get3A_468] {strides = array<i32>} : memref<96x384xf32, #tpu.memory_space<vmem>>, vector<1x16xf32>,
      %get3A_470 = vector.shape_cast %get3A_469 : vector<1x16xf32> to vector<16xf32>
      %add3A_471 = arith.addf %get3A_466, %get3A_470 : vector<16xf32>
      %swap3A_472 = arith.index_cast %scan3A_240 : i32 to index
      %swap3A_473 = arith.constant 256 : index
      %swap3A_474 = tpu.vector_load %arg9[%swap3A_472, %swap3A_473] {strides = array<i32>} : memref<96x384xf32, #tpu.memory_space<vmem>>, vector<1x16xf32>,
      %swap3A_475 = vector.shape_cast %swap3A_474 : vector<1x16xf32> to vector<16xf32>
      %swap3A_476 = vector.shape_cast %add3A_471 : vector<16xf32> to vector<1x16xf32>
      tpu.vector_store %arg9[%swap3A_472, %swap3A_473], %swap3A_476 {strides = array<i32>} : memref<96x384xf32, #tpu.memory_space<vmem>>, vector<1x16xf32>,
      %get3A_477 = arith.index_cast %scan3A_240 : i32 to index
      %get3A_478 = arith.constant 272 : index
      %get3A_479 = tpu.vector_load %arg7[%get3A_477, %get3A_478] {strides = array<i32>} : memref<96x384xf32, #tpu.memory_space<vmem>>, vector<1x16xf32>,
      %get3A_480 = vector.shape_cast %get3A_479 : vector<1x16xf32> to vector<16xf32>
      %get3A_481 = arith.index_cast %scan3A_240 : i32 to index
      %get3A_482 = arith.constant 272 : index
      %get3A_483 = tpu.vector_load %arg8[%get3A_481, %get3A_482] {strides = array<i32>} : memref<96x384xf32, #tpu.memory_space<vmem>>, vector<1x16xf32>,
      %get3A_484 = vector.shape_cast %get3A_483 : vector<1x16xf32> to vector<16xf32>
      %add3A_485 = arith.addf %get3A_480, %get3A_484 : vector<16xf32>
      %swap3A_486 = arith.index_cast %scan3A_240 : i32 to index
      %swap3A_487 = arith.constant 272 : index
      %swap3A_488 = tpu.vector_load %arg9[%swap3A_486, %swap3A_487] {strides = array<i32>} : memref<96x384xf32, #tpu.memory_space<vmem>>, vector<1x16xf32>,
      %swap3A_489 = vector.shape_cast %swap3A_488 : vector<1x16xf32> to vector<16xf32>
      %swap3A_490 = vector.shape_cast %add3A_485 : vector<16xf32> to vector<1x16xf32>
      tpu.vector_store %arg9[%swap3A_486, %swap3A_487], %swap3A_490 {strides = array<i32>} : memref<96x384xf32, #tpu.memory_space<vmem>>, vector<1x16xf32>,
      %get3A_491 = arith.index_cast %scan3A_240 : i32 to index
      %get3A_492 = arith.constant 288 : index
      %get3A_493 = tpu.vector_load %arg7[%get3A_491, %get3A_492] {strides = array<i32>} : memref<96x384xf32, #tpu.memory_space<vmem>>, vector<1x16xf32>,
      %get3A_494 = vector.shape_cast %get3A_493 : vector<1x16xf32> to vector<16xf32>
      %get3A_495 = arith.index_cast %scan3A_240 : i32 to index
      %get3A_496 = arith.constant 288 : index
      %get3A_497 = tpu.vector_load %arg8[%get3A_495, %get3A_496] {strides = array<i32>} : memref<96x384xf32, #tpu.memory_space<vmem>>, vector<1x16xf32>,
      %get3A_498 = vector.shape_cast %get3A_497 : vector<1x16xf32> to vector<16xf32>
      %add3A_499 = arith.addf %get3A_494, %get3A_498 : vector<16xf32>
      %swap3A_500 = arith.index_cast %scan3A_240 : i32 to index
      %swap3A_501 = arith.constant 288 : index
      %swap3A_502 = tpu.vector_load %arg9[%swap3A_500, %swap3A_501] {strides = array<i32>} : memref<96x384xf32, #tpu.memory_space<vmem>>, vector<1x16xf32>,
      %swap3A_503 = vector.shape_cast %swap3A_502 : vector<1x16xf32> to vector<16xf32>
      %swap3A_504 = vector.shape_cast %add3A_499 : vector<16xf32> to vector<1x16xf32>
      tpu.vector_store %arg9[%swap3A_500, %swap3A_501], %swap3A_504 {strides = array<i32>} : memref<96x384xf32, #tpu.memory_space<vmem>>, vector<1x16xf32>,
      %get3A_505 = arith.index_cast %scan3A_240 : i32 to index
      %get3A_506 = arith.constant 304 : index
      %get3A_507 = tpu.vector_load %arg7[%get3A_505, %get3A_506] {strides = array<i32>} : memref<96x384xf32, #tpu.memory_space<vmem>>, vector<1x16xf32>,
      %get3A_508 = vector.shape_cast %get3A_507 : vector<1x16xf32> to vector<16xf32>
      %get3A_509 = arith.index_cast %scan3A_240 : i32 to index
      %get3A_510 = arith.constant 304 : index
      %get3A_511 = tpu.vector_load %arg8[%get3A_509, %get3A_510] {strides = array<i32>} : memref<96x384xf32, #tpu.memory_space<vmem>>, vector<1x16xf32>,
      %get3A_512 = vector.shape_cast %get3A_511 : vector<1x16xf32> to vector<16xf32>
      %add3A_513 = arith.addf %get3A_508, %get3A_512 : vector<16xf32>
      %swap3A_514 = arith.index_cast %scan3A_240 : i32 to index
      %swap3A_515 = arith.constant 304 : index
      %swap3A_516 = tpu.vector_load %arg9[%swap3A_514, %swap3A_515] {strides = array<i32>} : memref<96x384xf32, #tpu.memory_space<vmem>>, vector<1x16xf32>,
      %swap3A_517 = vector.shape_cast %swap3A_516 : vector<1x16xf32> to vector<16xf32>
      %swap3A_518 = vector.shape_cast %add3A_513 : vector<16xf32> to vector<1x16xf32>
      tpu.vector_store %arg9[%swap3A_514, %swap3A_515], %swap3A_518 {strides = array<i32>} : memref<96x384xf32, #tpu.memory_space<vmem>>, vector<1x16xf32>,
      %get3A_519 = arith.index_cast %scan3A_240 : i32 to index
      %get3A_520 = arith.constant 320 : index
      %get3A_521 = tpu.vector_load %arg7[%get3A_519, %get3A_520] {strides = array<i32>} : memref<96x384xf32, #tpu.memory_space<vmem>>, vector<1x16xf32>,
      %get3A_522 = vector.shape_cast %get3A_521 : vector<1x16xf32> to vector<16xf32>
      %get3A_523 = arith.index_cast %scan3A_240 : i32 to index
      %get3A_524 = arith.constant 320 : index
      %get3A_525 = tpu.vector_load %arg8[%get3A_523, %get3A_524] {strides = array<i32>} : memref<96x384xf32, #tpu.memory_space<vmem>>, vector<1x16xf32>,
      %get3A_526 = vector.shape_cast %get3A_525 : vector<1x16xf32> to vector<16xf32>
      %add3A_527 = arith.addf %get3A_522, %get3A_526 : vector<16xf32>
      %swap3A_528 = arith.index_cast %scan3A_240 : i32 to index
      %swap3A_529 = arith.constant 320 : index
      %swap3A_530 = tpu.vector_load %arg9[%swap3A_528, %swap3A_529] {strides = array<i32>} : memref<96x384xf32, #tpu.memory_space<vmem>>, vector<1x16xf32>,
      %swap3A_531 = vector.shape_cast %swap3A_530 : vector<1x16xf32> to vector<16xf32>
      %swap3A_532 = vector.shape_cast %add3A_527 : vector<16xf32> to vector<1x16xf32>
      tpu.vector_store %arg9[%swap3A_528, %swap3A_529], %swap3A_532 {strides = array<i32>} : memref<96x384xf32, #tpu.memory_space<vmem>>, vector<1x16xf32>,
      %get3A_533 = arith.index_cast %scan3A_240 : i32 to index
      %get3A_534 = arith.constant 336 : index
      %get3A_535 = tpu.vector_load %arg7[%get3A_533, %get3A_534] {strides = array<i32>} : memref<96x384xf32, #tpu.memory_space<vmem>>, vector<1x16xf32>,
      %get3A_536 = vector.shape_cast %get3A_535 : vector<1x16xf32> to vector<16xf32>
      %get3A_537 = arith.index_cast %scan3A_240 : i32 to index
      %get3A_538 = arith.constant 336 : index
      %get3A_539 = tpu.vector_load %arg8[%get3A_537, %get3A_538] {strides = array<i32>} : memref<96x384xf32, #tpu.memory_space<vmem>>, vector<1x16xf32>,
      %get3A_540 = vector.shape_cast %get3A_539 : vector<1x16xf32> to vector<16xf32>
      %add3A_541 = arith.addf %get3A_536, %get3A_540 : vector<16xf32>
      %swap3A_542 = arith.index_cast %scan3A_240 : i32 to index
      %swap3A_543 = arith.constant 336 : index
      %swap3A_544 = tpu.vector_load %arg9[%swap3A_542, %swap3A_543] {strides = array<i32>} : memref<96x384xf32, #tpu.memory_space<vmem>>, vector<1x16xf32>,
      %swap3A_545 = vector.shape_cast %swap3A_544 : vector<1x16xf32> to vector<16xf32>
      %swap3A_546 = vector.shape_cast %add3A_541 : vector<16xf32> to vector<1x16xf32>
      tpu.vector_store %arg9[%swap3A_542, %swap3A_543], %swap3A_546 {strides = array<i32>} : memref<96x384xf32, #tpu.memory_space<vmem>>, vector<1x16xf32>,
      %get3A_547 = arith.index_cast %scan3A_240 : i32 to index
      %get3A_548 = arith.constant 352 : index
      %get3A_549 = tpu.vector_load %arg7[%get3A_547, %get3A_548] {strides = array<i32>} : memref<96x384xf32, #tpu.memory_space<vmem>>, vector<1x16xf32>,
      %get3A_550 = vector.shape_cast %get3A_549 : vector<1x16xf32> to vector<16xf32>
      %get3A_551 = arith.index_cast %scan3A_240 : i32 to index
      %get3A_552 = arith.constant 352 : index
      %get3A_553 = tpu.vector_load %arg8[%get3A_551, %get3A_552] {strides = array<i32>} : memref<96x384xf32, #tpu.memory_space<vmem>>, vector<1x16xf32>,
      %get3A_554 = vector.shape_cast %get3A_553 : vector<1x16xf32> to vector<16xf32>
      %add3A_555 = arith.addf %get3A_550, %get3A_554 : vector<16xf32>
      %swap3A_556 = arith.index_cast %scan3A_240 : i32 to index
      %swap3A_557 = arith.constant 352 : index
      %swap3A_558 = tpu.vector_load %arg9[%swap3A_556, %swap3A_557] {strides = array<i32>} : memref<96x384xf32, #tpu.memory_space<vmem>>, vector<1x16xf32>,
      %swap3A_559 = vector.shape_cast %swap3A_558 : vector<1x16xf32> to vector<16xf32>
      %swap3A_560 = vector.shape_cast %add3A_555 : vector<16xf32> to vector<1x16xf32>
      tpu.vector_store %arg9[%swap3A_556, %swap3A_557], %swap3A_560 {strides = array<i32>} : memref<96x384xf32, #tpu.memory_space<vmem>>, vector<1x16xf32>,
      %get3A_561 = arith.index_cast %scan3A_240 : i32 to index
      %get3A_562 = arith.constant 368 : index
      %get3A_563 = tpu.vector_load %arg7[%get3A_561, %get3A_562] {strides = array<i32>} : memref<96x384xf32, #tpu.memory_space<vmem>>, vector<1x16xf32>,
      %get3A_564 = vector.shape_cast %get3A_563 : vector<1x16xf32> to vector<16xf32>
      %get3A_565 = arith.index_cast %scan3A_240 : i32 to index
      %get3A_566 = arith.constant 368 : index
      %get3A_567 = tpu.vector_load %arg8[%get3A_565, %get3A_566] {strides = array<i32>} : memref<96x384xf32, #tpu.memory_space<vmem>>, vector<1x16xf32>,
      %get3A_568 = vector.shape_cast %get3A_567 : vector<1x16xf32> to vector<16xf32>
      %add3A_569 = arith.addf %get3A_564, %get3A_568 : vector<16xf32>
      %swap3A_570 = arith.index_cast %scan3A_240 : i32 to index
      %swap3A_571 = arith.constant 368 : index
      %swap3A_572 = tpu.vector_load %arg9[%swap3A_570, %swap3A_571] {strides = array<i32>} : memref<96x384xf32, #tpu.memory_space<vmem>>, vector<1x16xf32>,
      %swap3A_573 = vector.shape_cast %swap3A_572 : vector<1x16xf32> to vector<16xf32>
      %swap3A_574 = vector.shape_cast %add3A_569 : vector<16xf32> to vector<1x16xf32>
      tpu.vector_store %arg9[%swap3A_570, %swap3A_571], %swap3A_574 {strides = array<i32>} : memref<96x384xf32, #tpu.memory_space<vmem>>, vector<1x16xf32>,
    }
    %scan3A_151 = arith.constant 96 : i32
    %dma_start3A_152 = arith.constant 0 : i32
    %dma_start3A_153 = tpu.memref_slice %arg5[%add3A_117, %dma_start3A_152] : memref<18432x384xf32, #tpu.memory_space<hbm>> -> memref<96x384xf32, #tpu.memory_space<hbm>>
    %dma_start3A_154 = arith.constant 0 : i32
    %dma_start3A_155 = tpu.memref_slice %arg5[%add3A_117, %dma_start3A_154] : memref<18432x384xf32, #tpu.memory_space<hbm>> -> memref<96x384xf32, #tpu.memory_space<hbm>>
    tpu.enqueue_dma source(%arg9 : memref<96x384xf32, #tpu.memory_space<vmem>>) target(%dma_start3A_155 : memref<96x384xf32, #tpu.memory_space<hbm>>) target_semaphore(%arg12 : memref<!tpu.dma_semaphore, #tpu.memory_space<semaphore_mem>>)
    %add3A_156 = arith.constant 384 : i32
    %add3A_157 = arith.addi %mul3A_2, %add3A_156 : i32
    %dma_start3A_158 = arith.constant 0 : i32
    %dma_start3A_159 = tpu.memref_slice %arg2[%add3A_157, %dma_start3A_158] : memref<18432x384xf32, #tpu.memory_space<hbm>> -> memref<96x384xf32, #tpu.memory_space<hbm>>
    %dma_start3A_160 = arith.constant 0 : i32
    %dma_start3A_161 = tpu.memref_slice %arg2[%add3A_157, %dma_start3A_160] : memref<18432x384xf32, #tpu.memory_space<hbm>> -> memref<96x384xf32, #tpu.memory_space<hbm>>
    tpu.enqueue_dma source(%dma_start3A_161 : memref<96x384xf32, #tpu.memory_space<hbm>>) target(%arg7 : memref<96x384xf32, #tpu.memory_space<vmem>>) target_semaphore(%arg10 : memref<!tpu.dma_semaphore, #tpu.memory_space<semaphore_mem>>)
    %dma_start3A_162 = arith.constant 0 : i32
    %dma_start3A_163 = arith.constant 4 : i32
    %dma_start3A_164 = arith.constant 0 : i32
    %dma_start3A_165 = tpu.memref_slice %arg6[%dma_start3A_162, %dma_start3A_163, %dma_start3A_164] : memref<1x6x96xi32, #tpu.memory_space<vmem>> -> memref<1x1x96xi32, #tpu.memory_space<vmem>>
    %dma_start3A_166 = tpu.memref_squeeze %dma_start3A_165 : memref<1x1x96xi32, #tpu.memory_space<vmem>> -> memref<96xi32, #tpu.memory_space<vmem>>
    %dma_start3A_167 = arith.constant 0 : i32
    %dma_start3A_168 = arith.constant 0 : i32
    %dma_start3A_169 = tpu.memref_slice %arg4[%dma_start3A_167, %dma_start3A_168] : memref<196x384xf32, #tpu.memory_space<hbm>> -> memref<196x384xf32, #tpu.memory_space<hbm>>
    tpu.enqueue_indirect_dma source(%dma_start3A_169 : memref<196x384xf32, #tpu.memory_space<hbm>>) target(%arg8 : memref<96x384xf32, #tpu.memory_space<vmem>>) offsets(%dma_start3A_166 : memref<96xi32, #tpu.memory_space<vmem>>) semaphore(%arg11 : memref<!tpu.dma_semaphore, #tpu.memory_space<semaphore_mem>>)
    %dma_wait3A_170 = arith.constant 0 : i32
    %dma_wait3A_171 = tpu.memref_slice %arg2[%add3A_157, %dma_wait3A_170] : memref<18432x384xf32, #tpu.memory_space<hbm>> -> memref<96x384xf32, #tpu.memory_space<hbm>>
    %dma_wait3A_172 = arith.constant 0 : i32
    %dma_wait3A_173 = tpu.memref_slice %arg2[%add3A_157, %dma_wait3A_172] : memref<18432x384xf32, #tpu.memory_space<hbm>> -> memref<96x384xf32, #tpu.memory_space<hbm>>
    tpu.wait_dma2 semaphore(%arg10 : memref<!tpu.dma_semaphore, #tpu.memory_space<semaphore_mem>>) src(%dma_wait3A_173 : memref<96x384xf32, #tpu.memory_space<hbm>>) dst(%arg7 : memref<96x384xf32, #tpu.memory_space<vmem>>)
    %dma_wait3A_174 = arith.constant 0 : i32
    %dma_wait3A_175 = arith.constant 4 : i32
    %dma_wait3A_176 = arith.constant 0 : i32
    %dma_wait3A_177 = tpu.memref_slice %arg6[%dma_wait3A_174, %dma_wait3A_175, %dma_wait3A_176] : memref<1x6x96xi32, #tpu.memory_space<vmem>> -> memref<1x1x96xi32, #tpu.memory_space<vmem>>
    %dma_wait3A_178 = tpu.memref_squeeze %dma_wait3A_177 : memref<1x1x96xi32, #tpu.memory_space<vmem>> -> memref<96xi32, #tpu.memory_space<vmem>>
    %dma_wait3A_179 = arith.constant 0 : i32
    %dma_wait3A_180 = arith.constant 0 : i32
    %dma_wait3A_181 = tpu.memref_slice %arg4[%dma_wait3A_179, %dma_wait3A_180] : memref<196x384xf32, #tpu.memory_space<hbm>> -> memref<196x384xf32, #tpu.memory_space<hbm>>
    tpu.wait_indirect_dma semaphore(%arg11 : memref<!tpu.dma_semaphore, #tpu.memory_space<semaphore_mem>>) src(%dma_wait3A_181 : memref<196x384xf32, #tpu.memory_space<hbm>>) dst(%arg8 : memref<96x384xf32, #tpu.memory_space<vmem>>)
    %dma_wait3A_182 = arith.constant 0 : i32
    %dma_wait3A_183 = tpu.memref_slice %arg5[%add3A_117, %dma_wait3A_182] : memref<18432x384xf32, #tpu.memory_space<hbm>> -> memref<96x384xf32, #tpu.memory_space<hbm>>
    %dma_wait3A_184 = arith.constant 0 : i32
    %dma_wait3A_185 = tpu.memref_slice %arg5[%add3A_117, %dma_wait3A_184] : memref<18432x384xf32, #tpu.memory_space<hbm>> -> memref<96x384xf32, #tpu.memory_space<hbm>>
    tpu.wait_dma2 semaphore(%arg12 : memref<!tpu.dma_semaphore, #tpu.memory_space<semaphore_mem>>) src(%arg9 : memref<96x384xf32, #tpu.memory_space<vmem>>) dst(%dma_wait3A_185 : memref<96x384xf32, #tpu.memory_space<hbm>>)
    %scan3A_186 = arith.constant 0 : i32
    %scan3A_187 = arith.constant 0 : i32
    %scan3A_188 = arith.constant 96 : i32
    %scan3A_189 = arith.addi %scan3A_187, %scan3A_188 : i32
    %scan3A_190 = arith.constant 1 : i32
    scf.for %scan3A_240 = %scan3A_187 to %scan3A_189 step %scan3A_190  : i32 {
      %get3A = arith.index_cast %scan3A_240 : i32 to index
      %get3A_241 = arith.constant 0 : index
      %get3A_242 = tpu.vector_load %arg7[%get3A, %get3A_241] {strides = array<i32>} : memref<96x384xf32, #tpu.memory_space<vmem>>, vector<1x16xf32>,
      %get3A_243 = vector.shape_cast %get3A_242 : vector<1x16xf32> to vector<16xf32>
      %get3A_244 = arith.index_cast %scan3A_240 : i32 to index
      %get3A_245 = arith.constant 0 : index
      %get3A_246 = tpu.vector_load %arg8[%get3A_244, %get3A_245] {strides = array<i32>} : memref<96x384xf32, #tpu.memory_space<vmem>>, vector<1x16xf32>,
      %get3A_247 = vector.shape_cast %get3A_246 : vector<1x16xf32> to vector<16xf32>
      %add3A_248 = arith.addf %get3A_243, %get3A_247 : vector<16xf32>
      %swap3A = arith.index_cast %scan3A_240 : i32 to index
      %swap3A_249 = arith.constant 0 : index
      %swap3A_250 = tpu.vector_load %arg9[%swap3A, %swap3A_249] {strides = array<i32>} : memref<96x384xf32, #tpu.memory_space<vmem>>, vector<1x16xf32>,
      %swap3A_251 = vector.shape_cast %swap3A_250 : vector<1x16xf32> to vector<16xf32>
      %swap3A_252 = vector.shape_cast %add3A_248 : vector<16xf32> to vector<1x16xf32>
      tpu.vector_store %arg9[%swap3A, %swap3A_249], %swap3A_252 {strides = array<i32>} : memref<96x384xf32, #tpu.memory_space<vmem>>, vector<1x16xf32>,
      %get3A_253 = arith.index_cast %scan3A_240 : i32 to index
      %get3A_254 = arith.constant 16 : index
      %get3A_255 = tpu.vector_load %arg7[%get3A_253, %get3A_254] {strides = array<i32>} : memref<96x384xf32, #tpu.memory_space<vmem>>, vector<1x16xf32>,
      %get3A_256 = vector.shape_cast %get3A_255 : vector<1x16xf32> to vector<16xf32>
      %get3A_257 = arith.index_cast %scan3A_240 : i32 to index
      %get3A_258 = arith.constant 16 : index
      %get3A_259 = tpu.vector_load %arg8[%get3A_257, %get3A_258] {strides = array<i32>} : memref<96x384xf32, #tpu.memory_space<vmem>>, vector<1x16xf32>,
      %get3A_260 = vector.shape_cast %get3A_259 : vector<1x16xf32> to vector<16xf32>
      %add3A_261 = arith.addf %get3A_256, %get3A_260 : vector<16xf32>
      %swap3A_262 = arith.index_cast %scan3A_240 : i32 to index
      %swap3A_263 = arith.constant 16 : index
      %swap3A_264 = tpu.vector_load %arg9[%swap3A_262, %swap3A_263] {strides = array<i32>} : memref<96x384xf32, #tpu.memory_space<vmem>>, vector<1x16xf32>,
      %swap3A_265 = vector.shape_cast %swap3A_264 : vector<1x16xf32> to vector<16xf32>
      %swap3A_266 = vector.shape_cast %add3A_261 : vector<16xf32> to vector<1x16xf32>
      tpu.vector_store %arg9[%swap3A_262, %swap3A_263], %swap3A_266 {strides = array<i32>} : memref<96x384xf32, #tpu.memory_space<vmem>>, vector<1x16xf32>,
      %get3A_267 = arith.index_cast %scan3A_240 : i32 to index
      %get3A_268 = arith.constant 32 : index
      %get3A_269 = tpu.vector_load %arg7[%get3A_267, %get3A_268] {strides = array<i32>} : memref<96x384xf32, #tpu.memory_space<vmem>>, vector<1x16xf32>,
      %get3A_270 = vector.shape_cast %get3A_269 : vector<1x16xf32> to vector<16xf32>
      %get3A_271 = arith.index_cast %scan3A_240 : i32 to index
      %get3A_272 = arith.constant 32 : index
      %get3A_273 = tpu.vector_load %arg8[%get3A_271, %get3A_272] {strides = array<i32>} : memref<96x384xf32, #tpu.memory_space<vmem>>, vector<1x16xf32>,
      %get3A_274 = vector.shape_cast %get3A_273 : vector<1x16xf32> to vector<16xf32>
      %add3A_275 = arith.addf %get3A_270, %get3A_274 : vector<16xf32>
      %swap3A_276 = arith.index_cast %scan3A_240 : i32 to index
      %swap3A_277 = arith.constant 32 : index
      %swap3A_278 = tpu.vector_load %arg9[%swap3A_276, %swap3A_277] {strides = array<i32>} : memref<96x384xf32, #tpu.memory_space<vmem>>, vector<1x16xf32>,
      %swap3A_279 = vector.shape_cast %swap3A_278 : vector<1x16xf32> to vector<16xf32>
      %swap3A_280 = vector.shape_cast %add3A_275 : vector<16xf32> to vector<1x16xf32>
      tpu.vector_store %arg9[%swap3A_276, %swap3A_277], %swap3A_280 {strides = array<i32>} : memref<96x384xf32, #tpu.memory_space<vmem>>, vector<1x16xf32>,
      %get3A_281 = arith.index_cast %scan3A_240 : i32 to index
      %get3A_282 = arith.constant 48 : index
      %get3A_283 = tpu.vector_load %arg7[%get3A_281, %get3A_282] {strides = array<i32>} : memref<96x384xf32, #tpu.memory_space<vmem>>, vector<1x16xf32>,
      %get3A_284 = vector.shape_cast %get3A_283 : vector<1x16xf32> to vector<16xf32>
      %get3A_285 = arith.index_cast %scan3A_240 : i32 to index
      %get3A_286 = arith.constant 48 : index
      %get3A_287 = tpu.vector_load %arg8[%get3A_285, %get3A_286] {strides = array<i32>} : memref<96x384xf32, #tpu.memory_space<vmem>>, vector<1x16xf32>,
      %get3A_288 = vector.shape_cast %get3A_287 : vector<1x16xf32> to vector<16xf32>
      %add3A_289 = arith.addf %get3A_284, %get3A_288 : vector<16xf32>
      %swap3A_290 = arith.index_cast %scan3A_240 : i32 to index
      %swap3A_291 = arith.constant 48 : index
      %swap3A_292 = tpu.vector_load %arg9[%swap3A_290, %swap3A_291] {strides = array<i32>} : memref<96x384xf32, #tpu.memory_space<vmem>>, vector<1x16xf32>,
      %swap3A_293 = vector.shape_cast %swap3A_292 : vector<1x16xf32> to vector<16xf32>
      %swap3A_294 = vector.shape_cast %add3A_289 : vector<16xf32> to vector<1x16xf32>
      tpu.vector_store %arg9[%swap3A_290, %swap3A_291], %swap3A_294 {strides = array<i32>} : memref<96x384xf32, #tpu.memory_space<vmem>>, vector<1x16xf32>,
      %get3A_295 = arith.index_cast %scan3A_240 : i32 to index
      %get3A_296 = arith.constant 64 : index
      %get3A_297 = tpu.vector_load %arg7[%get3A_295, %get3A_296] {strides = array<i32>} : memref<96x384xf32, #tpu.memory_space<vmem>>, vector<1x16xf32>,
      %get3A_298 = vector.shape_cast %get3A_297 : vector<1x16xf32> to vector<16xf32>
      %get3A_299 = arith.index_cast %scan3A_240 : i32 to index
      %get3A_300 = arith.constant 64 : index
      %get3A_301 = tpu.vector_load %arg8[%get3A_299, %get3A_300] {strides = array<i32>} : memref<96x384xf32, #tpu.memory_space<vmem>>, vector<1x16xf32>,
      %get3A_302 = vector.shape_cast %get3A_301 : vector<1x16xf32> to vector<16xf32>
      %add3A_303 = arith.addf %get3A_298, %get3A_302 : vector<16xf32>
      %swap3A_304 = arith.index_cast %scan3A_240 : i32 to index
      %swap3A_305 = arith.constant 64 : index
      %swap3A_306 = tpu.vector_load %arg9[%swap3A_304, %swap3A_305] {strides = array<i32>} : memref<96x384xf32, #tpu.memory_space<vmem>>, vector<1x16xf32>,
      %swap3A_307 = vector.shape_cast %swap3A_306 : vector<1x16xf32> to vector<16xf32>
      %swap3A_308 = vector.shape_cast %add3A_303 : vector<16xf32> to vector<1x16xf32>
      tpu.vector_store %arg9[%swap3A_304, %swap3A_305], %swap3A_308 {strides = array<i32>} : memref<96x384xf32, #tpu.memory_space<vmem>>, vector<1x16xf32>,
      %get3A_309 = arith.index_cast %scan3A_240 : i32 to index
      %get3A_310 = arith.constant 80 : index
      %get3A_311 = tpu.vector_load %arg7[%get3A_309, %get3A_310] {strides = array<i32>} : memref<96x384xf32, #tpu.memory_space<vmem>>, vector<1x16xf32>,
      %get3A_312 = vector.shape_cast %get3A_311 : vector<1x16xf32> to vector<16xf32>
      %get3A_313 = arith.index_cast %scan3A_240 : i32 to index
      %get3A_314 = arith.constant 80 : index
      %get3A_315 = tpu.vector_load %arg8[%get3A_313, %get3A_314] {strides = array<i32>} : memref<96x384xf32, #tpu.memory_space<vmem>>, vector<1x16xf32>,
      %get3A_316 = vector.shape_cast %get3A_315 : vector<1x16xf32> to vector<16xf32>
      %add3A_317 = arith.addf %get3A_312, %get3A_316 : vector<16xf32>
      %swap3A_318 = arith.index_cast %scan3A_240 : i32 to index
      %swap3A_319 = arith.constant 80 : index
      %swap3A_320 = tpu.vector_load %arg9[%swap3A_318, %swap3A_319] {strides = array<i32>} : memref<96x384xf32, #tpu.memory_space<vmem>>, vector<1x16xf32>,
      %swap3A_321 = vector.shape_cast %swap3A_320 : vector<1x16xf32> to vector<16xf32>
      %swap3A_322 = vector.shape_cast %add3A_317 : vector<16xf32> to vector<1x16xf32>
      tpu.vector_store %arg9[%swap3A_318, %swap3A_319], %swap3A_322 {strides = array<i32>} : memref<96x384xf32, #tpu.memory_space<vmem>>, vector<1x16xf32>,
      %get3A_323 = arith.index_cast %scan3A_240 : i32 to index
      %get3A_324 = arith.constant 96 : index
      %get3A_325 = tpu.vector_load %arg7[%get3A_323, %get3A_324] {strides = array<i32>} : memref<96x384xf32, #tpu.memory_space<vmem>>, vector<1x16xf32>,
      %get3A_326 = vector.shape_cast %get3A_325 : vector<1x16xf32> to vector<16xf32>
      %get3A_327 = arith.index_cast %scan3A_240 : i32 to index
      %get3A_328 = arith.constant 96 : index
      %get3A_329 = tpu.vector_load %arg8[%get3A_327, %get3A_328] {strides = array<i32>} : memref<96x384xf32, #tpu.memory_space<vmem>>, vector<1x16xf32>,
      %get3A_330 = vector.shape_cast %get3A_329 : vector<1x16xf32> to vector<16xf32>
      %add3A_331 = arith.addf %get3A_326, %get3A_330 : vector<16xf32>
      %swap3A_332 = arith.index_cast %scan3A_240 : i32 to index
      %swap3A_333 = arith.constant 96 : index
      %swap3A_334 = tpu.vector_load %arg9[%swap3A_332, %swap3A_333] {strides = array<i32>} : memref<96x384xf32, #tpu.memory_space<vmem>>, vector<1x16xf32>,
      %swap3A_335 = vector.shape_cast %swap3A_334 : vector<1x16xf32> to vector<16xf32>
      %swap3A_336 = vector.shape_cast %add3A_331 : vector<16xf32> to vector<1x16xf32>
      tpu.vector_store %arg9[%swap3A_332, %swap3A_333], %swap3A_336 {strides = array<i32>} : memref<96x384xf32, #tpu.memory_space<vmem>>, vector<1x16xf32>,
      %get3A_337 = arith.index_cast %scan3A_240 : i32 to index
      %get3A_338 = arith.constant 112 : index
      %get3A_339 = tpu.vector_load %arg7[%get3A_337, %get3A_338] {strides = array<i32>} : memref<96x384xf32, #tpu.memory_space<vmem>>, vector<1x16xf32>,
      %get3A_340 = vector.shape_cast %get3A_339 : vector<1x16xf32> to vector<16xf32>
      %get3A_341 = arith.index_cast %scan3A_240 : i32 to index
      %get3A_342 = arith.constant 112 : index
      %get3A_343 = tpu.vector_load %arg8[%get3A_341, %get3A_342] {strides = array<i32>} : memref<96x384xf32, #tpu.memory_space<vmem>>, vector<1x16xf32>,
      %get3A_344 = vector.shape_cast %get3A_343 : vector<1x16xf32> to vector<16xf32>
      %add3A_345 = arith.addf %get3A_340, %get3A_344 : vector<16xf32>
      %swap3A_346 = arith.index_cast %scan3A_240 : i32 to index
      %swap3A_347 = arith.constant 112 : index
      %swap3A_348 = tpu.vector_load %arg9[%swap3A_346, %swap3A_347] {strides = array<i32>} : memref<96x384xf32, #tpu.memory_space<vmem>>, vector<1x16xf32>,
      %swap3A_349 = vector.shape_cast %swap3A_348 : vector<1x16xf32> to vector<16xf32>
      %swap3A_350 = vector.shape_cast %add3A_345 : vector<16xf32> to vector<1x16xf32>
      tpu.vector_store %arg9[%swap3A_346, %swap3A_347], %swap3A_350 {strides = array<i32>} : memref<96x384xf32, #tpu.memory_space<vmem>>, vector<1x16xf32>,
      %get3A_351 = arith.index_cast %scan3A_240 : i32 to index
      %get3A_352 = arith.constant 128 : index
      %get3A_353 = tpu.vector_load %arg7[%get3A_351, %get3A_352] {strides = array<i32>} : memref<96x384xf32, #tpu.memory_space<vmem>>, vector<1x16xf32>,
      %get3A_354 = vector.shape_cast %get3A_353 : vector<1x16xf32> to vector<16xf32>
      %get3A_355 = arith.index_cast %scan3A_240 : i32 to index
      %get3A_356 = arith.constant 128 : index
      %get3A_357 = tpu.vector_load %arg8[%get3A_355, %get3A_356] {strides = array<i32>} : memref<96x384xf32, #tpu.memory_space<vmem>>, vector<1x16xf32>,
      %get3A_358 = vector.shape_cast %get3A_357 : vector<1x16xf32> to vector<16xf32>
      %add3A_359 = arith.addf %get3A_354, %get3A_358 : vector<16xf32>
      %swap3A_360 = arith.index_cast %scan3A_240 : i32 to index
      %swap3A_361 = arith.constant 128 : index
      %swap3A_362 = tpu.vector_load %arg9[%swap3A_360, %swap3A_361] {strides = array<i32>} : memref<96x384xf32, #tpu.memory_space<vmem>>, vector<1x16xf32>,
      %swap3A_363 = vector.shape_cast %swap3A_362 : vector<1x16xf32> to vector<16xf32>
      %swap3A_364 = vector.shape_cast %add3A_359 : vector<16xf32> to vector<1x16xf32>
      tpu.vector_store %arg9[%swap3A_360, %swap3A_361], %swap3A_364 {strides = array<i32>} : memref<96x384xf32, #tpu.memory_space<vmem>>, vector<1x16xf32>,
      %get3A_365 = arith.index_cast %scan3A_240 : i32 to index
      %get3A_366 = arith.constant 144 : index
      %get3A_367 = tpu.vector_load %arg7[%get3A_365, %get3A_366] {strides = array<i32>} : memref<96x384xf32, #tpu.memory_space<vmem>>, vector<1x16xf32>,
      %get3A_368 = vector.shape_cast %get3A_367 : vector<1x16xf32> to vector<16xf32>
      %get3A_369 = arith.index_cast %scan3A_240 : i32 to index
      %get3A_370 = arith.constant 144 : index
      %get3A_371 = tpu.vector_load %arg8[%get3A_369, %get3A_370] {strides = array<i32>} : memref<96x384xf32, #tpu.memory_space<vmem>>, vector<1x16xf32>,
      %get3A_372 = vector.shape_cast %get3A_371 : vector<1x16xf32> to vector<16xf32>
      %add3A_373 = arith.addf %get3A_368, %get3A_372 : vector<16xf32>
      %swap3A_374 = arith.index_cast %scan3A_240 : i32 to index
      %swap3A_375 = arith.constant 144 : index
      %swap3A_376 = tpu.vector_load %arg9[%swap3A_374, %swap3A_375] {strides = array<i32>} : memref<96x384xf32, #tpu.memory_space<vmem>>, vector<1x16xf32>,
      %swap3A_377 = vector.shape_cast %swap3A_376 : vector<1x16xf32> to vector<16xf32>
      %swap3A_378 = vector.shape_cast %add3A_373 : vector<16xf32> to vector<1x16xf32>
      tpu.vector_store %arg9[%swap3A_374, %swap3A_375], %swap3A_378 {strides = array<i32>} : memref<96x384xf32, #tpu.memory_space<vmem>>, vector<1x16xf32>,
      %get3A_379 = arith.index_cast %scan3A_240 : i32 to index
      %get3A_380 = arith.constant 160 : index
      %get3A_381 = tpu.vector_load %arg7[%get3A_379, %get3A_380] {strides = array<i32>} : memref<96x384xf32, #tpu.memory_space<vmem>>, vector<1x16xf32>,
      %get3A_382 = vector.shape_cast %get3A_381 : vector<1x16xf32> to vector<16xf32>
      %get3A_383 = arith.index_cast %scan3A_240 : i32 to index
      %get3A_384 = arith.constant 160 : index
      %get3A_385 = tpu.vector_load %arg8[%get3A_383, %get3A_384] {strides = array<i32>} : memref<96x384xf32, #tpu.memory_space<vmem>>, vector<1x16xf32>,
      %get3A_386 = vector.shape_cast %get3A_385 : vector<1x16xf32> to vector<16xf32>
      %add3A_387 = arith.addf %get3A_382, %get3A_386 : vector<16xf32>
      %swap3A_388 = arith.index_cast %scan3A_240 : i32 to index
      %swap3A_389 = arith.constant 160 : index
      %swap3A_390 = tpu.vector_load %arg9[%swap3A_388, %swap3A_389] {strides = array<i32>} : memref<96x384xf32, #tpu.memory_space<vmem>>, vector<1x16xf32>,
      %swap3A_391 = vector.shape_cast %swap3A_390 : vector<1x16xf32> to vector<16xf32>
      %swap3A_392 = vector.shape_cast %add3A_387 : vector<16xf32> to vector<1x16xf32>
      tpu.vector_store %arg9[%swap3A_388, %swap3A_389], %swap3A_392 {strides = array<i32>} : memref<96x384xf32, #tpu.memory_space<vmem>>, vector<1x16xf32>,
      %get3A_393 = arith.index_cast %scan3A_240 : i32 to index
      %get3A_394 = arith.constant 176 : index
      %get3A_395 = tpu.vector_load %arg7[%get3A_393, %get3A_394] {strides = array<i32>} : memref<96x384xf32, #tpu.memory_space<vmem>>, vector<1x16xf32>,
      %get3A_396 = vector.shape_cast %get3A_395 : vector<1x16xf32> to vector<16xf32>
      %get3A_397 = arith.index_cast %scan3A_240 : i32 to index
      %get3A_398 = arith.constant 176 : index
      %get3A_399 = tpu.vector_load %arg8[%get3A_397, %get3A_398] {strides = array<i32>} : memref<96x384xf32, #tpu.memory_space<vmem>>, vector<1x16xf32>,
      %get3A_400 = vector.shape_cast %get3A_399 : vector<1x16xf32> to vector<16xf32>
      %add3A_401 = arith.addf %get3A_396, %get3A_400 : vector<16xf32>
      %swap3A_402 = arith.index_cast %scan3A_240 : i32 to index
      %swap3A_403 = arith.constant 176 : index
      %swap3A_404 = tpu.vector_load %arg9[%swap3A_402, %swap3A_403] {strides = array<i32>} : memref<96x384xf32, #tpu.memory_space<vmem>>, vector<1x16xf32>,
      %swap3A_405 = vector.shape_cast %swap3A_404 : vector<1x16xf32> to vector<16xf32>
      %swap3A_406 = vector.shape_cast %add3A_401 : vector<16xf32> to vector<1x16xf32>
      tpu.vector_store %arg9[%swap3A_402, %swap3A_403], %swap3A_406 {strides = array<i32>} : memref<96x384xf32, #tpu.memory_space<vmem>>, vector<1x16xf32>,
      %get3A_407 = arith.index_cast %scan3A_240 : i32 to index
      %get3A_408 = arith.constant 192 : index
      %get3A_409 = tpu.vector_load %arg7[%get3A_407, %get3A_408] {strides = array<i32>} : memref<96x384xf32, #tpu.memory_space<vmem>>, vector<1x16xf32>,
      %get3A_410 = vector.shape_cast %get3A_409 : vector<1x16xf32> to vector<16xf32>
      %get3A_411 = arith.index_cast %scan3A_240 : i32 to index
      %get3A_412 = arith.constant 192 : index
      %get3A_413 = tpu.vector_load %arg8[%get3A_411, %get3A_412] {strides = array<i32>} : memref<96x384xf32, #tpu.memory_space<vmem>>, vector<1x16xf32>,
      %get3A_414 = vector.shape_cast %get3A_413 : vector<1x16xf32> to vector<16xf32>
      %add3A_415 = arith.addf %get3A_410, %get3A_414 : vector<16xf32>
      %swap3A_416 = arith.index_cast %scan3A_240 : i32 to index
      %swap3A_417 = arith.constant 192 : index
      %swap3A_418 = tpu.vector_load %arg9[%swap3A_416, %swap3A_417] {strides = array<i32>} : memref<96x384xf32, #tpu.memory_space<vmem>>, vector<1x16xf32>,
      %swap3A_419 = vector.shape_cast %swap3A_418 : vector<1x16xf32> to vector<16xf32>
      %swap3A_420 = vector.shape_cast %add3A_415 : vector<16xf32> to vector<1x16xf32>
      tpu.vector_store %arg9[%swap3A_416, %swap3A_417], %swap3A_420 {strides = array<i32>} : memref<96x384xf32, #tpu.memory_space<vmem>>, vector<1x16xf32>,
      %get3A_421 = arith.index_cast %scan3A_240 : i32 to index
      %get3A_422 = arith.constant 208 : index
      %get3A_423 = tpu.vector_load %arg7[%get3A_421, %get3A_422] {strides = array<i32>} : memref<96x384xf32, #tpu.memory_space<vmem>>, vector<1x16xf32>,
      %get3A_424 = vector.shape_cast %get3A_423 : vector<1x16xf32> to vector<16xf32>
      %get3A_425 = arith.index_cast %scan3A_240 : i32 to index
      %get3A_426 = arith.constant 208 : index
      %get3A_427 = tpu.vector_load %arg8[%get3A_425, %get3A_426] {strides = array<i32>} : memref<96x384xf32, #tpu.memory_space<vmem>>, vector<1x16xf32>,
      %get3A_428 = vector.shape_cast %get3A_427 : vector<1x16xf32> to vector<16xf32>
      %add3A_429 = arith.addf %get3A_424, %get3A_428 : vector<16xf32>
      %swap3A_430 = arith.index_cast %scan3A_240 : i32 to index
      %swap3A_431 = arith.constant 208 : index
      %swap3A_432 = tpu.vector_load %arg9[%swap3A_430, %swap3A_431] {strides = array<i32>} : memref<96x384xf32, #tpu.memory_space<vmem>>, vector<1x16xf32>,
      %swap3A_433 = vector.shape_cast %swap3A_432 : vector<1x16xf32> to vector<16xf32>
      %swap3A_434 = vector.shape_cast %add3A_429 : vector<16xf32> to vector<1x16xf32>
      tpu.vector_store %arg9[%swap3A_430, %swap3A_431], %swap3A_434 {strides = array<i32>} : memref<96x384xf32, #tpu.memory_space<vmem>>, vector<1x16xf32>,
      %get3A_435 = arith.index_cast %scan3A_240 : i32 to index
      %get3A_436 = arith.constant 224 : index
      %get3A_437 = tpu.vector_load %arg7[%get3A_435, %get3A_436] {strides = array<i32>} : memref<96x384xf32, #tpu.memory_space<vmem>>, vector<1x16xf32>,
      %get3A_438 = vector.shape_cast %get3A_437 : vector<1x16xf32> to vector<16xf32>
      %get3A_439 = arith.index_cast %scan3A_240 : i32 to index
      %get3A_440 = arith.constant 224 : index
      %get3A_441 = tpu.vector_load %arg8[%get3A_439, %get3A_440] {strides = array<i32>} : memref<96x384xf32, #tpu.memory_space<vmem>>, vector<1x16xf32>,
      %get3A_442 = vector.shape_cast %get3A_441 : vector<1x16xf32> to vector<16xf32>
      %add3A_443 = arith.addf %get3A_438, %get3A_442 : vector<16xf32>
      %swap3A_444 = arith.index_cast %scan3A_240 : i32 to index
      %swap3A_445 = arith.constant 224 : index
      %swap3A_446 = tpu.vector_load %arg9[%swap3A_444, %swap3A_445] {strides = array<i32>} : memref<96x384xf32, #tpu.memory_space<vmem>>, vector<1x16xf32>,
      %swap3A_447 = vector.shape_cast %swap3A_446 : vector<1x16xf32> to vector<16xf32>
      %swap3A_448 = vector.shape_cast %add3A_443 : vector<16xf32> to vector<1x16xf32>
      tpu.vector_store %arg9[%swap3A_444, %swap3A_445], %swap3A_448 {strides = array<i32>} : memref<96x384xf32, #tpu.memory_space<vmem>>, vector<1x16xf32>,
      %get3A_449 = arith.index_cast %scan3A_240 : i32 to index
      %get3A_450 = arith.constant 240 : index
      %get3A_451 = tpu.vector_load %arg7[%get3A_449, %get3A_450] {strides = array<i32>} : memref<96x384xf32, #tpu.memory_space<vmem>>, vector<1x16xf32>,
      %get3A_452 = vector.shape_cast %get3A_451 : vector<1x16xf32> to vector<16xf32>
      %get3A_453 = arith.index_cast %scan3A_240 : i32 to index
      %get3A_454 = arith.constant 240 : index
      %get3A_455 = tpu.vector_load %arg8[%get3A_453, %get3A_454] {strides = array<i32>} : memref<96x384xf32, #tpu.memory_space<vmem>>, vector<1x16xf32>,
      %get3A_456 = vector.shape_cast %get3A_455 : vector<1x16xf32> to vector<16xf32>
      %add3A_457 = arith.addf %get3A_452, %get3A_456 : vector<16xf32>
      %swap3A_458 = arith.index_cast %scan3A_240 : i32 to index
      %swap3A_459 = arith.constant 240 : index
      %swap3A_460 = tpu.vector_load %arg9[%swap3A_458, %swap3A_459] {strides = array<i32>} : memref<96x384xf32, #tpu.memory_space<vmem>>, vector<1x16xf32>,
      %swap3A_461 = vector.shape_cast %swap3A_460 : vector<1x16xf32> to vector<16xf32>
      %swap3A_462 = vector.shape_cast %add3A_457 : vector<16xf32> to vector<1x16xf32>
      tpu.vector_store %arg9[%swap3A_458, %swap3A_459], %swap3A_462 {strides = array<i32>} : memref<96x384xf32, #tpu.memory_space<vmem>>, vector<1x16xf32>,
      %get3A_463 = arith.index_cast %scan3A_240 : i32 to index
      %get3A_464 = arith.constant 256 : index
      %get3A_465 = tpu.vector_load %arg7[%get3A_463, %get3A_464] {strides = array<i32>} : memref<96x384xf32, #tpu.memory_space<vmem>>, vector<1x16xf32>,
      %get3A_466 = vector.shape_cast %get3A_465 : vector<1x16xf32> to vector<16xf32>
      %get3A_467 = arith.index_cast %scan3A_240 : i32 to index
      %get3A_468 = arith.constant 256 : index
      %get3A_469 = tpu.vector_load %arg8[%get3A_467, %get3A_468] {strides = array<i32>} : memref<96x384xf32, #tpu.memory_space<vmem>>, vector<1x16xf32>,
      %get3A_470 = vector.shape_cast %get3A_469 : vector<1x16xf32> to vector<16xf32>
      %add3A_471 = arith.addf %get3A_466, %get3A_470 : vector<16xf32>
      %swap3A_472 = arith.index_cast %scan3A_240 : i32 to index
      %swap3A_473 = arith.constant 256 : index
      %swap3A_474 = tpu.vector_load %arg9[%swap3A_472, %swap3A_473] {strides = array<i32>} : memref<96x384xf32, #tpu.memory_space<vmem>>, vector<1x16xf32>,
      %swap3A_475 = vector.shape_cast %swap3A_474 : vector<1x16xf32> to vector<16xf32>
      %swap3A_476 = vector.shape_cast %add3A_471 : vector<16xf32> to vector<1x16xf32>
      tpu.vector_store %arg9[%swap3A_472, %swap3A_473], %swap3A_476 {strides = array<i32>} : memref<96x384xf32, #tpu.memory_space<vmem>>, vector<1x16xf32>,
      %get3A_477 = arith.index_cast %scan3A_240 : i32 to index
      %get3A_478 = arith.constant 272 : index
      %get3A_479 = tpu.vector_load %arg7[%get3A_477, %get3A_478] {strides = array<i32>} : memref<96x384xf32, #tpu.memory_space<vmem>>, vector<1x16xf32>,
      %get3A_480 = vector.shape_cast %get3A_479 : vector<1x16xf32> to vector<16xf32>
      %get3A_481 = arith.index_cast %scan3A_240 : i32 to index
      %get3A_482 = arith.constant 272 : index
      %get3A_483 = tpu.vector_load %arg8[%get3A_481, %get3A_482] {strides = array<i32>} : memref<96x384xf32, #tpu.memory_space<vmem>>, vector<1x16xf32>,
      %get3A_484 = vector.shape_cast %get3A_483 : vector<1x16xf32> to vector<16xf32>
      %add3A_485 = arith.addf %get3A_480, %get3A_484 : vector<16xf32>
      %swap3A_486 = arith.index_cast %scan3A_240 : i32 to index
      %swap3A_487 = arith.constant 272 : index
      %swap3A_488 = tpu.vector_load %arg9[%swap3A_486, %swap3A_487] {strides = array<i32>} : memref<96x384xf32, #tpu.memory_space<vmem>>, vector<1x16xf32>,
      %swap3A_489 = vector.shape_cast %swap3A_488 : vector<1x16xf32> to vector<16xf32>
      %swap3A_490 = vector.shape_cast %add3A_485 : vector<16xf32> to vector<1x16xf32>
      tpu.vector_store %arg9[%swap3A_486, %swap3A_487], %swap3A_490 {strides = array<i32>} : memref<96x384xf32, #tpu.memory_space<vmem>>, vector<1x16xf32>,
      %get3A_491 = arith.index_cast %scan3A_240 : i32 to index
      %get3A_492 = arith.constant 288 : index
      %get3A_493 = tpu.vector_load %arg7[%get3A_491, %get3A_492] {strides = array<i32>} : memref<96x384xf32, #tpu.memory_space<vmem>>, vector<1x16xf32>,
      %get3A_494 = vector.shape_cast %get3A_493 : vector<1x16xf32> to vector<16xf32>
      %get3A_495 = arith.index_cast %scan3A_240 : i32 to index
      %get3A_496 = arith.constant 288 : index
      %get3A_497 = tpu.vector_load %arg8[%get3A_495, %get3A_496] {strides = array<i32>} : memref<96x384xf32, #tpu.memory_space<vmem>>, vector<1x16xf32>,
      %get3A_498 = vector.shape_cast %get3A_497 : vector<1x16xf32> to vector<16xf32>
      %add3A_499 = arith.addf %get3A_494, %get3A_498 : vector<16xf32>
      %swap3A_500 = arith.index_cast %scan3A_240 : i32 to index
      %swap3A_501 = arith.constant 288 : index
      %swap3A_502 = tpu.vector_load %arg9[%swap3A_500, %swap3A_501] {strides = array<i32>} : memref<96x384xf32, #tpu.memory_space<vmem>>, vector<1x16xf32>,
      %swap3A_503 = vector.shape_cast %swap3A_502 : vector<1x16xf32> to vector<16xf32>
      %swap3A_504 = vector.shape_cast %add3A_499 : vector<16xf32> to vector<1x16xf32>
      tpu.vector_store %arg9[%swap3A_500, %swap3A_501], %swap3A_504 {strides = array<i32>} : memref<96x384xf32, #tpu.memory_space<vmem>>, vector<1x16xf32>,
      %get3A_505 = arith.index_cast %scan3A_240 : i32 to index
      %get3A_506 = arith.constant 304 : index
      %get3A_507 = tpu.vector_load %arg7[%get3A_505, %get3A_506] {strides = array<i32>} : memref<96x384xf32, #tpu.memory_space<vmem>>, vector<1x16xf32>,
      %get3A_508 = vector.shape_cast %get3A_507 : vector<1x16xf32> to vector<16xf32>
      %get3A_509 = arith.index_cast %scan3A_240 : i32 to index
      %get3A_510 = arith.constant 304 : index
      %get3A_511 = tpu.vector_load %arg8[%get3A_509, %get3A_510] {strides = array<i32>} : memref<96x384xf32, #tpu.memory_space<vmem>>, vector<1x16xf32>,
      %get3A_512 = vector.shape_cast %get3A_511 : vector<1x16xf32> to vector<16xf32>
      %add3A_513 = arith.addf %get3A_508, %get3A_512 : vector<16xf32>
      %swap3A_514 = arith.index_cast %scan3A_240 : i32 to index
      %swap3A_515 = arith.constant 304 : index
      %swap3A_516 = tpu.vector_load %arg9[%swap3A_514, %swap3A_515] {strides = array<i32>} : memref<96x384xf32, #tpu.memory_space<vmem>>, vector<1x16xf32>,
      %swap3A_517 = vector.shape_cast %swap3A_516 : vector<1x16xf32> to vector<16xf32>
      %swap3A_518 = vector.shape_cast %add3A_513 : vector<16xf32> to vector<1x16xf32>
      tpu.vector_store %arg9[%swap3A_514, %swap3A_515], %swap3A_518 {strides = array<i32>} : memref<96x384xf32, #tpu.memory_space<vmem>>, vector<1x16xf32>,
      %get3A_519 = arith.index_cast %scan3A_240 : i32 to index
      %get3A_520 = arith.constant 320 : index
      %get3A_521 = tpu.vector_load %arg7[%get3A_519, %get3A_520] {strides = array<i32>} : memref<96x384xf32, #tpu.memory_space<vmem>>, vector<1x16xf32>,
      %get3A_522 = vector.shape_cast %get3A_521 : vector<1x16xf32> to vector<16xf32>
      %get3A_523 = arith.index_cast %scan3A_240 : i32 to index
      %get3A_524 = arith.constant 320 : index
      %get3A_525 = tpu.vector_load %arg8[%get3A_523, %get3A_524] {strides = array<i32>} : memref<96x384xf32, #tpu.memory_space<vmem>>, vector<1x16xf32>,
      %get3A_526 = vector.shape_cast %get3A_525 : vector<1x16xf32> to vector<16xf32>
      %add3A_527 = arith.addf %get3A_522, %get3A_526 : vector<16xf32>
      %swap3A_528 = arith.index_cast %scan3A_240 : i32 to index
      %swap3A_529 = arith.constant 320 : index
      %swap3A_530 = tpu.vector_load %arg9[%swap3A_528, %swap3A_529] {strides = array<i32>} : memref<96x384xf32, #tpu.memory_space<vmem>>, vector<1x16xf32>,
      %swap3A_531 = vector.shape_cast %swap3A_530 : vector<1x16xf32> to vector<16xf32>
      %swap3A_532 = vector.shape_cast %add3A_527 : vector<16xf32> to vector<1x16xf32>
      tpu.vector_store %arg9[%swap3A_528, %swap3A_529], %swap3A_532 {strides = array<i32>} : memref<96x384xf32, #tpu.memory_space<vmem>>, vector<1x16xf32>,
      %get3A_533 = arith.index_cast %scan3A_240 : i32 to index
      %get3A_534 = arith.constant 336 : index
      %get3A_535 = tpu.vector_load %arg7[%get3A_533, %get3A_534] {strides = array<i32>} : memref<96x384xf32, #tpu.memory_space<vmem>>, vector<1x16xf32>,
      %get3A_536 = vector.shape_cast %get3A_535 : vector<1x16xf32> to vector<16xf32>
      %get3A_537 = arith.index_cast %scan3A_240 : i32 to index
      %get3A_538 = arith.constant 336 : index
      %get3A_539 = tpu.vector_load %arg8[%get3A_537, %get3A_538] {strides = array<i32>} : memref<96x384xf32, #tpu.memory_space<vmem>>, vector<1x16xf32>,
      %get3A_540 = vector.shape_cast %get3A_539 : vector<1x16xf32> to vector<16xf32>
      %add3A_541 = arith.addf %get3A_536, %get3A_540 : vector<16xf32>
      %swap3A_542 = arith.index_cast %scan3A_240 : i32 to index
      %swap3A_543 = arith.constant 336 : index
      %swap3A_544 = tpu.vector_load %arg9[%swap3A_542, %swap3A_543] {strides = array<i32>} : memref<96x384xf32, #tpu.memory_space<vmem>>, vector<1x16xf32>,
      %swap3A_545 = vector.shape_cast %swap3A_544 : vector<1x16xf32> to vector<16xf32>
      %swap3A_546 = vector.shape_cast %add3A_541 : vector<16xf32> to vector<1x16xf32>
      tpu.vector_store %arg9[%swap3A_542, %swap3A_543], %swap3A_546 {strides = array<i32>} : memref<96x384xf32, #tpu.memory_space<vmem>>, vector<1x16xf32>,
      %get3A_547 = arith.index_cast %scan3A_240 : i32 to index
      %get3A_548 = arith.constant 352 : index
      %get3A_549 = tpu.vector_load %arg7[%get3A_547, %get3A_548] {strides = array<i32>} : memref<96x384xf32, #tpu.memory_space<vmem>>, vector<1x16xf32>,
      %get3A_550 = vector.shape_cast %get3A_549 : vector<1x16xf32> to vector<16xf32>
      %get3A_551 = arith.index_cast %scan3A_240 : i32 to index
      %get3A_552 = arith.constant 352 : index
      %get3A_553 = tpu.vector_load %arg8[%get3A_551, %get3A_552] {strides = array<i32>} : memref<96x384xf32, #tpu.memory_space<vmem>>, vector<1x16xf32>,
      %get3A_554 = vector.shape_cast %get3A_553 : vector<1x16xf32> to vector<16xf32>
      %add3A_555 = arith.addf %get3A_550, %get3A_554 : vector<16xf32>
      %swap3A_556 = arith.index_cast %scan3A_240 : i32 to index
      %swap3A_557 = arith.constant 352 : index
      %swap3A_558 = tpu.vector_load %arg9[%swap3A_556, %swap3A_557] {strides = array<i32>} : memref<96x384xf32, #tpu.memory_space<vmem>>, vector<1x16xf32>,
      %swap3A_559 = vector.shape_cast %swap3A_558 : vector<1x16xf32> to vector<16xf32>
      %swap3A_560 = vector.shape_cast %add3A_555 : vector<16xf32> to vector<1x16xf32>
      tpu.vector_store %arg9[%swap3A_556, %swap3A_557], %swap3A_560 {strides = array<i32>} : memref<96x384xf32, #tpu.memory_space<vmem>>, vector<1x16xf32>,
      %get3A_561 = arith.index_cast %scan3A_240 : i32 to index
      %get3A_562 = arith.constant 368 : index
      %get3A_563 = tpu.vector_load %arg7[%get3A_561, %get3A_562] {strides = array<i32>} : memref<96x384xf32, #tpu.memory_space<vmem>>, vector<1x16xf32>,
      %get3A_564 = vector.shape_cast %get3A_563 : vector<1x16xf32> to vector<16xf32>
      %get3A_565 = arith.index_cast %scan3A_240 : i32 to index
      %get3A_566 = arith.constant 368 : index
      %get3A_567 = tpu.vector_load %arg8[%get3A_565, %get3A_566] {strides = array<i32>} : memref<96x384xf32, #tpu.memory_space<vmem>>, vector<1x16xf32>,
      %get3A_568 = vector.shape_cast %get3A_567 : vector<1x16xf32> to vector<16xf32>
      %add3A_569 = arith.addf %get3A_564, %get3A_568 : vector<16xf32>
      %swap3A_570 = arith.index_cast %scan3A_240 : i32 to index
      %swap3A_571 = arith.constant 368 : index
      %swap3A_572 = tpu.vector_load %arg9[%swap3A_570, %swap3A_571] {strides = array<i32>} : memref<96x384xf32, #tpu.memory_space<vmem>>, vector<1x16xf32>,
      %swap3A_573 = vector.shape_cast %swap3A_572 : vector<1x16xf32> to vector<16xf32>
      %swap3A_574 = vector.shape_cast %add3A_569 : vector<16xf32> to vector<1x16xf32>
      tpu.vector_store %arg9[%swap3A_570, %swap3A_571], %swap3A_574 {strides = array<i32>} : memref<96x384xf32, #tpu.memory_space<vmem>>, vector<1x16xf32>,
    }
    %scan3A_191 = arith.constant 96 : i32
    %dma_start3A_192 = arith.constant 0 : i32
    %dma_start3A_193 = tpu.memref_slice %arg5[%add3A_157, %dma_start3A_192] : memref<18432x384xf32, #tpu.memory_space<hbm>> -> memref<96x384xf32, #tpu.memory_space<hbm>>
    %dma_start3A_194 = arith.constant 0 : i32
    %dma_start3A_195 = tpu.memref_slice %arg5[%add3A_157, %dma_start3A_194] : memref<18432x384xf32, #tpu.memory_space<hbm>> -> memref<96x384xf32, #tpu.memory_space<hbm>>
    tpu.enqueue_dma source(%arg9 : memref<96x384xf32, #tpu.memory_space<vmem>>) target(%dma_start3A_195 : memref<96x384xf32, #tpu.memory_space<hbm>>) target_semaphore(%arg12 : memref<!tpu.dma_semaphore, #tpu.memory_space<semaphore_mem>>)
    %add3A_196 = arith.constant 480 : i32
    %add3A_197 = arith.addi %mul3A_2, %add3A_196 : i32
    %dma_start3A_198 = arith.constant 0 : i32
    %dma_start3A_199 = tpu.memref_slice %arg2[%add3A_197, %dma_start3A_198] : memref<18432x384xf32, #tpu.memory_space<hbm>> -> memref<96x384xf32, #tpu.memory_space<hbm>>
    %dma_start3A_200 = arith.constant 0 : i32
    %dma_start3A_201 = tpu.memref_slice %arg2[%add3A_197, %dma_start3A_200] : memref<18432x384xf32, #tpu.memory_space<hbm>> -> memref<96x384xf32, #tpu.memory_space<hbm>>
    tpu.enqueue_dma source(%dma_start3A_201 : memref<96x384xf32, #tpu.memory_space<hbm>>) target(%arg7 : memref<96x384xf32, #tpu.memory_space<vmem>>) target_semaphore(%arg10 : memref<!tpu.dma_semaphore, #tpu.memory_space<semaphore_mem>>)
    %dma_start3A_202 = arith.constant 0 : i32
    %dma_start3A_203 = arith.constant 5 : i32
    %dma_start3A_204 = arith.constant 0 : i32
    %dma_start3A_205 = tpu.memref_slice %arg6[%dma_start3A_202, %dma_start3A_203, %dma_start3A_204] : memref<1x6x96xi32, #tpu.memory_space<vmem>> -> memref<1x1x96xi32, #tpu.memory_space<vmem>>
    %dma_start3A_206 = tpu.memref_squeeze %dma_start3A_205 : memref<1x1x96xi32, #tpu.memory_space<vmem>> -> memref<96xi32, #tpu.memory_space<vmem>>
    %dma_start3A_207 = arith.constant 0 : i32
    %dma_start3A_208 = arith.constant 0 : i32
    %dma_start3A_209 = tpu.memref_slice %arg4[%dma_start3A_207, %dma_start3A_208] : memref<196x384xf32, #tpu.memory_space<hbm>> -> memref<196x384xf32, #tpu.memory_space<hbm>>
    tpu.enqueue_indirect_dma source(%dma_start3A_209 : memref<196x384xf32, #tpu.memory_space<hbm>>) target(%arg8 : memref<96x384xf32, #tpu.memory_space<vmem>>) offsets(%dma_start3A_206 : memref<96xi32, #tpu.memory_space<vmem>>) semaphore(%arg11 : memref<!tpu.dma_semaphore, #tpu.memory_space<semaphore_mem>>)
    %dma_wait3A_210 = arith.constant 0 : i32
    %dma_wait3A_211 = tpu.memref_slice %arg2[%add3A_197, %dma_wait3A_210] : memref<18432x384xf32, #tpu.memory_space<hbm>> -> memref<96x384xf32, #tpu.memory_space<hbm>>
    %dma_wait3A_212 = arith.constant 0 : i32
    %dma_wait3A_213 = tpu.memref_slice %arg2[%add3A_197, %dma_wait3A_212] : memref<18432x384xf32, #tpu.memory_space<hbm>> -> memref<96x384xf32, #tpu.memory_space<hbm>>
    tpu.wait_dma2 semaphore(%arg10 : memref<!tpu.dma_semaphore, #tpu.memory_space<semaphore_mem>>) src(%dma_wait3A_213 : memref<96x384xf32, #tpu.memory_space<hbm>>) dst(%arg7 : memref<96x384xf32, #tpu.memory_space<vmem>>)
    %dma_wait3A_214 = arith.constant 0 : i32
    %dma_wait3A_215 = arith.constant 5 : i32
    %dma_wait3A_216 = arith.constant 0 : i32
    %dma_wait3A_217 = tpu.memref_slice %arg6[%dma_wait3A_214, %dma_wait3A_215, %dma_wait3A_216] : memref<1x6x96xi32, #tpu.memory_space<vmem>> -> memref<1x1x96xi32, #tpu.memory_space<vmem>>
    %dma_wait3A_218 = tpu.memref_squeeze %dma_wait3A_217 : memref<1x1x96xi32, #tpu.memory_space<vmem>> -> memref<96xi32, #tpu.memory_space<vmem>>
    %dma_wait3A_219 = arith.constant 0 : i32
    %dma_wait3A_220 = arith.constant 0 : i32
    %dma_wait3A_221 = tpu.memref_slice %arg4[%dma_wait3A_219, %dma_wait3A_220] : memref<196x384xf32, #tpu.memory_space<hbm>> -> memref<196x384xf32, #tpu.memory_space<hbm>>
    tpu.wait_indirect_dma semaphore(%arg11 : memref<!tpu.dma_semaphore, #tpu.memory_space<semaphore_mem>>) src(%dma_wait3A_221 : memref<196x384xf32, #tpu.memory_space<hbm>>) dst(%arg8 : memref<96x384xf32, #tpu.memory_space<vmem>>)
    %dma_wait3A_222 = arith.constant 0 : i32
    %dma_wait3A_223 = tpu.memref_slice %arg5[%add3A_157, %dma_wait3A_222] : memref<18432x384xf32, #tpu.memory_space<hbm>> -> memref<96x384xf32, #tpu.memory_space<hbm>>
    %dma_wait3A_224 = arith.constant 0 : i32
    %dma_wait3A_225 = tpu.memref_slice %arg5[%add3A_157, %dma_wait3A_224] : memref<18432x384xf32, #tpu.memory_space<hbm>> -> memref<96x384xf32, #tpu.memory_space<hbm>>
    tpu.wait_dma2 semaphore(%arg12 : memref<!tpu.dma_semaphore, #tpu.memory_space<semaphore_mem>>) src(%arg9 : memref<96x384xf32, #tpu.memory_space<vmem>>) dst(%dma_wait3A_225 : memref<96x384xf32, #tpu.memory_space<hbm>>)
    %scan3A_226 = arith.constant 0 : i32
    %scan3A_227 = arith.constant 0 : i32
    %scan3A_228 = arith.constant 96 : i32
    %scan3A_229 = arith.addi %scan3A_227, %scan3A_228 : i32
    %scan3A_230 = arith.constant 1 : i32
    scf.for %scan3A_240 = %scan3A_227 to %scan3A_229 step %scan3A_230  : i32 {
      %get3A = arith.index_cast %scan3A_240 : i32 to index
      %get3A_241 = arith.constant 0 : index
      %get3A_242 = tpu.vector_load %arg7[%get3A, %get3A_241] {strides = array<i32>} : memref<96x384xf32, #tpu.memory_space<vmem>>, vector<1x16xf32>,
      %get3A_243 = vector.shape_cast %get3A_242 : vector<1x16xf32> to vector<16xf32>
      %get3A_244 = arith.index_cast %scan3A_240 : i32 to index
      %get3A_245 = arith.constant 0 : index
      %get3A_246 = tpu.vector_load %arg8[%get3A_244, %get3A_245] {strides = array<i32>} : memref<96x384xf32, #tpu.memory_space<vmem>>, vector<1x16xf32>,
      %get3A_247 = vector.shape_cast %get3A_246 : vector<1x16xf32> to vector<16xf32>
      %add3A_248 = arith.addf %get3A_243, %get3A_247 : vector<16xf32>
      %swap3A = arith.index_cast %scan3A_240 : i32 to index
      %swap3A_249 = arith.constant 0 : index
      %swap3A_250 = tpu.vector_load %arg9[%swap3A, %swap3A_249] {strides = array<i32>} : memref<96x384xf32, #tpu.memory_space<vmem>>, vector<1x16xf32>,
      %swap3A_251 = vector.shape_cast %swap3A_250 : vector<1x16xf32> to vector<16xf32>
      %swap3A_252 = vector.shape_cast %add3A_248 : vector<16xf32> to vector<1x16xf32>
      tpu.vector_store %arg9[%swap3A, %swap3A_249], %swap3A_252 {strides = array<i32>} : memref<96x384xf32, #tpu.memory_space<vmem>>, vector<1x16xf32>,
      %get3A_253 = arith.index_cast %scan3A_240 : i32 to index
      %get3A_254 = arith.constant 16 : index
      %get3A_255 = tpu.vector_load %arg7[%get3A_253, %get3A_254] {strides = array<i32>} : memref<96x384xf32, #tpu.memory_space<vmem>>, vector<1x16xf32>,
      %get3A_256 = vector.shape_cast %get3A_255 : vector<1x16xf32> to vector<16xf32>
      %get3A_257 = arith.index_cast %scan3A_240 : i32 to index
      %get3A_258 = arith.constant 16 : index
      %get3A_259 = tpu.vector_load %arg8[%get3A_257, %get3A_258] {strides = array<i32>} : memref<96x384xf32, #tpu.memory_space<vmem>>, vector<1x16xf32>,
      %get3A_260 = vector.shape_cast %get3A_259 : vector<1x16xf32> to vector<16xf32>
      %add3A_261 = arith.addf %get3A_256, %get3A_260 : vector<16xf32>
      %swap3A_262 = arith.index_cast %scan3A_240 : i32 to index
      %swap3A_263 = arith.constant 16 : index
      %swap3A_264 = tpu.vector_load %arg9[%swap3A_262, %swap3A_263] {strides = array<i32>} : memref<96x384xf32, #tpu.memory_space<vmem>>, vector<1x16xf32>,
      %swap3A_265 = vector.shape_cast %swap3A_264 : vector<1x16xf32> to vector<16xf32>
      %swap3A_266 = vector.shape_cast %add3A_261 : vector<16xf32> to vector<1x16xf32>
      tpu.vector_store %arg9[%swap3A_262, %swap3A_263], %swap3A_266 {strides = array<i32>} : memref<96x384xf32, #tpu.memory_space<vmem>>, vector<1x16xf32>,
      %get3A_267 = arith.index_cast %scan3A_240 : i32 to index
      %get3A_268 = arith.constant 32 : index
      %get3A_269 = tpu.vector_load %arg7[%get3A_267, %get3A_268] {strides = array<i32>} : memref<96x384xf32, #tpu.memory_space<vmem>>, vector<1x16xf32>,
      %get3A_270 = vector.shape_cast %get3A_269 : vector<1x16xf32> to vector<16xf32>
      %get3A_271 = arith.index_cast %scan3A_240 : i32 to index
      %get3A_272 = arith.constant 32 : index
      %get3A_273 = tpu.vector_load %arg8[%get3A_271, %get3A_272] {strides = array<i32>} : memref<96x384xf32, #tpu.memory_space<vmem>>, vector<1x16xf32>,
      %get3A_274 = vector.shape_cast %get3A_273 : vector<1x16xf32> to vector<16xf32>
      %add3A_275 = arith.addf %get3A_270, %get3A_274 : vector<16xf32>
      %swap3A_276 = arith.index_cast %scan3A_240 : i32 to index
      %swap3A_277 = arith.constant 32 : index
      %swap3A_278 = tpu.vector_load %arg9[%swap3A_276, %swap3A_277] {strides = array<i32>} : memref<96x384xf32, #tpu.memory_space<vmem>>, vector<1x16xf32>,
      %swap3A_279 = vector.shape_cast %swap3A_278 : vector<1x16xf32> to vector<16xf32>
      %swap3A_280 = vector.shape_cast %add3A_275 : vector<16xf32> to vector<1x16xf32>
      tpu.vector_store %arg9[%swap3A_276, %swap3A_277], %swap3A_280 {strides = array<i32>} : memref<96x384xf32, #tpu.memory_space<vmem>>, vector<1x16xf32>,
      %get3A_281 = arith.index_cast %scan3A_240 : i32 to index
      %get3A_282 = arith.constant 48 : index
      %get3A_283 = tpu.vector_load %arg7[%get3A_281, %get3A_282] {strides = array<i32>} : memref<96x384xf32, #tpu.memory_space<vmem>>, vector<1x16xf32>,
      %get3A_284 = vector.shape_cast %get3A_283 : vector<1x16xf32> to vector<16xf32>
      %get3A_285 = arith.index_cast %scan3A_240 : i32 to index
      %get3A_286 = arith.constant 48 : index
      %get3A_287 = tpu.vector_load %arg8[%get3A_285, %get3A_286] {strides = array<i32>} : memref<96x384xf32, #tpu.memory_space<vmem>>, vector<1x16xf32>,
      %get3A_288 = vector.shape_cast %get3A_287 : vector<1x16xf32> to vector<16xf32>
      %add3A_289 = arith.addf %get3A_284, %get3A_288 : vector<16xf32>
      %swap3A_290 = arith.index_cast %scan3A_240 : i32 to index
      %swap3A_291 = arith.constant 48 : index
      %swap3A_292 = tpu.vector_load %arg9[%swap3A_290, %swap3A_291] {strides = array<i32>} : memref<96x384xf32, #tpu.memory_space<vmem>>, vector<1x16xf32>,
      %swap3A_293 = vector.shape_cast %swap3A_292 : vector<1x16xf32> to vector<16xf32>
      %swap3A_294 = vector.shape_cast %add3A_289 : vector<16xf32> to vector<1x16xf32>
      tpu.vector_store %arg9[%swap3A_290, %swap3A_291], %swap3A_294 {strides = array<i32>} : memref<96x384xf32, #tpu.memory_space<vmem>>, vector<1x16xf32>,
      %get3A_295 = arith.index_cast %scan3A_240 : i32 to index
      %get3A_296 = arith.constant 64 : index
      %get3A_297 = tpu.vector_load %arg7[%get3A_295, %get3A_296] {strides = array<i32>} : memref<96x384xf32, #tpu.memory_space<vmem>>, vector<1x16xf32>,
      %get3A_298 = vector.shape_cast %get3A_297 : vector<1x16xf32> to vector<16xf32>
      %get3A_299 = arith.index_cast %scan3A_240 : i32 to index
      %get3A_300 = arith.constant 64 : index
      %get3A_301 = tpu.vector_load %arg8[%get3A_299, %get3A_300] {strides = array<i32>} : memref<96x384xf32, #tpu.memory_space<vmem>>, vector<1x16xf32>,
      %get3A_302 = vector.shape_cast %get3A_301 : vector<1x16xf32> to vector<16xf32>
      %add3A_303 = arith.addf %get3A_298, %get3A_302 : vector<16xf32>
      %swap3A_304 = arith.index_cast %scan3A_240 : i32 to index
      %swap3A_305 = arith.constant 64 : index
      %swap3A_306 = tpu.vector_load %arg9[%swap3A_304, %swap3A_305] {strides = array<i32>} : memref<96x384xf32, #tpu.memory_space<vmem>>, vector<1x16xf32>,
      %swap3A_307 = vector.shape_cast %swap3A_306 : vector<1x16xf32> to vector<16xf32>
      %swap3A_308 = vector.shape_cast %add3A_303 : vector<16xf32> to vector<1x16xf32>
      tpu.vector_store %arg9[%swap3A_304, %swap3A_305], %swap3A_308 {strides = array<i32>} : memref<96x384xf32, #tpu.memory_space<vmem>>, vector<1x16xf32>,
      %get3A_309 = arith.index_cast %scan3A_240 : i32 to index
      %get3A_310 = arith.constant 80 : index
      %get3A_311 = tpu.vector_load %arg7[%get3A_309, %get3A_310] {strides = array<i32>} : memref<96x384xf32, #tpu.memory_space<vmem>>, vector<1x16xf32>,
      %get3A_312 = vector.shape_cast %get3A_311 : vector<1x16xf32> to vector<16xf32>
      %get3A_313 = arith.index_cast %scan3A_240 : i32 to index
      %get3A_314 = arith.constant 80 : index
      %get3A_315 = tpu.vector_load %arg8[%get3A_313, %get3A_314] {strides = array<i32>} : memref<96x384xf32, #tpu.memory_space<vmem>>, vector<1x16xf32>,
      %get3A_316 = vector.shape_cast %get3A_315 : vector<1x16xf32> to vector<16xf32>
      %add3A_317 = arith.addf %get3A_312, %get3A_316 : vector<16xf32>
      %swap3A_318 = arith.index_cast %scan3A_240 : i32 to index
      %swap3A_319 = arith.constant 80 : index
      %swap3A_320 = tpu.vector_load %arg9[%swap3A_318, %swap3A_319] {strides = array<i32>} : memref<96x384xf32, #tpu.memory_space<vmem>>, vector<1x16xf32>,
      %swap3A_321 = vector.shape_cast %swap3A_320 : vector<1x16xf32> to vector<16xf32>
      %swap3A_322 = vector.shape_cast %add3A_317 : vector<16xf32> to vector<1x16xf32>
      tpu.vector_store %arg9[%swap3A_318, %swap3A_319], %swap3A_322 {strides = array<i32>} : memref<96x384xf32, #tpu.memory_space<vmem>>, vector<1x16xf32>,
      %get3A_323 = arith.index_cast %scan3A_240 : i32 to index
      %get3A_324 = arith.constant 96 : index
      %get3A_325 = tpu.vector_load %arg7[%get3A_323, %get3A_324] {strides = array<i32>} : memref<96x384xf32, #tpu.memory_space<vmem>>, vector<1x16xf32>,
      %get3A_326 = vector.shape_cast %get3A_325 : vector<1x16xf32> to vector<16xf32>
      %get3A_327 = arith.index_cast %scan3A_240 : i32 to index
      %get3A_328 = arith.constant 96 : index
      %get3A_329 = tpu.vector_load %arg8[%get3A_327, %get3A_328] {strides = array<i32>} : memref<96x384xf32, #tpu.memory_space<vmem>>, vector<1x16xf32>,
      %get3A_330 = vector.shape_cast %get3A_329 : vector<1x16xf32> to vector<16xf32>
      %add3A_331 = arith.addf %get3A_326, %get3A_330 : vector<16xf32>
      %swap3A_332 = arith.index_cast %scan3A_240 : i32 to index
      %swap3A_333 = arith.constant 96 : index
      %swap3A_334 = tpu.vector_load %arg9[%swap3A_332, %swap3A_333] {strides = array<i32>} : memref<96x384xf32, #tpu.memory_space<vmem>>, vector<1x16xf32>,
      %swap3A_335 = vector.shape_cast %swap3A_334 : vector<1x16xf32> to vector<16xf32>
      %swap3A_336 = vector.shape_cast %add3A_331 : vector<16xf32> to vector<1x16xf32>
      tpu.vector_store %arg9[%swap3A_332, %swap3A_333], %swap3A_336 {strides = array<i32>} : memref<96x384xf32, #tpu.memory_space<vmem>>, vector<1x16xf32>,
      %get3A_337 = arith.index_cast %scan3A_240 : i32 to index
      %get3A_338 = arith.constant 112 : index
      %get3A_339 = tpu.vector_load %arg7[%get3A_337, %get3A_338] {strides = array<i32>} : memref<96x384xf32, #tpu.memory_space<vmem>>, vector<1x16xf32>,
      %get3A_340 = vector.shape_cast %get3A_339 : vector<1x16xf32> to vector<16xf32>
      %get3A_341 = arith.index_cast %scan3A_240 : i32 to index
      %get3A_342 = arith.constant 112 : index
      %get3A_343 = tpu.vector_load %arg8[%get3A_341, %get3A_342] {strides = array<i32>} : memref<96x384xf32, #tpu.memory_space<vmem>>, vector<1x16xf32>,
      %get3A_344 = vector.shape_cast %get3A_343 : vector<1x16xf32> to vector<16xf32>
      %add3A_345 = arith.addf %get3A_340, %get3A_344 : vector<16xf32>
      %swap3A_346 = arith.index_cast %scan3A_240 : i32 to index
      %swap3A_347 = arith.constant 112 : index
      %swap3A_348 = tpu.vector_load %arg9[%swap3A_346, %swap3A_347] {strides = array<i32>} : memref<96x384xf32, #tpu.memory_space<vmem>>, vector<1x16xf32>,
      %swap3A_349 = vector.shape_cast %swap3A_348 : vector<1x16xf32> to vector<16xf32>
      %swap3A_350 = vector.shape_cast %add3A_345 : vector<16xf32> to vector<1x16xf32>
      tpu.vector_store %arg9[%swap3A_346, %swap3A_347], %swap3A_350 {strides = array<i32>} : memref<96x384xf32, #tpu.memory_space<vmem>>, vector<1x16xf32>,
      %get3A_351 = arith.index_cast %scan3A_240 : i32 to index
      %get3A_352 = arith.constant 128 : index
      %get3A_353 = tpu.vector_load %arg7[%get3A_351, %get3A_352] {strides = array<i32>} : memref<96x384xf32, #tpu.memory_space<vmem>>, vector<1x16xf32>,
      %get3A_354 = vector.shape_cast %get3A_353 : vector<1x16xf32> to vector<16xf32>
      %get3A_355 = arith.index_cast %scan3A_240 : i32 to index
      %get3A_356 = arith.constant 128 : index
      %get3A_357 = tpu.vector_load %arg8[%get3A_355, %get3A_356] {strides = array<i32>} : memref<96x384xf32, #tpu.memory_space<vmem>>, vector<1x16xf32>,
      %get3A_358 = vector.shape_cast %get3A_357 : vector<1x16xf32> to vector<16xf32>
      %add3A_359 = arith.addf %get3A_354, %get3A_358 : vector<16xf32>
      %swap3A_360 = arith.index_cast %scan3A_240 : i32 to index
      %swap3A_361 = arith.constant 128 : index
      %swap3A_362 = tpu.vector_load %arg9[%swap3A_360, %swap3A_361] {strides = array<i32>} : memref<96x384xf32, #tpu.memory_space<vmem>>, vector<1x16xf32>,
      %swap3A_363 = vector.shape_cast %swap3A_362 : vector<1x16xf32> to vector<16xf32>
      %swap3A_364 = vector.shape_cast %add3A_359 : vector<16xf32> to vector<1x16xf32>
      tpu.vector_store %arg9[%swap3A_360, %swap3A_361], %swap3A_364 {strides = array<i32>} : memref<96x384xf32, #tpu.memory_space<vmem>>, vector<1x16xf32>,
      %get3A_365 = arith.index_cast %scan3A_240 : i32 to index
      %get3A_366 = arith.constant 144 : index
      %get3A_367 = tpu.vector_load %arg7[%get3A_365, %get3A_366] {strides = array<i32>} : memref<96x384xf32, #tpu.memory_space<vmem>>, vector<1x16xf32>,
      %get3A_368 = vector.shape_cast %get3A_367 : vector<1x16xf32> to vector<16xf32>
      %get3A_369 = arith.index_cast %scan3A_240 : i32 to index
      %get3A_370 = arith.constant 144 : index
      %get3A_371 = tpu.vector_load %arg8[%get3A_369, %get3A_370] {strides = array<i32>} : memref<96x384xf32, #tpu.memory_space<vmem>>, vector<1x16xf32>,
      %get3A_372 = vector.shape_cast %get3A_371 : vector<1x16xf32> to vector<16xf32>
      %add3A_373 = arith.addf %get3A_368, %get3A_372 : vector<16xf32>
      %swap3A_374 = arith.index_cast %scan3A_240 : i32 to index
      %swap3A_375 = arith.constant 144 : index
      %swap3A_376 = tpu.vector_load %arg9[%swap3A_374, %swap3A_375] {strides = array<i32>} : memref<96x384xf32, #tpu.memory_space<vmem>>, vector<1x16xf32>,
      %swap3A_377 = vector.shape_cast %swap3A_376 : vector<1x16xf32> to vector<16xf32>
      %swap3A_378 = vector.shape_cast %add3A_373 : vector<16xf32> to vector<1x16xf32>
      tpu.vector_store %arg9[%swap3A_374, %swap3A_375], %swap3A_378 {strides = array<i32>} : memref<96x384xf32, #tpu.memory_space<vmem>>, vector<1x16xf32>,
      %get3A_379 = arith.index_cast %scan3A_240 : i32 to index
      %get3A_380 = arith.constant 160 : index
      %get3A_381 = tpu.vector_load %arg7[%get3A_379, %get3A_380] {strides = array<i32>} : memref<96x384xf32, #tpu.memory_space<vmem>>, vector<1x16xf32>,
      %get3A_382 = vector.shape_cast %get3A_381 : vector<1x16xf32> to vector<16xf32>
      %get3A_383 = arith.index_cast %scan3A_240 : i32 to index
      %get3A_384 = arith.constant 160 : index
      %get3A_385 = tpu.vector_load %arg8[%get3A_383, %get3A_384] {strides = array<i32>} : memref<96x384xf32, #tpu.memory_space<vmem>>, vector<1x16xf32>,
      %get3A_386 = vector.shape_cast %get3A_385 : vector<1x16xf32> to vector<16xf32>
      %add3A_387 = arith.addf %get3A_382, %get3A_386 : vector<16xf32>
      %swap3A_388 = arith.index_cast %scan3A_240 : i32 to index
      %swap3A_389 = arith.constant 160 : index
      %swap3A_390 = tpu.vector_load %arg9[%swap3A_388, %swap3A_389] {strides = array<i32>} : memref<96x384xf32, #tpu.memory_space<vmem>>, vector<1x16xf32>,
      %swap3A_391 = vector.shape_cast %swap3A_390 : vector<1x16xf32> to vector<16xf32>
      %swap3A_392 = vector.shape_cast %add3A_387 : vector<16xf32> to vector<1x16xf32>
      tpu.vector_store %arg9[%swap3A_388, %swap3A_389], %swap3A_392 {strides = array<i32>} : memref<96x384xf32, #tpu.memory_space<vmem>>, vector<1x16xf32>,
      %get3A_393 = arith.index_cast %scan3A_240 : i32 to index
      %get3A_394 = arith.constant 176 : index
      %get3A_395 = tpu.vector_load %arg7[%get3A_393, %get3A_394] {strides = array<i32>} : memref<96x384xf32, #tpu.memory_space<vmem>>, vector<1x16xf32>,
      %get3A_396 = vector.shape_cast %get3A_395 : vector<1x16xf32> to vector<16xf32>
      %get3A_397 = arith.index_cast %scan3A_240 : i32 to index
      %get3A_398 = arith.constant 176 : index
      %get3A_399 = tpu.vector_load %arg8[%get3A_397, %get3A_398] {strides = array<i32>} : memref<96x384xf32, #tpu.memory_space<vmem>>, vector<1x16xf32>,
      %get3A_400 = vector.shape_cast %get3A_399 : vector<1x16xf32> to vector<16xf32>
      %add3A_401 = arith.addf %get3A_396, %get3A_400 : vector<16xf32>
      %swap3A_402 = arith.index_cast %scan3A_240 : i32 to index
      %swap3A_403 = arith.constant 176 : index
      %swap3A_404 = tpu.vector_load %arg9[%swap3A_402, %swap3A_403] {strides = array<i32>} : memref<96x384xf32, #tpu.memory_space<vmem>>, vector<1x16xf32>,
      %swap3A_405 = vector.shape_cast %swap3A_404 : vector<1x16xf32> to vector<16xf32>
      %swap3A_406 = vector.shape_cast %add3A_401 : vector<16xf32> to vector<1x16xf32>
      tpu.vector_store %arg9[%swap3A_402, %swap3A_403], %swap3A_406 {strides = array<i32>} : memref<96x384xf32, #tpu.memory_space<vmem>>, vector<1x16xf32>,
      %get3A_407 = arith.index_cast %scan3A_240 : i32 to index
      %get3A_408 = arith.constant 192 : index
      %get3A_409 = tpu.vector_load %arg7[%get3A_407, %get3A_408] {strides = array<i32>} : memref<96x384xf32, #tpu.memory_space<vmem>>, vector<1x16xf32>,
      %get3A_410 = vector.shape_cast %get3A_409 : vector<1x16xf32> to vector<16xf32>
      %get3A_411 = arith.index_cast %scan3A_240 : i32 to index
      %get3A_412 = arith.constant 192 : index
      %get3A_413 = tpu.vector_load %arg8[%get3A_411, %get3A_412] {strides = array<i32>} : memref<96x384xf32, #tpu.memory_space<vmem>>, vector<1x16xf32>,
      %get3A_414 = vector.shape_cast %get3A_413 : vector<1x16xf32> to vector<16xf32>
      %add3A_415 = arith.addf %get3A_410, %get3A_414 : vector<16xf32>
      %swap3A_416 = arith.index_cast %scan3A_240 : i32 to index
      %swap3A_417 = arith.constant 192 : index
      %swap3A_418 = tpu.vector_load %arg9[%swap3A_416, %swap3A_417] {strides = array<i32>} : memref<96x384xf32, #tpu.memory_space<vmem>>, vector<1x16xf32>,
      %swap3A_419 = vector.shape_cast %swap3A_418 : vector<1x16xf32> to vector<16xf32>
      %swap3A_420 = vector.shape_cast %add3A_415 : vector<16xf32> to vector<1x16xf32>
      tpu.vector_store %arg9[%swap3A_416, %swap3A_417], %swap3A_420 {strides = array<i32>} : memref<96x384xf32, #tpu.memory_space<vmem>>, vector<1x16xf32>,
      %get3A_421 = arith.index_cast %scan3A_240 : i32 to index
      %get3A_422 = arith.constant 208 : index
      %get3A_423 = tpu.vector_load %arg7[%get3A_421, %get3A_422] {strides = array<i32>} : memref<96x384xf32, #tpu.memory_space<vmem>>, vector<1x16xf32>,
      %get3A_424 = vector.shape_cast %get3A_423 : vector<1x16xf32> to vector<16xf32>
      %get3A_425 = arith.index_cast %scan3A_240 : i32 to index
      %get3A_426 = arith.constant 208 : index
      %get3A_427 = tpu.vector_load %arg8[%get3A_425, %get3A_426] {strides = array<i32>} : memref<96x384xf32, #tpu.memory_space<vmem>>, vector<1x16xf32>,
      %get3A_428 = vector.shape_cast %get3A_427 : vector<1x16xf32> to vector<16xf32>
      %add3A_429 = arith.addf %get3A_424, %get3A_428 : vector<16xf32>
      %swap3A_430 = arith.index_cast %scan3A_240 : i32 to index
      %swap3A_431 = arith.constant 208 : index
      %swap3A_432 = tpu.vector_load %arg9[%swap3A_430, %swap3A_431] {strides = array<i32>} : memref<96x384xf32, #tpu.memory_space<vmem>>, vector<1x16xf32>,
      %swap3A_433 = vector.shape_cast %swap3A_432 : vector<1x16xf32> to vector<16xf32>
      %swap3A_434 = vector.shape_cast %add3A_429 : vector<16xf32> to vector<1x16xf32>
      tpu.vector_store %arg9[%swap3A_430, %swap3A_431], %swap3A_434 {strides = array<i32>} : memref<96x384xf32, #tpu.memory_space<vmem>>, vector<1x16xf32>,
      %get3A_435 = arith.index_cast %scan3A_240 : i32 to index
      %get3A_436 = arith.constant 224 : index
      %get3A_437 = tpu.vector_load %arg7[%get3A_435, %get3A_436] {strides = array<i32>} : memref<96x384xf32, #tpu.memory_space<vmem>>, vector<1x16xf32>,
      %get3A_438 = vector.shape_cast %get3A_437 : vector<1x16xf32> to vector<16xf32>
      %get3A_439 = arith.index_cast %scan3A_240 : i32 to index
      %get3A_440 = arith.constant 224 : index
      %get3A_441 = tpu.vector_load %arg8[%get3A_439, %get3A_440] {strides = array<i32>} : memref<96x384xf32, #tpu.memory_space<vmem>>, vector<1x16xf32>,
      %get3A_442 = vector.shape_cast %get3A_441 : vector<1x16xf32> to vector<16xf32>
      %add3A_443 = arith.addf %get3A_438, %get3A_442 : vector<16xf32>
      %swap3A_444 = arith.index_cast %scan3A_240 : i32 to index
      %swap3A_445 = arith.constant 224 : index
      %swap3A_446 = tpu.vector_load %arg9[%swap3A_444, %swap3A_445] {strides = array<i32>} : memref<96x384xf32, #tpu.memory_space<vmem>>, vector<1x16xf32>,
      %swap3A_447 = vector.shape_cast %swap3A_446 : vector<1x16xf32> to vector<16xf32>
      %swap3A_448 = vector.shape_cast %add3A_443 : vector<16xf32> to vector<1x16xf32>
      tpu.vector_store %arg9[%swap3A_444, %swap3A_445], %swap3A_448 {strides = array<i32>} : memref<96x384xf32, #tpu.memory_space<vmem>>, vector<1x16xf32>,
      %get3A_449 = arith.index_cast %scan3A_240 : i32 to index
      %get3A_450 = arith.constant 240 : index
      %get3A_451 = tpu.vector_load %arg7[%get3A_449, %get3A_450] {strides = array<i32>} : memref<96x384xf32, #tpu.memory_space<vmem>>, vector<1x16xf32>,
      %get3A_452 = vector.shape_cast %get3A_451 : vector<1x16xf32> to vector<16xf32>
      %get3A_453 = arith.index_cast %scan3A_240 : i32 to index
      %get3A_454 = arith.constant 240 : index
      %get3A_455 = tpu.vector_load %arg8[%get3A_453, %get3A_454] {strides = array<i32>} : memref<96x384xf32, #tpu.memory_space<vmem>>, vector<1x16xf32>,
      %get3A_456 = vector.shape_cast %get3A_455 : vector<1x16xf32> to vector<16xf32>
      %add3A_457 = arith.addf %get3A_452, %get3A_456 : vector<16xf32>
      %swap3A_458 = arith.index_cast %scan3A_240 : i32 to index
      %swap3A_459 = arith.constant 240 : index
      %swap3A_460 = tpu.vector_load %arg9[%swap3A_458, %swap3A_459] {strides = array<i32>} : memref<96x384xf32, #tpu.memory_space<vmem>>, vector<1x16xf32>,
      %swap3A_461 = vector.shape_cast %swap3A_460 : vector<1x16xf32> to vector<16xf32>
      %swap3A_462 = vector.shape_cast %add3A_457 : vector<16xf32> to vector<1x16xf32>
      tpu.vector_store %arg9[%swap3A_458, %swap3A_459], %swap3A_462 {strides = array<i32>} : memref<96x384xf32, #tpu.memory_space<vmem>>, vector<1x16xf32>,
      %get3A_463 = arith.index_cast %scan3A_240 : i32 to index
      %get3A_464 = arith.constant 256 : index
      %get3A_465 = tpu.vector_load %arg7[%get3A_463, %get3A_464] {strides = array<i32>} : memref<96x384xf32, #tpu.memory_space<vmem>>, vector<1x16xf32>,
      %get3A_466 = vector.shape_cast %get3A_465 : vector<1x16xf32> to vector<16xf32>
      %get3A_467 = arith.index_cast %scan3A_240 : i32 to index
      %get3A_468 = arith.constant 256 : index
      %get3A_469 = tpu.vector_load %arg8[%get3A_467, %get3A_468] {strides = array<i32>} : memref<96x384xf32, #tpu.memory_space<vmem>>, vector<1x16xf32>,
      %get3A_470 = vector.shape_cast %get3A_469 : vector<1x16xf32> to vector<16xf32>
      %add3A_471 = arith.addf %get3A_466, %get3A_470 : vector<16xf32>
      %swap3A_472 = arith.index_cast %scan3A_240 : i32 to index
      %swap3A_473 = arith.constant 256 : index
      %swap3A_474 = tpu.vector_load %arg9[%swap3A_472, %swap3A_473] {strides = array<i32>} : memref<96x384xf32, #tpu.memory_space<vmem>>, vector<1x16xf32>,
      %swap3A_475 = vector.shape_cast %swap3A_474 : vector<1x16xf32> to vector<16xf32>
      %swap3A_476 = vector.shape_cast %add3A_471 : vector<16xf32> to vector<1x16xf32>
      tpu.vector_store %arg9[%swap3A_472, %swap3A_473], %swap3A_476 {strides = array<i32>} : memref<96x384xf32, #tpu.memory_space<vmem>>, vector<1x16xf32>,
      %get3A_477 = arith.index_cast %scan3A_240 : i32 to index
      %get3A_478 = arith.constant 272 : index
      %get3A_479 = tpu.vector_load %arg7[%get3A_477, %get3A_478] {strides = array<i32>} : memref<96x384xf32, #tpu.memory_space<vmem>>, vector<1x16xf32>,
      %get3A_480 = vector.shape_cast %get3A_479 : vector<1x16xf32> to vector<16xf32>
      %get3A_481 = arith.index_cast %scan3A_240 : i32 to index
      %get3A_482 = arith.constant 272 : index
      %get3A_483 = tpu.vector_load %arg8[%get3A_481, %get3A_482] {strides = array<i32>} : memref<96x384xf32, #tpu.memory_space<vmem>>, vector<1x16xf32>,
      %get3A_484 = vector.shape_cast %get3A_483 : vector<1x16xf32> to vector<16xf32>
      %add3A_485 = arith.addf %get3A_480, %get3A_484 : vector<16xf32>
      %swap3A_486 = arith.index_cast %scan3A_240 : i32 to index
      %swap3A_487 = arith.constant 272 : index
      %swap3A_488 = tpu.vector_load %arg9[%swap3A_486, %swap3A_487] {strides = array<i32>} : memref<96x384xf32, #tpu.memory_space<vmem>>, vector<1x16xf32>,
      %swap3A_489 = vector.shape_cast %swap3A_488 : vector<1x16xf32> to vector<16xf32>
      %swap3A_490 = vector.shape_cast %add3A_485 : vector<16xf32> to vector<1x16xf32>
      tpu.vector_store %arg9[%swap3A_486, %swap3A_487], %swap3A_490 {strides = array<i32>} : memref<96x384xf32, #tpu.memory_space<vmem>>, vector<1x16xf32>,
      %get3A_491 = arith.index_cast %scan3A_240 : i32 to index
      %get3A_492 = arith.constant 288 : index
      %get3A_493 = tpu.vector_load %arg7[%get3A_491, %get3A_492] {strides = array<i32>} : memref<96x384xf32, #tpu.memory_space<vmem>>, vector<1x16xf32>,
      %get3A_494 = vector.shape_cast %get3A_493 : vector<1x16xf32> to vector<16xf32>
      %get3A_495 = arith.index_cast %scan3A_240 : i32 to index
      %get3A_496 = arith.constant 288 : index
      %get3A_497 = tpu.vector_load %arg8[%get3A_495, %get3A_496] {strides = array<i32>} : memref<96x384xf32, #tpu.memory_space<vmem>>, vector<1x16xf32>,
      %get3A_498 = vector.shape_cast %get3A_497 : vector<1x16xf32> to vector<16xf32>
      %add3A_499 = arith.addf %get3A_494, %get3A_498 : vector<16xf32>
      %swap3A_500 = arith.index_cast %scan3A_240 : i32 to index
      %swap3A_501 = arith.constant 288 : index
      %swap3A_502 = tpu.vector_load %arg9[%swap3A_500, %swap3A_501] {strides = array<i32>} : memref<96x384xf32, #tpu.memory_space<vmem>>, vector<1x16xf32>,
      %swap3A_503 = vector.shape_cast %swap3A_502 : vector<1x16xf32> to vector<16xf32>
      %swap3A_504 = vector.shape_cast %add3A_499 : vector<16xf32> to vector<1x16xf32>
      tpu.vector_store %arg9[%swap3A_500, %swap3A_501], %swap3A_504 {strides = array<i32>} : memref<96x384xf32, #tpu.memory_space<vmem>>, vector<1x16xf32>,
      %get3A_505 = arith.index_cast %scan3A_240 : i32 to index
      %get3A_506 = arith.constant 304 : index
      %get3A_507 = tpu.vector_load %arg7[%get3A_505, %get3A_506] {strides = array<i32>} : memref<96x384xf32, #tpu.memory_space<vmem>>, vector<1x16xf32>,
      %get3A_508 = vector.shape_cast %get3A_507 : vector<1x16xf32> to vector<16xf32>
      %get3A_509 = arith.index_cast %scan3A_240 : i32 to index
      %get3A_510 = arith.constant 304 : index
      %get3A_511 = tpu.vector_load %arg8[%get3A_509, %get3A_510] {strides = array<i32>} : memref<96x384xf32, #tpu.memory_space<vmem>>, vector<1x16xf32>,
      %get3A_512 = vector.shape_cast %get3A_511 : vector<1x16xf32> to vector<16xf32>
      %add3A_513 = arith.addf %get3A_508, %get3A_512 : vector<16xf32>
      %swap3A_514 = arith.index_cast %scan3A_240 : i32 to index
      %swap3A_515 = arith.constant 304 : index
      %swap3A_516 = tpu.vector_load %arg9[%swap3A_514, %swap3A_515] {strides = array<i32>} : memref<96x384xf32, #tpu.memory_space<vmem>>, vector<1x16xf32>,
      %swap3A_517 = vector.shape_cast %swap3A_516 : vector<1x16xf32> to vector<16xf32>
      %swap3A_518 = vector.shape_cast %add3A_513 : vector<16xf32> to vector<1x16xf32>
      tpu.vector_store %arg9[%swap3A_514, %swap3A_515], %swap3A_518 {strides = array<i32>} : memref<96x384xf32, #tpu.memory_space<vmem>>, vector<1x16xf32>,
      %get3A_519 = arith.index_cast %scan3A_240 : i32 to index
      %get3A_520 = arith.constant 320 : index
      %get3A_521 = tpu.vector_load %arg7[%get3A_519, %get3A_520] {strides = array<i32>} : memref<96x384xf32, #tpu.memory_space<vmem>>, vector<1x16xf32>,
      %get3A_522 = vector.shape_cast %get3A_521 : vector<1x16xf32> to vector<16xf32>
      %get3A_523 = arith.index_cast %scan3A_240 : i32 to index
      %get3A_524 = arith.constant 320 : index
      %get3A_525 = tpu.vector_load %arg8[%get3A_523, %get3A_524] {strides = array<i32>} : memref<96x384xf32, #tpu.memory_space<vmem>>, vector<1x16xf32>,
      %get3A_526 = vector.shape_cast %get3A_525 : vector<1x16xf32> to vector<16xf32>
      %add3A_527 = arith.addf %get3A_522, %get3A_526 : vector<16xf32>
      %swap3A_528 = arith.index_cast %scan3A_240 : i32 to index
      %swap3A_529 = arith.constant 320 : index
      %swap3A_530 = tpu.vector_load %arg9[%swap3A_528, %swap3A_529] {strides = array<i32>} : memref<96x384xf32, #tpu.memory_space<vmem>>, vector<1x16xf32>,
      %swap3A_531 = vector.shape_cast %swap3A_530 : vector<1x16xf32> to vector<16xf32>
      %swap3A_532 = vector.shape_cast %add3A_527 : vector<16xf32> to vector<1x16xf32>
      tpu.vector_store %arg9[%swap3A_528, %swap3A_529], %swap3A_532 {strides = array<i32>} : memref<96x384xf32, #tpu.memory_space<vmem>>, vector<1x16xf32>,
      %get3A_533 = arith.index_cast %scan3A_240 : i32 to index
      %get3A_534 = arith.constant 336 : index
      %get3A_535 = tpu.vector_load %arg7[%get3A_533, %get3A_534] {strides = array<i32>} : memref<96x384xf32, #tpu.memory_space<vmem>>, vector<1x16xf32>,
      %get3A_536 = vector.shape_cast %get3A_535 : vector<1x16xf32> to vector<16xf32>
      %get3A_537 = arith.index_cast %scan3A_240 : i32 to index
      %get3A_538 = arith.constant 336 : index
      %get3A_539 = tpu.vector_load %arg8[%get3A_537, %get3A_538] {strides = array<i32>} : memref<96x384xf32, #tpu.memory_space<vmem>>, vector<1x16xf32>,
      %get3A_540 = vector.shape_cast %get3A_539 : vector<1x16xf32> to vector<16xf32>
      %add3A_541 = arith.addf %get3A_536, %get3A_540 : vector<16xf32>
      %swap3A_542 = arith.index_cast %scan3A_240 : i32 to index
      %swap3A_543 = arith.constant 336 : index
      %swap3A_544 = tpu.vector_load %arg9[%swap3A_542, %swap3A_543] {strides = array<i32>} : memref<96x384xf32, #tpu.memory_space<vmem>>, vector<1x16xf32>,
      %swap3A_545 = vector.shape_cast %swap3A_544 : vector<1x16xf32> to vector<16xf32>
      %swap3A_546 = vector.shape_cast %add3A_541 : vector<16xf32> to vector<1x16xf32>
      tpu.vector_store %arg9[%swap3A_542, %swap3A_543], %swap3A_546 {strides = array<i32>} : memref<96x384xf32, #tpu.memory_space<vmem>>, vector<1x16xf32>,
      %get3A_547 = arith.index_cast %scan3A_240 : i32 to index
      %get3A_548 = arith.constant 352 : index
      %get3A_549 = tpu.vector_load %arg7[%get3A_547, %get3A_548] {strides = array<i32>} : memref<96x384xf32, #tpu.memory_space<vmem>>, vector<1x16xf32>,
      %get3A_550 = vector.shape_cast %get3A_549 : vector<1x16xf32> to vector<16xf32>
      %get3A_551 = arith.index_cast %scan3A_240 : i32 to index
      %get3A_552 = arith.constant 352 : index
      %get3A_553 = tpu.vector_load %arg8[%get3A_551, %get3A_552] {strides = array<i32>} : memref<96x384xf32, #tpu.memory_space<vmem>>, vector<1x16xf32>,
      %get3A_554 = vector.shape_cast %get3A_553 : vector<1x16xf32> to vector<16xf32>
      %add3A_555 = arith.addf %get3A_550, %get3A_554 : vector<16xf32>
      %swap3A_556 = arith.index_cast %scan3A_240 : i32 to index
      %swap3A_557 = arith.constant 352 : index
      %swap3A_558 = tpu.vector_load %arg9[%swap3A_556, %swap3A_557] {strides = array<i32>} : memref<96x384xf32, #tpu.memory_space<vmem>>, vector<1x16xf32>,
      %swap3A_559 = vector.shape_cast %swap3A_558 : vector<1x16xf32> to vector<16xf32>
      %swap3A_560 = vector.shape_cast %add3A_555 : vector<16xf32> to vector<1x16xf32>
      tpu.vector_store %arg9[%swap3A_556, %swap3A_557], %swap3A_560 {strides = array<i32>} : memref<96x384xf32, #tpu.memory_space<vmem>>, vector<1x16xf32>,
      %get3A_561 = arith.index_cast %scan3A_240 : i32 to index
      %get3A_562 = arith.constant 368 : index
      %get3A_563 = tpu.vector_load %arg7[%get3A_561, %get3A_562] {strides = array<i32>} : memref<96x384xf32, #tpu.memory_space<vmem>>, vector<1x16xf32>,
      %get3A_564 = vector.shape_cast %get3A_563 : vector<1x16xf32> to vector<16xf32>
      %get3A_565 = arith.index_cast %scan3A_240 : i32 to index
      %get3A_566 = arith.constant 368 : index
      %get3A_567 = tpu.vector_load %arg8[%get3A_565, %get3A_566] {strides = array<i32>} : memref<96x384xf32, #tpu.memory_space<vmem>>, vector<1x16xf32>,
      %get3A_568 = vector.shape_cast %get3A_567 : vector<1x16xf32> to vector<16xf32>
      %add3A_569 = arith.addf %get3A_564, %get3A_568 : vector<16xf32>
      %swap3A_570 = arith.index_cast %scan3A_240 : i32 to index
      %swap3A_571 = arith.constant 368 : index
      %swap3A_572 = tpu.vector_load %arg9[%swap3A_570, %swap3A_571] {strides = array<i32>} : memref<96x384xf32, #tpu.memory_space<vmem>>, vector<1x16xf32>,
      %swap3A_573 = vector.shape_cast %swap3A_572 : vector<1x16xf32> to vector<16xf32>
      %swap3A_574 = vector.shape_cast %add3A_569 : vector<16xf32> to vector<1x16xf32>
      tpu.vector_store %arg9[%swap3A_570, %swap3A_571], %swap3A_574 {strides = array<i32>} : memref<96x384xf32, #tpu.memory_space<vmem>>, vector<1x16xf32>,
    }
    %scan3A_231 = arith.constant 96 : i32
    %dma_start3A_232 = arith.constant 0 : i32
    %dma_start3A_233 = tpu.memref_slice %arg5[%add3A_197, %dma_start3A_232] : memref<18432x384xf32, #tpu.memory_space<hbm>> -> memref<96x384xf32, #tpu.memory_space<hbm>>
    %dma_start3A_234 = arith.constant 0 : i32
    %dma_start3A_235 = tpu.memref_slice %arg5[%add3A_197, %dma_start3A_234] : memref<18432x384xf32, #tpu.memory_space<hbm>> -> memref<96x384xf32, #tpu.memory_space<hbm>>
    tpu.enqueue_dma source(%arg9 : memref<96x384xf32, #tpu.memory_space<vmem>>) target(%dma_start3A_235 : memref<96x384xf32, #tpu.memory_space<hbm>>) target_semaphore(%arg12 : memref<!tpu.dma_semaphore, #tpu.memory_space<semaphore_mem>>)
    %dma_wait3A_236 = arith.constant 0 : i32
    %dma_wait3A_237 = tpu.memref_slice %arg5[%add3A_197, %dma_wait3A_236] : memref<18432x384xf32, #tpu.memory_space<hbm>> -> memref<96x384xf32, #tpu.memory_space<hbm>>
    %dma_wait3A_238 = arith.constant 0 : i32
    %dma_wait3A_239 = tpu.memref_slice %arg5[%add3A_197, %dma_wait3A_238] : memref<18432x384xf32, #tpu.memory_space<hbm>> -> memref<96x384xf32, #tpu.memory_space<hbm>>
    tpu.wait_dma2 semaphore(%arg12 : memref<!tpu.dma_semaphore, #tpu.memory_space<semaphore_mem>>) src(%arg9 : memref<96x384xf32, #tpu.memory_space<vmem>>) dst(%dma_wait3A_239 : memref<96x384xf32, #tpu.memory_space<hbm>>)
    return
  }
}

</mosaic_0001>

<sc_bundles>
// kernel: kernel.3.cloned.1.call-start
scs
__scs_entry_jumppad:
0x0: {  	(pc) =	sbr.rel $0x88, $3  }
0x1: {  	(tag) =	ssettag $0x0;
	lr =	simm.s32 $0x1  }
0x2: {  	[smem:$0x3F9E] =	sst lr;
	_ =	strace $0xD0000000  }
0x3: {  	_ = 	snop  }
0x4: {  	_ = 	snop  }
0x5: {  	_ = 	snop  }
0x6: {  	_ = 	snop  }
0x7: {  	_ = 	snop  }
__scs_overlays_trampoline_lowered:
0x8: {  	[smem:$0x3FAD] =	sst s0  }
0x9: {  	[smem:$0x3FAE] =	sst s1  }
0xa: {  	[smem:$0x3FAF] =	sst s2  }
0xb: {  	[smem:$0x3FB0] =	sst s3  }
0xc: {  	[smem:$0x3FB1] =	sst s4  }
0xd: {  	[smem:$0x3FB2] =	sst s5  }
0xe: {  	[smem:$0x3FB3] =	sst s6  }
0xf: {  	[smem:$0x3FB4] =	sst s7  }
0x10: {  	[smem:$0x3FB5] =	sst s8  }
0x11: {  	[smem:$0x3FB6] =	sst s9;
	s0 =	simm.s32 @!p0 $0x0  }
0x12: {  	s1 =	sld [smem:$0x3F9C];
	s0 =	simm.s32 @p0 $0x1  }
0x13: {  	[smem:$0x3FB7] =	sst s0;
	s0 =	simm.s32 @!p1 $0x0  }
0x14: {  	s2 =	sld [smem:$0x3F9B];
	s0 =	simm.s32 @p1 $0x1  }
0x15: {  	[smem:$0x3FB8] =	sst s0;
	s0 =	simm.s32 @!p2 $0x0  }
0x16: {  	s3 =	sld [smem:$0x3FDB];
	s0 =	simm.s32 @p2 $0x1  }
0x17: {  	s4 =	simm.s32 $0x1BF5;
	[smem:$0x3FBA] =	sst s0  }
0x18: {  	s0 =	sld [smem:$0x3F9D];
	_ =	swait.ge [sflag:s4], $0x0  }
0x19: {  	s7 =	sld [smem:$0x3F9E]  }
0x1a: {  	s8 =	sadd.s32 $0xFFFFE003, lr  }
0x1b: {  	s9 =	sadd.s32 $0xFFFFFEF7, lr;
	s5 =	simm.s32 $0xFFFFFFFF;
	p2 =	slt.u32 s8, $0xFFFFF086  }
0x1c: {  	p1 =	slt.u32 s9, $0xF7A;
	s5 =	simm.s32 @!p2 $0x0  }
0x1d: {  	s5 =	simm.s32 @p1 $0x1;
	p0 =	seq.s32 s7, s2  }
0x1e: {  	s7 =	smul.u32 @!p0 $0xF7A, s2;
	p2 =	seq.s32 @!p0 s5, $0x0  }
0x1f: {  	s9 =	smul.u32 $0xF7A, s1;
	s8 =	simm.s32 @!p0 $0x1BF5;
	p2 =	por !p2, p0  }
0x20: {  	[sflag:s8] =	ssyncset.s32 @!p0 $0xFFFFF086;
	s6 =	sadd.s32 @!p0 s3, s7;
	s7 =	simm.s32 @!p0 $0x108  }
0x21: {  	s3 =	sadd.s32 s3, s9;
	s6 =	sadd.s32 @!p0 $0x88, s6;
	s7 =	simm.s32 @p2 $0x1082  }
0x22: {  	[simem:s7], [sflag:s8] =	dma.local @!p0 [hbm:s6], $0xF7A  }
0x23: {  	s9 =	sor.u32 $0xD0000000, s2;
	s6 =	simm.s32 $0x108;
	_ =	swait.ge @!p0 [sflag:s8], $0x0  }
0x24: {  	s3 =	sadd.s32 $0x88, s3;
	s6 =	simm.s32 @!p1 $0x1082;
	[sflag:s4] =	ssyncset.s32 $0xFFFFF086  }
0x25: {  	[simem:s6], [sflag:s4] =	dma.local [hbm:s3], $0xF7A  }
0x26: {  	[smem:$0x3F9E] =	sst s1;
	(tag) =	ssettag s2;
	_ =	strace s9  }
0x27: {  	s1 =	sld [smem:$0x3FAE]  }
0x28: {  	s2 =	sld [smem:$0x3FAF]  }
0x29: {  	s4 =	sld [smem:$0x3FB1]  }
0x2a: {  	p0 =	seq.s32 s5, $0x0;
	s5 =	sld [smem:$0x3FB2]  }
0x2b: {  	s6 =	sld [smem:$0x3FB3]  }
0x2c: {  	s7 =	sld [smem:$0x3FB4]  }
0x2d: {  	s3 =	simm.s32 $0x108;
	s8 =	sld [smem:$0x3FB5]  }
0x2e: {  	s3 =	simm.s32 @!p0 $0x1082;
	s9 =	sld [smem:$0x3FB6]  }
0x2f: {  	lr =	sadd.s32 s0, s3;
	s0 =	sld [smem:$0x3FAD]  }
0x30: {  	s3 =	sld [smem:$0x3FB0]  }
0x31: {  	[smem:$0x3FB9] =	sst s10  }
0x32: {  	s10 =	sld [smem:$0x3FB7];
	_ =	sdelay $0x3  }
0x33: {  	p0 =	seq.s32 s10, $0x1;
	s10 =	sld [smem:$0x3FB9];
	_ =	sdelay $0x3  }
0x34: {  	[smem:$0x3FB9] =	sst s10  }
0x35: {  	s10 =	sld [smem:$0x3FB8];
	_ =	sdelay $0x3  }
0x36: {  	p1 =	seq.s32 s10, $0x1;
	s10 =	sld [smem:$0x3FB9];
	_ =	sdelay $0x3  }
0x37: {  	[smem:$0x3FB9] =	sst s10  }
0x38: {  	s10 =	sld [smem:$0x3FBA]  }
0x39: {  	_ = 	snop;
	(pc) =	sbr.ind lr, $3  }
0x3a: {  	_ = 	snop  }
0x3b: {  	_ = 	snop  }
0x3c: {  	p2 =	seq.s32 s10, $0x1;
	s10 =	sld [smem:$0x3FB9]  }
0x3d: {  	_ =	shalt  }
0x3e: {  	_ =	shalt  }
0x3f: {  	_ =	shalt  }
0x40: {  	_ =	shalt  }
0x41: {  	_ =	shalt  }
0x42: {  	_ =	shalt  }
0x43: {  	_ =	shalt  }
0x44: {  	_ =	shalt  }
0x45: {  	_ =	shalt  }
0x46: {  	_ =	shalt  }
0x47: {  	_ =	shalt  }
0x48: {  	_ =	shalt  }
0x49: {  	_ =	shalt  }
0x4a: {  	_ =	shalt  }
0x4b: {  	_ =	shalt  }
0x4c: {  	_ =	shalt  }
0x4d: {  	_ =	shalt  }
0x4e: {  	_ =	shalt  }
0x4f: {  	_ =	shalt  }
0x50: {  	_ =	shalt  }
0x51: {  	_ =	shalt  }
0x52: {  	_ =	shalt  }
0x53: {  	_ =	shalt  }
0x54: {  	_ =	shalt  }
0x55: {  	_ =	shalt  }
0x56: {  	_ =	shalt  }
0x57: {  	_ =	shalt  }
0x58: {  	_ =	shalt  }
0x59: {  	_ =	shalt  }
0x5a: {  	_ =	shalt  }
0x5b: {  	_ =	shalt  }
0x5c: {  	_ =	shalt  }
0x5d: {  	_ =	shalt  }
0x5e: {  	_ =	shalt  }
0x5f: {  	_ =	shalt  }
0x60: {  	_ =	shalt  }
0x61: {  	_ =	shalt  }
0x62: {  	_ =	shalt  }
0x63: {  	_ =	shalt  }
0x64: {  	_ =	shalt  }
0x65: {  	_ =	shalt  }
0x66: {  	_ =	shalt  }
0x67: {  	_ =	shalt  }
0x68: {  	_ =	shalt  }
0x69: {  	_ =	shalt  }
0x6a: {  	_ =	shalt  }
0x6b: {  	_ =	shalt  }
0x6c: {  	_ =	shalt  }
0x6d: {  	_ =	shalt  }
0x6e: {  	_ =	shalt  }
0x6f: {  	_ =	shalt  }
0x70: {  	_ =	shalt  }
0x71: {  	_ =	shalt  }
0x72: {  	_ =	shalt  }
0x73: {  	_ =	shalt  }
0x74: {  	_ =	shalt  }
0x75: {  	_ =	shalt  }
0x76: {  	_ =	shalt  }
0x77: {  	_ =	shalt  }
0x78: {  	_ =	shalt  }
0x79: {  	_ =	shalt  }
0x7a: {  	_ =	shalt  }
0x7b: {  	_ =	shalt  }
0x7c: {  	_ =	shalt  }
0x7d: {  	_ =	shalt  }
0x7e: {  	_ =	shalt  }
0x7f: {  	_ =	shalt  }
0x80: {  	_ =	shalt  }
0x81: {  	_ =	shalt  }
0x82: {  	_ =	shalt  }
0x83: {  	_ =	shalt  }
0x84: {  	_ =	shalt  }
0x85: {  	_ =	shalt  }
0x86: {  	_ =	shalt  }
0x87: {  	_ =	shalt  }
.Lfunc_end0:
.L_simem_size_0:
called_computation_lowered:
.L_overlay_start_0:
0x88: {  	s2 =	sld [smem:$0x3FD9]  }
0x89: {  	s3 =	sld [smem:$0x3FFE];
	_ =	sdelay $0x1  }
0x8a: {  	s1 =	srdreg.scid  }
0x8b: {  	s0 =	sand.u32 $0x1, s1  }
0x8c: {  	s17 =	sshll.u32 s0, $0xA;
	s2 =	sadd.s32 s3, s2  }
0x8d: {  	s2 =	sadd.s32 s2, s17  }
0x8e: {  	[smem:$0x3FC5] =	sst s2  }
0x8f: {  	_ = 	snop  }
0x90: {  	s2 =	sld [smem:$0x3FC9]  }
0x91: {  	s18 =	sld [smem:$0x3FD0];
	(tm) =	ssettm $0x1  }
0x92: {  	s4 =	sld [smem:$0x3FFB];
	_ =	sdelay $0x3  }
0x93: {  	_ =	strace s4  }
0x94: {  	s4 =	sld [smem:$0x3FFC];
	_ =	sdelay $0x3  }
0x95: {  	_ =	strace s4  }
0x96: {  	s4 =	sld [smem:$0x3FFD];
	_ =	sdelay $0x3  }
0x97: {  	_ =	strace s4  }
0x98: {  	_ =	strace $0x8FFFFFFF  }
0x99: {  	s19 =	sld [smem:$0x3FDB];
	_ =	sdelay $0x1  }
0x9a: {  	s5 =	simm.s32 $_scs_section_size  }
0x9b: {  	s6 =	simm.s32 $_size__tile_overlayer_lowered;
	s7 =	simm.s32 $_tile_overlayer_lowered  }
0x9c: {  	s22 =	simm.s32 $0x1BFF;
	s21 =	sshll.u32 s7, $0x1;
	s4 =	sadd.s32 s5, s19  }
0x9d: {  	s8 =	simm.s32 $0x0;
	s20 =	sshll.u32 s6, $0x1;
	s6 =	sadd.s32 s21, s4  }
0x9e: {  	[timem:s8], [sflag:s22] =	dma.local [hbm:s6], s20  }
0x9f: {  	_ =	swait.ge [sflag:s22], s20  }
0xa0: {  	s5 =	ssub.s32 $0x0, s20;
	[sflag:s22] =	ssyncset.done $0x0  }
0xa1: {  	[sflag:s22] =	ssyncadd.s32 s5;
	_ =	sdelay $0x1  }
0xa2: {  	s23 =	simm.s32 $0x1B8B  }
0xa3: {  	_ =	swait.ge [sflag:s23], $0x1  }
0xa4: {  	[sflag:s23] =	ssyncset.done $0x0  }
0xa5: {  	s25 =	simm.s32 $0x1B8E;
	s24 =	sld [smem:$0x3FFE];
	[sflag:s23] =	ssyncadd.s32 $0xFFFFFFFF  }
0xa6: {  	s26 =	simm.s32 $execute0_lowered;
	[smem:$0x3FD2] =	sst s25  }
0xa7: {  	s6 =	sshll.u32 s26, $0x1;
	_ =	strace $0x80000046;
	[dreg:$0x1] =	wrdreg $0xFFFFFFFF  }
0xa8: {  	s28 =	simm.s32 $_size_execute0_lowered;
	s4 =	sadd.s32 s4, s6;
	[dreg:$0x0] =	wrdreg $0x0  }
0xa9: {  	s6 =	sshll.u32 s28, $0x1;
	[dreg:$0x2] =	wrdreg s4  }
0xaa: {  	[dreg:$0x3] =	wrdreg s6  }
0xab: {  	[dreg:$0x4] =	wrdreg $0xC0  }
0xac: {  	_ =	task [dreg:s8], $0x5FFFF  }
0xad: {  	[dreg:$0x1] =	wrdreg $0xFFFFFFFF  }
0xae: {  	[dreg:$0x0] =	wrdreg $0x60  }
0xaf: {  	[dreg:$0x2] =	wrdreg s2  }
0xb0: {  	[dreg:$0x3] =	wrdreg s24  }
0xb1: {  	[dreg:$0x4] =	wrdreg s18  }
0xb2: {  	[dreg:$0x5] =	wrdreg $0x9  }
0xb3: {  	_ =	task.clear_ibuf [dreg:s8], $0x6FFFF;
	_ =	strace $0x90000046  }
0xb4: {  	s29 =	simm.s32 $0x9;
	_ =	strace $0x80000048  }
0xb5: {  	_ =	swait.ge [sflag:s29], $0x1  }
0xb6: {  	[sflag:s29] =	ssyncadd.s32 $0xFFFFFFFF  }
0xb7: {  	_ =	strace $0x90000048  }
0xb8: {  	_ =	sfence  }
0xb9: {  	s30 =	sld [smem:$0x0];
	_ =	sdelay $0x2  }
0xba: {  	s31 =	sshll.u32 s1, $0xD;
	s1 =	sshrl.u32 s1, $0x2  }
0xbb: {  	s3 =	sand.u32 $0x4000, s31;
	s1 =	sadd.s32 s1, s30  }
0xbc: {  	s0 =	sor.u32 s3, s0;
	s1 =	sshll.u32 s1, $0x11  }
0xbd: {  	s0 =	sor.u32 s1, s0  }
0xbe: {  	s0 =	sadd.s32 $0x8F2B, s0  }
0xbf: {  	[sflag:s0] =	ssyncadd.remote.s32 $0x1  }
0xc0: {  	_ =	sfence.sel $0xFFFF  }
0xc1: {  	[dreg:$0x0] =	wrdreg $0xFFFFFFFF;
	(pc) =	sbr.abs _section_cstart, $3  }
0xc2: {  	[dreg:$0x1] =	wrdreg $0xFFFFFFFF  }
0xc3: {  	_ =	task.clear_ibuf [dreg:s8], $0x2FFFF;
	_ =	strace $0x9FFFFFFF  }
0xc4: {  	(tm) =	ssettm $0x7FFFFFFF  }
0xc5: {  	_ =	shalt  }
tec
execute0_lowered:
.L_overlay_start_1:
0x0: {  	(tag) =	ssettag $0x1  }
0x1: {  	s0 =	rddreg [dreg:$0x0]  }
0x2: {  	s1 =	srdreg.scid;
	s4 =	rddreg [dreg:$0x1]  }
0x3: {  	s2 =	stileid.u32;
	s5 =	rddreg [dreg:$0x2]  }
0x4: {  	s28 =	simm.s32 $0xB800;
	s29 =	simm.s32 $0xC000;
	s30 =	simm.s32 $0xC400  }
0x5: {  	s31 =	simm.s32 $0xCC00;
	s1 =	sand.u32 $0x1, s1;
	s2 =	sshll.u32 s2, $0x1  }
0x6: {  	s10 =	simm.s32 $0xFC00;
	s11 =	simm.s32 $0x10000;
	s3 =	sor.u32 s1, s2  }
0x7: {  	s2 =	simm.s32 $0x0;
	s1 =	ssub.s32 $0x2, s1;
	s6 =	smul.u32 $0x240, s3  }
0x8: {  	[smem:$0x7FF] =	sst s2;
	s3 =	sshll.u32 s3, $0x7;
	s7 =	sshrl.u32 s1, $0x1  }
0x9: {  	_ =	strace $0x80000047;
	s12 =	sadd.s32 s3, s4;
	s3 =	sadd.s32 $0x1400, s4  }
0xa: {  	s1 =	ssub.s32 s1, s7;
	s7 =	simm.s32 $0xE800;
	s6 =	sshrl.u32 s6, $0x3  }
0xb: {  	s26 =	smax.u32 s1, $0x1;
	s1 =	simm.s32 $0xD000;
	s8 =	smul.u32 $0x180, s6  }
0xc: {  	s6 =	sadd.s32 $0x400, s12;
	[dreg:$0x11] =	wrdreg s26;
	s12 =	simm.s32 $0x10800  }
0xd: {  	[dreg:$0x4] =	wrdreg s6;
	s6 =	sadd.s32 $0x1500, s4;
	s13 =	sadd.s32 s0, s8  }
0xe: {  	s14 =	sadd.s32 $0x1200, s8;
	s15 =	sadd.s32 s5, s8;
	[dreg:$0x5] =	wrdreg s13  }
0xf: {  	s18 =	sadd.s32 $0x2400, s8;
	[dreg:$0x6] =	wrdreg s15;
	s16 =	sadd.s32 s0, s14  }
0x10: {  	s19 =	sadd.s32 $0x3600, s8;
	s17 =	sadd.s32 s5, s14;
	[dreg:$0x7] =	wrdreg s16  }
0x11: {  	s22 =	sadd.s32 $0x4800, s8;
	s9 =	sadd.s32 s0, s18;
	[dreg:$0x8] =	wrdreg s17  }
0x12: {  	s23 =	sadd.s32 $0x5A00, s8;
	s4 =	sadd.s32 s5, s18;
	[dreg:$0x9] =	wrdreg s9  }
0x13: {  	s8 =	simm.s32 $0xF000;
	s20 =	sadd.s32 s0, s19;
	[dreg:$0xa] =	wrdreg s4  }
0x14: {  	s21 =	sadd.s32 s5, s19;
	s24 =	sadd.s32 s0, s22;
	[dreg:$0xb] =	wrdreg s20  }
0x15: {  	s0 =	sadd.s32 s0, s23;
	s25 =	sadd.s32 s5, s23;
	[dreg:$0xc] =	wrdreg s21  }
0x16: {  	s13 =	simm.s32 $0x10C00;
	s14 =	simm.s32 $0x11400;
	[dreg:$0xd] =	wrdreg s24  }
0x17: {  	s15 =	simm.s32 $0x11800;
	s18 =	simm.s32 $0x2;
	[dreg:$0xf] =	wrdreg s0  }
0x18: {  	s19 =	simm.s32 $0x12400;
	s4 =	sadd.s32 s5, s22;
	[dreg:$0x10] =	wrdreg s25  }
0x19: {  	v2 =	vlaneseq.u32;
	s0 =	simm.s32 $0xD800;
	s5 =	simm.s32 $0xE400;
	s9 =	simm.s32 $0xF400  }
0x1a: {  	vm0 =	vmmov $0xffff;
	vm1 =	vmmov $0xff;
	v1 =	vshrl.u32 v2, $0x3;
	s16 =	simm.s32 $0x12000;
	s17 =	simm.s32 $0x1;
	s20 =	simm.s32 $0x3  }
0x1b: {  	v0 =	vand.u32 $0x7, v2;
	v2 =	vor.u32 $0x8, v2;
	v1 =	vmul.u32 $0x8, v1;
	s21 =	simm.s32 $0x0;
	[dreg:$0xe] =	wrdreg s4;
	s4 =	simm.s32 $0xDC00  }
.LBB2_1:
0x1c: {  	s22 =	rddreg [dreg:$0x4];
	s24 =	simm.s32 $0x4  }
0x1d: {  	[tilespmem:s2], [sflag:$0x4] =	stream.linear.gather [hbm4b:s22+s2], $0x300, $0x38;
	[tilespmem:$0x1B400] =	vst v63  }
0x1e: {  	_ =	swait.ge [sflag:s24], $0x300  }
0x1f: {  	[sflag:s24] =	ssyncset.done $0x0  }
0x20: {  	s23 =	simm.s32 $0x400;
	s25 =	rddreg [dreg:$0x5];
	[sflag:s24] =	ssyncadd.s32 $0xFFFFFD00  }
0x21: {  	[tilespmem:s23], [sflag:$0x1] =	stream.linear.gather [hbm4b:s25+s2], $0x9000, $0x38;
	[tilespmem:$0x1B400] =	vst v63  }
0x22: {  	v3 =	vld [tilespmem:$0x0];
	_ =	sdelay $0x4  }
0x23: {  	v4 =	vshrl.u32 v3, $0x3  }
0x24: {  	v4 =	vmul.u32 $0x18, v4  }
0x25: {  	v3 =	vand.u32 $0x7, v3  }
0x26: {  	v3 =	vor.u32 v3, v4  }
0x27: {  	v4 =	vperm.xlane v3, v0;
	_ =	sdelay $0x1  }
0x28: {  	v4 =	vadd.s32 v1, v4;
	_ =	sdelay $0x1  }
0x29: {  	v3 =	vperm.xlane v3, v2;
	_ =	sdelay $0x1  }
0x2a: {  	s26 =	simm.s32 $0x9400;
	v3 =	vadd.s32 v1, v3  }
0x2b: {  	[tilespmem:s26], [sflag:$0x2] =	stream.indirect_vreg.gather [hbm4b:s3+s2], $0x80, v4, vm0, $0xb8;
	[tilespmem:$0x1B400] =	vst v63  }
0x2c: {  	s23 =	simm.s32 $0x9C00  }
0x2d: {  	[tilespmem:s23], [sflag:$0x2] =	stream.indirect_vreg.gather [hbm4b:s6+s2], $0x80, v4, vm1, $0xb8;
	[tilespmem:$0x1B400] =	vst v63  }
0x2e: {  	s24 =	simm.s32 $0xA000  }
0x2f: {  	[tilespmem:s24], [sflag:$0x2] =	stream.indirect_vreg.gather [hbm4b:s3+s2], $0x80, v3, vm0, $0xb8;
	[tilespmem:$0x1B400] =	vst v63  }
0x30: {  	s25 =	simm.s32 $0xA800  }
0x31: {  	[tilespmem:s25], [sflag:$0x2] =	stream.indirect_vreg.gather [hbm4b:s6+s2], $0x80, v3, vm1, $0xb8;
	[tilespmem:$0x1B400] =	vst v63  }
0x32: {  	v3 =	vld [tilespmem:$0x10];
	_ =	sdelay $0x4  }
0x33: {  	v4 =	vshrl.u32 v3, $0x3  }
0x34: {  	v4 =	vmul.u32 $0x18, v4  }
0x35: {  	v3 =	vand.u32 $0x7, v3  }
0x36: {  	v3 =	vor.u32 v3, v4  }
0x37: {  	v4 =	vperm.xlane v3, v0;
	_ =	sdelay $0x1  }
0x38: {  	v4 =	vadd.s32 v1, v4;
	_ =	sdelay $0x1  }
0x39: {  	v3 =	vperm.xlane v3, v2;
	_ =	sdelay $0x1  }
0x3a: {  	s26 =	simm.s32 $0xAC00;
	v3 =	vadd.s32 v1, v3  }
0x3b: {  	[tilespmem:s26], [sflag:$0x2] =	stream.indirect_vreg.gather [hbm4b:s3+s2], $0x80, v4, vm0, $0xb8;
	[tilespmem:$0x1B400] =	vst v63  }
0x3c: {  	s23 =	simm.s32 $0xB400  }
0x3d: {  	[tilespmem:s23], [sflag:$0x2] =	stream.indirect_vreg.gather [hbm4b:s6+s2], $0x80, v4, vm1, $0xb8;
	[tilespmem:$0x1B400] =	vst v63  }
0x3e: {  	_ = 	snop  }
0x3f: {  	[tilespmem:s28], [sflag:$0x2] =	stream.indirect_vreg.gather [hbm4b:s3+s2], $0x80, v3, vm0, $0xb8;
	[tilespmem:$0x1B400] =	vst v63  }
0x40: {  	_ = 	snop  }
0x41: {  	[tilespmem:s29], [sflag:$0x2] =	stream.indirect_vreg.gather [hbm4b:s6+s2], $0x80, v3, vm1, $0xb8;
	[tilespmem:$0x1B400] =	vst v63  }
0x42: {  	v3 =	vld [tilespmem:$0x20];
	_ =	sdelay $0x4  }
0x43: {  	v4 =	vshrl.u32 v3, $0x3  }
0x44: {  	v4 =	vmul.u32 $0x18, v4  }
0x45: {  	v3 =	vand.u32 $0x7, v3  }
0x46: {  	v3 =	vor.u32 v3, v4  }
0x47: {  	v4 =	vperm.xlane v3, v0;
	_ =	sdelay $0x1  }
0x48: {  	v4 =	vadd.s32 v1, v4;
	_ =	sdelay $0x1  }
0x49: {  	v3 =	vperm.xlane v3, v2;
	_ =	sdelay $0x1  }
0x4a: {  	v3 =	vadd.s32 v1, v3  }
0x4b: {  	[tilespmem:s30], [sflag:$0x2] =	stream.indirect_vreg.gather [hbm4b:s3+s2], $0x80, v4, vm0, $0xb8;
	[tilespmem:$0x1B400] =	vst v63  }
0x4c: {  	_ = 	snop  }
0x4d: {  	[tilespmem:s31], [sflag:$0x2] =	stream.indirect_vreg.gather [hbm4b:s6+s2], $0x80, v4, vm1, $0xb8;
	[tilespmem:$0x1B400] =	vst v63  }
0x4e: {  	_ = 	snop  }
0x4f: {  	[tilespmem:s1], [sflag:$0x2] =	stream.indirect_vreg.gather [hbm4b:s3+s2], $0x80, v3, vm0, $0xb8;
	[tilespmem:$0x1B400] =	vst v63  }
0x50: {  	_ = 	snop  }
0x51: {  	[tilespmem:s0], [sflag:$0x2] =	stream.indirect_vreg.gather [hbm4b:s6+s2], $0x80, v3, vm1, $0xb8;
	[tilespmem:$0x1B400] =	vst v63  }
0x52: {  	v3 =	vld [tilespmem:$0x30];
	_ =	sdelay $0x4  }
0x53: {  	v4 =	vshrl.u32 v3, $0x3  }
0x54: {  	v4 =	vmul.u32 $0x18, v4  }
0x55: {  	v3 =	vand.u32 $0x7, v3  }
0x56: {  	v3 =	vor.u32 v3, v4  }
0x57: {  	v4 =	vperm.xlane v3, v0;
	_ =	sdelay $0x1  }
0x58: {  	v4 =	vadd.s32 v1, v4;
	_ =	sdelay $0x1  }
0x59: {  	v3 =	vperm.xlane v3, v2;
	_ =	sdelay $0x1  }
0x5a: {  	v3 =	vadd.s32 v1, v3  }
0x5b: {  	[tilespmem:s4], [sflag:$0x2] =	stream.indirect_vreg.gather [hbm4b:s3+s2], $0x80, v4, vm0, $0xb8;
	[tilespmem:$0x1B400] =	vst v63  }
0x5c: {  	_ = 	snop  }
0x5d: {  	[tilespmem:s5], [sflag:$0x2] =	stream.indirect_vreg.gather [hbm4b:s6+s2], $0x80, v4, vm1, $0xb8;
	[tilespmem:$0x1B400] =	vst v63  }
0x5e: {  	_ = 	snop  }
0x5f: {  	[tilespmem:s7], [sflag:$0x2] =	stream.indirect_vreg.gather [hbm4b:s3+s2], $0x80, v3, vm0, $0xb8;
	[tilespmem:$0x1B400] =	vst v63  }
0x60: {  	_ = 	snop  }
0x61: {  	[tilespmem:s8], [sflag:$0x2] =	stream.indirect_vreg.gather [hbm4b:s6+s2], $0x80, v3, vm1, $0xb8;
	[tilespmem:$0x1B400] =	vst v63  }
0x62: {  	v3 =	vld [tilespmem:$0x40];
	_ =	sdelay $0x4  }
0x63: {  	v4 =	vshrl.u32 v3, $0x3  }
0x64: {  	v4 =	vmul.u32 $0x18, v4  }
0x65: {  	v3 =	vand.u32 $0x7, v3  }
0x66: {  	v3 =	vor.u32 v3, v4  }
0x67: {  	v4 =	vperm.xlane v3, v0;
	_ =	sdelay $0x1  }
0x68: {  	v4 =	vadd.s32 v1, v4;
	_ =	sdelay $0x1  }
0x69: {  	v3 =	vperm.xlane v3, v2;
	_ =	sdelay $0x1  }
0x6a: {  	v3 =	vadd.s32 v1, v3  }
0x6b: {  	[tilespmem:s9], [sflag:$0x2] =	stream.indirect_vreg.gather [hbm4b:s3+s2], $0x80, v4, vm0, $0xb8;
	[tilespmem:$0x1B400] =	vst v63  }
0x6c: {  	_ = 	snop  }
0x6d: {  	[tilespmem:s10], [sflag:$0x2] =	stream.indirect_vreg.gather [hbm4b:s6+s2], $0x80, v4, vm1, $0xb8;
	[tilespmem:$0x1B400] =	vst v63  }
0x6e: {  	_ = 	snop  }
0x6f: {  	[tilespmem:s11], [sflag:$0x2] =	stream.indirect_vreg.gather [hbm4b:s3+s2], $0x80, v3, vm0, $0xb8;
	[tilespmem:$0x1B400] =	vst v63  }
0x70: {  	_ = 	snop  }
0x71: {  	[tilespmem:s12], [sflag:$0x2] =	stream.indirect_vreg.gather [hbm4b:s6+s2], $0x80, v3, vm1, $0xb8;
	[tilespmem:$0x1B400] =	vst v63  }
0x72: {  	v3 =	vld [tilespmem:$0x50];
	_ =	sdelay $0x4  }
0x73: {  	v4 =	vshrl.u32 v3, $0x3  }
0x74: {  	v4 =	vmul.u32 $0x18, v4  }
0x75: {  	v3 =	vand.u32 $0x7, v3  }
0x76: {  	v3 =	vor.u32 v3, v4  }
0x77: {  	v4 =	vperm.xlane v3, v0;
	_ =	sdelay $0x1  }
0x78: {  	v4 =	vadd.s32 v1, v4;
	_ =	sdelay $0x1  }
0x79: {  	v3 =	vperm.xlane v3, v2;
	_ =	sdelay $0x1  }
0x7a: {  	v3 =	vadd.s32 v1, v3  }
0x7b: {  	[tilespmem:s13], [sflag:$0x2] =	stream.indirect_vreg.gather [hbm4b:s3+s2], $0x80, v4, vm0, $0xb8;
	[tilespmem:$0x1B400] =	vst v63  }
0x7c: {  	_ = 	snop  }
0x7d: {  	[tilespmem:s14], [sflag:$0x2] =	stream.indirect_vreg.gather [hbm4b:s6+s2], $0x80, v4, vm1, $0xb8;
	[tilespmem:$0x1B400] =	vst v63  }
0x7e: {  	_ = 	snop  }
0x7f: {  	[tilespmem:s15], [sflag:$0x2] =	stream.indirect_vreg.gather [hbm4b:s3+s2], $0x80, v3, vm0, $0xb8;
	[tilespmem:$0x1B400] =	vst v63  }
0x80: {  	_ = 	snop  }
0x81: {  	[tilespmem:s16], [sflag:$0x2] =	stream.indirect_vreg.gather [hbm4b:s6+s2], $0x80, v3, vm1, $0xb8;
	[tilespmem:$0x1B400] =	vst v63  }
0x82: {  	_ =	swait.ge [sflag:s17], $0x9000  }
0x83: {  	[sflag:s17] =	ssyncset.done $0x0  }
0x84: {  	s24 =	simm.s32 $0x0;
	[sflag:s17] =	ssyncadd.s32 $0xFFFF7000  }
0x85: {  	s22 =	smul.u32 $0xC00, s24;
	_ =	swait.ge [sflag:s18], $0x9000  }
0x86: {  	s25 =	sand.u32 $0x380, s2;
	[sflag:s18] =	ssyncset.done $0x0  }
0x87: {  	s22 =	sor.u32 s25, s22;
	[sflag:s18] =	ssyncadd.s32 $0xFFFF7000  }
0x88: {  	v3 =	vld [tilespmem:s22+$0xC70]  }
0x89: {  	v4 =	vld [tilespmem:s22+$0x9C70]  }
0x8a: {  	v5 =	vld [tilespmem:s22+$0x400]  }
0x8b: {  	v6 =	vld [tilespmem:s22+$0x9400]  }
0x8c: {  	v7 =	vld [tilespmem:s22+$0x410]  }
0x8d: {  	v8 =	vld [tilespmem:s22+$0x9410]  }
0x8e: {  	v9 =	vld [tilespmem:s22+$0x420]  }
0x8f: {  	v10 =	vld [tilespmem:s22+$0x430]  }
0x90: {  	v11 =	vld [tilespmem:s22+$0x9C20];
	v3 =	vadd.f32 v4, v3  }
0x91: {  	v4 =	vld [tilespmem:s22+$0x9420]  }
0x92: {  	v5 =	vadd.f32 v6, v5;
	[tilespmem:s22+$0x12C70] =	vst v3;
	v3 =	vld [tilespmem:s22+$0x9430]  }
0x93: {  	v6 =	vld [tilespmem:s22+$0x440]  }
0x94: {  	[tilespmem:s22+$0x12400] =	vst v5;
	v5 =	vadd.f32 v8, v7;
	v7 =	vld [tilespmem:s22+$0x9440]  }
0x95: {  	v8 =	vld [tilespmem:s22+$0x9450]  }
0x96: {  	[tilespmem:s22+$0x12410] =	vst v5;
	v5 =	vld [tilespmem:s22+$0x450];
	v4 =	vadd.f32 v4, v9  }
0x97: {  	v9 =	vld [tilespmem:s22+$0x9460];
	v3 =	vadd.f32 v3, v10  }
0x98: {  	[tilespmem:s22+$0x12420] =	vst v4;
	v4 =	vld [tilespmem:s22+$0x460]  }
0x99: {  	[tilespmem:s22+$0x12430] =	vst v3;
	v3 =	vadd.f32 v7, v6;
	v6 =	vld [tilespmem:s22+$0x470]  }
0x9a: {  	v7 =	vld [tilespmem:s22+$0x9470]  }
0x9b: {  	[tilespmem:s22+$0x12440] =	vst v3;
	v3 =	vadd.f32 v8, v5;
	v5 =	vld [tilespmem:s22+$0x800]  }
0x9c: {  	v8 =	vld [tilespmem:s22+$0x9800]  }
0x9d: {  	[tilespmem:s22+$0x12450] =	vst v3;
	v3 =	vadd.f32 v9, v4;
	v4 =	vld [tilespmem:s22+$0x810]  }
0x9e: {  	v9 =	vld [tilespmem:s22+$0x9810]  }
0x9f: {  	[tilespmem:s22+$0x12460] =	vst v3;
	v3 =	vadd.f32 v7, v6;
	v6 =	vld [tilespmem:s22+$0x820]  }
0xa0: {  	v7 =	vld [tilespmem:s22+$0x9820]  }
0xa1: {  	[tilespmem:s22+$0x12470] =	vst v3;
	v3 =	vadd.f32 v8, v5;
	v5 =	vld [tilespmem:s22+$0x830]  }
0xa2: {  	v8 =	vld [tilespmem:s22+$0x9830]  }
0xa3: {  	[tilespmem:s22+$0x12800] =	vst v3;
	v3 =	vadd.f32 v9, v4;
	v4 =	vld [tilespmem:s22+$0x840]  }
0xa4: {  	v9 =	vld [tilespmem:s22+$0x9840]  }
0xa5: {  	[tilespmem:s22+$0x12810] =	vst v3;
	v3 =	vadd.f32 v7, v6;
	v6 =	vld [tilespmem:s22+$0x850]  }
0xa6: {  	v7 =	vld [tilespmem:s22+$0x9850]  }
0xa7: {  	[tilespmem:s22+$0x12820] =	vst v3;
	v3 =	vadd.f32 v8, v5;
	v5 =	vld [tilespmem:s22+$0x860]  }
0xa8: {  	v8 =	vld [tilespmem:s22+$0x9860]  }
0xa9: {  	[tilespmem:s22+$0x12830] =	vst v3;
	v3 =	vadd.f32 v9, v4;
	v4 =	vld [tilespmem:s22+$0x870]  }
0xaa: {  	v9 =	vld [tilespmem:s22+$0x9870]  }
0xab: {  	[tilespmem:s22+$0x12840] =	vst v3;
	v3 =	vadd.f32 v7, v6;
	v6 =	vld [tilespmem:s22+$0xC00]  }
0xac: {  	v7 =	vld [tilespmem:s22+$0x9C00]  }
0xad: {  	v10 =	vld [tilespmem:s22+$0x9C10];
	[tilespmem:s22+$0x12850] =	vst v3;
	v3 =	vadd.f32 v8, v5  }
0xae: {  	v8 =	vld [tilespmem:s22+$0xC10]  }
0xaf: {  	[tilespmem:s22+$0x12860] =	vst v3;
	v3 =	vadd.f32 v9, v4;
	v9 =	vld [tilespmem:s22+$0xC20]  }
0xb0: {  	v5 =	vld [tilespmem:s22+$0xC30]  }
0xb1: {  	[tilespmem:s22+$0x12870] =	vst v3;
	v3 =	vadd.f32 v7, v6;
	v7 =	vld [tilespmem:s22+$0x9C30]  }
0xb2: {  	v6 =	vld [tilespmem:s22+$0x9C40]  }
0xb3: {  	v4 =	vadd.f32 v10, v8;
	[tilespmem:s22+$0x12C00] =	vst v3;
	v3 =	vld [tilespmem:s22+$0xC40]  }
0xb4: {  	s26 =	simm.s32 $0x0;
	v8 =	vld [tilespmem:s22+$0x9C50];
	v9 =	vadd.f32 v11, v9  }
0xb5: {  	s24 =	simm.s32 $0x2;
	s25 =	smul.u32 $0xC00, s26;
	s23 =	simm.s32 $0x80;
	[tilespmem:s22+$0x12C10] =	vst v4;
	v4 =	vld [tilespmem:s22+$0xC50]  }
.LBB2_2:
0xb6: {  	p0 =	sne.s32 s24, $0x5F;
	s26 =	sand.u32 $0x380, s23;
	[tilespmem:s22+$0x12C20] =	vst v9;
	v5 =	vadd.f32 v7, v5;
	v7 =	vld [tilespmem:s22+$0xC60]  }
0xb7: {  	s25 =	sor.u32 s26, s25;
	v9 =	vld [tilespmem:s22+$0x9C60]  }
0xb8: {  	v10 =	vld [tilespmem:s25+$0xC70];
	[tilespmem:s22+$0x12C30] =	vst v5;
	v3 =	vadd.f32 v6, v3  }
0xb9: {  	v5 =	vld [tilespmem:s25+$0x9C70]  }
0xba: {  	v6 =	vld [tilespmem:s25+$0x400];
	[tilespmem:s22+$0x12C40] =	vst v3;
	v3 =	vadd.f32 v8, v4  }
0xbb: {  	v4 =	vld [tilespmem:s25+$0x9400]  }
0xbc: {  	v8 =	vld [tilespmem:s25+$0x410];
	[tilespmem:s22+$0x12C50] =	vst v3;
	v3 =	vadd.f32 v9, v7  }
0xbd: {  	v7 =	vld [tilespmem:s25+$0x9410]  }
0xbe: {  	v9 =	vld [tilespmem:s25+$0x420];
	v5 =	vadd.f32 v5, v10;
	[tilespmem:s22+$0x12C60] =	vst v3;
	s22 =	smov.u32 s25  }
0xbf: {  	v3 =	vld [tilespmem:s22+$0x9420]  }
0xc0: {  	v4 =	vadd.f32 v4, v6;
	v6 =	vld [tilespmem:s22+$0x430];
	[tilespmem:s22+$0x12C70] =	vst v5  }
0xc1: {  	v5 =	vld [tilespmem:s22+$0x9430]  }
0xc2: {  	[tilespmem:s22+$0x12400] =	vst v4;
	v4 =	vadd.f32 v7, v8;
	v7 =	vld [tilespmem:s22+$0x440]  }
0xc3: {  	v8 =	vld [tilespmem:s22+$0x9440]  }
0xc4: {  	[tilespmem:s22+$0x12410] =	vst v4;
	v3 =	vadd.f32 v3, v9;
	v4 =	vld [tilespmem:s22+$0x450]  }
0xc5: {  	v9 =	vld [tilespmem:s22+$0x9450]  }
0xc6: {  	[tilespmem:s22+$0x12420] =	vst v3;
	v3 =	vadd.f32 v5, v6;
	v5 =	vld [tilespmem:s22+$0x460]  }
0xc7: {  	v6 =	vld [tilespmem:s22+$0x9460]  }
0xc8: {  	[tilespmem:s22+$0x12430] =	vst v3;
	v3 =	vadd.f32 v8, v7;
	v7 =	vld [tilespmem:s22+$0x470]  }
0xc9: {  	v8 =	vld [tilespmem:s22+$0x9470]  }
0xca: {  	[tilespmem:s22+$0x12440] =	vst v3;
	v3 =	vadd.f32 v9, v4;
	v4 =	vld [tilespmem:s22+$0x800]  }
0xcb: {  	v9 =	vld [tilespmem:s22+$0x9800]  }
0xcc: {  	[tilespmem:s22+$0x12450] =	vst v3;
	v3 =	vadd.f32 v6, v5;
	v5 =	vld [tilespmem:s22+$0x810]  }
0xcd: {  	v6 =	vld [tilespmem:s22+$0x9810]  }
0xce: {  	[tilespmem:s22+$0x12460] =	vst v3;
	v3 =	vadd.f32 v8, v7;
	v7 =	vld [tilespmem:s22+$0x820]  }
0xcf: {  	v8 =	vld [tilespmem:s22+$0x9820]  }
0xd0: {  	[tilespmem:s22+$0x12470] =	vst v3;
	v3 =	vadd.f32 v9, v4;
	v4 =	vld [tilespmem:s22+$0x830]  }
0xd1: {  	v9 =	vld [tilespmem:s22+$0x9830]  }
0xd2: {  	[tilespmem:s22+$0x12800] =	vst v3;
	v3 =	vadd.f32 v6, v5;
	v5 =	vld [tilespmem:s22+$0x840]  }
0xd3: {  	v6 =	vld [tilespmem:s22+$0x9840]  }
0xd4: {  	[tilespmem:s22+$0x12810] =	vst v3;
	v3 =	vadd.f32 v8, v7;
	v7 =	vld [tilespmem:s22+$0x850]  }
0xd5: {  	v8 =	vld [tilespmem:s22+$0x9850]  }
0xd6: {  	[tilespmem:s22+$0x12820] =	vst v3;
	v3 =	vadd.f32 v9, v4;
	v4 =	vld [tilespmem:s22+$0x860]  }
0xd7: {  	v9 =	vld [tilespmem:s22+$0x9860]  }
0xd8: {  	[tilespmem:s22+$0x12830] =	vst v3;
	v3 =	vadd.f32 v6, v5;
	v5 =	vld [tilespmem:s22+$0x870]  }
0xd9: {  	v6 =	vld [tilespmem:s22+$0x9870]  }
0xda: {  	[tilespmem:s22+$0x12840] =	vst v3;
	v3 =	vadd.f32 v8, v7;
	v7 =	vld [tilespmem:s22+$0xC00]  }
0xdb: {  	v8 =	vld [tilespmem:s22+$0x9C00]  }
0xdc: {  	[tilespmem:s22+$0x12850] =	vst v3;
	v3 =	vadd.f32 v9, v4;
	v4 =	vld [tilespmem:s22+$0xC10]  }
0xdd: {  	v9 =	vld [tilespmem:s22+$0x9C10]  }
0xde: {  	[tilespmem:s22+$0x12860] =	vst v3;
	v3 =	vadd.f32 v6, v5;
	v10 =	vld [tilespmem:s22+$0xC20]  }
0xdf: {  	v11 =	vld [tilespmem:s22+$0x9C20]  }
0xe0: {  	[tilespmem:s22+$0x12870] =	vst v3;
	v3 =	vadd.f32 v8, v7;
	v5 =	vld [tilespmem:s22+$0xC30]  }
.Ltmp0:
0xe1: {  	v7 =	vld [tilespmem:s22+$0x9C30];
	(pc) =	sbr.rel @p0 .LBB2_2-.Ltmp0, $4  }
0xe2: {  	[tilespmem:s22+$0x12C00] =	vst v3;
	v4 =	vadd.f32 v9, v4;
	v3 =	vld [tilespmem:s22+$0xC40]  }
0xe3: {  	v6 =	vld [tilespmem:s22+$0x9C40]  }
0xe4: {  	s25 =	sshrl.u32 s24, $0x3;
	[tilespmem:s22+$0x12C10] =	vst v4;
	v9 =	vadd.f32 v11, v10;
	v4 =	vld [tilespmem:s22+$0xC50]  }
0xe5: {  	s23 =	sadd.s32 $0x80, s23;
	s24 =	sadd.s32 $0x1, s24;
	s25 =	smul.u32 $0xC00, s25;
	v8 =	vld [tilespmem:s22+$0x9C50]  }
0xe6: {  	[tilespmem:s22+$0x12C20] =	vst v9;
	s23 =	sand.u32 $0x380, s23;
	v9 =	vld [tilespmem:s22+$0xC60];
	v5 =	vadd.f32 v7, v5  }
0xe7: {  	v7 =	vld [tilespmem:s22+$0x9C60];
	s23 =	sor.u32 s23, s25  }
0xe8: {  	v10 =	vld [tilespmem:s23+$0xC70];
	[tilespmem:s22+$0x12C30] =	vst v5;
	v3 =	vadd.f32 v6, v3  }
0xe9: {  	v5 =	vld [tilespmem:s23+$0x9C70]  }
0xea: {  	v6 =	vld [tilespmem:s23+$0x400];
	[tilespmem:s22+$0x12C40] =	vst v3;
	v3 =	vadd.f32 v8, v4  }
0xeb: {  	v4 =	vld [tilespmem:s23+$0x9400]  }
0xec: {  	v8 =	vld [tilespmem:s23+$0x410];
	[tilespmem:s22+$0x12C50] =	vst v3;
	v3 =	vadd.f32 v7, v9  }
0xed: {  	v7 =	vld [tilespmem:s23+$0x9410]  }
0xee: {  	v9 =	vld [tilespmem:s23+$0x420];
	[tilespmem:s22+$0x12C60] =	vst v3  }
0xef: {  	v3 =	vld [tilespmem:s23+$0x9420]  }
0xf0: {  	v11 =	vld [tilespmem:s23+$0x430]  }
0xf1: {  	v12 =	vld [tilespmem:s23+$0x9430]  }
0xf2: {  	v13 =	vld [tilespmem:s23+$0x440]  }
0xf3: {  	v14 =	vld [tilespmem:s23+$0x9440]  }
0xf4: {  	v15 =	vld [tilespmem:s23+$0x450]  }
0xf5: {  	v16 =	vld [tilespmem:s23+$0x9450]  }
0xf6: {  	v17 =	vld [tilespmem:s23+$0x460]  }
0xf7: {  	v18 =	vld [tilespmem:s23+$0x9460]  }
0xf8: {  	v19 =	vld [tilespmem:s23+$0x470]  }
0xf9: {  	v20 =	vld [tilespmem:s23+$0x9470]  }
0xfa: {  	v21 =	vld [tilespmem:s23+$0x800]  }
0xfb: {  	v22 =	vld [tilespmem:s23+$0x9800]  }
0xfc: {  	v23 =	vld [tilespmem:s23+$0x810]  }
0xfd: {  	v24 =	vld [tilespmem:s23+$0x9810]  }
0xfe: {  	v25 =	vld [tilespmem:s23+$0x820]  }
0xff: {  	v26 =	vld [tilespmem:s23+$0x9820]  }
0x100: {  	v27 =	vld [tilespmem:s23+$0x830]  }
0x101: {  	v28 =	vld [tilespmem:s23+$0x9830]  }
0x102: {  	v29 =	vld [tilespmem:s23+$0x840]  }
0x103: {  	v30 =	vld [tilespmem:s23+$0x9840]  }
0x104: {  	v31 =	vld [tilespmem:s23+$0x850]  }
0x105: {  	v5 =	vadd.f32 v5, v10;
	v10 =	vld [tilespmem:s23+$0x9850]  }
0x106: {  	v57 =	vld [tilespmem:s23+$0xC10];
	v4 =	vadd.f32 v4, v6  }
0x107: {  	v58 =	vld [tilespmem:s23+$0x9C10];
	[tilespmem:s23+$0x12C70] =	vst v5;
	v5 =	vadd.f32 v7, v8  }
0x108: {  	v59 =	vld [tilespmem:s23+$0xC20];
	[tilespmem:s23+$0x12400] =	vst v4;
	v3 =	vadd.f32 v3, v9  }
0x109: {  	v60 =	vld [tilespmem:s23+$0x9C20];
	[tilespmem:s23+$0x12410] =	vst v5;
	v5 =	vadd.f32 v12, v11  }
0x10a: {  	v61 =	vld [tilespmem:s23+$0xC30];
	[tilespmem:s23+$0x12420] =	vst v3;
	v3 =	vadd.f32 v14, v13  }
0x10b: {  	v62 =	vld [tilespmem:s23+$0x9C30];
	[tilespmem:s23+$0x12430] =	vst v5;
	v5 =	vadd.f32 v16, v15  }
0x10c: {  	v6 =	vld [tilespmem:s23+$0x860];
	[tilespmem:s23+$0x12440] =	vst v3;
	v3 =	vadd.f32 v18, v17  }
0x10d: {  	v4 =	vld [tilespmem:s23+$0x870];
	[tilespmem:s23+$0x12450] =	vst v5;
	v5 =	vadd.f32 v20, v19  }
0x10e: {  	v8 =	vld [tilespmem:s23+$0x9870];
	[tilespmem:s23+$0x12460] =	vst v3;
	v3 =	vadd.f32 v22, v21  }
0x10f: {  	v7 =	vld [tilespmem:s23+$0x9860];
	[tilespmem:s23+$0x12470] =	vst v5;
	v5 =	vadd.f32 v24, v23  }
0x110: {  	v9 =	vld [tilespmem:s23+$0xC00];
	[tilespmem:s23+$0x12800] =	vst v3;
	v3 =	vadd.f32 v26, v25  }
0x111: {  	v11 =	vld [tilespmem:s23+$0x9C00];
	[tilespmem:s23+$0x12810] =	vst v5;
	v5 =	vadd.f32 v28, v27  }
0x112: {  	v63 =	vld [tilespmem:s23+$0xC40];
	[tilespmem:s23+$0x12820] =	vst v3;
	v3 =	vadd.f32 v30, v29  }
0x113: {  	v4 =	vadd.f32 v8, v4;
	v8 =	vld [tilespmem:s23+$0x9C60];
	[tilespmem:s23+$0x12830] =	vst v5;
	v5 =	vadd.f32 v10, v31  }
0x114: {  	v10 =	vld [tilespmem:s23+$0x9C40];
	[tilespmem:s23+$0x12840] =	vst v3;
	v3 =	vadd.f32 v7, v6  }
0x115: {  	v6 =	vld [tilespmem:s23+$0xC50];
	[tilespmem:s23+$0x12850] =	vst v5  }
0x116: {  	v5 =	vld [tilespmem:s23+$0x9C50];
	[tilespmem:s23+$0x12860] =	vst v3;
	v3 =	vadd.f32 v11, v9  }
0x117: {  	[tilespmem:s23+$0x12870] =	vst v4;
	v4 =	vadd.f32 v58, v57;
	v7 =	vld [tilespmem:s23+$0xC60]  }
0x118: {  	[tilespmem:s23+$0x12C00] =	vst v3;
	v3 =	vadd.f32 v60, v59  }
0x119: {  	[tilespmem:s23+$0x12C10] =	vst v4;
	v4 =	vadd.f32 v62, v61  }
0x11a: {  	[tilespmem:s23+$0x12C20] =	vst v3;
	v3 =	vadd.f32 v10, v63  }
0x11b: {  	[tilespmem:s23+$0x12C30] =	vst v4;
	v4 =	vadd.f32 v5, v6  }
0x11c: {  	[tilespmem:s23+$0x12C40] =	vst v3;
	v3 =	vadd.f32 v8, v7  }
0x11d: {  	[tilespmem:s23+$0x12C50] =	vst v4  }
0x11e: {  	s25 =	rddreg [dreg:$0x6];
	s22 =	simm.s32 $0x0;
	[tilespmem:s23+$0x12C60] =	vst v3  }
0x11f: {  	[hbm4b:s25+s22] =	stream.linear.scatter [tilespmem:s19], [sflag:$0x3], $0x9000, $0x38;
	[tilespmem:$0x1B400] =	vst v63  }
0x120: {  	s26 =	rddreg [dreg:$0x7];
	s24 =	simm.s32 $0x400  }
0x121: {  	[tilespmem:s24], [sflag:$0x1] =	stream.linear.gather [hbm4b:s26+s22], $0x9000, $0x38;
	[tilespmem:$0x1B400] =	vst v63  }
0x122: {  	v3 =	vld [tilespmem:$0x80];
	_ =	sdelay $0x4  }
0x123: {  	v4 =	vshrl.u32 v3, $0x3  }
0x124: {  	v4 =	vmul.u32 $0x18, v4  }
0x125: {  	v3 =	vand.u32 $0x7, v3  }
0x126: {  	v3 =	vor.u32 v3, v4  }
0x127: {  	v4 =	vperm.xlane v3, v0;
	_ =	sdelay $0x1  }
0x128: {  	v4 =	vadd.s32 v1, v4;
	_ =	sdelay $0x1  }
0x129: {  	v3 =	vperm.xlane v3, v2;
	_ =	sdelay $0x1  }
0x12a: {  	s25 =	simm.s32 $0x9400;
	v3 =	vadd.s32 v1, v3  }
0x12b: {  	[tilespmem:s25], [sflag:$0x2] =	stream.indirect_vreg.gather [hbm4b:s3+s22], $0x80, v4, vm0, $0xb8;
	[tilespmem:$0x1B400] =	vst v63  }
0x12c: {  	s26 =	simm.s32 $0x9C00  }
0x12d: {  	[tilespmem:s26], [sflag:$0x2] =	stream.indirect_vreg.gather [hbm4b:s6+s22], $0x80, v4, vm1, $0xb8;
	[tilespmem:$0x1B400] =	vst v63  }
0x12e: {  	s24 =	simm.s32 $0xA000  }
0x12f: {  	[tilespmem:s24], [sflag:$0x2] =	stream.indirect_vreg.gather [hbm4b:s3+s22], $0x80, v3, vm0, $0xb8;
	[tilespmem:$0x1B400] =	vst v63  }
0x130: {  	s25 =	simm.s32 $0xA800  }
0x131: {  	[tilespmem:s25], [sflag:$0x2] =	stream.indirect_vreg.gather [hbm4b:s6+s22], $0x80, v3, vm1, $0xb8;
	[tilespmem:$0x1B400] =	vst v63  }
0x132: {  	v3 =	vld [tilespmem:$0x90];
	_ =	sdelay $0x4  }
0x133: {  	v4 =	vshrl.u32 v3, $0x3  }
0x134: {  	v4 =	vmul.u32 $0x18, v4  }
0x135: {  	v3 =	vand.u32 $0x7, v3  }
0x136: {  	v3 =	vor.u32 v3, v4  }
0x137: {  	v4 =	vperm.xlane v3, v0;
	_ =	sdelay $0x1  }
0x138: {  	v4 =	vadd.s32 v1, v4;
	_ =	sdelay $0x1  }
0x139: {  	v3 =	vperm.xlane v3, v2;
	_ =	sdelay $0x1  }
0x13a: {  	s26 =	simm.s32 $0xAC00;
	v3 =	vadd.s32 v1, v3  }
0x13b: {  	[tilespmem:s26], [sflag:$0x2] =	stream.indirect_vreg.gather [hbm4b:s3+s22], $0x80, v4, vm0, $0xb8;
	[tilespmem:$0x1B400] =	vst v63  }
0x13c: {  	s24 =	simm.s32 $0xB400  }
0x13d: {  	[tilespmem:s24], [sflag:$0x2] =	stream.indirect_vreg.gather [hbm4b:s6+s22], $0x80, v4, vm1, $0xb8;
	[tilespmem:$0x1B400] =	vst v63  }
0x13e: {  	_ = 	snop  }
0x13f: {  	[tilespmem:s28], [sflag:$0x2] =	stream.indirect_vreg.gather [hbm4b:s3+s22], $0x80, v3, vm0, $0xb8;
	[tilespmem:$0x1B400] =	vst v63  }
0x140: {  	_ = 	snop  }
0x141: {  	[tilespmem:s29], [sflag:$0x2] =	stream.indirect_vreg.gather [hbm4b:s6+s22], $0x80, v3, vm1, $0xb8;
	[tilespmem:$0x1B400] =	vst v63  }
0x142: {  	v3 =	vld [tilespmem:$0xA0];
	_ =	sdelay $0x4  }
0x143: {  	v4 =	vshrl.u32 v3, $0x3  }
0x144: {  	v4 =	vmul.u32 $0x18, v4  }
0x145: {  	v3 =	vand.u32 $0x7, v3  }
0x146: {  	v3 =	vor.u32 v3, v4  }
0x147: {  	v4 =	vperm.xlane v3, v0;
	_ =	sdelay $0x1  }
0x148: {  	v4 =	vadd.s32 v1, v4;
	_ =	sdelay $0x1  }
0x149: {  	v3 =	vperm.xlane v3, v2;
	_ =	sdelay $0x1  }
0x14a: {  	v3 =	vadd.s32 v1, v3  }
0x14b: {  	[tilespmem:s30], [sflag:$0x2] =	stream.indirect_vreg.gather [hbm4b:s3+s22], $0x80, v4, vm0, $0xb8;
	[tilespmem:$0x1B400] =	vst v63  }
0x14c: {  	_ = 	snop  }
0x14d: {  	[tilespmem:s31], [sflag:$0x2] =	stream.indirect_vreg.gather [hbm4b:s6+s22], $0x80, v4, vm1, $0xb8;
	[tilespmem:$0x1B400] =	vst v63  }
0x14e: {  	_ = 	snop  }
0x14f: {  	[tilespmem:s1], [sflag:$0x2] =	stream.indirect_vreg.gather [hbm4b:s3+s22], $0x80, v3, vm0, $0xb8;
	[tilespmem:$0x1B400] =	vst v63  }
0x150: {  	_ = 	snop  }
0x151: {  	[tilespmem:s0], [sflag:$0x2] =	stream.indirect_vreg.gather [hbm4b:s6+s22], $0x80, v3, vm1, $0xb8;
	[tilespmem:$0x1B400] =	vst v63  }
0x152: {  	v3 =	vld [tilespmem:$0xB0];
	_ =	sdelay $0x4  }
0x153: {  	v4 =	vshrl.u32 v3, $0x3  }
0x154: {  	v4 =	vmul.u32 $0x18, v4  }
0x155: {  	v3 =	vand.u32 $0x7, v3  }
0x156: {  	v3 =	vor.u32 v3, v4  }
0x157: {  	v4 =	vperm.xlane v3, v0;
	_ =	sdelay $0x1  }
0x158: {  	v4 =	vadd.s32 v1, v4;
	_ =	sdelay $0x1  }
0x159: {  	v3 =	vperm.xlane v3, v2;
	_ =	sdelay $0x1  }
0x15a: {  	v3 =	vadd.s32 v1, v3  }
0x15b: {  	[tilespmem:s4], [sflag:$0x2] =	stream.indirect_vreg.gather [hbm4b:s3+s22], $0x80, v4, vm0, $0xb8;
	[tilespmem:$0x1B400] =	vst v63  }
0x15c: {  	_ = 	snop  }
0x15d: {  	[tilespmem:s5], [sflag:$0x2] =	stream.indirect_vreg.gather [hbm4b:s6+s22], $0x80, v4, vm1, $0xb8;
	[tilespmem:$0x1B400] =	vst v63  }
0x15e: {  	_ = 	snop  }
0x15f: {  	[tilespmem:s7], [sflag:$0x2] =	stream.indirect_vreg.gather [hbm4b:s3+s22], $0x80, v3, vm0, $0xb8;
	[tilespmem:$0x1B400] =	vst v63  }
0x160: {  	_ = 	snop  }
0x161: {  	[tilespmem:s8], [sflag:$0x2] =	stream.indirect_vreg.gather [hbm4b:s6+s22], $0x80, v3, vm1, $0xb8;
	[tilespmem:$0x1B400] =	vst v63  }
0x162: {  	v3 =	vld [tilespmem:$0xC0];
	_ =	sdelay $0x4  }
0x163: {  	v4 =	vshrl.u32 v3, $0x3  }
0x164: {  	v4 =	vmul.u32 $0x18, v4  }
0x165: {  	v3 =	vand.u32 $0x7, v3  }
0x166: {  	v3 =	vor.u32 v3, v4  }
0x167: {  	v4 =	vperm.xlane v3, v0;
	_ =	sdelay $0x1  }
0x168: {  	v4 =	vadd.s32 v1, v4;
	_ =	sdelay $0x1  }
0x169: {  	v3 =	vperm.xlane v3, v2;
	_ =	sdelay $0x1  }
0x16a: {  	v3 =	vadd.s32 v1, v3  }
0x16b: {  	[tilespmem:s9], [sflag:$0x2] =	stream.indirect_vreg.gather [hbm4b:s3+s22], $0x80, v4, vm0, $0xb8;
	[tilespmem:$0x1B400] =	vst v63  }
0x16c: {  	_ = 	snop  }
0x16d: {  	[tilespmem:s10], [sflag:$0x2] =	stream.indirect_vreg.gather [hbm4b:s6+s22], $0x80, v4, vm1, $0xb8;
	[tilespmem:$0x1B400] =	vst v63  }
0x16e: {  	_ = 	snop  }
0x16f: {  	[tilespmem:s11], [sflag:$0x2] =	stream.indirect_vreg.gather [hbm4b:s3+s22], $0x80, v3, vm0, $0xb8;
	[tilespmem:$0x1B400] =	vst v63  }
0x170: {  	_ = 	snop  }
0x171: {  	[tilespmem:s12], [sflag:$0x2] =	stream.indirect_vreg.gather [hbm4b:s6+s22], $0x80, v3, vm1, $0xb8;
	[tilespmem:$0x1B400] =	vst v63  }
0x172: {  	v3 =	vld [tilespmem:$0xD0];
	_ =	sdelay $0x4  }
0x173: {  	v4 =	vshrl.u32 v3, $0x3  }
0x174: {  	v4 =	vmul.u32 $0x18, v4  }
0x175: {  	v3 =	vand.u32 $0x7, v3  }
0x176: {  	v3 =	vor.u32 v3, v4  }
0x177: {  	v4 =	vperm.xlane v3, v0;
	_ =	sdelay $0x1  }
0x178: {  	v4 =	vadd.s32 v1, v4;
	_ =	sdelay $0x1  }
0x179: {  	v3 =	vperm.xlane v3, v2;
	_ =	sdelay $0x1  }
0x17a: {  	v3 =	vadd.s32 v1, v3  }
0x17b: {  	[tilespmem:s13], [sflag:$0x2] =	stream.indirect_vreg.gather [hbm4b:s3+s22], $0x80, v4, vm0, $0xb8;
	[tilespmem:$0x1B400] =	vst v63  }
0x17c: {  	_ = 	snop  }
0x17d: {  	[tilespmem:s14], [sflag:$0x2] =	stream.indirect_vreg.gather [hbm4b:s6+s22], $0x80, v4, vm1, $0xb8;
	[tilespmem:$0x1B400] =	vst v63  }
0x17e: {  	_ = 	snop  }
0x17f: {  	[tilespmem:s15], [sflag:$0x2] =	stream.indirect_vreg.gather [hbm4b:s3+s22], $0x80, v3, vm0, $0xb8;
	[tilespmem:$0x1B400] =	vst v63  }
0x180: {  	_ = 	snop  }
0x181: {  	[tilespmem:s16], [sflag:$0x2] =	stream.indirect_vreg.gather [hbm4b:s6+s22], $0x80, v3, vm1, $0xb8;
	[tilespmem:$0x1B400] =	vst v63  }
0x182: {  	_ =	swait.ge [sflag:s17], $0x9000  }
0x183: {  	[sflag:s17] =	ssyncset.done $0x0  }
0x184: {  	[sflag:s17] =	ssyncadd.s32 $0xFFFF7000  }
0x185: {  	_ =	swait.ge [sflag:s18], $0x9000  }
0x186: {  	[sflag:s18] =	ssyncset.done $0x0  }
0x187: {  	s25 =	simm.s32 $0x0;
	[sflag:s18] =	ssyncadd.s32 $0xFFFF7000  }
0x188: {  	s23 =	smul.u32 $0xC00, s25;
	_ =	swait.ge [sflag:s20], $0x9000  }
0x189: {  	s22 =	sand.u32 $0x380, s22;
	[sflag:s20] =	ssyncset.done $0x0  }
0x18a: {  	s22 =	sor.u32 s22, s23;
	[sflag:s20] =	ssyncadd.s32 $0xFFFF7000  }
0x18b: {  	v3 =	vld [tilespmem:s22+$0xC70]  }
0x18c: {  	v4 =	vld [tilespmem:s22+$0x9C70]  }
0x18d: {  	v5 =	vld [tilespmem:s22+$0x400]  }
0x18e: {  	v6 =	vld [tilespmem:s22+$0x9400]  }
0x18f: {  	v7 =	vld [tilespmem:s22+$0x410]  }
0x190: {  	v8 =	vld [tilespmem:s22+$0x9410]  }
0x191: {  	v9 =	vld [tilespmem:s22+$0x420]  }
0x192: {  	v10 =	vld [tilespmem:s22+$0x430]  }
0x193: {  	v11 =	vld [tilespmem:s22+$0x9C20];
	v3 =	vadd.f32 v4, v3  }
0x194: {  	v4 =	vld [tilespmem:s22+$0x9420]  }
0x195: {  	v5 =	vadd.f32 v6, v5;
	[tilespmem:s22+$0x12C70] =	vst v3;
	v3 =	vld [tilespmem:s22+$0x9430]  }
0x196: {  	v6 =	vld [tilespmem:s22+$0x440]  }
0x197: {  	[tilespmem:s22+$0x12400] =	vst v5;
	v5 =	vadd.f32 v8, v7;
	v7 =	vld [tilespmem:s22+$0x9440]  }
0x198: {  	v8 =	vld [tilespmem:s22+$0x9450]  }
0x199: {  	[tilespmem:s22+$0x12410] =	vst v5;
	v5 =	vld [tilespmem:s22+$0x450];
	v4 =	vadd.f32 v4, v9  }
0x19a: {  	v9 =	vld [tilespmem:s22+$0x9460];
	v3 =	vadd.f32 v3, v10  }
0x19b: {  	[tilespmem:s22+$0x12420] =	vst v4;
	v4 =	vld [tilespmem:s22+$0x460]  }
0x19c: {  	[tilespmem:s22+$0x12430] =	vst v3;
	v3 =	vadd.f32 v7, v6;
	v6 =	vld [tilespmem:s22+$0x470]  }
0x19d: {  	v7 =	vld [tilespmem:s22+$0x9470]  }
0x19e: {  	[tilespmem:s22+$0x12440] =	vst v3;
	v3 =	vadd.f32 v8, v5;
	v5 =	vld [tilespmem:s22+$0x800]  }
0x19f: {  	v8 =	vld [tilespmem:s22+$0x9800]  }
0x1a0: {  	[tilespmem:s22+$0x12450] =	vst v3;
	v3 =	vadd.f32 v9, v4;
	v4 =	vld [tilespmem:s22+$0x810]  }
0x1a1: {  	v9 =	vld [tilespmem:s22+$0x9810]  }
0x1a2: {  	[tilespmem:s22+$0x12460] =	vst v3;
	v3 =	vadd.f32 v7, v6;
	v6 =	vld [tilespmem:s22+$0x820]  }
0x1a3: {  	v7 =	vld [tilespmem:s22+$0x9820]  }
0x1a4: {  	[tilespmem:s22+$0x12470] =	vst v3;
	v3 =	vadd.f32 v8, v5;
	v5 =	vld [tilespmem:s22+$0x830]  }
0x1a5: {  	v8 =	vld [tilespmem:s22+$0x9830]  }
0x1a6: {  	[tilespmem:s22+$0x12800] =	vst v3;
	v3 =	vadd.f32 v9, v4;
	v4 =	vld [tilespmem:s22+$0x840]  }
0x1a7: {  	v9 =	vld [tilespmem:s22+$0x9840]  }
0x1a8: {  	[tilespmem:s22+$0x12810] =	vst v3;
	v3 =	vadd.f32 v7, v6;
	v6 =	vld [tilespmem:s22+$0x850]  }
0x1a9: {  	v7 =	vld [tilespmem:s22+$0x9850]  }
0x1aa: {  	[tilespmem:s22+$0x12820] =	vst v3;
	v3 =	vadd.f32 v8, v5;
	v5 =	vld [tilespmem:s22+$0x860]  }
0x1ab: {  	v8 =	vld [tilespmem:s22+$0x9860]  }
0x1ac: {  	[tilespmem:s22+$0x12830] =	vst v3;
	v3 =	vadd.f32 v9, v4;
	v4 =	vld [tilespmem:s22+$0x870]  }
0x1ad: {  	v9 =	vld [tilespmem:s22+$0x9870]  }
0x1ae: {  	[tilespmem:s22+$0x12840] =	vst v3;
	v3 =	vadd.f32 v7, v6;
	v6 =	vld [tilespmem:s22+$0xC00]  }
0x1af: {  	v7 =	vld [tilespmem:s22+$0x9C00]  }
0x1b0: {  	v10 =	vld [tilespmem:s22+$0x9C10];
	[tilespmem:s22+$0x12850] =	vst v3;
	v3 =	vadd.f32 v8, v5  }
0x1b1: {  	v8 =	vld [tilespmem:s22+$0xC10]  }
0x1b2: {  	[tilespmem:s22+$0x12860] =	vst v3;
	v3 =	vadd.f32 v9, v4;
	v9 =	vld [tilespmem:s22+$0xC20]  }
0x1b3: {  	v5 =	vld [tilespmem:s22+$0xC30]  }
0x1b4: {  	[tilespmem:s22+$0x12870] =	vst v3;
	v3 =	vadd.f32 v7, v6;
	v7 =	vld [tilespmem:s22+$0x9C30]  }
0x1b5: {  	v6 =	vld [tilespmem:s22+$0x9C40]  }
0x1b6: {  	v4 =	vadd.f32 v10, v8;
	[tilespmem:s22+$0x12C00] =	vst v3;
	v3 =	vld [tilespmem:s22+$0xC40]  }
0x1b7: {  	s26 =	simm.s32 $0x0;
	v8 =	vld [tilespmem:s22+$0x9C50];
	v9 =	vadd.f32 v11, v9  }
0x1b8: {  	s25 =	smul.u32 $0xC00, s26;
	s24 =	simm.s32 $0x2;
	s23 =	simm.s32 $0x80;
	[tilespmem:s22+$0x12C10] =	vst v4;
	v4 =	vld [tilespmem:s22+$0xC50]  }
.LBB2_4:
0x1b9: {  	p0 =	sne.s32 s24, $0x5F;
	s26 =	sand.u32 $0x380, s23;
	[tilespmem:s22+$0x12C20] =	vst v9;
	v5 =	vadd.f32 v7, v5;
	v7 =	vld [tilespmem:s22+$0xC60]  }
0x1ba: {  	s25 =	sor.u32 s26, s25;
	v9 =	vld [tilespmem:s22+$0x9C60]  }
0x1bb: {  	v10 =	vld [tilespmem:s25+$0xC70];
	[tilespmem:s22+$0x12C30] =	vst v5;
	v3 =	vadd.f32 v6, v3  }
0x1bc: {  	v5 =	vld [tilespmem:s25+$0x9C70]  }
0x1bd: {  	v6 =	vld [tilespmem:s25+$0x400];
	[tilespmem:s22+$0x12C40] =	vst v3;
	v3 =	vadd.f32 v8, v4  }
0x1be: {  	v4 =	vld [tilespmem:s25+$0x9400]  }
0x1bf: {  	v8 =	vld [tilespmem:s25+$0x410];
	[tilespmem:s22+$0x12C50] =	vst v3;
	v3 =	vadd.f32 v9, v7  }
0x1c0: {  	v7 =	vld [tilespmem:s25+$0x9410]  }
0x1c1: {  	v9 =	vld [tilespmem:s25+$0x420];
	v5 =	vadd.f32 v5, v10;
	[tilespmem:s22+$0x12C60] =	vst v3;
	s22 =	smov.u32 s25  }
0x1c2: {  	v3 =	vld [tilespmem:s22+$0x9420]  }
0x1c3: {  	v4 =	vadd.f32 v4, v6;
	v6 =	vld [tilespmem:s22+$0x430];
	[tilespmem:s22+$0x12C70] =	vst v5  }
0x1c4: {  	v5 =	vld [tilespmem:s22+$0x9430]  }
0x1c5: {  	[tilespmem:s22+$0x12400] =	vst v4;
	v4 =	vadd.f32 v7, v8;
	v7 =	vld [tilespmem:s22+$0x440]  }
0x1c6: {  	v8 =	vld [tilespmem:s22+$0x9440]  }
0x1c7: {  	[tilespmem:s22+$0x12410] =	vst v4;
	v3 =	vadd.f32 v3, v9;
	v4 =	vld [tilespmem:s22+$0x450]  }
0x1c8: {  	v9 =	vld [tilespmem:s22+$0x9450]  }
0x1c9: {  	[tilespmem:s22+$0x12420] =	vst v3;
	v3 =	vadd.f32 v5, v6;
	v5 =	vld [tilespmem:s22+$0x460]  }
0x1ca: {  	v6 =	vld [tilespmem:s22+$0x9460]  }
0x1cb: {  	[tilespmem:s22+$0x12430] =	vst v3;
	v3 =	vadd.f32 v8, v7;
	v7 =	vld [tilespmem:s22+$0x470]  }
0x1cc: {  	v8 =	vld [tilespmem:s22+$0x9470]  }
0x1cd: {  	[tilespmem:s22+$0x12440] =	vst v3;
	v3 =	vadd.f32 v9, v4;
	v4 =	vld [tilespmem:s22+$0x800]  }
0x1ce: {  	v9 =	vld [tilespmem:s22+$0x9800]  }
0x1cf: {  	[tilespmem:s22+$0x12450] =	vst v3;
	v3 =	vadd.f32 v6, v5;
	v5 =	vld [tilespmem:s22+$0x810]  }
0x1d0: {  	v6 =	vld [tilespmem:s22+$0x9810]  }
0x1d1: {  	[tilespmem:s22+$0x12460] =	vst v3;
	v3 =	vadd.f32 v8, v7;
	v7 =	vld [tilespmem:s22+$0x820]  }
0x1d2: {  	v8 =	vld [tilespmem:s22+$0x9820]  }
0x1d3: {  	[tilespmem:s22+$0x12470] =	vst v3;
	v3 =	vadd.f32 v9, v4;
	v4 =	vld [tilespmem:s22+$0x830]  }
0x1d4: {  	v9 =	vld [tilespmem:s22+$0x9830]  }
0x1d5: {  	[tilespmem:s22+$0x12800] =	vst v3;
	v3 =	vadd.f32 v6, v5;
	v5 =	vld [tilespmem:s22+$0x840]  }
0x1d6: {  	v6 =	vld [tilespmem:s22+$0x9840]  }
0x1d7: {  	[tilespmem:s22+$0x12810] =	vst v3;
	v3 =	vadd.f32 v8, v7;
	v7 =	vld [tilespmem:s22+$0x850]  }
0x1d8: {  	v8 =	vld [tilespmem:s22+$0x9850]  }
0x1d9: {  	[tilespmem:s22+$0x12820] =	vst v3;
	v3 =	vadd.f32 v9, v4;
	v4 =	vld [tilespmem:s22+$0x860]  }
0x1da: {  	v9 =	vld [tilespmem:s22+$0x9860]  }
0x1db: {  	[tilespmem:s22+$0x12830] =	vst v3;
	v3 =	vadd.f32 v6, v5;
	v5 =	vld [tilespmem:s22+$0x870]  }
0x1dc: {  	v6 =	vld [tilespmem:s22+$0x9870]  }
0x1dd: {  	[tilespmem:s22+$0x12840] =	vst v3;
	v3 =	vadd.f32 v8, v7;
	v7 =	vld [tilespmem:s22+$0xC00]  }
0x1de: {  	v8 =	vld [tilespmem:s22+$0x9C00]  }
0x1df: {  	[tilespmem:s22+$0x12850] =	vst v3;
	v3 =	vadd.f32 v9, v4;
	v4 =	vld [tilespmem:s22+$0xC10]  }
0x1e0: {  	v9 =	vld [tilespmem:s22+$0x9C10]  }
0x1e1: {  	[tilespmem:s22+$0x12860] =	vst v3;
	v3 =	vadd.f32 v6, v5;
	v10 =	vld [tilespmem:s22+$0xC20]  }
0x1e2: {  	v11 =	vld [tilespmem:s22+$0x9C20]  }
0x1e3: {  	[tilespmem:s22+$0x12870] =	vst v3;
	v3 =	vadd.f32 v8, v7;
	v5 =	vld [tilespmem:s22+$0xC30]  }
.Ltmp1:
0x1e4: {  	v7 =	vld [tilespmem:s22+$0x9C30];
	(pc) =	sbr.rel @p0 .LBB2_4-.Ltmp1, $4  }
0x1e5: {  	[tilespmem:s22+$0x12C00] =	vst v3;
	v4 =	vadd.f32 v9, v4;
	v3 =	vld [tilespmem:s22+$0xC40]  }
0x1e6: {  	v6 =	vld [tilespmem:s22+$0x9C40]  }
0x1e7: {  	s25 =	sshrl.u32 s24, $0x3;
	[tilespmem:s22+$0x12C10] =	vst v4;
	v9 =	vadd.f32 v11, v10;
	v4 =	vld [tilespmem:s22+$0xC50]  }
0x1e8: {  	s23 =	sadd.s32 $0x80, s23;
	s24 =	sadd.s32 $0x1, s24;
	s25 =	smul.u32 $0xC00, s25;
	v8 =	vld [tilespmem:s22+$0x9C50]  }
0x1e9: {  	[tilespmem:s22+$0x12C20] =	vst v9;
	s23 =	sand.u32 $0x380, s23;
	v9 =	vld [tilespmem:s22+$0xC60];
	v5 =	vadd.f32 v7, v5  }
0x1ea: {  	v7 =	vld [tilespmem:s22+$0x9C60];
	s23 =	sor.u32 s23, s25  }
0x1eb: {  	v10 =	vld [tilespmem:s23+$0xC70];
	[tilespmem:s22+$0x12C30] =	vst v5;
	v3 =	vadd.f32 v6, v3  }
0x1ec: {  	v5 =	vld [tilespmem:s23+$0x9C70]  }
0x1ed: {  	v6 =	vld [tilespmem:s23+$0x400];
	[tilespmem:s22+$0x12C40] =	vst v3;
	v3 =	vadd.f32 v8, v4  }
0x1ee: {  	v4 =	vld [tilespmem:s23+$0x9400]  }
0x1ef: {  	v8 =	vld [tilespmem:s23+$0x410];
	[tilespmem:s22+$0x12C50] =	vst v3;
	v3 =	vadd.f32 v7, v9  }
0x1f0: {  	v7 =	vld [tilespmem:s23+$0x9410]  }
0x1f1: {  	v9 =	vld [tilespmem:s23+$0x420];
	[tilespmem:s22+$0x12C60] =	vst v3  }
0x1f2: {  	v3 =	vld [tilespmem:s23+$0x9420]  }
0x1f3: {  	v11 =	vld [tilespmem:s23+$0x430]  }
0x1f4: {  	v12 =	vld [tilespmem:s23+$0x9430]  }
0x1f5: {  	v13 =	vld [tilespmem:s23+$0x440]  }
0x1f6: {  	v14 =	vld [tilespmem:s23+$0x9440]  }
0x1f7: {  	v15 =	vld [tilespmem:s23+$0x450]  }
0x1f8: {  	v16 =	vld [tilespmem:s23+$0x9450]  }
0x1f9: {  	v17 =	vld [tilespmem:s23+$0x460]  }
0x1fa: {  	v18 =	vld [tilespmem:s23+$0x9460]  }
0x1fb: {  	v19 =	vld [tilespmem:s23+$0x470]  }
0x1fc: {  	v20 =	vld [tilespmem:s23+$0x9470]  }
0x1fd: {  	v21 =	vld [tilespmem:s23+$0x800]  }
0x1fe: {  	v22 =	vld [tilespmem:s23+$0x9800]  }
0x1ff: {  	v23 =	vld [tilespmem:s23+$0x810]  }
0x200: {  	v24 =	vld [tilespmem:s23+$0x9810]  }
0x201: {  	v25 =	vld [tilespmem:s23+$0x820]  }
0x202: {  	v26 =	vld [tilespmem:s23+$0x9820]  }
0x203: {  	v27 =	vld [tilespmem:s23+$0x830]  }
0x204: {  	v28 =	vld [tilespmem:s23+$0x9830]  }
0x205: {  	v29 =	vld [tilespmem:s23+$0x840]  }
0x206: {  	v30 =	vld [tilespmem:s23+$0x9840]  }
0x207: {  	v31 =	vld [tilespmem:s23+$0x850]  }
0x208: {  	v5 =	vadd.f32 v5, v10;
	v10 =	vld [tilespmem:s23+$0x9850]  }
0x209: {  	v57 =	vld [tilespmem:s23+$0xC10];
	v4 =	vadd.f32 v4, v6  }
0x20a: {  	v58 =	vld [tilespmem:s23+$0x9C10];
	[tilespmem:s23+$0x12C70] =	vst v5;
	v5 =	vadd.f32 v7, v8  }
0x20b: {  	v59 =	vld [tilespmem:s23+$0xC20];
	[tilespmem:s23+$0x12400] =	vst v4;
	v3 =	vadd.f32 v3, v9  }
0x20c: {  	v60 =	vld [tilespmem:s23+$0x9C20];
	[tilespmem:s23+$0x12410] =	vst v5;
	v5 =	vadd.f32 v12, v11  }
0x20d: {  	v61 =	vld [tilespmem:s23+$0xC30];
	[tilespmem:s23+$0x12420] =	vst v3;
	v3 =	vadd.f32 v14, v13  }
0x20e: {  	v62 =	vld [tilespmem:s23+$0x9C30];
	[tilespmem:s23+$0x12430] =	vst v5;
	v5 =	vadd.f32 v16, v15  }
0x20f: {  	v6 =	vld [tilespmem:s23+$0x860];
	[tilespmem:s23+$0x12440] =	vst v3;
	v3 =	vadd.f32 v18, v17  }
0x210: {  	v4 =	vld [tilespmem:s23+$0x870];
	[tilespmem:s23+$0x12450] =	vst v5;
	v5 =	vadd.f32 v20, v19  }
0x211: {  	v8 =	vld [tilespmem:s23+$0x9870];
	[tilespmem:s23+$0x12460] =	vst v3;
	v3 =	vadd.f32 v22, v21  }
0x212: {  	v7 =	vld [tilespmem:s23+$0x9860];
	[tilespmem:s23+$0x12470] =	vst v5;
	v5 =	vadd.f32 v24, v23  }
0x213: {  	v9 =	vld [tilespmem:s23+$0xC00];
	[tilespmem:s23+$0x12800] =	vst v3;
	v3 =	vadd.f32 v26, v25  }
0x214: {  	v11 =	vld [tilespmem:s23+$0x9C00];
	[tilespmem:s23+$0x12810] =	vst v5;
	v5 =	vadd.f32 v28, v27  }
0x215: {  	v63 =	vld [tilespmem:s23+$0xC40];
	[tilespmem:s23+$0x12820] =	vst v3;
	v3 =	vadd.f32 v30, v29  }
0x216: {  	v4 =	vadd.f32 v8, v4;
	v8 =	vld [tilespmem:s23+$0x9C60];
	[tilespmem:s23+$0x12830] =	vst v5;
	v5 =	vadd.f32 v10, v31  }
0x217: {  	v10 =	vld [tilespmem:s23+$0x9C40];
	[tilespmem:s23+$0x12840] =	vst v3;
	v3 =	vadd.f32 v7, v6  }
0x218: {  	v6 =	vld [tilespmem:s23+$0xC50];
	[tilespmem:s23+$0x12850] =	vst v5  }
0x219: {  	v5 =	vld [tilespmem:s23+$0x9C50];
	[tilespmem:s23+$0x12860] =	vst v3;
	v3 =	vadd.f32 v11, v9  }
0x21a: {  	[tilespmem:s23+$0x12870] =	vst v4;
	v4 =	vadd.f32 v58, v57;
	v7 =	vld [tilespmem:s23+$0xC60]  }
0x21b: {  	[tilespmem:s23+$0x12C00] =	vst v3;
	v3 =	vadd.f32 v60, v59  }
0x21c: {  	[tilespmem:s23+$0x12C10] =	vst v4;
	v4 =	vadd.f32 v62, v61  }
0x21d: {  	[tilespmem:s23+$0x12C20] =	vst v3;
	v3 =	vadd.f32 v10, v63  }
0x21e: {  	[tilespmem:s23+$0x12C30] =	vst v4;
	v4 =	vadd.f32 v5, v6  }
0x21f: {  	[tilespmem:s23+$0x12C40] =	vst v3;
	v3 =	vadd.f32 v8, v7  }
0x220: {  	[tilespmem:s23+$0x12C50] =	vst v4  }
0x221: {  	s25 =	rddreg [dreg:$0x8];
	s22 =	simm.s32 $0x0;
	[tilespmem:s23+$0x12C60] =	vst v3  }
0x222: {  	[hbm4b:s25+s22] =	stream.linear.scatter [tilespmem:s19], [sflag:$0x3], $0x9000, $0x38;
	[tilespmem:$0x1B400] =	vst v63  }
0x223: {  	s26 =	rddreg [dreg:$0x9];
	s24 =	simm.s32 $0x400  }
0x224: {  	[tilespmem:s24], [sflag:$0x1] =	stream.linear.gather [hbm4b:s26+s22], $0x9000, $0x38;
	[tilespmem:$0x1B400] =	vst v63  }
0x225: {  	v3 =	vld [tilespmem:$0x100];
	_ =	sdelay $0x4  }
0x226: {  	v4 =	vshrl.u32 v3, $0x3  }
0x227: {  	v4 =	vmul.u32 $0x18, v4  }
0x228: {  	v3 =	vand.u32 $0x7, v3  }
0x229: {  	v3 =	vor.u32 v3, v4  }
0x22a: {  	v4 =	vperm.xlane v3, v0;
	_ =	sdelay $0x1  }
0x22b: {  	v4 =	vadd.s32 v1, v4;
	_ =	sdelay $0x1  }
0x22c: {  	v3 =	vperm.xlane v3, v2;
	_ =	sdelay $0x1  }
0x22d: {  	s25 =	simm.s32 $0x9400;
	v3 =	vadd.s32 v1, v3  }
0x22e: {  	[tilespmem:s25], [sflag:$0x2] =	stream.indirect_vreg.gather [hbm4b:s3+s22], $0x80, v4, vm0, $0xb8;
	[tilespmem:$0x1B400] =	vst v63  }
0x22f: {  	s26 =	simm.s32 $0x9C00  }
0x230: {  	[tilespmem:s26], [sflag:$0x2] =	stream.indirect_vreg.gather [hbm4b:s6+s22], $0x80, v4, vm1, $0xb8;
	[tilespmem:$0x1B400] =	vst v63  }
0x231: {  	s24 =	simm.s32 $0xA000  }
0x232: {  	[tilespmem:s24], [sflag:$0x2] =	stream.indirect_vreg.gather [hbm4b:s3+s22], $0x80, v3, vm0, $0xb8;
	[tilespmem:$0x1B400] =	vst v63  }
0x233: {  	s25 =	simm.s32 $0xA800  }
0x234: {  	[tilespmem:s25], [sflag:$0x2] =	stream.indirect_vreg.gather [hbm4b:s6+s22], $0x80, v3, vm1, $0xb8;
	[tilespmem:$0x1B400] =	vst v63  }
0x235: {  	v3 =	vld [tilespmem:$0x110];
	_ =	sdelay $0x4  }
0x236: {  	v4 =	vshrl.u32 v3, $0x3  }
0x237: {  	v4 =	vmul.u32 $0x18, v4  }
0x238: {  	v3 =	vand.u32 $0x7, v3  }
0x239: {  	v3 =	vor.u32 v3, v4  }
0x23a: {  	v4 =	vperm.xlane v3, v0;
	_ =	sdelay $0x1  }
0x23b: {  	v4 =	vadd.s32 v1, v4;
	_ =	sdelay $0x1  }
0x23c: {  	v3 =	vperm.xlane v3, v2;
	_ =	sdelay $0x1  }
0x23d: {  	s26 =	simm.s32 $0xAC00;
	v3 =	vadd.s32 v1, v3  }
0x23e: {  	[tilespmem:s26], [sflag:$0x2] =	stream.indirect_vreg.gather [hbm4b:s3+s22], $0x80, v4, vm0, $0xb8;
	[tilespmem:$0x1B400] =	vst v63  }
0x23f: {  	s24 =	simm.s32 $0xB400  }
0x240: {  	[tilespmem:s24], [sflag:$0x2] =	stream.indirect_vreg.gather [hbm4b:s6+s22], $0x80, v4, vm1, $0xb8;
	[tilespmem:$0x1B400] =	vst v63  }
0x241: {  	_ = 	snop  }
0x242: {  	[tilespmem:s28], [sflag:$0x2] =	stream.indirect_vreg.gather [hbm4b:s3+s22], $0x80, v3, vm0, $0xb8;
	[tilespmem:$0x1B400] =	vst v63  }
0x243: {  	_ = 	snop  }
0x244: {  	[tilespmem:s29], [sflag:$0x2] =	stream.indirect_vreg.gather [hbm4b:s6+s22], $0x80, v3, vm1, $0xb8;
	[tilespmem:$0x1B400] =	vst v63  }
0x245: {  	v3 =	vld [tilespmem:$0x120];
	_ =	sdelay $0x4  }
0x246: {  	v4 =	vshrl.u32 v3, $0x3  }
0x247: {  	v4 =	vmul.u32 $0x18, v4  }
0x248: {  	v3 =	vand.u32 $0x7, v3  }
0x249: {  	v3 =	vor.u32 v3, v4  }
0x24a: {  	v4 =	vperm.xlane v3, v0;
	_ =	sdelay $0x1  }
0x24b: {  	v4 =	vadd.s32 v1, v4;
	_ =	sdelay $0x1  }
0x24c: {  	v3 =	vperm.xlane v3, v2;
	_ =	sdelay $0x1  }
0x24d: {  	v3 =	vadd.s32 v1, v3  }
0x24e: {  	[tilespmem:s30], [sflag:$0x2] =	stream.indirect_vreg.gather [hbm4b:s3+s22], $0x80, v4, vm0, $0xb8;
	[tilespmem:$0x1B400] =	vst v63  }
0x24f: {  	_ = 	snop  }
0x250: {  	[tilespmem:s31], [sflag:$0x2] =	stream.indirect_vreg.gather [hbm4b:s6+s22], $0x80, v4, vm1, $0xb8;
	[tilespmem:$0x1B400] =	vst v63  }
0x251: {  	_ = 	snop  }
0x252: {  	[tilespmem:s1], [sflag:$0x2] =	stream.indirect_vreg.gather [hbm4b:s3+s22], $0x80, v3, vm0, $0xb8;
	[tilespmem:$0x1B400] =	vst v63  }
0x253: {  	_ = 	snop  }
0x254: {  	[tilespmem:s0], [sflag:$0x2] =	stream.indirect_vreg.gather [hbm4b:s6+s22], $0x80, v3, vm1, $0xb8;
	[tilespmem:$0x1B400] =	vst v63  }
0x255: {  	v3 =	vld [tilespmem:$0x130];
	_ =	sdelay $0x4  }
0x256: {  	v4 =	vshrl.u32 v3, $0x3  }
0x257: {  	v4 =	vmul.u32 $0x18, v4  }
0x258: {  	v3 =	vand.u32 $0x7, v3  }
0x259: {  	v3 =	vor.u32 v3, v4  }
0x25a: {  	v4 =	vperm.xlane v3, v0;
	_ =	sdelay $0x1  }
0x25b: {  	v4 =	vadd.s32 v1, v4;
	_ =	sdelay $0x1  }
0x25c: {  	v3 =	vperm.xlane v3, v2;
	_ =	sdelay $0x1  }
0x25d: {  	v3 =	vadd.s32 v1, v3  }
0x25e: {  	[tilespmem:s4], [sflag:$0x2] =	stream.indirect_vreg.gather [hbm4b:s3+s22], $0x80, v4, vm0, $0xb8;
	[tilespmem:$0x1B400] =	vst v63  }
0x25f: {  	_ = 	snop  }
0x260: {  	[tilespmem:s5], [sflag:$0x2] =	stream.indirect_vreg.gather [hbm4b:s6+s22], $0x80, v4, vm1, $0xb8;
	[tilespmem:$0x1B400] =	vst v63  }
0x261: {  	_ = 	snop  }
0x262: {  	[tilespmem:s7], [sflag:$0x2] =	stream.indirect_vreg.gather [hbm4b:s3+s22], $0x80, v3, vm0, $0xb8;
	[tilespmem:$0x1B400] =	vst v63  }
0x263: {  	_ = 	snop  }
0x264: {  	[tilespmem:s8], [sflag:$0x2] =	stream.indirect_vreg.gather [hbm4b:s6+s22], $0x80, v3, vm1, $0xb8;
	[tilespmem:$0x1B400] =	vst v63  }
0x265: {  	v3 =	vld [tilespmem:$0x140];
	_ =	sdelay $0x4  }
0x266: {  	v4 =	vshrl.u32 v3, $0x3  }
0x267: {  	v4 =	vmul.u32 $0x18, v4  }
0x268: {  	v3 =	vand.u32 $0x7, v3  }
0x269: {  	v3 =	vor.u32 v3, v4  }
0x26a: {  	v4 =	vperm.xlane v3, v0;
	_ =	sdelay $0x1  }
0x26b: {  	v4 =	vadd.s32 v1, v4;
	_ =	sdelay $0x1  }
0x26c: {  	v3 =	vperm.xlane v3, v2;
	_ =	sdelay $0x1  }
0x26d: {  	v3 =	vadd.s32 v1, v3  }
0x26e: {  	[tilespmem:s9], [sflag:$0x2] =	stream.indirect_vreg.gather [hbm4b:s3+s22], $0x80, v4, vm0, $0xb8;
	[tilespmem:$0x1B400] =	vst v63  }
0x26f: {  	_ = 	snop  }
0x270: {  	[tilespmem:s10], [sflag:$0x2] =	stream.indirect_vreg.gather [hbm4b:s6+s22], $0x80, v4, vm1, $0xb8;
	[tilespmem:$0x1B400] =	vst v63  }
0x271: {  	_ = 	snop  }
0x272: {  	[tilespmem:s11], [sflag:$0x2] =	stream.indirect_vreg.gather [hbm4b:s3+s22], $0x80, v3, vm0, $0xb8;
	[tilespmem:$0x1B400] =	vst v63  }
0x273: {  	_ = 	snop  }
0x274: {  	[tilespmem:s12], [sflag:$0x2] =	stream.indirect_vreg.gather [hbm4b:s6+s22], $0x80, v3, vm1, $0xb8;
	[tilespmem:$0x1B400] =	vst v63  }
0x275: {  	v3 =	vld [tilespmem:$0x150];
	_ =	sdelay $0x4  }
0x276: {  	v4 =	vshrl.u32 v3, $0x3  }
0x277: {  	v4 =	vmul.u32 $0x18, v4  }
0x278: {  	v3 =	vand.u32 $0x7, v3  }
0x279: {  	v3 =	vor.u32 v3, v4  }
0x27a: {  	v4 =	vperm.xlane v3, v0;
	_ =	sdelay $0x1  }
0x27b: {  	v4 =	vadd.s32 v1, v4;
	_ =	sdelay $0x1  }
0x27c: {  	v3 =	vperm.xlane v3, v2;
	_ =	sdelay $0x1  }
0x27d: {  	v3 =	vadd.s32 v1, v3  }
0x27e: {  	[tilespmem:s13], [sflag:$0x2] =	stream.indirect_vreg.gather [hbm4b:s3+s22], $0x80, v4, vm0, $0xb8;
	[tilespmem:$0x1B400] =	vst v63  }
0x27f: {  	_ = 	snop  }
0x280: {  	[tilespmem:s14], [sflag:$0x2] =	stream.indirect_vreg.gather [hbm4b:s6+s22], $0x80, v4, vm1, $0xb8;
	[tilespmem:$0x1B400] =	vst v63  }
0x281: {  	_ = 	snop  }
0x282: {  	[tilespmem:s15], [sflag:$0x2] =	stream.indirect_vreg.gather [hbm4b:s3+s22], $0x80, v3, vm0, $0xb8;
	[tilespmem:$0x1B400] =	vst v63  }
0x283: {  	_ = 	snop  }
0x284: {  	[tilespmem:s16], [sflag:$0x2] =	stream.indirect_vreg.gather [hbm4b:s6+s22], $0x80, v3, vm1, $0xb8;
	[tilespmem:$0x1B400] =	vst v63  }
0x285: {  	_ =	swait.ge [sflag:s17], $0x9000  }
0x286: {  	[sflag:s17] =	ssyncset.done $0x0  }
0x287: {  	[sflag:s17] =	ssyncadd.s32 $0xFFFF7000  }
0x288: {  	_ =	swait.ge [sflag:s18], $0x9000  }
0x289: {  	[sflag:s18] =	ssyncset.done $0x0  }
0x28a: {  	s25 =	simm.s32 $0x0;
	[sflag:s18] =	ssyncadd.s32 $0xFFFF7000  }
0x28b: {  	s23 =	smul.u32 $0xC00, s25;
	_ =	swait.ge [sflag:s20], $0x9000  }
0x28c: {  	s22 =	sand.u32 $0x380, s22;
	[sflag:s20] =	ssyncset.done $0x0  }
0x28d: {  	s22 =	sor.u32 s22, s23;
	[sflag:s20] =	ssyncadd.s32 $0xFFFF7000  }
0x28e: {  	v3 =	vld [tilespmem:s22+$0xC70]  }
0x28f: {  	v4 =	vld [tilespmem:s22+$0x9C70]  }
0x290: {  	v5 =	vld [tilespmem:s22+$0x400]  }
0x291: {  	v6 =	vld [tilespmem:s22+$0x9400]  }
0x292: {  	v7 =	vld [tilespmem:s22+$0x410]  }
0x293: {  	v8 =	vld [tilespmem:s22+$0x9410]  }
0x294: {  	v9 =	vld [tilespmem:s22+$0x420]  }
0x295: {  	v10 =	vld [tilespmem:s22+$0x430]  }
0x296: {  	v11 =	vld [tilespmem:s22+$0x9C20];
	v3 =	vadd.f32 v4, v3  }
0x297: {  	v4 =	vld [tilespmem:s22+$0x9420]  }
0x298: {  	v5 =	vadd.f32 v6, v5;
	[tilespmem:s22+$0x12C70] =	vst v3;
	v3 =	vld [tilespmem:s22+$0x9430]  }
0x299: {  	v6 =	vld [tilespmem:s22+$0x440]  }
0x29a: {  	[tilespmem:s22+$0x12400] =	vst v5;
	v5 =	vadd.f32 v8, v7;
	v7 =	vld [tilespmem:s22+$0x9440]  }
0x29b: {  	v8 =	vld [tilespmem:s22+$0x9450]  }
0x29c: {  	[tilespmem:s22+$0x12410] =	vst v5;
	v5 =	vld [tilespmem:s22+$0x450];
	v4 =	vadd.f32 v4, v9  }
0x29d: {  	v9 =	vld [tilespmem:s22+$0x9460];
	v3 =	vadd.f32 v3, v10  }
0x29e: {  	[tilespmem:s22+$0x12420] =	vst v4;
	v4 =	vld [tilespmem:s22+$0x460]  }
0x29f: {  	[tilespmem:s22+$0x12430] =	vst v3;
	v3 =	vadd.f32 v7, v6;
	v6 =	vld [tilespmem:s22+$0x470]  }
0x2a0: {  	v7 =	vld [tilespmem:s22+$0x9470]  }
0x2a1: {  	[tilespmem:s22+$0x12440] =	vst v3;
	v3 =	vadd.f32 v8, v5;
	v5 =	vld [tilespmem:s22+$0x800]  }
0x2a2: {  	v8 =	vld [tilespmem:s22+$0x9800]  }
0x2a3: {  	[tilespmem:s22+$0x12450] =	vst v3;
	v3 =	vadd.f32 v9, v4;
	v4 =	vld [tilespmem:s22+$0x810]  }
0x2a4: {  	v9 =	vld [tilespmem:s22+$0x9810]  }
0x2a5: {  	[tilespmem:s22+$0x12460] =	vst v3;
	v3 =	vadd.f32 v7, v6;
	v6 =	vld [tilespmem:s22+$0x820]  }
0x2a6: {  	v7 =	vld [tilespmem:s22+$0x9820]  }
0x2a7: {  	[tilespmem:s22+$0x12470] =	vst v3;
	v3 =	vadd.f32 v8, v5;
	v5 =	vld [tilespmem:s22+$0x830]  }
0x2a8: {  	v8 =	vld [tilespmem:s22+$0x9830]  }
0x2a9: {  	[tilespmem:s22+$0x12800] =	vst v3;
	v3 =	vadd.f32 v9, v4;
	v4 =	vld [tilespmem:s22+$0x840]  }
0x2aa: {  	v9 =	vld [tilespmem:s22+$0x9840]  }
0x2ab: {  	[tilespmem:s22+$0x12810] =	vst v3;
	v3 =	vadd.f32 v7, v6;
	v6 =	vld [tilespmem:s22+$0x850]  }
0x2ac: {  	v7 =	vld [tilespmem:s22+$0x9850]  }
0x2ad: {  	[tilespmem:s22+$0x12820] =	vst v3;
	v3 =	vadd.f32 v8, v5;
	v5 =	vld [tilespmem:s22+$0x860]  }
0x2ae: {  	v8 =	vld [tilespmem:s22+$0x9860]  }
0x2af: {  	[tilespmem:s22+$0x12830] =	vst v3;
	v3 =	vadd.f32 v9, v4;
	v4 =	vld [tilespmem:s22+$0x870]  }
0x2b0: {  	v9 =	vld [tilespmem:s22+$0x9870]  }
0x2b1: {  	[tilespmem:s22+$0x12840] =	vst v3;
	v3 =	vadd.f32 v7, v6;
	v6 =	vld [tilespmem:s22+$0xC00]  }
0x2b2: {  	v7 =	vld [tilespmem:s22+$0x9C00]  }
0x2b3: {  	v10 =	vld [tilespmem:s22+$0x9C10];
	[tilespmem:s22+$0x12850] =	vst v3;
	v3 =	vadd.f32 v8, v5  }
0x2b4: {  	v8 =	vld [tilespmem:s22+$0xC10]  }
0x2b5: {  	[tilespmem:s22+$0x12860] =	vst v3;
	v3 =	vadd.f32 v9, v4;
	v9 =	vld [tilespmem:s22+$0xC20]  }
0x2b6: {  	v5 =	vld [tilespmem:s22+$0xC30]  }
0x2b7: {  	[tilespmem:s22+$0x12870] =	vst v3;
	v3 =	vadd.f32 v7, v6;
	v7 =	vld [tilespmem:s22+$0x9C30]  }
0x2b8: {  	v6 =	vld [tilespmem:s22+$0x9C40]  }
0x2b9: {  	v4 =	vadd.f32 v10, v8;
	[tilespmem:s22+$0x12C00] =	vst v3;
	v3 =	vld [tilespmem:s22+$0xC40]  }
0x2ba: {  	s26 =	simm.s32 $0x0;
	v8 =	vld [tilespmem:s22+$0x9C50];
	v9 =	vadd.f32 v11, v9  }
0x2bb: {  	s25 =	smul.u32 $0xC00, s26;
	s24 =	simm.s32 $0x2;
	s23 =	simm.s32 $0x80;
	[tilespmem:s22+$0x12C10] =	vst v4;
	v4 =	vld [tilespmem:s22+$0xC50]  }
.LBB2_6:
0x2bc: {  	p0 =	sne.s32 s24, $0x5F;
	s26 =	sand.u32 $0x380, s23;
	[tilespmem:s22+$0x12C20] =	vst v9;
	v5 =	vadd.f32 v7, v5;
	v7 =	vld [tilespmem:s22+$0xC60]  }
0x2bd: {  	s25 =	sor.u32 s26, s25;
	v9 =	vld [tilespmem:s22+$0x9C60]  }
0x2be: {  	v10 =	vld [tilespmem:s25+$0xC70];
	[tilespmem:s22+$0x12C30] =	vst v5;
	v3 =	vadd.f32 v6, v3  }
0x2bf: {  	v5 =	vld [tilespmem:s25+$0x9C70]  }
0x2c0: {  	v6 =	vld [tilespmem:s25+$0x400];
	[tilespmem:s22+$0x12C40] =	vst v3;
	v3 =	vadd.f32 v8, v4  }
0x2c1: {  	v4 =	vld [tilespmem:s25+$0x9400]  }
0x2c2: {  	v8 =	vld [tilespmem:s25+$0x410];
	[tilespmem:s22+$0x12C50] =	vst v3;
	v3 =	vadd.f32 v9, v7  }
0x2c3: {  	v7 =	vld [tilespmem:s25+$0x9410]  }
0x2c4: {  	v9 =	vld [tilespmem:s25+$0x420];
	v5 =	vadd.f32 v5, v10;
	[tilespmem:s22+$0x12C60] =	vst v3;
	s22 =	smov.u32 s25  }
0x2c5: {  	v3 =	vld [tilespmem:s22+$0x9420]  }
0x2c6: {  	v4 =	vadd.f32 v4, v6;
	v6 =	vld [tilespmem:s22+$0x430];
	[tilespmem:s22+$0x12C70] =	vst v5  }
0x2c7: {  	v5 =	vld [tilespmem:s22+$0x9430]  }
0x2c8: {  	[tilespmem:s22+$0x12400] =	vst v4;
	v4 =	vadd.f32 v7, v8;
	v7 =	vld [tilespmem:s22+$0x440]  }
0x2c9: {  	v8 =	vld [tilespmem:s22+$0x9440]  }
0x2ca: {  	[tilespmem:s22+$0x12410] =	vst v4;
	v3 =	vadd.f32 v3, v9;
	v4 =	vld [tilespmem:s22+$0x450]  }
0x2cb: {  	v9 =	vld [tilespmem:s22+$0x9450]  }
0x2cc: {  	[tilespmem:s22+$0x12420] =	vst v3;
	v3 =	vadd.f32 v5, v6;
	v5 =	vld [tilespmem:s22+$0x460]  }
0x2cd: {  	v6 =	vld [tilespmem:s22+$0x9460]  }
0x2ce: {  	[tilespmem:s22+$0x12430] =	vst v3;
	v3 =	vadd.f32 v8, v7;
	v7 =	vld [tilespmem:s22+$0x470]  }
0x2cf: {  	v8 =	vld [tilespmem:s22+$0x9470]  }
0x2d0: {  	[tilespmem:s22+$0x12440] =	vst v3;
	v3 =	vadd.f32 v9, v4;
	v4 =	vld [tilespmem:s22+$0x800]  }
0x2d1: {  	v9 =	vld [tilespmem:s22+$0x9800]  }
0x2d2: {  	[tilespmem:s22+$0x12450] =	vst v3;
	v3 =	vadd.f32 v6, v5;
	v5 =	vld [tilespmem:s22+$0x810]  }
0x2d3: {  	v6 =	vld [tilespmem:s22+$0x9810]  }
0x2d4: {  	[tilespmem:s22+$0x12460] =	vst v3;
	v3 =	vadd.f32 v8, v7;
	v7 =	vld [tilespmem:s22+$0x820]  }
0x2d5: {  	v8 =	vld [tilespmem:s22+$0x9820]  }
0x2d6: {  	[tilespmem:s22+$0x12470] =	vst v3;
	v3 =	vadd.f32 v9, v4;
	v4 =	vld [tilespmem:s22+$0x830]  }
0x2d7: {  	v9 =	vld [tilespmem:s22+$0x9830]  }
0x2d8: {  	[tilespmem:s22+$0x12800] =	vst v3;
	v3 =	vadd.f32 v6, v5;
	v5 =	vld [tilespmem:s22+$0x840]  }
0x2d9: {  	v6 =	vld [tilespmem:s22+$0x9840]  }
0x2da: {  	[tilespmem:s22+$0x12810] =	vst v3;
	v3 =	vadd.f32 v8, v7;
	v7 =	vld [tilespmem:s22+$0x850]  }
0x2db: {  	v8 =	vld [tilespmem:s22+$0x9850]  }
0x2dc: {  	[tilespmem:s22+$0x12820] =	vst v3;
	v3 =	vadd.f32 v9, v4;
	v4 =	vld [tilespmem:s22+$0x860]  }
0x2dd: {  	v9 =	vld [tilespmem:s22+$0x9860]  }
0x2de: {  	[tilespmem:s22+$0x12830] =	vst v3;
	v3 =	vadd.f32 v6, v5;
	v5 =	vld [tilespmem:s22+$0x870]  }
0x2df: {  	v6 =	vld [tilespmem:s22+$0x9870]  }
0x2e0: {  	[tilespmem:s22+$0x12840] =	vst v3;
	v3 =	vadd.f32 v8, v7;
	v7 =	vld [tilespmem:s22+$0xC00]  }
0x2e1: {  	v8 =	vld [tilespmem:s22+$0x9C00]  }
0x2e2: {  	[tilespmem:s22+$0x12850] =	vst v3;
	v3 =	vadd.f32 v9, v4;
	v4 =	vld [tilespmem:s22+$0xC10]  }
0x2e3: {  	v9 =	vld [tilespmem:s22+$0x9C10]  }
0x2e4: {  	[tilespmem:s22+$0x12860] =	vst v3;
	v3 =	vadd.f32 v6, v5;
	v10 =	vld [tilespmem:s22+$0xC20]  }
0x2e5: {  	v11 =	vld [tilespmem:s22+$0x9C20]  }
0x2e6: {  	[tilespmem:s22+$0x12870] =	vst v3;
	v3 =	vadd.f32 v8, v7;
	v5 =	vld [tilespmem:s22+$0xC30]  }
.Ltmp2:
0x2e7: {  	v7 =	vld [tilespmem:s22+$0x9C30];
	(pc) =	sbr.rel @p0 .LBB2_6-.Ltmp2, $4  }
0x2e8: {  	[tilespmem:s22+$0x12C00] =	vst v3;
	v4 =	vadd.f32 v9, v4;
	v3 =	vld [tilespmem:s22+$0xC40]  }
0x2e9: {  	v6 =	vld [tilespmem:s22+$0x9C40]  }
0x2ea: {  	s25 =	sshrl.u32 s24, $0x3;
	[tilespmem:s22+$0x12C10] =	vst v4;
	v9 =	vadd.f32 v11, v10;
	v4 =	vld [tilespmem:s22+$0xC50]  }
0x2eb: {  	s23 =	sadd.s32 $0x80, s23;
	s24 =	sadd.s32 $0x1, s24;
	s25 =	smul.u32 $0xC00, s25;
	v8 =	vld [tilespmem:s22+$0x9C50]  }
0x2ec: {  	[tilespmem:s22+$0x12C20] =	vst v9;
	s23 =	sand.u32 $0x380, s23;
	v9 =	vld [tilespmem:s22+$0xC60];
	v5 =	vadd.f32 v7, v5  }
0x2ed: {  	v7 =	vld [tilespmem:s22+$0x9C60];
	s23 =	sor.u32 s23, s25  }
0x2ee: {  	v10 =	vld [tilespmem:s23+$0xC70];
	[tilespmem:s22+$0x12C30] =	vst v5;
	v3 =	vadd.f32 v6, v3  }
0x2ef: {  	v5 =	vld [tilespmem:s23+$0x9C70]  }
0x2f0: {  	v6 =	vld [tilespmem:s23+$0x400];
	[tilespmem:s22+$0x12C40] =	vst v3;
	v3 =	vadd.f32 v8, v4  }
0x2f1: {  	v4 =	vld [tilespmem:s23+$0x9400]  }
0x2f2: {  	v8 =	vld [tilespmem:s23+$0x410];
	[tilespmem:s22+$0x12C50] =	vst v3;
	v3 =	vadd.f32 v7, v9  }
0x2f3: {  	v7 =	vld [tilespmem:s23+$0x9410]  }
0x2f4: {  	v9 =	vld [tilespmem:s23+$0x420];
	[tilespmem:s22+$0x12C60] =	vst v3  }
0x2f5: {  	v3 =	vld [tilespmem:s23+$0x9420]  }
0x2f6: {  	v11 =	vld [tilespmem:s23+$0x430]  }
0x2f7: {  	v12 =	vld [tilespmem:s23+$0x9430]  }
0x2f8: {  	v13 =	vld [tilespmem:s23+$0x440]  }
0x2f9: {  	v14 =	vld [tilespmem:s23+$0x9440]  }
0x2fa: {  	v15 =	vld [tilespmem:s23+$0x450]  }
0x2fb: {  	v16 =	vld [tilespmem:s23+$0x9450]  }
0x2fc: {  	v17 =	vld [tilespmem:s23+$0x460]  }
0x2fd: {  	v18 =	vld [tilespmem:s23+$0x9460]  }
0x2fe: {  	v19 =	vld [tilespmem:s23+$0x470]  }
0x2ff: {  	v20 =	vld [tilespmem:s23+$0x9470]  }
0x300: {  	v21 =	vld [tilespmem:s23+$0x800]  }
0x301: {  	v22 =	vld [tilespmem:s23+$0x9800]  }
0x302: {  	v23 =	vld [tilespmem:s23+$0x810]  }
0x303: {  	v24 =	vld [tilespmem:s23+$0x9810]  }
0x304: {  	v25 =	vld [tilespmem:s23+$0x820]  }
0x305: {  	v26 =	vld [tilespmem:s23+$0x9820]  }
0x306: {  	v27 =	vld [tilespmem:s23+$0x830]  }
0x307: {  	v28 =	vld [tilespmem:s23+$0x9830]  }
0x308: {  	v29 =	vld [tilespmem:s23+$0x840]  }
0x309: {  	v30 =	vld [tilespmem:s23+$0x9840]  }
0x30a: {  	v31 =	vld [tilespmem:s23+$0x850]  }
0x30b: {  	v5 =	vadd.f32 v5, v10;
	v10 =	vld [tilespmem:s23+$0x9850]  }
0x30c: {  	v57 =	vld [tilespmem:s23+$0xC10];
	v4 =	vadd.f32 v4, v6  }
0x30d: {  	v58 =	vld [tilespmem:s23+$0x9C10];
	[tilespmem:s23+$0x12C70] =	vst v5;
	v5 =	vadd.f32 v7, v8  }
0x30e: {  	v59 =	vld [tilespmem:s23+$0xC20];
	[tilespmem:s23+$0x12400] =	vst v4;
	v3 =	vadd.f32 v3, v9  }
0x30f: {  	v60 =	vld [tilespmem:s23+$0x9C20];
	[tilespmem:s23+$0x12410] =	vst v5;
	v5 =	vadd.f32 v12, v11  }
0x310: {  	v61 =	vld [tilespmem:s23+$0xC30];
	[tilespmem:s23+$0x12420] =	vst v3;
	v3 =	vadd.f32 v14, v13  }
0x311: {  	v62 =	vld [tilespmem:s23+$0x9C30];
	[tilespmem:s23+$0x12430] =	vst v5;
	v5 =	vadd.f32 v16, v15  }
0x312: {  	v6 =	vld [tilespmem:s23+$0x860];
	[tilespmem:s23+$0x12440] =	vst v3;
	v3 =	vadd.f32 v18, v17  }
0x313: {  	v4 =	vld [tilespmem:s23+$0x870];
	[tilespmem:s23+$0x12450] =	vst v5;
	v5 =	vadd.f32 v20, v19  }
0x314: {  	v8 =	vld [tilespmem:s23+$0x9870];
	[tilespmem:s23+$0x12460] =	vst v3;
	v3 =	vadd.f32 v22, v21  }
0x315: {  	v7 =	vld [tilespmem:s23+$0x9860];
	[tilespmem:s23+$0x12470] =	vst v5;
	v5 =	vadd.f32 v24, v23  }
0x316: {  	v9 =	vld [tilespmem:s23+$0xC00];
	[tilespmem:s23+$0x12800] =	vst v3;
	v3 =	vadd.f32 v26, v25  }
0x317: {  	v11 =	vld [tilespmem:s23+$0x9C00];
	[tilespmem:s23+$0x12810] =	vst v5;
	v5 =	vadd.f32 v28, v27  }
0x318: {  	v63 =	vld [tilespmem:s23+$0xC40];
	[tilespmem:s23+$0x12820] =	vst v3;
	v3 =	vadd.f32 v30, v29  }
0x319: {  	v4 =	vadd.f32 v8, v4;
	v8 =	vld [tilespmem:s23+$0x9C60];
	[tilespmem:s23+$0x12830] =	vst v5;
	v5 =	vadd.f32 v10, v31  }
0x31a: {  	v10 =	vld [tilespmem:s23+$0x9C40];
	[tilespmem:s23+$0x12840] =	vst v3;
	v3 =	vadd.f32 v7, v6  }
0x31b: {  	v6 =	vld [tilespmem:s23+$0xC50];
	[tilespmem:s23+$0x12850] =	vst v5  }
0x31c: {  	v5 =	vld [tilespmem:s23+$0x9C50];
	[tilespmem:s23+$0x12860] =	vst v3;
	v3 =	vadd.f32 v11, v9  }
0x31d: {  	[tilespmem:s23+$0x12870] =	vst v4;
	v4 =	vadd.f32 v58, v57;
	v7 =	vld [tilespmem:s23+$0xC60]  }
0x31e: {  	[tilespmem:s23+$0x12C00] =	vst v3;
	v3 =	vadd.f32 v60, v59  }
0x31f: {  	[tilespmem:s23+$0x12C10] =	vst v4;
	v4 =	vadd.f32 v62, v61  }
0x320: {  	[tilespmem:s23+$0x12C20] =	vst v3;
	v3 =	vadd.f32 v10, v63  }
0x321: {  	[tilespmem:s23+$0x12C30] =	vst v4;
	v4 =	vadd.f32 v5, v6  }
0x322: {  	[tilespmem:s23+$0x12C40] =	vst v3;
	v3 =	vadd.f32 v8, v7  }
0x323: {  	[tilespmem:s23+$0x12C50] =	vst v4  }
0x324: {  	s25 =	rddreg [dreg:$0xa];
	s22 =	simm.s32 $0x0;
	[tilespmem:s23+$0x12C60] =	vst v3  }
0x325: {  	[hbm4b:s25+s22] =	stream.linear.scatter [tilespmem:s19], [sflag:$0x3], $0x9000, $0x38;
	[tilespmem:$0x1B400] =	vst v63  }
0x326: {  	s26 =	rddreg [dreg:$0xb];
	s24 =	simm.s32 $0x400  }
0x327: {  	[tilespmem:s24], [sflag:$0x1] =	stream.linear.gather [hbm4b:s26+s22], $0x9000, $0x38;
	[tilespmem:$0x1B400] =	vst v63  }
0x328: {  	v3 =	vld [tilespmem:$0x180];
	_ =	sdelay $0x4  }
0x329: {  	v4 =	vshrl.u32 v3, $0x3  }
0x32a: {  	v4 =	vmul.u32 $0x18, v4  }
0x32b: {  	v3 =	vand.u32 $0x7, v3  }
0x32c: {  	v3 =	vor.u32 v3, v4  }
0x32d: {  	v4 =	vperm.xlane v3, v0;
	_ =	sdelay $0x1  }
0x32e: {  	v4 =	vadd.s32 v1, v4;
	_ =	sdelay $0x1  }
0x32f: {  	v3 =	vperm.xlane v3, v2;
	_ =	sdelay $0x1  }
0x330: {  	s25 =	simm.s32 $0x9400;
	v3 =	vadd.s32 v1, v3  }
0x331: {  	[tilespmem:s25], [sflag:$0x2] =	stream.indirect_vreg.gather [hbm4b:s3+s22], $0x80, v4, vm0, $0xb8;
	[tilespmem:$0x1B400] =	vst v63  }
0x332: {  	s26 =	simm.s32 $0x9C00  }
0x333: {  	[tilespmem:s26], [sflag:$0x2] =	stream.indirect_vreg.gather [hbm4b:s6+s22], $0x80, v4, vm1, $0xb8;
	[tilespmem:$0x1B400] =	vst v63  }
0x334: {  	s24 =	simm.s32 $0xA000  }
0x335: {  	[tilespmem:s24], [sflag:$0x2] =	stream.indirect_vreg.gather [hbm4b:s3+s22], $0x80, v3, vm0, $0xb8;
	[tilespmem:$0x1B400] =	vst v63  }
0x336: {  	s25 =	simm.s32 $0xA800  }
0x337: {  	[tilespmem:s25], [sflag:$0x2] =	stream.indirect_vreg.gather [hbm4b:s6+s22], $0x80, v3, vm1, $0xb8;
	[tilespmem:$0x1B400] =	vst v63  }
0x338: {  	v3 =	vld [tilespmem:$0x190];
	_ =	sdelay $0x4  }
0x339: {  	v4 =	vshrl.u32 v3, $0x3  }
0x33a: {  	v4 =	vmul.u32 $0x18, v4  }
0x33b: {  	v3 =	vand.u32 $0x7, v3  }
0x33c: {  	v3 =	vor.u32 v3, v4  }
0x33d: {  	v4 =	vperm.xlane v3, v0;
	_ =	sdelay $0x1  }
0x33e: {  	v4 =	vadd.s32 v1, v4;
	_ =	sdelay $0x1  }
0x33f: {  	v3 =	vperm.xlane v3, v2;
	_ =	sdelay $0x1  }
0x340: {  	s26 =	simm.s32 $0xAC00;
	v3 =	vadd.s32 v1, v3  }
0x341: {  	[tilespmem:s26], [sflag:$0x2] =	stream.indirect_vreg.gather [hbm4b:s3+s22], $0x80, v4, vm0, $0xb8;
	[tilespmem:$0x1B400] =	vst v63  }
0x342: {  	s24 =	simm.s32 $0xB400  }
0x343: {  	[tilespmem:s24], [sflag:$0x2] =	stream.indirect_vreg.gather [hbm4b:s6+s22], $0x80, v4, vm1, $0xb8;
	[tilespmem:$0x1B400] =	vst v63  }
0x344: {  	_ = 	snop  }
0x345: {  	[tilespmem:s28], [sflag:$0x2] =	stream.indirect_vreg.gather [hbm4b:s3+s22], $0x80, v3, vm0, $0xb8;
	[tilespmem:$0x1B400] =	vst v63  }
0x346: {  	_ = 	snop  }
0x347: {  	[tilespmem:s29], [sflag:$0x2] =	stream.indirect_vreg.gather [hbm4b:s6+s22], $0x80, v3, vm1, $0xb8;
	[tilespmem:$0x1B400] =	vst v63  }
0x348: {  	v3 =	vld [tilespmem:$0x1A0];
	_ =	sdelay $0x4  }
0x349: {  	v4 =	vshrl.u32 v3, $0x3  }
0x34a: {  	v4 =	vmul.u32 $0x18, v4  }
0x34b: {  	v3 =	vand.u32 $0x7, v3  }
0x34c: {  	v3 =	vor.u32 v3, v4  }
0x34d: {  	v4 =	vperm.xlane v3, v0;
	_ =	sdelay $0x1  }
0x34e: {  	v4 =	vadd.s32 v1, v4;
	_ =	sdelay $0x1  }
0x34f: {  	v3 =	vperm.xlane v3, v2;
	_ =	sdelay $0x1  }
0x350: {  	v3 =	vadd.s32 v1, v3  }
0x351: {  	[tilespmem:s30], [sflag:$0x2] =	stream.indirect_vreg.gather [hbm4b:s3+s22], $0x80, v4, vm0, $0xb8;
	[tilespmem:$0x1B400] =	vst v63  }
0x352: {  	_ = 	snop  }
0x353: {  	[tilespmem:s31], [sflag:$0x2] =	stream.indirect_vreg.gather [hbm4b:s6+s22], $0x80, v4, vm1, $0xb8;
	[tilespmem:$0x1B400] =	vst v63  }
0x354: {  	_ = 	snop  }
0x355: {  	[tilespmem:s1], [sflag:$0x2] =	stream.indirect_vreg.gather [hbm4b:s3+s22], $0x80, v3, vm0, $0xb8;
	[tilespmem:$0x1B400] =	vst v63  }
0x356: {  	_ = 	snop  }
0x357: {  	[tilespmem:s0], [sflag:$0x2] =	stream.indirect_vreg.gather [hbm4b:s6+s22], $0x80, v3, vm1, $0xb8;
	[tilespmem:$0x1B400] =	vst v63  }
0x358: {  	v3 =	vld [tilespmem:$0x1B0];
	_ =	sdelay $0x4  }
0x359: {  	v4 =	vshrl.u32 v3, $0x3  }
0x35a: {  	v4 =	vmul.u32 $0x18, v4  }
0x35b: {  	v3 =	vand.u32 $0x7, v3  }
0x35c: {  	v3 =	vor.u32 v3, v4  }
0x35d: {  	v4 =	vperm.xlane v3, v0;
	_ =	sdelay $0x1  }
0x35e: {  	v4 =	vadd.s32 v1, v4;
	_ =	sdelay $0x1  }
0x35f: {  	v3 =	vperm.xlane v3, v2;
	_ =	sdelay $0x1  }
0x360: {  	v3 =	vadd.s32 v1, v3  }
0x361: {  	[tilespmem:s4], [sflag:$0x2] =	stream.indirect_vreg.gather [hbm4b:s3+s22], $0x80, v4, vm0, $0xb8;
	[tilespmem:$0x1B400] =	vst v63  }
0x362: {  	_ = 	snop  }
0x363: {  	[tilespmem:s5], [sflag:$0x2] =	stream.indirect_vreg.gather [hbm4b:s6+s22], $0x80, v4, vm1, $0xb8;
	[tilespmem:$0x1B400] =	vst v63  }
0x364: {  	_ = 	snop  }
0x365: {  	[tilespmem:s7], [sflag:$0x2] =	stream.indirect_vreg.gather [hbm4b:s3+s22], $0x80, v3, vm0, $0xb8;
	[tilespmem:$0x1B400] =	vst v63  }
0x366: {  	_ = 	snop  }
0x367: {  	[tilespmem:s8], [sflag:$0x2] =	stream.indirect_vreg.gather [hbm4b:s6+s22], $0x80, v3, vm1, $0xb8;
	[tilespmem:$0x1B400] =	vst v63  }
0x368: {  	v3 =	vld [tilespmem:$0x1C0];
	_ =	sdelay $0x4  }
0x369: {  	v4 =	vshrl.u32 v3, $0x3  }
0x36a: {  	v4 =	vmul.u32 $0x18, v4  }
0x36b: {  	v3 =	vand.u32 $0x7, v3  }
0x36c: {  	v3 =	vor.u32 v3, v4  }
0x36d: {  	v4 =	vperm.xlane v3, v0;
	_ =	sdelay $0x1  }
0x36e: {  	v4 =	vadd.s32 v1, v4;
	_ =	sdelay $0x1  }
0x36f: {  	v3 =	vperm.xlane v3, v2;
	_ =	sdelay $0x1  }
0x370: {  	v3 =	vadd.s32 v1, v3  }
0x371: {  	[tilespmem:s9], [sflag:$0x2] =	stream.indirect_vreg.gather [hbm4b:s3+s22], $0x80, v4, vm0, $0xb8;
	[tilespmem:$0x1B400] =	vst v63  }
0x372: {  	_ = 	snop  }
0x373: {  	[tilespmem:s10], [sflag:$0x2] =	stream.indirect_vreg.gather [hbm4b:s6+s22], $0x80, v4, vm1, $0xb8;
	[tilespmem:$0x1B400] =	vst v63  }
0x374: {  	_ = 	snop  }
0x375: {  	[tilespmem:s11], [sflag:$0x2] =	stream.indirect_vreg.gather [hbm4b:s3+s22], $0x80, v3, vm0, $0xb8;
	[tilespmem:$0x1B400] =	vst v63  }
0x376: {  	_ = 	snop  }
0x377: {  	[tilespmem:s12], [sflag:$0x2] =	stream.indirect_vreg.gather [hbm4b:s6+s22], $0x80, v3, vm1, $0xb8;
	[tilespmem:$0x1B400] =	vst v63  }
0x378: {  	v3 =	vld [tilespmem:$0x1D0];
	_ =	sdelay $0x4  }
0x379: {  	v4 =	vshrl.u32 v3, $0x3  }
0x37a: {  	v4 =	vmul.u32 $0x18, v4  }
0x37b: {  	v3 =	vand.u32 $0x7, v3  }
0x37c: {  	v3 =	vor.u32 v3, v4  }
0x37d: {  	v4 =	vperm.xlane v3, v0;
	_ =	sdelay $0x1  }
0x37e: {  	v4 =	vadd.s32 v1, v4;
	_ =	sdelay $0x1  }
0x37f: {  	v3 =	vperm.xlane v3, v2;
	_ =	sdelay $0x1  }
0x380: {  	v3 =	vadd.s32 v1, v3  }
0x381: {  	[tilespmem:s13], [sflag:$0x2] =	stream.indirect_vreg.gather [hbm4b:s3+s22], $0x80, v4, vm0, $0xb8;
	[tilespmem:$0x1B400] =	vst v63  }
0x382: {  	_ = 	snop  }
0x383: {  	[tilespmem:s14], [sflag:$0x2] =	stream.indirect_vreg.gather [hbm4b:s6+s22], $0x80, v4, vm1, $0xb8;
	[tilespmem:$0x1B400] =	vst v63  }
0x384: {  	_ = 	snop  }
0x385: {  	[tilespmem:s15], [sflag:$0x2] =	stream.indirect_vreg.gather [hbm4b:s3+s22], $0x80, v3, vm0, $0xb8;
	[tilespmem:$0x1B400] =	vst v63  }
0x386: {  	_ = 	snop  }
0x387: {  	[tilespmem:s16], [sflag:$0x2] =	stream.indirect_vreg.gather [hbm4b:s6+s22], $0x80, v3, vm1, $0xb8;
	[tilespmem:$0x1B400] =	vst v63  }
0x388: {  	_ =	swait.ge [sflag:s17], $0x9000  }
0x389: {  	[sflag:s17] =	ssyncset.done $0x0  }
0x38a: {  	[sflag:s17] =	ssyncadd.s32 $0xFFFF7000  }
0x38b: {  	_ =	swait.ge [sflag:s18], $0x9000  }
0x38c: {  	[sflag:s18] =	ssyncset.done $0x0  }
0x38d: {  	s25 =	simm.s32 $0x0;
	[sflag:s18] =	ssyncadd.s32 $0xFFFF7000  }
0x38e: {  	s23 =	smul.u32 $0xC00, s25;
	_ =	swait.ge [sflag:s20], $0x9000  }
0x38f: {  	s22 =	sand.u32 $0x380, s22;
	[sflag:s20] =	ssyncset.done $0x0  }
0x390: {  	s22 =	sor.u32 s22, s23;
	[sflag:s20] =	ssyncadd.s32 $0xFFFF7000  }
0x391: {  	v3 =	vld [tilespmem:s22+$0xC70]  }
0x392: {  	v4 =	vld [tilespmem:s22+$0x9C70]  }
0x393: {  	v5 =	vld [tilespmem:s22+$0x400]  }
0x394: {  	v6 =	vld [tilespmem:s22+$0x9400]  }
0x395: {  	v7 =	vld [tilespmem:s22+$0x410]  }
0x396: {  	v8 =	vld [tilespmem:s22+$0x9410]  }
0x397: {  	v9 =	vld [tilespmem:s22+$0x420]  }
0x398: {  	v10 =	vld [tilespmem:s22+$0x430]  }
0x399: {  	v11 =	vld [tilespmem:s22+$0x9C20];
	v3 =	vadd.f32 v4, v3  }
0x39a: {  	v4 =	vld [tilespmem:s22+$0x9420]  }
0x39b: {  	v5 =	vadd.f32 v6, v5;
	[tilespmem:s22+$0x12C70] =	vst v3;
	v3 =	vld [tilespmem:s22+$0x9430]  }
0x39c: {  	v6 =	vld [tilespmem:s22+$0x440]  }
0x39d: {  	[tilespmem:s22+$0x12400] =	vst v5;
	v5 =	vadd.f32 v8, v7;
	v7 =	vld [tilespmem:s22+$0x9440]  }
0x39e: {  	v8 =	vld [tilespmem:s22+$0x9450]  }
0x39f: {  	[tilespmem:s22+$0x12410] =	vst v5;
	v5 =	vld [tilespmem:s22+$0x450];
	v4 =	vadd.f32 v4, v9  }
0x3a0: {  	v9 =	vld [tilespmem:s22+$0x9460];
	v3 =	vadd.f32 v3, v10  }
0x3a1: {  	[tilespmem:s22+$0x12420] =	vst v4;
	v4 =	vld [tilespmem:s22+$0x460]  }
0x3a2: {  	[tilespmem:s22+$0x12430] =	vst v3;
	v3 =	vadd.f32 v7, v6;
	v6 =	vld [tilespmem:s22+$0x470]  }
0x3a3: {  	v7 =	vld [tilespmem:s22+$0x9470]  }
0x3a4: {  	[tilespmem:s22+$0x12440] =	vst v3;
	v3 =	vadd.f32 v8, v5;
	v5 =	vld [tilespmem:s22+$0x800]  }
0x3a5: {  	v8 =	vld [tilespmem:s22+$0x9800]  }
0x3a6: {  	[tilespmem:s22+$0x12450] =	vst v3;
	v3 =	vadd.f32 v9, v4;
	v4 =	vld [tilespmem:s22+$0x810]  }
0x3a7: {  	v9 =	vld [tilespmem:s22+$0x9810]  }
0x3a8: {  	[tilespmem:s22+$0x12460] =	vst v3;
	v3 =	vadd.f32 v7, v6;
	v6 =	vld [tilespmem:s22+$0x820]  }
0x3a9: {  	v7 =	vld [tilespmem:s22+$0x9820]  }
0x3aa: {  	[tilespmem:s22+$0x12470] =	vst v3;
	v3 =	vadd.f32 v8, v5;
	v5 =	vld [tilespmem:s22+$0x830]  }
0x3ab: {  	v8 =	vld [tilespmem:s22+$0x9830]  }
0x3ac: {  	[tilespmem:s22+$0x12800] =	vst v3;
	v3 =	vadd.f32 v9, v4;
	v4 =	vld [tilespmem:s22+$0x840]  }
0x3ad: {  	v9 =	vld [tilespmem:s22+$0x9840]  }
0x3ae: {  	[tilespmem:s22+$0x12810] =	vst v3;
	v3 =	vadd.f32 v7, v6;
	v6 =	vld [tilespmem:s22+$0x850]  }
0x3af: {  	v7 =	vld [tilespmem:s22+$0x9850]  }
0x3b0: {  	[tilespmem:s22+$0x12820] =	vst v3;
	v3 =	vadd.f32 v8, v5;
	v5 =	vld [tilespmem:s22+$0x860]  }
0x3b1: {  	v8 =	vld [tilespmem:s22+$0x9860]  }
0x3b2: {  	[tilespmem:s22+$0x12830] =	vst v3;
	v3 =	vadd.f32 v9, v4;
	v4 =	vld [tilespmem:s22+$0x870]  }
0x3b3: {  	v9 =	vld [tilespmem:s22+$0x9870]  }
0x3b4: {  	[tilespmem:s22+$0x12840] =	vst v3;
	v3 =	vadd.f32 v7, v6;
	v6 =	vld [tilespmem:s22+$0xC00]  }
0x3b5: {  	v7 =	vld [tilespmem:s22+$0x9C00]  }
0x3b6: {  	v10 =	vld [tilespmem:s22+$0x9C10];
	[tilespmem:s22+$0x12850] =	vst v3;
	v3 =	vadd.f32 v8, v5  }
0x3b7: {  	v8 =	vld [tilespmem:s22+$0xC10]  }
0x3b8: {  	[tilespmem:s22+$0x12860] =	vst v3;
	v3 =	vadd.f32 v9, v4;
	v9 =	vld [tilespmem:s22+$0xC20]  }
0x3b9: {  	v5 =	vld [tilespmem:s22+$0xC30]  }
0x3ba: {  	[tilespmem:s22+$0x12870] =	vst v3;
	v3 =	vadd.f32 v7, v6;
	v7 =	vld [tilespmem:s22+$0x9C30]  }
0x3bb: {  	v6 =	vld [tilespmem:s22+$0x9C40]  }
0x3bc: {  	v4 =	vadd.f32 v10, v8;
	[tilespmem:s22+$0x12C00] =	vst v3;
	v3 =	vld [tilespmem:s22+$0xC40]  }
0x3bd: {  	s26 =	simm.s32 $0x0;
	v8 =	vld [tilespmem:s22+$0x9C50];
	v9 =	vadd.f32 v11, v9  }
0x3be: {  	s25 =	smul.u32 $0xC00, s26;
	s24 =	simm.s32 $0x2;
	s23 =	simm.s32 $0x80;
	[tilespmem:s22+$0x12C10] =	vst v4;
	v4 =	vld [tilespmem:s22+$0xC50]  }
.LBB2_8:
0x3bf: {  	p0 =	sne.s32 s24, $0x5F;
	s26 =	sand.u32 $0x380, s23;
	[tilespmem:s22+$0x12C20] =	vst v9;
	v5 =	vadd.f32 v7, v5;
	v7 =	vld [tilespmem:s22+$0xC60]  }
0x3c0: {  	s25 =	sor.u32 s26, s25;
	v9 =	vld [tilespmem:s22+$0x9C60]  }
0x3c1: {  	v10 =	vld [tilespmem:s25+$0xC70];
	[tilespmem:s22+$0x12C30] =	vst v5;
	v3 =	vadd.f32 v6, v3  }
0x3c2: {  	v5 =	vld [tilespmem:s25+$0x9C70]  }
0x3c3: {  	v6 =	vld [tilespmem:s25+$0x400];
	[tilespmem:s22+$0x12C40] =	vst v3;
	v3 =	vadd.f32 v8, v4  }
0x3c4: {  	v4 =	vld [tilespmem:s25+$0x9400]  }
0x3c5: {  	v8 =	vld [tilespmem:s25+$0x410];
	[tilespmem:s22+$0x12C50] =	vst v3;
	v3 =	vadd.f32 v9, v7  }
0x3c6: {  	v7 =	vld [tilespmem:s25+$0x9410]  }
0x3c7: {  	v9 =	vld [tilespmem:s25+$0x420];
	v5 =	vadd.f32 v5, v10;
	[tilespmem:s22+$0x12C60] =	vst v3;
	s22 =	smov.u32 s25  }
0x3c8: {  	v3 =	vld [tilespmem:s22+$0x9420]  }
0x3c9: {  	v4 =	vadd.f32 v4, v6;
	v6 =	vld [tilespmem:s22+$0x430];
	[tilespmem:s22+$0x12C70] =	vst v5  }
0x3ca: {  	v5 =	vld [tilespmem:s22+$0x9430]  }
0x3cb: {  	[tilespmem:s22+$0x12400] =	vst v4;
	v4 =	vadd.f32 v7, v8;
	v7 =	vld [tilespmem:s22+$0x440]  }
0x3cc: {  	v8 =	vld [tilespmem:s22+$0x9440]  }
0x3cd: {  	[tilespmem:s22+$0x12410] =	vst v4;
	v3 =	vadd.f32 v3, v9;
	v4 =	vld [tilespmem:s22+$0x450]  }
0x3ce: {  	v9 =	vld [tilespmem:s22+$0x9450]  }
0x3cf: {  	[tilespmem:s22+$0x12420] =	vst v3;
	v3 =	vadd.f32 v5, v6;
	v5 =	vld [tilespmem:s22+$0x460]  }
0x3d0: {  	v6 =	vld [tilespmem:s22+$0x9460]  }
0x3d1: {  	[tilespmem:s22+$0x12430] =	vst v3;
	v3 =	vadd.f32 v8, v7;
	v7 =	vld [tilespmem:s22+$0x470]  }
0x3d2: {  	v8 =	vld [tilespmem:s22+$0x9470]  }
0x3d3: {  	[tilespmem:s22+$0x12440] =	vst v3;
	v3 =	vadd.f32 v9, v4;
	v4 =	vld [tilespmem:s22+$0x800]  }
0x3d4: {  	v9 =	vld [tilespmem:s22+$0x9800]  }
0x3d5: {  	[tilespmem:s22+$0x12450] =	vst v3;
	v3 =	vadd.f32 v6, v5;
	v5 =	vld [tilespmem:s22+$0x810]  }
0x3d6: {  	v6 =	vld [tilespmem:s22+$0x9810]  }
0x3d7: {  	[tilespmem:s22+$0x12460] =	vst v3;
	v3 =	vadd.f32 v8, v7;
	v7 =	vld [tilespmem:s22+$0x820]  }
0x3d8: {  	v8 =	vld [tilespmem:s22+$0x9820]  }
0x3d9: {  	[tilespmem:s22+$0x12470] =	vst v3;
	v3 =	vadd.f32 v9, v4;
	v4 =	vld [tilespmem:s22+$0x830]  }
0x3da: {  	v9 =	vld [tilespmem:s22+$0x9830]  }
0x3db: {  	[tilespmem:s22+$0x12800] =	vst v3;
	v3 =	vadd.f32 v6, v5;
	v5 =	vld [tilespmem:s22+$0x840]  }
0x3dc: {  	v6 =	vld [tilespmem:s22+$0x9840]  }
0x3dd: {  	[tilespmem:s22+$0x12810] =	vst v3;
	v3 =	vadd.f32 v8, v7;
	v7 =	vld [tilespmem:s22+$0x850]  }
0x3de: {  	v8 =	vld [tilespmem:s22+$0x9850]  }
0x3df: {  	[tilespmem:s22+$0x12820] =	vst v3;
	v3 =	vadd.f32 v9, v4;
	v4 =	vld [tilespmem:s22+$0x860]  }
0x3e0: {  	v9 =	vld [tilespmem:s22+$0x9860]  }
0x3e1: {  	[tilespmem:s22+$0x12830] =	vst v3;
	v3 =	vadd.f32 v6, v5;
	v5 =	vld [tilespmem:s22+$0x870]  }
0x3e2: {  	v6 =	vld [tilespmem:s22+$0x9870]  }
0x3e3: {  	[tilespmem:s22+$0x12840] =	vst v3;
	v3 =	vadd.f32 v8, v7;
	v7 =	vld [tilespmem:s22+$0xC00]  }
0x3e4: {  	v8 =	vld [tilespmem:s22+$0x9C00]  }
0x3e5: {  	[tilespmem:s22+$0x12850] =	vst v3;
	v3 =	vadd.f32 v9, v4;
	v4 =	vld [tilespmem:s22+$0xC10]  }
0x3e6: {  	v9 =	vld [tilespmem:s22+$0x9C10]  }
0x3e7: {  	[tilespmem:s22+$0x12860] =	vst v3;
	v3 =	vadd.f32 v6, v5;
	v10 =	vld [tilespmem:s22+$0xC20]  }
0x3e8: {  	v11 =	vld [tilespmem:s22+$0x9C20]  }
0x3e9: {  	[tilespmem:s22+$0x12870] =	vst v3;
	v3 =	vadd.f32 v8, v7;
	v5 =	vld [tilespmem:s22+$0xC30]  }
.Ltmp3:
0x3ea: {  	v7 =	vld [tilespmem:s22+$0x9C30];
	(pc) =	sbr.rel @p0 .LBB2_8-.Ltmp3, $4  }
0x3eb: {  	[tilespmem:s22+$0x12C00] =	vst v3;
	v4 =	vadd.f32 v9, v4;
	v3 =	vld [tilespmem:s22+$0xC40]  }
0x3ec: {  	v6 =	vld [tilespmem:s22+$0x9C40]  }
0x3ed: {  	s25 =	sshrl.u32 s24, $0x3;
	[tilespmem:s22+$0x12C10] =	vst v4;
	v9 =	vadd.f32 v11, v10;
	v4 =	vld [tilespmem:s22+$0xC50]  }
0x3ee: {  	s23 =	sadd.s32 $0x80, s23;
	s24 =	sadd.s32 $0x1, s24;
	s25 =	smul.u32 $0xC00, s25;
	v8 =	vld [tilespmem:s22+$0x9C50]  }
0x3ef: {  	[tilespmem:s22+$0x12C20] =	vst v9;
	s23 =	sand.u32 $0x380, s23;
	v9 =	vld [tilespmem:s22+$0xC60];
	v5 =	vadd.f32 v7, v5  }
0x3f0: {  	v7 =	vld [tilespmem:s22+$0x9C60];
	s23 =	sor.u32 s23, s25  }
0x3f1: {  	v10 =	vld [tilespmem:s23+$0xC70];
	[tilespmem:s22+$0x12C30] =	vst v5;
	v3 =	vadd.f32 v6, v3  }
0x3f2: {  	v5 =	vld [tilespmem:s23+$0x9C70]  }
0x3f3: {  	v6 =	vld [tilespmem:s23+$0x400];
	[tilespmem:s22+$0x12C40] =	vst v3;
	v3 =	vadd.f32 v8, v4  }
0x3f4: {  	v4 =	vld [tilespmem:s23+$0x9400]  }
0x3f5: {  	v8 =	vld [tilespmem:s23+$0x410];
	[tilespmem:s22+$0x12C50] =	vst v3;
	v3 =	vadd.f32 v7, v9  }
0x3f6: {  	v7 =	vld [tilespmem:s23+$0x9410]  }
0x3f7: {  	v9 =	vld [tilespmem:s23+$0x420];
	[tilespmem:s22+$0x12C60] =	vst v3  }
0x3f8: {  	v3 =	vld [tilespmem:s23+$0x9420]  }
0x3f9: {  	v11 =	vld [tilespmem:s23+$0x430]  }
0x3fa: {  	v12 =	vld [tilespmem:s23+$0x9430]  }
0x3fb: {  	v13 =	vld [tilespmem:s23+$0x440]  }
0x3fc: {  	v14 =	vld [tilespmem:s23+$0x9440]  }
0x3fd: {  	v15 =	vld [tilespmem:s23+$0x450]  }
0x3fe: {  	v16 =	vld [tilespmem:s23+$0x9450]  }
0x3ff: {  	v17 =	vld [tilespmem:s23+$0x460]  }
0x400: {  	v18 =	vld [tilespmem:s23+$0x9460]  }
0x401: {  	v19 =	vld [tilespmem:s23+$0x470]  }
0x402: {  	v20 =	vld [tilespmem:s23+$0x9470]  }
0x403: {  	v21 =	vld [tilespmem:s23+$0x800]  }
0x404: {  	v22 =	vld [tilespmem:s23+$0x9800]  }
0x405: {  	v23 =	vld [tilespmem:s23+$0x810]  }
0x406: {  	v24 =	vld [tilespmem:s23+$0x9810]  }
0x407: {  	v25 =	vld [tilespmem:s23+$0x820]  }
0x408: {  	v26 =	vld [tilespmem:s23+$0x9820]  }
0x409: {  	v27 =	vld [tilespmem:s23+$0x830]  }
0x40a: {  	v28 =	vld [tilespmem:s23+$0x9830]  }
0x40b: {  	v29 =	vld [tilespmem:s23+$0x840]  }
0x40c: {  	v30 =	vld [tilespmem:s23+$0x9840]  }
0x40d: {  	v31 =	vld [tilespmem:s23+$0x850]  }
0x40e: {  	v5 =	vadd.f32 v5, v10;
	v10 =	vld [tilespmem:s23+$0x9850]  }
0x40f: {  	v57 =	vld [tilespmem:s23+$0xC10];
	v4 =	vadd.f32 v4, v6  }
0x410: {  	v58 =	vld [tilespmem:s23+$0x9C10];
	[tilespmem:s23+$0x12C70] =	vst v5;
	v5 =	vadd.f32 v7, v8  }
0x411: {  	v59 =	vld [tilespmem:s23+$0xC20];
	[tilespmem:s23+$0x12400] =	vst v4;
	v3 =	vadd.f32 v3, v9  }
0x412: {  	v60 =	vld [tilespmem:s23+$0x9C20];
	[tilespmem:s23+$0x12410] =	vst v5;
	v5 =	vadd.f32 v12, v11  }
0x413: {  	v61 =	vld [tilespmem:s23+$0xC30];
	[tilespmem:s23+$0x12420] =	vst v3;
	v3 =	vadd.f32 v14, v13  }
0x414: {  	v62 =	vld [tilespmem:s23+$0x9C30];
	[tilespmem:s23+$0x12430] =	vst v5;
	v5 =	vadd.f32 v16, v15  }
0x415: {  	v6 =	vld [tilespmem:s23+$0x860];
	[tilespmem:s23+$0x12440] =	vst v3;
	v3 =	vadd.f32 v18, v17  }
0x416: {  	v4 =	vld [tilespmem:s23+$0x870];
	[tilespmem:s23+$0x12450] =	vst v5;
	v5 =	vadd.f32 v20, v19  }
0x417: {  	v8 =	vld [tilespmem:s23+$0x9870];
	[tilespmem:s23+$0x12460] =	vst v3;
	v3 =	vadd.f32 v22, v21  }
0x418: {  	v7 =	vld [tilespmem:s23+$0x9860];
	[tilespmem:s23+$0x12470] =	vst v5;
	v5 =	vadd.f32 v24, v23  }
0x419: {  	v9 =	vld [tilespmem:s23+$0xC00];
	[tilespmem:s23+$0x12800] =	vst v3;
	v3 =	vadd.f32 v26, v25  }
0x41a: {  	v11 =	vld [tilespmem:s23+$0x9C00];
	[tilespmem:s23+$0x12810] =	vst v5;
	v5 =	vadd.f32 v28, v27  }
0x41b: {  	v63 =	vld [tilespmem:s23+$0xC40];
	[tilespmem:s23+$0x12820] =	vst v3;
	v3 =	vadd.f32 v30, v29  }
0x41c: {  	v4 =	vadd.f32 v8, v4;
	v8 =	vld [tilespmem:s23+$0x9C60];
	[tilespmem:s23+$0x12830] =	vst v5;
	v5 =	vadd.f32 v10, v31  }
0x41d: {  	v10 =	vld [tilespmem:s23+$0x9C40];
	[tilespmem:s23+$0x12840] =	vst v3;
	v3 =	vadd.f32 v7, v6  }
0x41e: {  	v6 =	vld [tilespmem:s23+$0xC50];
	[tilespmem:s23+$0x12850] =	vst v5  }
0x41f: {  	v5 =	vld [tilespmem:s23+$0x9C50];
	[tilespmem:s23+$0x12860] =	vst v3;
	v3 =	vadd.f32 v11, v9  }
0x420: {  	[tilespmem:s23+$0x12870] =	vst v4;
	v4 =	vadd.f32 v58, v57;
	v7 =	vld [tilespmem:s23+$0xC60]  }
0x421: {  	[tilespmem:s23+$0x12C00] =	vst v3;
	v3 =	vadd.f32 v60, v59  }
0x422: {  	[tilespmem:s23+$0x12C10] =	vst v4;
	v4 =	vadd.f32 v62, v61  }
0x423: {  	[tilespmem:s23+$0x12C20] =	vst v3;
	v3 =	vadd.f32 v10, v63  }
0x424: {  	[tilespmem:s23+$0x12C30] =	vst v4;
	v4 =	vadd.f32 v5, v6  }
0x425: {  	[tilespmem:s23+$0x12C40] =	vst v3;
	v3 =	vadd.f32 v8, v7  }
0x426: {  	[tilespmem:s23+$0x12C50] =	vst v4  }
0x427: {  	s25 =	rddreg [dreg:$0xc];
	s22 =	simm.s32 $0x0;
	[tilespmem:s23+$0x12C60] =	vst v3  }
0x428: {  	[hbm4b:s25+s22] =	stream.linear.scatter [tilespmem:s19], [sflag:$0x3], $0x9000, $0x38;
	[tilespmem:$0x1B400] =	vst v63  }
0x429: {  	s26 =	rddreg [dreg:$0xd];
	s24 =	simm.s32 $0x400  }
0x42a: {  	[tilespmem:s24], [sflag:$0x1] =	stream.linear.gather [hbm4b:s26+s22], $0x9000, $0x38;
	[tilespmem:$0x1B400] =	vst v63  }
0x42b: {  	v3 =	vld [tilespmem:$0x200];
	_ =	sdelay $0x4  }
0x42c: {  	v4 =	vshrl.u32 v3, $0x3  }
0x42d: {  	v4 =	vmul.u32 $0x18, v4  }
0x42e: {  	v3 =	vand.u32 $0x7, v3  }
0x42f: {  	v3 =	vor.u32 v3, v4  }
0x430: {  	v4 =	vperm.xlane v3, v0;
	_ =	sdelay $0x1  }
0x431: {  	v4 =	vadd.s32 v1, v4;
	_ =	sdelay $0x1  }
0x432: {  	v3 =	vperm.xlane v3, v2;
	_ =	sdelay $0x1  }
0x433: {  	s25 =	simm.s32 $0x9400;
	v3 =	vadd.s32 v1, v3  }
0x434: {  	[tilespmem:s25], [sflag:$0x2] =	stream.indirect_vreg.gather [hbm4b:s3+s22], $0x80, v4, vm0, $0xb8;
	[tilespmem:$0x1B400] =	vst v63  }
0x435: {  	s26 =	simm.s32 $0x9C00  }
0x436: {  	[tilespmem:s26], [sflag:$0x2] =	stream.indirect_vreg.gather [hbm4b:s6+s22], $0x80, v4, vm1, $0xb8;
	[tilespmem:$0x1B400] =	vst v63  }
0x437: {  	s24 =	simm.s32 $0xA000  }
0x438: {  	[tilespmem:s24], [sflag:$0x2] =	stream.indirect_vreg.gather [hbm4b:s3+s22], $0x80, v3, vm0, $0xb8;
	[tilespmem:$0x1B400] =	vst v63  }
0x439: {  	s25 =	simm.s32 $0xA800  }
0x43a: {  	[tilespmem:s25], [sflag:$0x2] =	stream.indirect_vreg.gather [hbm4b:s6+s22], $0x80, v3, vm1, $0xb8;
	[tilespmem:$0x1B400] =	vst v63  }
0x43b: {  	v3 =	vld [tilespmem:$0x210];
	_ =	sdelay $0x4  }
0x43c: {  	v4 =	vshrl.u32 v3, $0x3  }
0x43d: {  	v4 =	vmul.u32 $0x18, v4  }
0x43e: {  	v3 =	vand.u32 $0x7, v3  }
0x43f: {  	v3 =	vor.u32 v3, v4  }
0x440: {  	v4 =	vperm.xlane v3, v0;
	_ =	sdelay $0x1  }
0x441: {  	v4 =	vadd.s32 v1, v4;
	_ =	sdelay $0x1  }
0x442: {  	v3 =	vperm.xlane v3, v2;
	_ =	sdelay $0x1  }
0x443: {  	s26 =	simm.s32 $0xAC00;
	v3 =	vadd.s32 v1, v3  }
0x444: {  	[tilespmem:s26], [sflag:$0x2] =	stream.indirect_vreg.gather [hbm4b:s3+s22], $0x80, v4, vm0, $0xb8;
	[tilespmem:$0x1B400] =	vst v63  }
0x445: {  	s24 =	simm.s32 $0xB400  }
0x446: {  	[tilespmem:s24], [sflag:$0x2] =	stream.indirect_vreg.gather [hbm4b:s6+s22], $0x80, v4, vm1, $0xb8;
	[tilespmem:$0x1B400] =	vst v63  }
0x447: {  	_ = 	snop  }
0x448: {  	[tilespmem:s28], [sflag:$0x2] =	stream.indirect_vreg.gather [hbm4b:s3+s22], $0x80, v3, vm0, $0xb8;
	[tilespmem:$0x1B400] =	vst v63  }
0x449: {  	_ = 	snop  }
0x44a: {  	[tilespmem:s29], [sflag:$0x2] =	stream.indirect_vreg.gather [hbm4b:s6+s22], $0x80, v3, vm1, $0xb8;
	[tilespmem:$0x1B400] =	vst v63  }
0x44b: {  	v3 =	vld [tilespmem:$0x220];
	_ =	sdelay $0x4  }
0x44c: {  	v4 =	vshrl.u32 v3, $0x3  }
0x44d: {  	v4 =	vmul.u32 $0x18, v4  }
0x44e: {  	v3 =	vand.u32 $0x7, v3  }
0x44f: {  	v3 =	vor.u32 v3, v4  }
0x450: {  	v4 =	vperm.xlane v3, v0;
	_ =	sdelay $0x1  }
0x451: {  	v4 =	vadd.s32 v1, v4;
	_ =	sdelay $0x1  }
0x452: {  	v3 =	vperm.xlane v3, v2;
	_ =	sdelay $0x1  }
0x453: {  	v3 =	vadd.s32 v1, v3  }
0x454: {  	[tilespmem:s30], [sflag:$0x2] =	stream.indirect_vreg.gather [hbm4b:s3+s22], $0x80, v4, vm0, $0xb8;
	[tilespmem:$0x1B400] =	vst v63  }
0x455: {  	_ = 	snop  }
0x456: {  	[tilespmem:s31], [sflag:$0x2] =	stream.indirect_vreg.gather [hbm4b:s6+s22], $0x80, v4, vm1, $0xb8;
	[tilespmem:$0x1B400] =	vst v63  }
0x457: {  	_ = 	snop  }
0x458: {  	[tilespmem:s1], [sflag:$0x2] =	stream.indirect_vreg.gather [hbm4b:s3+s22], $0x80, v3, vm0, $0xb8;
	[tilespmem:$0x1B400] =	vst v63  }
0x459: {  	_ = 	snop  }
0x45a: {  	[tilespmem:s0], [sflag:$0x2] =	stream.indirect_vreg.gather [hbm4b:s6+s22], $0x80, v3, vm1, $0xb8;
	[tilespmem:$0x1B400] =	vst v63  }
0x45b: {  	v3 =	vld [tilespmem:$0x230];
	_ =	sdelay $0x4  }
0x45c: {  	v4 =	vshrl.u32 v3, $0x3  }
0x45d: {  	v4 =	vmul.u32 $0x18, v4  }
0x45e: {  	v3 =	vand.u32 $0x7, v3  }
0x45f: {  	v3 =	vor.u32 v3, v4  }
0x460: {  	v4 =	vperm.xlane v3, v0;
	_ =	sdelay $0x1  }
0x461: {  	v4 =	vadd.s32 v1, v4;
	_ =	sdelay $0x1  }
0x462: {  	v3 =	vperm.xlane v3, v2;
	_ =	sdelay $0x1  }
0x463: {  	v3 =	vadd.s32 v1, v3  }
0x464: {  	[tilespmem:s4], [sflag:$0x2] =	stream.indirect_vreg.gather [hbm4b:s3+s22], $0x80, v4, vm0, $0xb8;
	[tilespmem:$0x1B400] =	vst v63  }
0x465: {  	_ = 	snop  }
0x466: {  	[tilespmem:s5], [sflag:$0x2] =	stream.indirect_vreg.gather [hbm4b:s6+s22], $0x80, v4, vm1, $0xb8;
	[tilespmem:$0x1B400] =	vst v63  }
0x467: {  	_ = 	snop  }
0x468: {  	[tilespmem:s7], [sflag:$0x2] =	stream.indirect_vreg.gather [hbm4b:s3+s22], $0x80, v3, vm0, $0xb8;
	[tilespmem:$0x1B400] =	vst v63  }
0x469: {  	_ = 	snop  }
0x46a: {  	[tilespmem:s8], [sflag:$0x2] =	stream.indirect_vreg.gather [hbm4b:s6+s22], $0x80, v3, vm1, $0xb8;
	[tilespmem:$0x1B400] =	vst v63  }
0x46b: {  	v3 =	vld [tilespmem:$0x240];
	_ =	sdelay $0x4  }
0x46c: {  	v4 =	vshrl.u32 v3, $0x3  }
0x46d: {  	v4 =	vmul.u32 $0x18, v4  }
0x46e: {  	v3 =	vand.u32 $0x7, v3  }
0x46f: {  	v3 =	vor.u32 v3, v4  }
0x470: {  	v4 =	vperm.xlane v3, v0;
	_ =	sdelay $0x1  }
0x471: {  	v4 =	vadd.s32 v1, v4;
	_ =	sdelay $0x1  }
0x472: {  	v3 =	vperm.xlane v3, v2;
	_ =	sdelay $0x1  }
0x473: {  	v3 =	vadd.s32 v1, v3  }
0x474: {  	[tilespmem:s9], [sflag:$0x2] =	stream.indirect_vreg.gather [hbm4b:s3+s22], $0x80, v4, vm0, $0xb8;
	[tilespmem:$0x1B400] =	vst v63  }
0x475: {  	_ = 	snop  }
0x476: {  	[tilespmem:s10], [sflag:$0x2] =	stream.indirect_vreg.gather [hbm4b:s6+s22], $0x80, v4, vm1, $0xb8;
	[tilespmem:$0x1B400] =	vst v63  }
0x477: {  	_ = 	snop  }
0x478: {  	[tilespmem:s11], [sflag:$0x2] =	stream.indirect_vreg.gather [hbm4b:s3+s22], $0x80, v3, vm0, $0xb8;
	[tilespmem:$0x1B400] =	vst v63  }
0x479: {  	_ = 	snop  }
0x47a: {  	[tilespmem:s12], [sflag:$0x2] =	stream.indirect_vreg.gather [hbm4b:s6+s22], $0x80, v3, vm1, $0xb8;
	[tilespmem:$0x1B400] =	vst v63  }
0x47b: {  	v3 =	vld [tilespmem:$0x250];
	_ =	sdelay $0x4  }
0x47c: {  	v4 =	vshrl.u32 v3, $0x3  }
0x47d: {  	v4 =	vmul.u32 $0x18, v4  }
0x47e: {  	v3 =	vand.u32 $0x7, v3  }
0x47f: {  	v3 =	vor.u32 v3, v4  }
0x480: {  	v4 =	vperm.xlane v3, v0;
	_ =	sdelay $0x1  }
0x481: {  	v4 =	vadd.s32 v1, v4;
	_ =	sdelay $0x1  }
0x482: {  	v3 =	vperm.xlane v3, v2;
	_ =	sdelay $0x1  }
0x483: {  	v3 =	vadd.s32 v1, v3  }
0x484: {  	[tilespmem:s13], [sflag:$0x2] =	stream.indirect_vreg.gather [hbm4b:s3+s22], $0x80, v4, vm0, $0xb8;
	[tilespmem:$0x1B400] =	vst v63  }
0x485: {  	_ = 	snop  }
0x486: {  	[tilespmem:s14], [sflag:$0x2] =	stream.indirect_vreg.gather [hbm4b:s6+s22], $0x80, v4, vm1, $0xb8;
	[tilespmem:$0x1B400] =	vst v63  }
0x487: {  	_ = 	snop  }
0x488: {  	[tilespmem:s15], [sflag:$0x2] =	stream.indirect_vreg.gather [hbm4b:s3+s22], $0x80, v3, vm0, $0xb8;
	[tilespmem:$0x1B400] =	vst v63  }
0x489: {  	_ = 	snop  }
0x48a: {  	[tilespmem:s16], [sflag:$0x2] =	stream.indirect_vreg.gather [hbm4b:s6+s22], $0x80, v3, vm1, $0xb8;
	[tilespmem:$0x1B400] =	vst v63  }
0x48b: {  	_ =	swait.ge [sflag:s17], $0x9000  }
0x48c: {  	[sflag:s17] =	ssyncset.done $0x0  }
0x48d: {  	[sflag:s17] =	ssyncadd.s32 $0xFFFF7000  }
0x48e: {  	_ =	swait.ge [sflag:s18], $0x9000  }
0x48f: {  	[sflag:s18] =	ssyncset.done $0x0  }
0x490: {  	s25 =	simm.s32 $0x0;
	[sflag:s18] =	ssyncadd.s32 $0xFFFF7000  }
0x491: {  	s23 =	smul.u32 $0xC00, s25;
	_ =	swait.ge [sflag:s20], $0x9000  }
0x492: {  	s22 =	sand.u32 $0x380, s22;
	[sflag:s20] =	ssyncset.done $0x0  }
0x493: {  	s22 =	sor.u32 s22, s23;
	[sflag:s20] =	ssyncadd.s32 $0xFFFF7000  }
0x494: {  	v3 =	vld [tilespmem:s22+$0xC70]  }
0x495: {  	v4 =	vld [tilespmem:s22+$0x9C70]  }
0x496: {  	v5 =	vld [tilespmem:s22+$0x400]  }
0x497: {  	v6 =	vld [tilespmem:s22+$0x9400]  }
0x498: {  	v7 =	vld [tilespmem:s22+$0x410]  }
0x499: {  	v8 =	vld [tilespmem:s22+$0x9410]  }
0x49a: {  	v9 =	vld [tilespmem:s22+$0x420]  }
0x49b: {  	v10 =	vld [tilespmem:s22+$0x430]  }
0x49c: {  	v11 =	vld [tilespmem:s22+$0x9C20];
	v3 =	vadd.f32 v4, v3  }
0x49d: {  	v4 =	vld [tilespmem:s22+$0x9420]  }
0x49e: {  	v5 =	vadd.f32 v6, v5;
	[tilespmem:s22+$0x12C70] =	vst v3;
	v3 =	vld [tilespmem:s22+$0x9430]  }
0x49f: {  	v6 =	vld [tilespmem:s22+$0x440]  }
0x4a0: {  	[tilespmem:s22+$0x12400] =	vst v5;
	v5 =	vadd.f32 v8, v7;
	v7 =	vld [tilespmem:s22+$0x9440]  }
0x4a1: {  	v8 =	vld [tilespmem:s22+$0x9450]  }
0x4a2: {  	[tilespmem:s22+$0x12410] =	vst v5;
	v5 =	vld [tilespmem:s22+$0x450];
	v4 =	vadd.f32 v4, v9  }
0x4a3: {  	v9 =	vld [tilespmem:s22+$0x9460];
	v3 =	vadd.f32 v3, v10  }
0x4a4: {  	[tilespmem:s22+$0x12420] =	vst v4;
	v4 =	vld [tilespmem:s22+$0x460]  }
0x4a5: {  	[tilespmem:s22+$0x12430] =	vst v3;
	v3 =	vadd.f32 v7, v6;
	v6 =	vld [tilespmem:s22+$0x470]  }
0x4a6: {  	v7 =	vld [tilespmem:s22+$0x9470]  }
0x4a7: {  	[tilespmem:s22+$0x12440] =	vst v3;
	v3 =	vadd.f32 v8, v5;
	v5 =	vld [tilespmem:s22+$0x800]  }
0x4a8: {  	v8 =	vld [tilespmem:s22+$0x9800]  }
0x4a9: {  	[tilespmem:s22+$0x12450] =	vst v3;
	v3 =	vadd.f32 v9, v4;
	v4 =	vld [tilespmem:s22+$0x810]  }
0x4aa: {  	v9 =	vld [tilespmem:s22+$0x9810]  }
0x4ab: {  	[tilespmem:s22+$0x12460] =	vst v3;
	v3 =	vadd.f32 v7, v6;
	v6 =	vld [tilespmem:s22+$0x820]  }
0x4ac: {  	v7 =	vld [tilespmem:s22+$0x9820]  }
0x4ad: {  	[tilespmem:s22+$0x12470] =	vst v3;
	v3 =	vadd.f32 v8, v5;
	v5 =	vld [tilespmem:s22+$0x830]  }
0x4ae: {  	v8 =	vld [tilespmem:s22+$0x9830]  }
0x4af: {  	[tilespmem:s22+$0x12800] =	vst v3;
	v3 =	vadd.f32 v9, v4;
	v4 =	vld [tilespmem:s22+$0x840]  }
0x4b0: {  	v9 =	vld [tilespmem:s22+$0x9840]  }
0x4b1: {  	[tilespmem:s22+$0x12810] =	vst v3;
	v3 =	vadd.f32 v7, v6;
	v6 =	vld [tilespmem:s22+$0x850]  }
0x4b2: {  	v7 =	vld [tilespmem:s22+$0x9850]  }
0x4b3: {  	[tilespmem:s22+$0x12820] =	vst v3;
	v3 =	vadd.f32 v8, v5;
	v5 =	vld [tilespmem:s22+$0x860]  }
0x4b4: {  	v8 =	vld [tilespmem:s22+$0x9860]  }
0x4b5: {  	[tilespmem:s22+$0x12830] =	vst v3;
	v3 =	vadd.f32 v9, v4;
	v4 =	vld [tilespmem:s22+$0x870]  }
0x4b6: {  	v9 =	vld [tilespmem:s22+$0x9870]  }
0x4b7: {  	[tilespmem:s22+$0x12840] =	vst v3;
	v3 =	vadd.f32 v7, v6;
	v6 =	vld [tilespmem:s22+$0xC00]  }
0x4b8: {  	v7 =	vld [tilespmem:s22+$0x9C00]  }
0x4b9: {  	v10 =	vld [tilespmem:s22+$0x9C10];
	[tilespmem:s22+$0x12850] =	vst v3;
	v3 =	vadd.f32 v8, v5  }
0x4ba: {  	v8 =	vld [tilespmem:s22+$0xC10]  }
0x4bb: {  	[tilespmem:s22+$0x12860] =	vst v3;
	v3 =	vadd.f32 v9, v4;
	v9 =	vld [tilespmem:s22+$0xC20]  }
0x4bc: {  	v5 =	vld [tilespmem:s22+$0xC30]  }
0x4bd: {  	[tilespmem:s22+$0x12870] =	vst v3;
	v3 =	vadd.f32 v7, v6;
	v7 =	vld [tilespmem:s22+$0x9C30]  }
0x4be: {  	v6 =	vld [tilespmem:s22+$0x9C40]  }
0x4bf: {  	v4 =	vadd.f32 v10, v8;
	[tilespmem:s22+$0x12C00] =	vst v3;
	v3 =	vld [tilespmem:s22+$0xC40]  }
0x4c0: {  	s26 =	simm.s32 $0x0;
	v8 =	vld [tilespmem:s22+$0x9C50];
	v9 =	vadd.f32 v11, v9  }
0x4c1: {  	s25 =	smul.u32 $0xC00, s26;
	s24 =	simm.s32 $0x2;
	s23 =	simm.s32 $0x80;
	[tilespmem:s22+$0x12C10] =	vst v4;
	v4 =	vld [tilespmem:s22+$0xC50]  }
.LBB2_10:
0x4c2: {  	p0 =	sne.s32 s24, $0x5F;
	s26 =	sand.u32 $0x380, s23;
	[tilespmem:s22+$0x12C20] =	vst v9;
	v5 =	vadd.f32 v7, v5;
	v7 =	vld [tilespmem:s22+$0xC60]  }
0x4c3: {  	s25 =	sor.u32 s26, s25;
	v9 =	vld [tilespmem:s22+$0x9C60]  }
0x4c4: {  	v10 =	vld [tilespmem:s25+$0xC70];
	[tilespmem:s22+$0x12C30] =	vst v5;
	v3 =	vadd.f32 v6, v3  }
0x4c5: {  	v5 =	vld [tilespmem:s25+$0x9C70]  }
0x4c6: {  	v6 =	vld [tilespmem:s25+$0x400];
	[tilespmem:s22+$0x12C40] =	vst v3;
	v3 =	vadd.f32 v8, v4  }
0x4c7: {  	v4 =	vld [tilespmem:s25+$0x9400]  }
0x4c8: {  	v8 =	vld [tilespmem:s25+$0x410];
	[tilespmem:s22+$0x12C50] =	vst v3;
	v3 =	vadd.f32 v9, v7  }
0x4c9: {  	v7 =	vld [tilespmem:s25+$0x9410]  }
0x4ca: {  	v9 =	vld [tilespmem:s25+$0x420];
	v5 =	vadd.f32 v5, v10;
	[tilespmem:s22+$0x12C60] =	vst v3;
	s22 =	smov.u32 s25  }
0x4cb: {  	v3 =	vld [tilespmem:s22+$0x9420]  }
0x4cc: {  	v4 =	vadd.f32 v4, v6;
	v6 =	vld [tilespmem:s22+$0x430];
	[tilespmem:s22+$0x12C70] =	vst v5  }
0x4cd: {  	v5 =	vld [tilespmem:s22+$0x9430]  }
0x4ce: {  	[tilespmem:s22+$0x12400] =	vst v4;
	v4 =	vadd.f32 v7, v8;
	v7 =	vld [tilespmem:s22+$0x440]  }
0x4cf: {  	v8 =	vld [tilespmem:s22+$0x9440]  }
0x4d0: {  	[tilespmem:s22+$0x12410] =	vst v4;
	v3 =	vadd.f32 v3, v9;
	v4 =	vld [tilespmem:s22+$0x450]  }
0x4d1: {  	v9 =	vld [tilespmem:s22+$0x9450]  }
0x4d2: {  	[tilespmem:s22+$0x12420] =	vst v3;
	v3 =	vadd.f32 v5, v6;
	v5 =	vld [tilespmem:s22+$0x460]  }
0x4d3: {  	v6 =	vld [tilespmem:s22+$0x9460]  }
0x4d4: {  	[tilespmem:s22+$0x12430] =	vst v3;
	v3 =	vadd.f32 v8, v7;
	v7 =	vld [tilespmem:s22+$0x470]  }
0x4d5: {  	v8 =	vld [tilespmem:s22+$0x9470]  }
0x4d6: {  	[tilespmem:s22+$0x12440] =	vst v3;
	v3 =	vadd.f32 v9, v4;
	v4 =	vld [tilespmem:s22+$0x800]  }
0x4d7: {  	v9 =	vld [tilespmem:s22+$0x9800]  }
0x4d8: {  	[tilespmem:s22+$0x12450] =	vst v3;
	v3 =	vadd.f32 v6, v5;
	v5 =	vld [tilespmem:s22+$0x810]  }
0x4d9: {  	v6 =	vld [tilespmem:s22+$0x9810]  }
0x4da: {  	[tilespmem:s22+$0x12460] =	vst v3;
	v3 =	vadd.f32 v8, v7;
	v7 =	vld [tilespmem:s22+$0x820]  }
0x4db: {  	v8 =	vld [tilespmem:s22+$0x9820]  }
0x4dc: {  	[tilespmem:s22+$0x12470] =	vst v3;
	v3 =	vadd.f32 v9, v4;
	v4 =	vld [tilespmem:s22+$0x830]  }
0x4dd: {  	v9 =	vld [tilespmem:s22+$0x9830]  }
0x4de: {  	[tilespmem:s22+$0x12800] =	vst v3;
	v3 =	vadd.f32 v6, v5;
	v5 =	vld [tilespmem:s22+$0x840]  }
0x4df: {  	v6 =	vld [tilespmem:s22+$0x9840]  }
0x4e0: {  	[tilespmem:s22+$0x12810] =	vst v3;
	v3 =	vadd.f32 v8, v7;
	v7 =	vld [tilespmem:s22+$0x850]  }
0x4e1: {  	v8 =	vld [tilespmem:s22+$0x9850]  }
0x4e2: {  	[tilespmem:s22+$0x12820] =	vst v3;
	v3 =	vadd.f32 v9, v4;
	v4 =	vld [tilespmem:s22+$0x860]  }
0x4e3: {  	v9 =	vld [tilespmem:s22+$0x9860]  }
0x4e4: {  	[tilespmem:s22+$0x12830] =	vst v3;
	v3 =	vadd.f32 v6, v5;
	v5 =	vld [tilespmem:s22+$0x870]  }
0x4e5: {  	v6 =	vld [tilespmem:s22+$0x9870]  }
0x4e6: {  	[tilespmem:s22+$0x12840] =	vst v3;
	v3 =	vadd.f32 v8, v7;
	v7 =	vld [tilespmem:s22+$0xC00]  }
0x4e7: {  	v8 =	vld [tilespmem:s22+$0x9C00]  }
0x4e8: {  	[tilespmem:s22+$0x12850] =	vst v3;
	v3 =	vadd.f32 v9, v4;
	v4 =	vld [tilespmem:s22+$0xC10]  }
0x4e9: {  	v9 =	vld [tilespmem:s22+$0x9C10]  }
0x4ea: {  	[tilespmem:s22+$0x12860] =	vst v3;
	v3 =	vadd.f32 v6, v5;
	v10 =	vld [tilespmem:s22+$0xC20]  }
0x4eb: {  	v11 =	vld [tilespmem:s22+$0x9C20]  }
0x4ec: {  	[tilespmem:s22+$0x12870] =	vst v3;
	v3 =	vadd.f32 v8, v7;
	v5 =	vld [tilespmem:s22+$0xC30]  }
.Ltmp4:
0x4ed: {  	v7 =	vld [tilespmem:s22+$0x9C30];
	(pc) =	sbr.rel @p0 .LBB2_10-.Ltmp4, $4  }
0x4ee: {  	[tilespmem:s22+$0x12C00] =	vst v3;
	v4 =	vadd.f32 v9, v4;
	v3 =	vld [tilespmem:s22+$0xC40]  }
0x4ef: {  	v6 =	vld [tilespmem:s22+$0x9C40]  }
0x4f0: {  	s25 =	sshrl.u32 s24, $0x3;
	[tilespmem:s22+$0x12C10] =	vst v4;
	v9 =	vadd.f32 v11, v10;
	v4 =	vld [tilespmem:s22+$0xC50]  }
0x4f1: {  	s23 =	sadd.s32 $0x80, s23;
	s24 =	sadd.s32 $0x1, s24;
	s25 =	smul.u32 $0xC00, s25;
	v8 =	vld [tilespmem:s22+$0x9C50]  }
0x4f2: {  	[tilespmem:s22+$0x12C20] =	vst v9;
	s23 =	sand.u32 $0x380, s23;
	v9 =	vld [tilespmem:s22+$0xC60];
	v5 =	vadd.f32 v7, v5  }
0x4f3: {  	v7 =	vld [tilespmem:s22+$0x9C60];
	s23 =	sor.u32 s23, s25  }
0x4f4: {  	v10 =	vld [tilespmem:s23+$0xC70];
	[tilespmem:s22+$0x12C30] =	vst v5;
	v3 =	vadd.f32 v6, v3  }
0x4f5: {  	v5 =	vld [tilespmem:s23+$0x9C70]  }
0x4f6: {  	v6 =	vld [tilespmem:s23+$0x400];
	[tilespmem:s22+$0x12C40] =	vst v3;
	v3 =	vadd.f32 v8, v4  }
0x4f7: {  	v4 =	vld [tilespmem:s23+$0x9400]  }
0x4f8: {  	v8 =	vld [tilespmem:s23+$0x410];
	[tilespmem:s22+$0x12C50] =	vst v3;
	v3 =	vadd.f32 v7, v9  }
0x4f9: {  	v7 =	vld [tilespmem:s23+$0x9410]  }
0x4fa: {  	v9 =	vld [tilespmem:s23+$0x420];
	[tilespmem:s22+$0x12C60] =	vst v3  }
0x4fb: {  	v3 =	vld [tilespmem:s23+$0x9420]  }
0x4fc: {  	v11 =	vld [tilespmem:s23+$0x430]  }
0x4fd: {  	v12 =	vld [tilespmem:s23+$0x9430]  }
0x4fe: {  	v13 =	vld [tilespmem:s23+$0x440]  }
0x4ff: {  	v14 =	vld [tilespmem:s23+$0x9440]  }
0x500: {  	v15 =	vld [tilespmem:s23+$0x450]  }
0x501: {  	v16 =	vld [tilespmem:s23+$0x9450]  }
0x502: {  	v17 =	vld [tilespmem:s23+$0x460]  }
0x503: {  	v18 =	vld [tilespmem:s23+$0x9460]  }
0x504: {  	v19 =	vld [tilespmem:s23+$0x470]  }
0x505: {  	v20 =	vld [tilespmem:s23+$0x9470]  }
0x506: {  	v21 =	vld [tilespmem:s23+$0x800]  }
0x507: {  	v22 =	vld [tilespmem:s23+$0x9800]  }
0x508: {  	v23 =	vld [tilespmem:s23+$0x810]  }
0x509: {  	v24 =	vld [tilespmem:s23+$0x9810]  }
0x50a: {  	v25 =	vld [tilespmem:s23+$0x820]  }
0x50b: {  	v26 =	vld [tilespmem:s23+$0x9820]  }
0x50c: {  	v27 =	vld [tilespmem:s23+$0x830]  }
0x50d: {  	v28 =	vld [tilespmem:s23+$0x9830]  }
0x50e: {  	v29 =	vld [tilespmem:s23+$0x840]  }
0x50f: {  	v30 =	vld [tilespmem:s23+$0x9840]  }
0x510: {  	v31 =	vld [tilespmem:s23+$0x850]  }
0x511: {  	v5 =	vadd.f32 v5, v10;
	v10 =	vld [tilespmem:s23+$0x9850]  }
0x512: {  	v57 =	vld [tilespmem:s23+$0xC10];
	v4 =	vadd.f32 v4, v6  }
0x513: {  	v58 =	vld [tilespmem:s23+$0x9C10];
	[tilespmem:s23+$0x12C70] =	vst v5;
	v5 =	vadd.f32 v7, v8  }
0x514: {  	v59 =	vld [tilespmem:s23+$0xC20];
	[tilespmem:s23+$0x12400] =	vst v4;
	v3 =	vadd.f32 v3, v9  }
0x515: {  	v60 =	vld [tilespmem:s23+$0x9C20];
	[tilespmem:s23+$0x12410] =	vst v5;
	v5 =	vadd.f32 v12, v11  }
0x516: {  	v61 =	vld [tilespmem:s23+$0xC30];
	[tilespmem:s23+$0x12420] =	vst v3;
	v3 =	vadd.f32 v14, v13  }
0x517: {  	v62 =	vld [tilespmem:s23+$0x9C30];
	[tilespmem:s23+$0x12430] =	vst v5;
	v5 =	vadd.f32 v16, v15  }
0x518: {  	v6 =	vld [tilespmem:s23+$0x860];
	[tilespmem:s23+$0x12440] =	vst v3;
	v3 =	vadd.f32 v18, v17  }
0x519: {  	v4 =	vld [tilespmem:s23+$0x870];
	[tilespmem:s23+$0x12450] =	vst v5;
	v5 =	vadd.f32 v20, v19  }
0x51a: {  	v8 =	vld [tilespmem:s23+$0x9870];
	[tilespmem:s23+$0x12460] =	vst v3;
	v3 =	vadd.f32 v22, v21  }
0x51b: {  	v7 =	vld [tilespmem:s23+$0x9860];
	[tilespmem:s23+$0x12470] =	vst v5;
	v5 =	vadd.f32 v24, v23  }
0x51c: {  	v9 =	vld [tilespmem:s23+$0xC00];
	[tilespmem:s23+$0x12800] =	vst v3;
	v3 =	vadd.f32 v26, v25  }
0x51d: {  	v11 =	vld [tilespmem:s23+$0x9C00];
	[tilespmem:s23+$0x12810] =	vst v5;
	v5 =	vadd.f32 v28, v27  }
0x51e: {  	v63 =	vld [tilespmem:s23+$0xC40];
	[tilespmem:s23+$0x12820] =	vst v3;
	v3 =	vadd.f32 v30, v29  }
0x51f: {  	v4 =	vadd.f32 v8, v4;
	v8 =	vld [tilespmem:s23+$0x9C60];
	[tilespmem:s23+$0x12830] =	vst v5;
	v5 =	vadd.f32 v10, v31  }
0x520: {  	v10 =	vld [tilespmem:s23+$0x9C40];
	[tilespmem:s23+$0x12840] =	vst v3;
	v3 =	vadd.f32 v7, v6  }
0x521: {  	v6 =	vld [tilespmem:s23+$0xC50];
	[tilespmem:s23+$0x12850] =	vst v5  }
0x522: {  	v5 =	vld [tilespmem:s23+$0x9C50];
	[tilespmem:s23+$0x12860] =	vst v3;
	v3 =	vadd.f32 v11, v9  }
0x523: {  	[tilespmem:s23+$0x12870] =	vst v4;
	v4 =	vadd.f32 v58, v57;
	v7 =	vld [tilespmem:s23+$0xC60]  }
0x524: {  	[tilespmem:s23+$0x12C00] =	vst v3;
	v3 =	vadd.f32 v60, v59  }
0x525: {  	[tilespmem:s23+$0x12C10] =	vst v4;
	v4 =	vadd.f32 v62, v61  }
0x526: {  	[tilespmem:s23+$0x12C20] =	vst v3;
	v3 =	vadd.f32 v10, v63  }
0x527: {  	[tilespmem:s23+$0x12C30] =	vst v4;
	v4 =	vadd.f32 v5, v6  }
0x528: {  	[tilespmem:s23+$0x12C40] =	vst v3;
	v3 =	vadd.f32 v8, v7  }
0x529: {  	[tilespmem:s23+$0x12C50] =	vst v4  }
0x52a: {  	s25 =	rddreg [dreg:$0xe];
	s22 =	simm.s32 $0x0;
	[tilespmem:s23+$0x12C60] =	vst v3  }
0x52b: {  	[hbm4b:s25+s22] =	stream.linear.scatter [tilespmem:s19], [sflag:$0x3], $0x9000, $0x38;
	[tilespmem:$0x1B400] =	vst v63  }
0x52c: {  	s26 =	rddreg [dreg:$0xf];
	s24 =	simm.s32 $0x400  }
0x52d: {  	[tilespmem:s24], [sflag:$0x1] =	stream.linear.gather [hbm4b:s26+s22], $0x9000, $0x38;
	[tilespmem:$0x1B400] =	vst v63  }
0x52e: {  	v3 =	vld [tilespmem:$0x280];
	_ =	sdelay $0x4  }
0x52f: {  	v4 =	vshrl.u32 v3, $0x3  }
0x530: {  	v4 =	vmul.u32 $0x18, v4  }
0x531: {  	v3 =	vand.u32 $0x7, v3  }
0x532: {  	v3 =	vor.u32 v3, v4  }
0x533: {  	v4 =	vperm.xlane v3, v0;
	_ =	sdelay $0x1  }
0x534: {  	v4 =	vadd.s32 v1, v4;
	_ =	sdelay $0x1  }
0x535: {  	v3 =	vperm.xlane v3, v2;
	_ =	sdelay $0x1  }
0x536: {  	s25 =	simm.s32 $0x9400;
	v3 =	vadd.s32 v1, v3  }
0x537: {  	[tilespmem:s25], [sflag:$0x2] =	stream.indirect_vreg.gather [hbm4b:s3+s22], $0x80, v4, vm0, $0xb8;
	[tilespmem:$0x1B400] =	vst v63  }
0x538: {  	s26 =	simm.s32 $0x9C00  }
0x539: {  	[tilespmem:s26], [sflag:$0x2] =	stream.indirect_vreg.gather [hbm4b:s6+s22], $0x80, v4, vm1, $0xb8;
	[tilespmem:$0x1B400] =	vst v63  }
0x53a: {  	s24 =	simm.s32 $0xA000  }
0x53b: {  	[tilespmem:s24], [sflag:$0x2] =	stream.indirect_vreg.gather [hbm4b:s3+s22], $0x80, v3, vm0, $0xb8;
	[tilespmem:$0x1B400] =	vst v63  }
0x53c: {  	s25 =	simm.s32 $0xA800  }
0x53d: {  	[tilespmem:s25], [sflag:$0x2] =	stream.indirect_vreg.gather [hbm4b:s6+s22], $0x80, v3, vm1, $0xb8;
	[tilespmem:$0x1B400] =	vst v63  }
0x53e: {  	v3 =	vld [tilespmem:$0x290];
	_ =	sdelay $0x4  }
0x53f: {  	v4 =	vshrl.u32 v3, $0x3  }
0x540: {  	v4 =	vmul.u32 $0x18, v4  }
0x541: {  	v3 =	vand.u32 $0x7, v3  }
0x542: {  	v3 =	vor.u32 v3, v4  }
0x543: {  	v4 =	vperm.xlane v3, v0;
	_ =	sdelay $0x1  }
0x544: {  	v4 =	vadd.s32 v1, v4;
	_ =	sdelay $0x1  }
0x545: {  	v3 =	vperm.xlane v3, v2;
	_ =	sdelay $0x1  }
0x546: {  	s26 =	simm.s32 $0xAC00;
	v3 =	vadd.s32 v1, v3  }
0x547: {  	[tilespmem:s26], [sflag:$0x2] =	stream.indirect_vreg.gather [hbm4b:s3+s22], $0x80, v4, vm0, $0xb8;
	[tilespmem:$0x1B400] =	vst v63  }
0x548: {  	s24 =	simm.s32 $0xB400  }
0x549: {  	[tilespmem:s24], [sflag:$0x2] =	stream.indirect_vreg.gather [hbm4b:s6+s22], $0x80, v4, vm1, $0xb8;
	[tilespmem:$0x1B400] =	vst v63  }
0x54a: {  	_ = 	snop  }
0x54b: {  	[tilespmem:s28], [sflag:$0x2] =	stream.indirect_vreg.gather [hbm4b:s3+s22], $0x80, v3, vm0, $0xb8;
	[tilespmem:$0x1B400] =	vst v63  }
0x54c: {  	_ = 	snop  }
0x54d: {  	[tilespmem:s29], [sflag:$0x2] =	stream.indirect_vreg.gather [hbm4b:s6+s22], $0x80, v3, vm1, $0xb8;
	[tilespmem:$0x1B400] =	vst v63  }
0x54e: {  	v3 =	vld [tilespmem:$0x2A0];
	_ =	sdelay $0x4  }
0x54f: {  	v4 =	vshrl.u32 v3, $0x3  }
0x550: {  	v4 =	vmul.u32 $0x18, v4  }
0x551: {  	v3 =	vand.u32 $0x7, v3  }
0x552: {  	v3 =	vor.u32 v3, v4  }
0x553: {  	v4 =	vperm.xlane v3, v0;
	_ =	sdelay $0x1  }
0x554: {  	v4 =	vadd.s32 v1, v4;
	_ =	sdelay $0x1  }
0x555: {  	v3 =	vperm.xlane v3, v2;
	_ =	sdelay $0x1  }
0x556: {  	v3 =	vadd.s32 v1, v3  }
0x557: {  	[tilespmem:s30], [sflag:$0x2] =	stream.indirect_vreg.gather [hbm4b:s3+s22], $0x80, v4, vm0, $0xb8;
	[tilespmem:$0x1B400] =	vst v63  }
0x558: {  	_ = 	snop  }
0x559: {  	[tilespmem:s31], [sflag:$0x2] =	stream.indirect_vreg.gather [hbm4b:s6+s22], $0x80, v4, vm1, $0xb8;
	[tilespmem:$0x1B400] =	vst v63  }
0x55a: {  	_ = 	snop  }
0x55b: {  	[tilespmem:s1], [sflag:$0x2] =	stream.indirect_vreg.gather [hbm4b:s3+s22], $0x80, v3, vm0, $0xb8;
	[tilespmem:$0x1B400] =	vst v63  }
0x55c: {  	_ = 	snop  }
0x55d: {  	[tilespmem:s0], [sflag:$0x2] =	stream.indirect_vreg.gather [hbm4b:s6+s22], $0x80, v3, vm1, $0xb8;
	[tilespmem:$0x1B400] =	vst v63  }
0x55e: {  	v3 =	vld [tilespmem:$0x2B0];
	_ =	sdelay $0x4  }
0x55f: {  	v4 =	vshrl.u32 v3, $0x3  }
0x560: {  	v4 =	vmul.u32 $0x18, v4  }
0x561: {  	v3 =	vand.u32 $0x7, v3  }
0x562: {  	v3 =	vor.u32 v3, v4  }
0x563: {  	v4 =	vperm.xlane v3, v0;
	_ =	sdelay $0x1  }
0x564: {  	v4 =	vadd.s32 v1, v4;
	_ =	sdelay $0x1  }
0x565: {  	v3 =	vperm.xlane v3, v2;
	_ =	sdelay $0x1  }
0x566: {  	v3 =	vadd.s32 v1, v3  }
0x567: {  	[tilespmem:s4], [sflag:$0x2] =	stream.indirect_vreg.gather [hbm4b:s3+s22], $0x80, v4, vm0, $0xb8;
	[tilespmem:$0x1B400] =	vst v63  }
0x568: {  	_ = 	snop  }
0x569: {  	[tilespmem:s5], [sflag:$0x2] =	stream.indirect_vreg.gather [hbm4b:s6+s22], $0x80, v4, vm1, $0xb8;
	[tilespmem:$0x1B400] =	vst v63  }
0x56a: {  	_ = 	snop  }
0x56b: {  	[tilespmem:s7], [sflag:$0x2] =	stream.indirect_vreg.gather [hbm4b:s3+s22], $0x80, v3, vm0, $0xb8;
	[tilespmem:$0x1B400] =	vst v63  }
0x56c: {  	_ = 	snop  }
0x56d: {  	[tilespmem:s8], [sflag:$0x2] =	stream.indirect_vreg.gather [hbm4b:s6+s22], $0x80, v3, vm1, $0xb8;
	[tilespmem:$0x1B400] =	vst v63  }
0x56e: {  	v3 =	vld [tilespmem:$0x2C0];
	_ =	sdelay $0x4  }
0x56f: {  	v4 =	vshrl.u32 v3, $0x3  }
0x570: {  	v4 =	vmul.u32 $0x18, v4  }
0x571: {  	v3 =	vand.u32 $0x7, v3  }
0x572: {  	v3 =	vor.u32 v3, v4  }
0x573: {  	v4 =	vperm.xlane v3, v0;
	_ =	sdelay $0x1  }
0x574: {  	v4 =	vadd.s32 v1, v4;
	_ =	sdelay $0x1  }
0x575: {  	v3 =	vperm.xlane v3, v2;
	_ =	sdelay $0x1  }
0x576: {  	v3 =	vadd.s32 v1, v3  }
0x577: {  	[tilespmem:s9], [sflag:$0x2] =	stream.indirect_vreg.gather [hbm4b:s3+s22], $0x80, v4, vm0, $0xb8;
	[tilespmem:$0x1B400] =	vst v63  }
0x578: {  	_ = 	snop  }
0x579: {  	[tilespmem:s10], [sflag:$0x2] =	stream.indirect_vreg.gather [hbm4b:s6+s22], $0x80, v4, vm1, $0xb8;
	[tilespmem:$0x1B400] =	vst v63  }
0x57a: {  	_ = 	snop  }
0x57b: {  	[tilespmem:s11], [sflag:$0x2] =	stream.indirect_vreg.gather [hbm4b:s3+s22], $0x80, v3, vm0, $0xb8;
	[tilespmem:$0x1B400] =	vst v63  }
0x57c: {  	_ = 	snop  }
0x57d: {  	[tilespmem:s12], [sflag:$0x2] =	stream.indirect_vreg.gather [hbm4b:s6+s22], $0x80, v3, vm1, $0xb8;
	[tilespmem:$0x1B400] =	vst v63  }
0x57e: {  	v3 =	vld [tilespmem:$0x2D0];
	_ =	sdelay $0x4  }
0x57f: {  	v4 =	vshrl.u32 v3, $0x3  }
0x580: {  	v4 =	vmul.u32 $0x18, v4  }
0x581: {  	v3 =	vand.u32 $0x7, v3  }
0x582: {  	v3 =	vor.u32 v3, v4  }
0x583: {  	v4 =	vperm.xlane v3, v0;
	_ =	sdelay $0x1  }
0x584: {  	v4 =	vadd.s32 v1, v4;
	_ =	sdelay $0x1  }
0x585: {  	v3 =	vperm.xlane v3, v2;
	_ =	sdelay $0x1  }
0x586: {  	v3 =	vadd.s32 v1, v3  }
0x587: {  	[tilespmem:s13], [sflag:$0x2] =	stream.indirect_vreg.gather [hbm4b:s3+s22], $0x80, v4, vm0, $0xb8;
	[tilespmem:$0x1B400] =	vst v63  }
0x588: {  	_ = 	snop  }
0x589: {  	[tilespmem:s14], [sflag:$0x2] =	stream.indirect_vreg.gather [hbm4b:s6+s22], $0x80, v4, vm1, $0xb8;
	[tilespmem:$0x1B400] =	vst v63  }
0x58a: {  	_ = 	snop  }
0x58b: {  	[tilespmem:s15], [sflag:$0x2] =	stream.indirect_vreg.gather [hbm4b:s3+s22], $0x80, v3, vm0, $0xb8;
	[tilespmem:$0x1B400] =	vst v63  }
0x58c: {  	_ = 	snop  }
0x58d: {  	[tilespmem:s16], [sflag:$0x2] =	stream.indirect_vreg.gather [hbm4b:s6+s22], $0x80, v3, vm1, $0xb8;
	[tilespmem:$0x1B400] =	vst v63  }
0x58e: {  	_ =	swait.ge [sflag:s17], $0x9000  }
0x58f: {  	[sflag:s17] =	ssyncset.done $0x0  }
0x590: {  	[sflag:s17] =	ssyncadd.s32 $0xFFFF7000  }
0x591: {  	_ =	swait.ge [sflag:s18], $0x9000  }
0x592: {  	[sflag:s18] =	ssyncset.done $0x0  }
0x593: {  	s25 =	simm.s32 $0x0;
	[sflag:s18] =	ssyncadd.s32 $0xFFFF7000  }
0x594: {  	s23 =	smul.u32 $0xC00, s25;
	_ =	swait.ge [sflag:s20], $0x9000  }
0x595: {  	s22 =	sand.u32 $0x380, s22;
	[sflag:s20] =	ssyncset.done $0x0  }
0x596: {  	s22 =	sor.u32 s22, s23;
	[sflag:s20] =	ssyncadd.s32 $0xFFFF7000  }
0x597: {  	v3 =	vld [tilespmem:s22+$0xC70]  }
0x598: {  	v4 =	vld [tilespmem:s22+$0x9C70]  }
0x599: {  	v5 =	vld [tilespmem:s22+$0x400]  }
0x59a: {  	v6 =	vld [tilespmem:s22+$0x9400]  }
0x59b: {  	v7 =	vld [tilespmem:s22+$0x410]  }
0x59c: {  	v8 =	vld [tilespmem:s22+$0x9410]  }
0x59d: {  	v9 =	vld [tilespmem:s22+$0x420]  }
0x59e: {  	v10 =	vld [tilespmem:s22+$0x430]  }
0x59f: {  	v11 =	vld [tilespmem:s22+$0x9C20];
	v3 =	vadd.f32 v4, v3  }
0x5a0: {  	v4 =	vld [tilespmem:s22+$0x9420]  }
0x5a1: {  	v5 =	vadd.f32 v6, v5;
	[tilespmem:s22+$0x12C70] =	vst v3;
	v3 =	vld [tilespmem:s22+$0x9430]  }
0x5a2: {  	v6 =	vld [tilespmem:s22+$0x440]  }
0x5a3: {  	[tilespmem:s22+$0x12400] =	vst v5;
	v5 =	vadd.f32 v8, v7;
	v7 =	vld [tilespmem:s22+$0x9440]  }
0x5a4: {  	v8 =	vld [tilespmem:s22+$0x9450]  }
0x5a5: {  	[tilespmem:s22+$0x12410] =	vst v5;
	v5 =	vld [tilespmem:s22+$0x450];
	v4 =	vadd.f32 v4, v9  }
0x5a6: {  	v9 =	vld [tilespmem:s22+$0x9460];
	v3 =	vadd.f32 v3, v10  }
0x5a7: {  	[tilespmem:s22+$0x12420] =	vst v4;
	v4 =	vld [tilespmem:s22+$0x460]  }
0x5a8: {  	[tilespmem:s22+$0x12430] =	vst v3;
	v3 =	vadd.f32 v7, v6;
	v6 =	vld [tilespmem:s22+$0x470]  }
0x5a9: {  	v7 =	vld [tilespmem:s22+$0x9470]  }
0x5aa: {  	[tilespmem:s22+$0x12440] =	vst v3;
	v3 =	vadd.f32 v8, v5;
	v5 =	vld [tilespmem:s22+$0x800]  }
0x5ab: {  	v8 =	vld [tilespmem:s22+$0x9800]  }
0x5ac: {  	[tilespmem:s22+$0x12450] =	vst v3;
	v3 =	vadd.f32 v9, v4;
	v4 =	vld [tilespmem:s22+$0x810]  }
0x5ad: {  	v9 =	vld [tilespmem:s22+$0x9810]  }
0x5ae: {  	[tilespmem:s22+$0x12460] =	vst v3;
	v3 =	vadd.f32 v7, v6;
	v6 =	vld [tilespmem:s22+$0x820]  }
0x5af: {  	v7 =	vld [tilespmem:s22+$0x9820]  }
0x5b0: {  	[tilespmem:s22+$0x12470] =	vst v3;
	v3 =	vadd.f32 v8, v5;
	v5 =	vld [tilespmem:s22+$0x830]  }
0x5b1: {  	v8 =	vld [tilespmem:s22+$0x9830]  }
0x5b2: {  	[tilespmem:s22+$0x12800] =	vst v3;
	v3 =	vadd.f32 v9, v4;
	v4 =	vld [tilespmem:s22+$0x840]  }
0x5b3: {  	v9 =	vld [tilespmem:s22+$0x9840]  }
0x5b4: {  	[tilespmem:s22+$0x12810] =	vst v3;
	v3 =	vadd.f32 v7, v6;
	v6 =	vld [tilespmem:s22+$0x850]  }
0x5b5: {  	v7 =	vld [tilespmem:s22+$0x9850]  }
0x5b6: {  	[tilespmem:s22+$0x12820] =	vst v3;
	v3 =	vadd.f32 v8, v5;
	v5 =	vld [tilespmem:s22+$0x860]  }
0x5b7: {  	v8 =	vld [tilespmem:s22+$0x9860]  }
0x5b8: {  	[tilespmem:s22+$0x12830] =	vst v3;
	v3 =	vadd.f32 v9, v4;
	v4 =	vld [tilespmem:s22+$0x870]  }
0x5b9: {  	v9 =	vld [tilespmem:s22+$0x9870]  }
0x5ba: {  	[tilespmem:s22+$0x12840] =	vst v3;
	v3 =	vadd.f32 v7, v6;
	v6 =	vld [tilespmem:s22+$0xC00]  }
0x5bb: {  	v7 =	vld [tilespmem:s22+$0x9C00]  }
0x5bc: {  	v10 =	vld [tilespmem:s22+$0x9C10];
	[tilespmem:s22+$0x12850] =	vst v3;
	v3 =	vadd.f32 v8, v5  }
0x5bd: {  	v8 =	vld [tilespmem:s22+$0xC10]  }
0x5be: {  	[tilespmem:s22+$0x12860] =	vst v3;
	v3 =	vadd.f32 v9, v4;
	v9 =	vld [tilespmem:s22+$0xC20]  }
0x5bf: {  	v5 =	vld [tilespmem:s22+$0xC30]  }
0x5c0: {  	[tilespmem:s22+$0x12870] =	vst v3;
	v3 =	vadd.f32 v7, v6;
	v7 =	vld [tilespmem:s22+$0x9C30]  }
0x5c1: {  	v6 =	vld [tilespmem:s22+$0x9C40]  }
0x5c2: {  	v4 =	vadd.f32 v10, v8;
	[tilespmem:s22+$0x12C00] =	vst v3;
	v3 =	vld [tilespmem:s22+$0xC40]  }
0x5c3: {  	s26 =	simm.s32 $0x0;
	v8 =	vld [tilespmem:s22+$0x9C50];
	v9 =	vadd.f32 v11, v9  }
0x5c4: {  	s25 =	smul.u32 $0xC00, s26;
	s24 =	simm.s32 $0x2;
	s23 =	simm.s32 $0x80;
	[tilespmem:s22+$0x12C10] =	vst v4;
	v4 =	vld [tilespmem:s22+$0xC50]  }
.LBB2_12:
0x5c5: {  	p0 =	sne.s32 s24, $0x5F;
	s26 =	sand.u32 $0x380, s23;
	[tilespmem:s22+$0x12C20] =	vst v9;
	v5 =	vadd.f32 v7, v5;
	v7 =	vld [tilespmem:s22+$0xC60]  }
0x5c6: {  	s25 =	sor.u32 s26, s25;
	v9 =	vld [tilespmem:s22+$0x9C60]  }
0x5c7: {  	v10 =	vld [tilespmem:s25+$0xC70];
	[tilespmem:s22+$0x12C30] =	vst v5;
	v3 =	vadd.f32 v6, v3  }
0x5c8: {  	v5 =	vld [tilespmem:s25+$0x9C70]  }
0x5c9: {  	v6 =	vld [tilespmem:s25+$0x400];
	[tilespmem:s22+$0x12C40] =	vst v3;
	v3 =	vadd.f32 v8, v4  }
0x5ca: {  	v4 =	vld [tilespmem:s25+$0x9400]  }
0x5cb: {  	v8 =	vld [tilespmem:s25+$0x410];
	[tilespmem:s22+$0x12C50] =	vst v3;
	v3 =	vadd.f32 v9, v7  }
0x5cc: {  	v7 =	vld [tilespmem:s25+$0x9410]  }
0x5cd: {  	v9 =	vld [tilespmem:s25+$0x420];
	v5 =	vadd.f32 v5, v10;
	[tilespmem:s22+$0x12C60] =	vst v3;
	s22 =	smov.u32 s25  }
0x5ce: {  	v3 =	vld [tilespmem:s22+$0x9420]  }
0x5cf: {  	v4 =	vadd.f32 v4, v6;
	v6 =	vld [tilespmem:s22+$0x430];
	[tilespmem:s22+$0x12C70] =	vst v5  }
0x5d0: {  	v5 =	vld [tilespmem:s22+$0x9430]  }
0x5d1: {  	[tilespmem:s22+$0x12400] =	vst v4;
	v4 =	vadd.f32 v7, v8;
	v7 =	vld [tilespmem:s22+$0x440]  }
0x5d2: {  	v8 =	vld [tilespmem:s22+$0x9440]  }
0x5d3: {  	[tilespmem:s22+$0x12410] =	vst v4;
	v3 =	vadd.f32 v3, v9;
	v4 =	vld [tilespmem:s22+$0x450]  }
0x5d4: {  	v9 =	vld [tilespmem:s22+$0x9450]  }
0x5d5: {  	[tilespmem:s22+$0x12420] =	vst v3;
	v3 =	vadd.f32 v5, v6;
	v5 =	vld [tilespmem:s22+$0x460]  }
0x5d6: {  	v6 =	vld [tilespmem:s22+$0x9460]  }
0x5d7: {  	[tilespmem:s22+$0x12430] =	vst v3;
	v3 =	vadd.f32 v8, v7;
	v7 =	vld [tilespmem:s22+$0x470]  }
0x5d8: {  	v8 =	vld [tilespmem:s22+$0x9470]  }
0x5d9: {  	[tilespmem:s22+$0x12440] =	vst v3;
	v3 =	vadd.f32 v9, v4;
	v4 =	vld [tilespmem:s22+$0x800]  }
0x5da: {  	v9 =	vld [tilespmem:s22+$0x9800]  }
0x5db: {  	[tilespmem:s22+$0x12450] =	vst v3;
	v3 =	vadd.f32 v6, v5;
	v5 =	vld [tilespmem:s22+$0x810]  }
0x5dc: {  	v6 =	vld [tilespmem:s22+$0x9810]  }
0x5dd: {  	[tilespmem:s22+$0x12460] =	vst v3;
	v3 =	vadd.f32 v8, v7;
	v7 =	vld [tilespmem:s22+$0x820]  }
0x5de: {  	v8 =	vld [tilespmem:s22+$0x9820]  }
0x5df: {  	[tilespmem:s22+$0x12470] =	vst v3;
	v3 =	vadd.f32 v9, v4;
	v4 =	vld [tilespmem:s22+$0x830]  }
0x5e0: {  	v9 =	vld [tilespmem:s22+$0x9830]  }
0x5e1: {  	[tilespmem:s22+$0x12800] =	vst v3;
	v3 =	vadd.f32 v6, v5;
	v5 =	vld [tilespmem:s22+$0x840]  }
0x5e2: {  	v6 =	vld [tilespmem:s22+$0x9840]  }
0x5e3: {  	[tilespmem:s22+$0x12810] =	vst v3;
	v3 =	vadd.f32 v8, v7;
	v7 =	vld [tilespmem:s22+$0x850]  }
0x5e4: {  	v8 =	vld [tilespmem:s22+$0x9850]  }
0x5e5: {  	[tilespmem:s22+$0x12820] =	vst v3;
	v3 =	vadd.f32 v9, v4;
	v4 =	vld [tilespmem:s22+$0x860]  }
0x5e6: {  	v9 =	vld [tilespmem:s22+$0x9860]  }
0x5e7: {  	[tilespmem:s22+$0x12830] =	vst v3;
	v3 =	vadd.f32 v6, v5;
	v5 =	vld [tilespmem:s22+$0x870]  }
0x5e8: {  	v6 =	vld [tilespmem:s22+$0x9870]  }
0x5e9: {  	[tilespmem:s22+$0x12840] =	vst v3;
	v3 =	vadd.f32 v8, v7;
	v7 =	vld [tilespmem:s22+$0xC00]  }
0x5ea: {  	v8 =	vld [tilespmem:s22+$0x9C00]  }
0x5eb: {  	[tilespmem:s22+$0x12850] =	vst v3;
	v3 =	vadd.f32 v9, v4;
	v4 =	vld [tilespmem:s22+$0xC10]  }
0x5ec: {  	v9 =	vld [tilespmem:s22+$0x9C10]  }
0x5ed: {  	[tilespmem:s22+$0x12860] =	vst v3;
	v3 =	vadd.f32 v6, v5;
	v10 =	vld [tilespmem:s22+$0xC20]  }
0x5ee: {  	v11 =	vld [tilespmem:s22+$0x9C20]  }
0x5ef: {  	[tilespmem:s22+$0x12870] =	vst v3;
	v3 =	vadd.f32 v8, v7;
	v5 =	vld [tilespmem:s22+$0xC30]  }
.Ltmp5:
0x5f0: {  	v7 =	vld [tilespmem:s22+$0x9C30];
	(pc) =	sbr.rel @p0 .LBB2_12-.Ltmp5, $4  }
0x5f1: {  	[tilespmem:s22+$0x12C00] =	vst v3;
	v4 =	vadd.f32 v9, v4;
	v3 =	vld [tilespmem:s22+$0xC40]  }
0x5f2: {  	v6 =	vld [tilespmem:s22+$0x9C40]  }
0x5f3: {  	s25 =	sshrl.u32 s24, $0x3;
	[tilespmem:s22+$0x12C10] =	vst v4;
	v9 =	vadd.f32 v11, v10;
	v4 =	vld [tilespmem:s22+$0xC50]  }
0x5f4: {  	s23 =	sadd.s32 $0x80, s23;
	s24 =	sadd.s32 $0x1, s24;
	s25 =	smul.u32 $0xC00, s25;
	v8 =	vld [tilespmem:s22+$0x9C50]  }
0x5f5: {  	s23 =	sand.u32 $0x380, s23;
	v59 =	vld [tilespmem:s22+$0xC60];
	v5 =	vadd.f32 v7, v5  }
0x5f6: {  	[tilespmem:s22+$0x12C20] =	vst v9;
	v60 =	vld [tilespmem:s22+$0x9C60];
	s23 =	sor.u32 s23, s25  }
0x5f7: {  	v10 =	vld [tilespmem:s23+$0xC70];
	[tilespmem:s22+$0x12C30] =	vst v5;
	v3 =	vadd.f32 v6, v3  }
0x5f8: {  	v5 =	vld [tilespmem:s23+$0x9C70]  }
0x5f9: {  	v61 =	vld [tilespmem:s23+$0x400];
	[tilespmem:s22+$0x12C40] =	vst v3;
	v3 =	vadd.f32 v8, v4  }
0x5fa: {  	v62 =	vld [tilespmem:s23+$0x9400]  }
0x5fb: {  	v63 =	vld [tilespmem:s23+$0x410];
	[tilespmem:s22+$0x12C50] =	vst v3;
	v3 =	vadd.f32 v60, v59  }
0x5fc: {  	v33 =	vld [tilespmem:s23+$0x9410]  }
0x5fd: {  	v34 =	vld [tilespmem:s23+$0x420];
	[tilespmem:s22+$0x12C60] =	vst v3  }
0x5fe: {  	v3 =	vld [tilespmem:s23+$0x9420]  }
0x5ff: {  	v11 =	vld [tilespmem:s23+$0x430]  }
0x600: {  	v12 =	vld [tilespmem:s23+$0x9430]  }
0x601: {  	v13 =	vld [tilespmem:s23+$0x440]  }
0x602: {  	v14 =	vld [tilespmem:s23+$0x9440]  }
0x603: {  	v15 =	vld [tilespmem:s23+$0x450]  }
0x604: {  	v16 =	vld [tilespmem:s23+$0x9450]  }
0x605: {  	v17 =	vld [tilespmem:s23+$0x460]  }
0x606: {  	v18 =	vld [tilespmem:s23+$0x9460]  }
0x607: {  	v19 =	vld [tilespmem:s23+$0x470]  }
0x608: {  	v20 =	vld [tilespmem:s23+$0x9470]  }
0x609: {  	v21 =	vld [tilespmem:s23+$0x800]  }
0x60a: {  	v22 =	vld [tilespmem:s23+$0x9800]  }
0x60b: {  	v23 =	vld [tilespmem:s23+$0x810]  }
0x60c: {  	v24 =	vld [tilespmem:s23+$0x9810]  }
0x60d: {  	v25 =	vld [tilespmem:s23+$0x820]  }
0x60e: {  	v26 =	vld [tilespmem:s23+$0x9820]  }
0x60f: {  	v27 =	vld [tilespmem:s23+$0x830]  }
0x610: {  	v28 =	vld [tilespmem:s23+$0x9830]  }
0x611: {  	v29 =	vld [tilespmem:s23+$0x840]  }
0x612: {  	v30 =	vld [tilespmem:s23+$0x9840]  }
0x613: {  	v31 =	vld [tilespmem:s23+$0x850]  }
0x614: {  	v5 =	vadd.f32 v5, v10;
	v35 =	vld [tilespmem:s23+$0x9850]  }
0x615: {  	v36 =	vld [tilespmem:s23+$0x860];
	v4 =	vadd.f32 v62, v61  }
0x616: {  	v38 =	vld [tilespmem:s23+$0x9860];
	[tilespmem:s23+$0x12C70] =	vst v5;
	v37 =	vadd.f32 v33, v63  }
0x617: {  	v39 =	vld [tilespmem:s23+$0x870];
	[tilespmem:s23+$0x12400] =	vst v4;
	v3 =	vadd.f32 v3, v34  }
0x618: {  	v41 =	vld [tilespmem:s23+$0x9870];
	[tilespmem:s23+$0x12410] =	vst v37;
	v40 =	vadd.f32 v12, v11  }
0x619: {  	v42 =	vld [tilespmem:s23+$0xC00];
	[tilespmem:s23+$0x12420] =	vst v3;
	v3 =	vadd.f32 v14, v13  }
0x61a: {  	v44 =	vld [tilespmem:s23+$0x9C00];
	v43 =	vadd.f32 v16, v15;
	[tilespmem:s23+$0x12430] =	vst v40  }
0x61b: {  	v45 =	vld [tilespmem:s23+$0xC10];
	[tilespmem:s23+$0x12440] =	vst v3;
	v3 =	vadd.f32 v18, v17  }
0x61c: {  	v47 =	vld [tilespmem:s23+$0x9C10];
	v46 =	vadd.f32 v20, v19;
	[tilespmem:s23+$0x12450] =	vst v43  }
0x61d: {  	v48 =	vld [tilespmem:s23+$0xC20];
	[tilespmem:s23+$0x12460] =	vst v3;
	v3 =	vadd.f32 v22, v21  }
0x61e: {  	v50 =	vld [tilespmem:s23+$0x9C20];
	v49 =	vadd.f32 v24, v23;
	[tilespmem:s23+$0x12470] =	vst v46  }
0x61f: {  	v51 =	vld [tilespmem:s23+$0xC30];
	[tilespmem:s23+$0x12800] =	vst v3;
	v3 =	vadd.f32 v26, v25  }
0x620: {  	v53 =	vld [tilespmem:s23+$0x9C30];
	v52 =	vadd.f32 v28, v27;
	[tilespmem:s23+$0x12810] =	vst v49  }
0x621: {  	v54 =	vld [tilespmem:s23+$0xC40];
	[tilespmem:s23+$0x12820] =	vst v3;
	v3 =	vadd.f32 v30, v29  }
0x622: {  	v56 =	vld [tilespmem:s23+$0x9C40];
	v55 =	vadd.f32 v35, v31;
	[tilespmem:s23+$0x12830] =	vst v52  }
0x623: {  	v57 =	vld [tilespmem:s23+$0xC50];
	[tilespmem:s23+$0x12840] =	vst v3;
	v3 =	vadd.f32 v38, v36  }
0x624: {  	v58 =	vld [tilespmem:s23+$0x9C50];
	v4 =	vadd.f32 v41, v39;
	[tilespmem:s23+$0x12850] =	vst v55  }
0x625: {  	v59 =	vld [tilespmem:s23+$0xC60];
	[tilespmem:s23+$0x12860] =	vst v3;
	v3 =	vadd.f32 v44, v42  }
0x626: {  	v61 =	vld [tilespmem:s23+$0x9C60];
	v60 =	vadd.f32 v47, v45;
	[tilespmem:s23+$0x12870] =	vst v4  }
0x627: {  	[tilespmem:s23+$0x12C00] =	vst v3;
	v3 =	vadd.f32 v50, v48  }
0x628: {  	v62 =	vadd.f32 v53, v51;
	[tilespmem:s23+$0x12C10] =	vst v60  }
0x629: {  	[tilespmem:s23+$0x12C20] =	vst v3;
	v3 =	vadd.f32 v56, v54  }
0x62a: {  	v63 =	vadd.f32 v58, v57;
	[tilespmem:s23+$0x12C30] =	vst v62  }
0x62b: {  	[tilespmem:s23+$0x12C40] =	vst v3;
	v3 =	vadd.f32 v61, v59  }
0x62c: {  	[tilespmem:s23+$0x12C50] =	vst v63  }
0x62d: {  	s25 =	rddreg [dreg:$0x10];
	[tilespmem:s23+$0x12C60] =	vst v3  }
0x62e: {  	[hbm4b:s25+s2] =	stream.linear.scatter [tilespmem:s19], [sflag:$0x3], $0x9000, $0x38;
	[tilespmem:$0x1B400] =	vst v63  }
0x62f: {  	_ =	swait.ge [sflag:s20], $0x9000  }
0x630: {  	s21 =	sadd.s32 $0x1, s21;
	s26 =	rddreg [dreg:$0x11]  }
0x631: {  	p0 =	sne.s32 s21, s26  }
.Ltmp6:
0x632: {  	_ = 	snop;
	(pc) =	sbr.rel @p0 .LBB2_1-.Ltmp6, $3  }
0x633: {  	_ =	sdelay $0x1  }
0x634: {  	[sflag:s20] =	ssyncset.done $0x0  }
0x635: {  	[sflag:s20] =	ssyncadd.s32 $0xFFFF7000  }
0x636: {  	_ =	sfence.sel $0x180000  }
0x637: {  	[bflag:$0x0] =	sbarrier.arrive $0xFFFF  }
0x638: {  	_ =	strace $0x90000047  }
0x639: {  	s0 =	stileid.u32;
	[bflag:$0x2] =	sbarrier.arrive $0xFFFF  }
0x63a: {  	p0 =	sne.s32 s0, $0x0;
	s0 =	rddreg [dreg:$0x3]  }
0x63b: {  	s0 =	sadd.s32 @!p0 $0x100000, s0  }
0x63c: {  	[sflag:s0] =	ssyncadd.tile.s32 @!p0 $0x1;
	_ =	shalt  }
.Lfunc_end2:
_tile_overlayer_lowered:
.L_overlay_start_2:
0x63d: {  	(tag) =	ssettag $0x2  }
0x63e: {  	s0 =	rddreg [dreg:$0x0];
	s2 =	stileid.u32  }
0x63f: {  	s1 =	rddreg [dreg:$0x1];
	p0 =	sne.s32 s2, $0x0  }
0x640: {  	s3 =	rddreg [dreg:$0x2];
	[bflag:$0x3] =	sbarrier.arrive $0xFFFF;
	s2 =	simm.s32 @!p0 $0x1C04  }
0x641: {  	[timem:s3], [sflag:s2] =	dma.local @!p0 [hbm:s0], s1  }
0x642: {  	s0 =	simm.s32 @!p0 $0x4  }
0x643: {  	_ =	swait.ge @!p0 [sflag:s0], s1  }
0x644: {  	s1 =	ssub.s32 @!p0 $0x0, s1;
	[sflag:s0] =	ssyncset.done @!p0 $0x0  }
0x645: {  	[sflag:s0] =	ssyncadd.s32 @!p0 s1  }
0x646: {  	[bflag:$0x3] =	sbarrier.arrive $0xFFFF  }
0x647: {  	_ =	shalt  }

</sc_bundles>
